<compile_context>
chip_gen: v7x
topology: tpu7x:2x2x1
jax: 0.10.2.dev20260603
libtpu: 0.0.44.dev20260713+nightly
codegen_flags: <defaults>
</compile_context>

<pallas_src>
import jax
import jax.numpy as jnp
from jax import lax
from jax.experimental import pallas as pl
from jax.experimental.pallas import tpu as pltpu
from jax.experimental.pallas import tpu_sc as plsc

NF = 26
V = 100000
D = 32
B = 16384
NUM = 13
IN_DIM = NF * D + NUM

NC = 2
NS = 16
NW = NC * NS
P = B * NF // NW
PR = P // 128
GS = 8
GROUP = GS * 128
G = P // GROUP


def _sc_gather_body(cat_hbm, tab_hbm, out_hbm, idx_v, buf0, buf1, gsem, osem):
    wid = lax.axis_index("s") * NC + lax.axis_index("c")
    row0 = wid * PR
    look0 = wid * P

    pltpu.sync_copy(cat_hbm.at[pl.ds(row0, PR)], idx_v)

    iota = lax.broadcasted_iota(jnp.int32, (16,), 0)

    def fix_row(r, carry):
        for j in range(8):
            q = r * 128 + j * 16 + iota
            f = lax.rem(q, jnp.int32(NF))
            cur = idx_v[r, pl.ds(j * 16, 16)]
            idx_v[r, pl.ds(j * 16, 16)] = cur + f * jnp.int32(V)
        return carry

    lax.fori_loop(0, PR, fix_row, 0)

    out_handles = [None] * G
    for g in range(G):
        buf = buf0 if g % 2 == 0 else buf1
        if g >= 2:
            out_handles[g - 2].wait()
        ghs = []
        for j in range(GS):
            ghs.append(
                pltpu.async_copy(
                    tab_hbm.at[idx_v.at[g * GS + j]],
                    buf.at[pl.ds(j * 128, 128)],
                    gsem,
                )
            )
        for h in ghs:
            h.wait()
        out_handles[g] = pltpu.async_copy(
            buf, out_hbm.at[pl.ds(look0 + g * GROUP, GROUP)], osem
        )
    out_handles[G - 2].wait()
    out_handles[G - 1].wait()


def _make_sc_gather():
    return pl.kernel(
        _sc_gather_body,
        out_type=jax.ShapeDtypeStruct((B * NF, D), jnp.float32),
        mesh=plsc.VectorSubcoreMesh(
            core_axis_name="c", subcore_axis_name="s",
            num_cores=NC, num_subcores=NS,
        ),
        scratch_types=[
            pltpu.VMEM((PR, 128), jnp.int32),
            pltpu.VMEM((GROUP, D), jnp.float32),
            pltpu.VMEM((GROUP, D), jnp.float32),
            pltpu.SemaphoreType.DMA,
            pltpu.SemaphoreType.DMA,
        ],
        compiler_params=pltpu.CompilerParams(use_tc_tiling_on_sc=False),
    )


R = 1024


def _mlp_body(emb_ref, num_ref, w1_ref, b1_ref, w2_ref, b2_ref, w3_ref,
              b3_ref, w4_ref, b4_ref, out_ref):
    x = emb_ref[...]
    n = num_ref[...]
    w1a = w1_ref[0:NF * D, :]
    w1b = w1_ref[NF * D:IN_DIM, :]
    h = (jnp.dot(x, w1a, preferred_element_type=jnp.float32)
         + jnp.dot(n, w1b, preferred_element_type=jnp.float32)
         + b1_ref[...][None, :])
    h = jnp.maximum(h, 0.0)
    h = jnp.dot(h, w2_ref[...], preferred_element_type=jnp.float32) + b2_ref[...][None, :]
    h = jnp.maximum(h, 0.0)
    h = jnp.dot(h, w3_ref[...], preferred_element_type=jnp.float32) + b3_ref[...][None, :]
    h = jnp.maximum(h, 0.0)
    o = jnp.dot(h, w4_ref[...], preferred_element_type=jnp.float32) + b4_ref[...][None, :]
    out_ref[...] = o


def _mlp(emb, num_data, W1, b1, W2, b2, W3, b3, W4, b4):
    grid = (B // R,)
    full = lambda i: (0, 0)
    return pl.pallas_call(
        _mlp_body,
        grid=grid,
        in_specs=[
            pl.BlockSpec((R, NF * D), lambda i: (i, 0)),
            pl.BlockSpec((R, NUM), lambda i: (i, 0)),
            pl.BlockSpec((IN_DIM, 128), full),
            pl.BlockSpec((128,), lambda i: (0,)),
            pl.BlockSpec((128, 64), full),
            pl.BlockSpec((64,), lambda i: (0,)),
            pl.BlockSpec((64, 32), full),
            pl.BlockSpec((32,), lambda i: (0,)),
            pl.BlockSpec((32, 1), full),
            pl.BlockSpec((1,), lambda i: (0,)),
        ],
        out_specs=pl.BlockSpec((R, 1), lambda i: (i, 0)),
        out_shape=jax.ShapeDtypeStruct((B, 1), jnp.float32),
    )(emb, num_data, W1, b1, W2, b2, W3, b3, W4, b4)


def kernel(cat_data, num_data, tables, W1, b1, W2, b2, W3, b3, W4, b4):
    cat2d = cat_data.reshape(B * NF // 128, 128)
    tab_flat = tables.reshape(NF * V, D)
    emb_flat = _make_sc_gather()(cat2d, tab_flat)
    emb = emb_flat.reshape(B, NF * D)
    out = _mlp(emb, num_data, W1, b1, W2, b2, W3, b3, W4, b4)
    return out[:, 0]

# --- scband reference (transcript-rebuilt; emitter-appended) ---
"""Pipeline reference for scband-recommender-net-17995912970404 (READ-ONLY COPY).

The authoritative reference and input builder live on the scoring server;
editing this copy changes nothing except your own understanding.
"""

import jax, jax.numpy as jnp
import numpy as np

NF = 26
V = 100000
D = 32
B = 16384
NUM = 13
IN_DIM = NF * D + NUM


def setup_inputs(seed: int = 0) -> dict:
    key = jax.random.key(seed)
    ks = jax.random.split(key, 12)
    cat_data = jax.random.randint(ks[0], (B, NF), 0, V, dtype=jnp.int32)
    num_data = jax.random.normal(ks[1], (B, NUM), dtype=jnp.float32)
    tables = jax.random.normal(ks[2], (NF, V, D), dtype=jnp.float32) * 0.01
    W1 = jax.random.normal(ks[3], (IN_DIM, 128), dtype=jnp.float32) * 0.02
    b1 = jnp.zeros((128,), dtype=jnp.float32)
    W2 = jax.random.normal(ks[4], (128, 64), dtype=jnp.float32) * 0.05
    b2 = jnp.zeros((64,), dtype=jnp.float32)
    W3 = jax.random.normal(ks[5], (64, 32), dtype=jnp.float32) * 0.05
    b3 = jnp.zeros((32,), dtype=jnp.float32)
    W4 = jax.random.normal(ks[6], (32, 1), dtype=jnp.float32) * 0.05
    b4 = jnp.zeros((1,), dtype=jnp.float32)
    return {"cat_data": cat_data, "num_data": num_data, "tables": tables,
            "W1": W1, "b1": b1, "W2": W2, "b2": b2, "W3": W3, "b3": b3, "W4": W4, "b4": b4}


def reference(cat_data, num_data, tables, W1, b1, W2, b2, W3, b3, W4, b4):
    # per-field embedding lookup: tables[f, cat_data[:, f]] for each field f
    field_idx = jnp.arange(NF, dtype=cat_data.dtype)[None, :]  # [1, NF]
    emb = tables[field_idx, cat_data]  # [B, NF, D]
    x = jnp.concatenate([emb.reshape(cat_data.shape[0], NF * D), num_data], axis=1)
    h = jax.nn.relu(x @ W1 + b1)
    h = jax.nn.relu(h @ W2 + b2)
    h = jax.nn.relu(h @ W3 + b3)
    out = (h @ W4 + b4)
    return out.squeeze(1)

if __name__ == "__main__":
    import jax
    _d = setup_inputs()
    print(jax.jit(kernel)(*tuple(_d.values())))

</pallas_src>

<mosaic_0001>
#map = affine_map<(d0, d1) -> (0, 0)>
module attributes {stable_mosaic.version = 14 : i64} {
  func.func @_sc_gather_body(%arg0: i32, %arg1: i32, %arg2: memref<3328x128xi32, #tpu.memory_space<hbm>>, %arg3: memref<2600000x32xf32, #tpu.memory_space<hbm>>, %arg4: memref<425984x32xf32, #tpu.memory_space<hbm>>, %arg5: memref<104x128xi32, #tpu.memory_space<vmem>>, %arg6: memref<1024x32xf32, #tpu.memory_space<vmem>>, %arg7: memref<1024x32xf32, #tpu.memory_space<vmem>>, %arg8: memref<!tpu.dma_semaphore, #tpu.memory_space<semaphore_mem>>, %arg9: memref<!tpu.dma_semaphore, #tpu.memory_space<semaphore_mem>>) attributes {dimension_semantics = [#tpu.dimension_semantics<core_parallel>, #tpu.dimension_semantics<subcore_parallel>], iteration_bounds = array<i64: 2, 16>, scalar_prefetch = 0 : i64, scratch_operands = 5 : i64, tpu.core_type = #tpu.core_type<sc_vector_subcore>, window_params = [{transform_indices = #map}, {transform_indices = #map}, {transform_indices = #map}]} {
    %mul3A = arith.constant 2 : i32
    %mul3A_0 = arith.muli %arg1, %mul3A : i32
    %add3A = arith.addi %mul3A_0, %arg0 : i32
    %mul3A_1 = arith.constant 104 : i32
    %mul3A_2 = arith.muli %add3A, %mul3A_1 : i32
    %mul3A_3 = arith.constant 13312 : i32
    %mul3A_4 = arith.muli %add3A, %mul3A_3 : i32
    "tpu.region"() ({
      %run_scoped3A = tpu.sem_alloc : memref<!tpu.dma_semaphore, #tpu.memory_space<semaphore_mem>>
      %dma_start3A_2218 = arith.constant 0 : i32
      %dma_start3A_2219 = tpu.memref_slice %arg2[%mul3A_2, %dma_start3A_2218] : memref<3328x128xi32, #tpu.memory_space<hbm>> -> memref<104x128xi32, #tpu.memory_space<hbm>>
      %dma_start3A_2220 = arith.constant 0 : i32
      %dma_start3A_2221 = tpu.memref_slice %arg2[%mul3A_2, %dma_start3A_2220] : memref<3328x128xi32, #tpu.memory_space<hbm>> -> memref<104x128xi32, #tpu.memory_space<hbm>>
      tpu.enqueue_dma source(%dma_start3A_2221 : memref<104x128xi32, #tpu.memory_space<hbm>>) target(%arg5 : memref<104x128xi32, #tpu.memory_space<vmem>>) target_semaphore(%run_scoped3A : memref<!tpu.dma_semaphore, #tpu.memory_space<semaphore_mem>>)
      %dma_wait3A_2222 = arith.constant 0 : i32
      %dma_wait3A_2223 = tpu.memref_slice %arg2[%mul3A_2, %dma_wait3A_2222] : memref<3328x128xi32, #tpu.memory_space<hbm>> -> memref<104x128xi32, #tpu.memory_space<hbm>>
      %dma_wait3A_2224 = arith.constant 0 : i32
      %dma_wait3A_2225 = tpu.memref_slice %arg2[%mul3A_2, %dma_wait3A_2224] : memref<3328x128xi32, #tpu.memory_space<hbm>> -> memref<104x128xi32, #tpu.memory_space<hbm>>
      tpu.wait_dma2 semaphore(%run_scoped3A : memref<!tpu.dma_semaphore, #tpu.memory_space<semaphore_mem>>) src(%dma_wait3A_2225 : memref<104x128xi32, #tpu.memory_space<hbm>>) dst(%arg5 : memref<104x128xi32, #tpu.memory_space<vmem>>)
      tpu.yield
    }) : () -> ()
    %iota3A = tpu.iota {dimensions = array<i32: 0>} : vector<16xi32>
    %scan3A = arith.constant 0 : i32
    %scan3A_5 = arith.constant 0 : i32
    %scan3A_6 = arith.constant 104 : i32
    %scan3A_7 = arith.addi %scan3A_5, %scan3A_6 : i32
    %scan3A_8 = arith.constant 1 : i32
    scf.for %scan3A_2218 = %scan3A_5 to %scan3A_7 step %scan3A_8  : i32 {
      %mul3A_2219 = arith.constant 128 : i32
      %mul3A_2220 = arith.muli %scan3A_2218, %mul3A_2219 : i32
      %add3A_2221 = arith.constant 0 : i32
      %add3A_2222 = arith.addi %mul3A_2220, %add3A_2221 : i32
      %add3A_2223 = vector.broadcast %add3A_2222 : i32 to vector<16xi32>
      %add3A_2224 = arith.addi %add3A_2223, %iota3A : vector<16xi32>
      %rem3A = arith.constant 26 : i32
      %rem3A_2225 = vector.broadcast %rem3A : i32 to vector<16xi32>
      %rem3A_2226 = arith.remsi %add3A_2224, %rem3A_2225 : vector<16xi32>
      %get3A = arith.index_cast %scan3A_2218 : i32 to index
      %get3A_2227 = arith.constant 0 : index
      %get3A_2228 = tpu.vector_load %arg5[%get3A, %get3A_2227] {strides = array<i32>} : memref<104x128xi32, #tpu.memory_space<vmem>>, vector<1x16xi32>,
      %get3A_2229 = vector.shape_cast %get3A_2228 : vector<1x16xi32> to vector<16xi32>
      %mul3A_2230 = arith.constant 100000 : i32
      %mul3A_2231 = vector.broadcast %mul3A_2230 : i32 to vector<16xi32>
      %mul3A_2232 = arith.muli %rem3A_2226, %mul3A_2231 : vector<16xi32>
      %add3A_2233 = arith.addi %get3A_2229, %mul3A_2232 : vector<16xi32>
      %swap3A = arith.index_cast %scan3A_2218 : i32 to index
      %swap3A_2234 = arith.constant 0 : index
      %swap3A_2235 = tpu.vector_load %arg5[%swap3A, %swap3A_2234] {strides = array<i32>} : memref<104x128xi32, #tpu.memory_space<vmem>>, vector<1x16xi32>,
      %swap3A_2236 = vector.shape_cast %swap3A_2235 : vector<1x16xi32> to vector<16xi32>
      %swap3A_2237 = vector.shape_cast %add3A_2233 : vector<16xi32> to vector<1x16xi32>
      tpu.vector_store %arg5[%swap3A, %swap3A_2234], %swap3A_2237 {strides = array<i32>} : memref<104x128xi32, #tpu.memory_space<vmem>>, vector<1x16xi32>,
      %mul3A_2238 = arith.constant 128 : i32
      %mul3A_2239 = arith.muli %scan3A_2218, %mul3A_2238 : i32
      %add3A_2240 = arith.constant 16 : i32
      %add3A_2241 = arith.addi %mul3A_2239, %add3A_2240 : i32
      %add3A_2242 = vector.broadcast %add3A_2241 : i32 to vector<16xi32>
      %add3A_2243 = arith.addi %add3A_2242, %iota3A : vector<16xi32>
      %rem3A_2244 = arith.constant 26 : i32
      %rem3A_2245 = vector.broadcast %rem3A_2244 : i32 to vector<16xi32>
      %rem3A_2246 = arith.remsi %add3A_2243, %rem3A_2245 : vector<16xi32>
      %get3A_2247 = arith.index_cast %scan3A_2218 : i32 to index
      %get3A_2248 = arith.constant 16 : index
      %get3A_2249 = tpu.vector_load %arg5[%get3A_2247, %get3A_2248] {strides = array<i32>} : memref<104x128xi32, #tpu.memory_space<vmem>>, vector<1x16xi32>,
      %get3A_2250 = vector.shape_cast %get3A_2249 : vector<1x16xi32> to vector<16xi32>
      %mul3A_2251 = arith.constant 100000 : i32
      %mul3A_2252 = vector.broadcast %mul3A_2251 : i32 to vector<16xi32>
      %mul3A_2253 = arith.muli %rem3A_2246, %mul3A_2252 : vector<16xi32>
      %add3A_2254 = arith.addi %get3A_2250, %mul3A_2253 : vector<16xi32>
      %swap3A_2255 = arith.index_cast %scan3A_2218 : i32 to index
      %swap3A_2256 = arith.constant 16 : index
      %swap3A_2257 = tpu.vector_load %arg5[%swap3A_2255, %swap3A_2256] {strides = array<i32>} : memref<104x128xi32, #tpu.memory_space<vmem>>, vector<1x16xi32>,
      %swap3A_2258 = vector.shape_cast %swap3A_2257 : vector<1x16xi32> to vector<16xi32>
      %swap3A_2259 = vector.shape_cast %add3A_2254 : vector<16xi32> to vector<1x16xi32>
      tpu.vector_store %arg5[%swap3A_2255, %swap3A_2256], %swap3A_2259 {strides = array<i32>} : memref<104x128xi32, #tpu.memory_space<vmem>>, vector<1x16xi32>,
      %mul3A_2260 = arith.constant 128 : i32
      %mul3A_2261 = arith.muli %scan3A_2218, %mul3A_2260 : i32
      %add3A_2262 = arith.constant 32 : i32
      %add3A_2263 = arith.addi %mul3A_2261, %add3A_2262 : i32
      %add3A_2264 = vector.broadcast %add3A_2263 : i32 to vector<16xi32>
      %add3A_2265 = arith.addi %add3A_2264, %iota3A : vector<16xi32>
      %rem3A_2266 = arith.constant 26 : i32
      %rem3A_2267 = vector.broadcast %rem3A_2266 : i32 to vector<16xi32>
      %rem3A_2268 = arith.remsi %add3A_2265, %rem3A_2267 : vector<16xi32>
      %get3A_2269 = arith.index_cast %scan3A_2218 : i32 to index
      %get3A_2270 = arith.constant 32 : index
      %get3A_2271 = tpu.vector_load %arg5[%get3A_2269, %get3A_2270] {strides = array<i32>} : memref<104x128xi32, #tpu.memory_space<vmem>>, vector<1x16xi32>,
      %get3A_2272 = vector.shape_cast %get3A_2271 : vector<1x16xi32> to vector<16xi32>
      %mul3A_2273 = arith.constant 100000 : i32
      %mul3A_2274 = vector.broadcast %mul3A_2273 : i32 to vector<16xi32>
      %mul3A_2275 = arith.muli %rem3A_2268, %mul3A_2274 : vector<16xi32>
      %add3A_2276 = arith.addi %get3A_2272, %mul3A_2275 : vector<16xi32>
      %swap3A_2277 = arith.index_cast %scan3A_2218 : i32 to index
      %swap3A_2278 = arith.constant 32 : index
      %swap3A_2279 = tpu.vector_load %arg5[%swap3A_2277, %swap3A_2278] {strides = array<i32>} : memref<104x128xi32, #tpu.memory_space<vmem>>, vector<1x16xi32>,
      %swap3A_2280 = vector.shape_cast %swap3A_2279 : vector<1x16xi32> to vector<16xi32>
      %swap3A_2281 = vector.shape_cast %add3A_2276 : vector<16xi32> to vector<1x16xi32>
      tpu.vector_store %arg5[%swap3A_2277, %swap3A_2278], %swap3A_2281 {strides = array<i32>} : memref<104x128xi32, #tpu.memory_space<vmem>>, vector<1x16xi32>,
      %mul3A_2282 = arith.constant 128 : i32
      %mul3A_2283 = arith.muli %scan3A_2218, %mul3A_2282 : i32
      %add3A_2284 = arith.constant 48 : i32
      %add3A_2285 = arith.addi %mul3A_2283, %add3A_2284 : i32
      %add3A_2286 = vector.broadcast %add3A_2285 : i32 to vector<16xi32>
      %add3A_2287 = arith.addi %add3A_2286, %iota3A : vector<16xi32>
      %rem3A_2288 = arith.constant 26 : i32
      %rem3A_2289 = vector.broadcast %rem3A_2288 : i32 to vector<16xi32>
      %rem3A_2290 = arith.remsi %add3A_2287, %rem3A_2289 : vector<16xi32>
      %get3A_2291 = arith.index_cast %scan3A_2218 : i32 to index
      %get3A_2292 = arith.constant 48 : index
      %get3A_2293 = tpu.vector_load %arg5[%get3A_2291, %get3A_2292] {strides = array<i32>} : memref<104x128xi32, #tpu.memory_space<vmem>>, vector<1x16xi32>,
      %get3A_2294 = vector.shape_cast %get3A_2293 : vector<1x16xi32> to vector<16xi32>
      %mul3A_2295 = arith.constant 100000 : i32
      %mul3A_2296 = vector.broadcast %mul3A_2295 : i32 to vector<16xi32>
      %mul3A_2297 = arith.muli %rem3A_2290, %mul3A_2296 : vector<16xi32>
      %add3A_2298 = arith.addi %get3A_2294, %mul3A_2297 : vector<16xi32>
      %swap3A_2299 = arith.index_cast %scan3A_2218 : i32 to index
      %swap3A_2300 = arith.constant 48 : index
      %swap3A_2301 = tpu.vector_load %arg5[%swap3A_2299, %swap3A_2300] {strides = array<i32>} : memref<104x128xi32, #tpu.memory_space<vmem>>, vector<1x16xi32>,
      %swap3A_2302 = vector.shape_cast %swap3A_2301 : vector<1x16xi32> to vector<16xi32>
      %swap3A_2303 = vector.shape_cast %add3A_2298 : vector<16xi32> to vector<1x16xi32>
      tpu.vector_store %arg5[%swap3A_2299, %swap3A_2300], %swap3A_2303 {strides = array<i32>} : memref<104x128xi32, #tpu.memory_space<vmem>>, vector<1x16xi32>,
      %mul3A_2304 = arith.constant 128 : i32
      %mul3A_2305 = arith.muli %scan3A_2218, %mul3A_2304 : i32
      %add3A_2306 = arith.constant 64 : i32
      %add3A_2307 = arith.addi %mul3A_2305, %add3A_2306 : i32
      %add3A_2308 = vector.broadcast %add3A_2307 : i32 to vector<16xi32>
      %add3A_2309 = arith.addi %add3A_2308, %iota3A : vector<16xi32>
      %rem3A_2310 = arith.constant 26 : i32
      %rem3A_2311 = vector.broadcast %rem3A_2310 : i32 to vector<16xi32>
      %rem3A_2312 = arith.remsi %add3A_2309, %rem3A_2311 : vector<16xi32>
      %get3A_2313 = arith.index_cast %scan3A_2218 : i32 to index
      %get3A_2314 = arith.constant 64 : index
      %get3A_2315 = tpu.vector_load %arg5[%get3A_2313, %get3A_2314] {strides = array<i32>} : memref<104x128xi32, #tpu.memory_space<vmem>>, vector<1x16xi32>,
      %get3A_2316 = vector.shape_cast %get3A_2315 : vector<1x16xi32> to vector<16xi32>
      %mul3A_2317 = arith.constant 100000 : i32
      %mul3A_2318 = vector.broadcast %mul3A_2317 : i32 to vector<16xi32>
      %mul3A_2319 = arith.muli %rem3A_2312, %mul3A_2318 : vector<16xi32>
      %add3A_2320 = arith.addi %get3A_2316, %mul3A_2319 : vector<16xi32>
      %swap3A_2321 = arith.index_cast %scan3A_2218 : i32 to index
      %swap3A_2322 = arith.constant 64 : index
      %swap3A_2323 = tpu.vector_load %arg5[%swap3A_2321, %swap3A_2322] {strides = array<i32>} : memref<104x128xi32, #tpu.memory_space<vmem>>, vector<1x16xi32>,
      %swap3A_2324 = vector.shape_cast %swap3A_2323 : vector<1x16xi32> to vector<16xi32>
      %swap3A_2325 = vector.shape_cast %add3A_2320 : vector<16xi32> to vector<1x16xi32>
      tpu.vector_store %arg5[%swap3A_2321, %swap3A_2322], %swap3A_2325 {strides = array<i32>} : memref<104x128xi32, #tpu.memory_space<vmem>>, vector<1x16xi32>,
      %mul3A_2326 = arith.constant 128 : i32
      %mul3A_2327 = arith.muli %scan3A_2218, %mul3A_2326 : i32
      %add3A_2328 = arith.constant 80 : i32
      %add3A_2329 = arith.addi %mul3A_2327, %add3A_2328 : i32
      %add3A_2330 = vector.broadcast %add3A_2329 : i32 to vector<16xi32>
      %add3A_2331 = arith.addi %add3A_2330, %iota3A : vector<16xi32>
      %rem3A_2332 = arith.constant 26 : i32
      %rem3A_2333 = vector.broadcast %rem3A_2332 : i32 to vector<16xi32>
      %rem3A_2334 = arith.remsi %add3A_2331, %rem3A_2333 : vector<16xi32>
      %get3A_2335 = arith.index_cast %scan3A_2218 : i32 to index
      %get3A_2336 = arith.constant 80 : index
      %get3A_2337 = tpu.vector_load %arg5[%get3A_2335, %get3A_2336] {strides = array<i32>} : memref<104x128xi32, #tpu.memory_space<vmem>>, vector<1x16xi32>,
      %get3A_2338 = vector.shape_cast %get3A_2337 : vector<1x16xi32> to vector<16xi32>
      %mul3A_2339 = arith.constant 100000 : i32
      %mul3A_2340 = vector.broadcast %mul3A_2339 : i32 to vector<16xi32>
      %mul3A_2341 = arith.muli %rem3A_2334, %mul3A_2340 : vector<16xi32>
      %add3A_2342 = arith.addi %get3A_2338, %mul3A_2341 : vector<16xi32>
      %swap3A_2343 = arith.index_cast %scan3A_2218 : i32 to index
      %swap3A_2344 = arith.constant 80 : index
      %swap3A_2345 = tpu.vector_load %arg5[%swap3A_2343, %swap3A_2344] {strides = array<i32>} : memref<104x128xi32, #tpu.memory_space<vmem>>, vector<1x16xi32>,
      %swap3A_2346 = vector.shape_cast %swap3A_2345 : vector<1x16xi32> to vector<16xi32>
      %swap3A_2347 = vector.shape_cast %add3A_2342 : vector<16xi32> to vector<1x16xi32>
      tpu.vector_store %arg5[%swap3A_2343, %swap3A_2344], %swap3A_2347 {strides = array<i32>} : memref<104x128xi32, #tpu.memory_space<vmem>>, vector<1x16xi32>,
      %mul3A_2348 = arith.constant 128 : i32
      %mul3A_2349 = arith.muli %scan3A_2218, %mul3A_2348 : i32
      %add3A_2350 = arith.constant 96 : i32
      %add3A_2351 = arith.addi %mul3A_2349, %add3A_2350 : i32
      %add3A_2352 = vector.broadcast %add3A_2351 : i32 to vector<16xi32>
      %add3A_2353 = arith.addi %add3A_2352, %iota3A : vector<16xi32>
      %rem3A_2354 = arith.constant 26 : i32
      %rem3A_2355 = vector.broadcast %rem3A_2354 : i32 to vector<16xi32>
      %rem3A_2356 = arith.remsi %add3A_2353, %rem3A_2355 : vector<16xi32>
      %get3A_2357 = arith.index_cast %scan3A_2218 : i32 to index
      %get3A_2358 = arith.constant 96 : index
      %get3A_2359 = tpu.vector_load %arg5[%get3A_2357, %get3A_2358] {strides = array<i32>} : memref<104x128xi32, #tpu.memory_space<vmem>>, vector<1x16xi32>,
      %get3A_2360 = vector.shape_cast %get3A_2359 : vector<1x16xi32> to vector<16xi32>
      %mul3A_2361 = arith.constant 100000 : i32
      %mul3A_2362 = vector.broadcast %mul3A_2361 : i32 to vector<16xi32>
      %mul3A_2363 = arith.muli %rem3A_2356, %mul3A_2362 : vector<16xi32>
      %add3A_2364 = arith.addi %get3A_2360, %mul3A_2363 : vector<16xi32>
      %swap3A_2365 = arith.index_cast %scan3A_2218 : i32 to index
      %swap3A_2366 = arith.constant 96 : index
      %swap3A_2367 = tpu.vector_load %arg5[%swap3A_2365, %swap3A_2366] {strides = array<i32>} : memref<104x128xi32, #tpu.memory_space<vmem>>, vector<1x16xi32>,
      %swap3A_2368 = vector.shape_cast %swap3A_2367 : vector<1x16xi32> to vector<16xi32>
      %swap3A_2369 = vector.shape_cast %add3A_2364 : vector<16xi32> to vector<1x16xi32>
      tpu.vector_store %arg5[%swap3A_2365, %swap3A_2366], %swap3A_2369 {strides = array<i32>} : memref<104x128xi32, #tpu.memory_space<vmem>>, vector<1x16xi32>,
      %mul3A_2370 = arith.constant 128 : i32
      %mul3A_2371 = arith.muli %scan3A_2218, %mul3A_2370 : i32
      %add3A_2372 = arith.constant 112 : i32
      %add3A_2373 = arith.addi %mul3A_2371, %add3A_2372 : i32
      %add3A_2374 = vector.broadcast %add3A_2373 : i32 to vector<16xi32>
      %add3A_2375 = arith.addi %add3A_2374, %iota3A : vector<16xi32>
      %rem3A_2376 = arith.constant 26 : i32
      %rem3A_2377 = vector.broadcast %rem3A_2376 : i32 to vector<16xi32>
      %rem3A_2378 = arith.remsi %add3A_2375, %rem3A_2377 : vector<16xi32>
      %get3A_2379 = arith.index_cast %scan3A_2218 : i32 to index
      %get3A_2380 = arith.constant 112 : index
      %get3A_2381 = tpu.vector_load %arg5[%get3A_2379, %get3A_2380] {strides = array<i32>} : memref<104x128xi32, #tpu.memory_space<vmem>>, vector<1x16xi32>,
      %get3A_2382 = vector.shape_cast %get3A_2381 : vector<1x16xi32> to vector<16xi32>
      %mul3A_2383 = arith.constant 100000 : i32
      %mul3A_2384 = vector.broadcast %mul3A_2383 : i32 to vector<16xi32>
      %mul3A_2385 = arith.muli %rem3A_2378, %mul3A_2384 : vector<16xi32>
      %add3A_2386 = arith.addi %get3A_2382, %mul3A_2385 : vector<16xi32>
      %swap3A_2387 = arith.index_cast %scan3A_2218 : i32 to index
      %swap3A_2388 = arith.constant 112 : index
      %swap3A_2389 = tpu.vector_load %arg5[%swap3A_2387, %swap3A_2388] {strides = array<i32>} : memref<104x128xi32, #tpu.memory_space<vmem>>, vector<1x16xi32>,
      %swap3A_2390 = vector.shape_cast %swap3A_2389 : vector<1x16xi32> to vector<16xi32>
      %swap3A_2391 = vector.shape_cast %add3A_2386 : vector<16xi32> to vector<1x16xi32>
      tpu.vector_store %arg5[%swap3A_2387, %swap3A_2388], %swap3A_2391 {strides = array<i32>} : memref<104x128xi32, #tpu.memory_space<vmem>>, vector<1x16xi32>,
    }
    %scan3A_9 = arith.constant 104 : i32
    %dma_start3A = arith.constant 0 : i32
    %dma_start3A_10 = arith.constant 0 : i32
    %dma_start3A_11 = arith.constant 0 : i32
    %dma_start3A_12 = tpu.memref_slice %arg6[%dma_start3A_10, %dma_start3A_11] : memref<1024x32xf32, #tpu.memory_space<vmem>> -> memref<128x32xf32, #tpu.memory_space<vmem>>
    %dma_start3A_13 = arith.constant 0 : i32
    %dma_start3A_14 = tpu.memref_slice %arg5[%dma_start3A, %dma_start3A_13] : memref<104x128xi32, #tpu.memory_space<vmem>> -> memref<1x128xi32, #tpu.memory_space<vmem>>
    %dma_start3A_15 = tpu.memref_squeeze %dma_start3A_14 : memref<1x128xi32, #tpu.memory_space<vmem>> -> memref<128xi32, #tpu.memory_space<vmem>>
    %dma_start3A_16 = arith.constant 0 : i32
    %dma_start3A_17 = arith.constant 0 : i32
    %dma_start3A_18 = tpu.memref_slice %arg3[%dma_start3A_16, %dma_start3A_17] : memref<2600000x32xf32, #tpu.memory_space<hbm>> -> memref<2600000x32xf32, #tpu.memory_space<hbm>>
    tpu.enqueue_indirect_dma source(%dma_start3A_18 : memref<2600000x32xf32, #tpu.memory_space<hbm>>) target(%dma_start3A_12 : memref<128x32xf32, #tpu.memory_space<vmem>>) offsets(%dma_start3A_15 : memref<128xi32, #tpu.memory_space<vmem>>) semaphore(%arg8 : memref<!tpu.dma_semaphore, #tpu.memory_space<semaphore_mem>>)
    %dma_start3A_19 = arith.constant 1 : i32
    %dma_start3A_20 = arith.constant 128 : i32
    %dma_start3A_21 = arith.constant 0 : i32
    %dma_start3A_22 = tpu.memref_slice %arg6[%dma_start3A_20, %dma_start3A_21] : memref<1024x32xf32, #tpu.memory_space<vmem>> -> memref<128x32xf32, #tpu.memory_space<vmem>>
    %dma_start3A_23 = arith.constant 0 : i32
    %dma_start3A_24 = tpu.memref_slice %arg5[%dma_start3A_19, %dma_start3A_23] : memref<104x128xi32, #tpu.memory_space<vmem>> -> memref<1x128xi32, #tpu.memory_space<vmem>>
    %dma_start3A_25 = tpu.memref_squeeze %dma_start3A_24 : memref<1x128xi32, #tpu.memory_space<vmem>> -> memref<128xi32, #tpu.memory_space<vmem>>
    %dma_start3A_26 = arith.constant 0 : i32
    %dma_start3A_27 = arith.constant 0 : i32
    %dma_start3A_28 = tpu.memref_slice %arg3[%dma_start3A_26, %dma_start3A_27] : memref<2600000x32xf32, #tpu.memory_space<hbm>> -> memref<2600000x32xf32, #tpu.memory_space<hbm>>
    tpu.enqueue_indirect_dma source(%dma_start3A_28 : memref<2600000x32xf32, #tpu.memory_space<hbm>>) target(%dma_start3A_22 : memref<128x32xf32, #tpu.memory_space<vmem>>) offsets(%dma_start3A_25 : memref<128xi32, #tpu.memory_space<vmem>>) semaphore(%arg8 : memref<!tpu.dma_semaphore, #tpu.memory_space<semaphore_mem>>)
    %dma_start3A_29 = arith.constant 2 : i32
    %dma_start3A_30 = arith.constant 256 : i32
    %dma_start3A_31 = arith.constant 0 : i32
    %dma_start3A_32 = tpu.memref_slice %arg6[%dma_start3A_30, %dma_start3A_31] : memref<1024x32xf32, #tpu.memory_space<vmem>> -> memref<128x32xf32, #tpu.memory_space<vmem>>
    %dma_start3A_33 = arith.constant 0 : i32
    %dma_start3A_34 = tpu.memref_slice %arg5[%dma_start3A_29, %dma_start3A_33] : memref<104x128xi32, #tpu.memory_space<vmem>> -> memref<1x128xi32, #tpu.memory_space<vmem>>
    %dma_start3A_35 = tpu.memref_squeeze %dma_start3A_34 : memref<1x128xi32, #tpu.memory_space<vmem>> -> memref<128xi32, #tpu.memory_space<vmem>>
    %dma_start3A_36 = arith.constant 0 : i32
    %dma_start3A_37 = arith.constant 0 : i32
    %dma_start3A_38 = tpu.memref_slice %arg3[%dma_start3A_36, %dma_start3A_37] : memref<2600000x32xf32, #tpu.memory_space<hbm>> -> memref<2600000x32xf32, #tpu.memory_space<hbm>>
    tpu.enqueue_indirect_dma source(%dma_start3A_38 : memref<2600000x32xf32, #tpu.memory_space<hbm>>) target(%dma_start3A_32 : memref<128x32xf32, #tpu.memory_space<vmem>>) offsets(%dma_start3A_35 : memref<128xi32, #tpu.memory_space<vmem>>) semaphore(%arg8 : memref<!tpu.dma_semaphore, #tpu.memory_space<semaphore_mem>>)
    %dma_start3A_39 = arith.constant 3 : i32
    %dma_start3A_40 = arith.constant 384 : i32
    %dma_start3A_41 = arith.constant 0 : i32
    %dma_start3A_42 = tpu.memref_slice %arg6[%dma_start3A_40, %dma_start3A_41] : memref<1024x32xf32, #tpu.memory_space<vmem>> -> memref<128x32xf32, #tpu.memory_space<vmem>>
    %dma_start3A_43 = arith.constant 0 : i32
    %dma_start3A_44 = tpu.memref_slice %arg5[%dma_start3A_39, %dma_start3A_43] : memref<104x128xi32, #tpu.memory_space<vmem>> -> memref<1x128xi32, #tpu.memory_space<vmem>>
    %dma_start3A_45 = tpu.memref_squeeze %dma_start3A_44 : memref<1x128xi32, #tpu.memory_space<vmem>> -> memref<128xi32, #tpu.memory_space<vmem>>
    %dma_start3A_46 = arith.constant 0 : i32
    %dma_start3A_47 = arith.constant 0 : i32
    %dma_start3A_48 = tpu.memref_slice %arg3[%dma_start3A_46, %dma_start3A_47] : memref<2600000x32xf32, #tpu.memory_space<hbm>> -> memref<2600000x32xf32, #tpu.memory_space<hbm>>
    tpu.enqueue_indirect_dma source(%dma_start3A_48 : memref<2600000x32xf32, #tpu.memory_space<hbm>>) target(%dma_start3A_42 : memref<128x32xf32, #tpu.memory_space<vmem>>) offsets(%dma_start3A_45 : memref<128xi32, #tpu.memory_space<vmem>>) semaphore(%arg8 : memref<!tpu.dma_semaphore, #tpu.memory_space<semaphore_mem>>)
    %dma_start3A_49 = arith.constant 4 : i32
    %dma_start3A_50 = arith.constant 512 : i32
    %dma_start3A_51 = arith.constant 0 : i32
    %dma_start3A_52 = tpu.memref_slice %arg6[%dma_start3A_50, %dma_start3A_51] : memref<1024x32xf32, #tpu.memory_space<vmem>> -> memref<128x32xf32, #tpu.memory_space<vmem>>
    %dma_start3A_53 = arith.constant 0 : i32
    %dma_start3A_54 = tpu.memref_slice %arg5[%dma_start3A_49, %dma_start3A_53] : memref<104x128xi32, #tpu.memory_space<vmem>> -> memref<1x128xi32, #tpu.memory_space<vmem>>
    %dma_start3A_55 = tpu.memref_squeeze %dma_start3A_54 : memref<1x128xi32, #tpu.memory_space<vmem>> -> memref<128xi32, #tpu.memory_space<vmem>>
    %dma_start3A_56 = arith.constant 0 : i32
    %dma_start3A_57 = arith.constant 0 : i32
    %dma_start3A_58 = tpu.memref_slice %arg3[%dma_start3A_56, %dma_start3A_57] : memref<2600000x32xf32, #tpu.memory_space<hbm>> -> memref<2600000x32xf32, #tpu.memory_space<hbm>>
    tpu.enqueue_indirect_dma source(%dma_start3A_58 : memref<2600000x32xf32, #tpu.memory_space<hbm>>) target(%dma_start3A_52 : memref<128x32xf32, #tpu.memory_space<vmem>>) offsets(%dma_start3A_55 : memref<128xi32, #tpu.memory_space<vmem>>) semaphore(%arg8 : memref<!tpu.dma_semaphore, #tpu.memory_space<semaphore_mem>>)
    %dma_start3A_59 = arith.constant 5 : i32
    %dma_start3A_60 = arith.constant 640 : i32
    %dma_start3A_61 = arith.constant 0 : i32
    %dma_start3A_62 = tpu.memref_slice %arg6[%dma_start3A_60, %dma_start3A_61] : memref<1024x32xf32, #tpu.memory_space<vmem>> -> memref<128x32xf32, #tpu.memory_space<vmem>>
    %dma_start3A_63 = arith.constant 0 : i32
    %dma_start3A_64 = tpu.memref_slice %arg5[%dma_start3A_59, %dma_start3A_63] : memref<104x128xi32, #tpu.memory_space<vmem>> -> memref<1x128xi32, #tpu.memory_space<vmem>>
    %dma_start3A_65 = tpu.memref_squeeze %dma_start3A_64 : memref<1x128xi32, #tpu.memory_space<vmem>> -> memref<128xi32, #tpu.memory_space<vmem>>
    %dma_start3A_66 = arith.constant 0 : i32
    %dma_start3A_67 = arith.constant 0 : i32
    %dma_start3A_68 = tpu.memref_slice %arg3[%dma_start3A_66, %dma_start3A_67] : memref<2600000x32xf32, #tpu.memory_space<hbm>> -> memref<2600000x32xf32, #tpu.memory_space<hbm>>
    tpu.enqueue_indirect_dma source(%dma_start3A_68 : memref<2600000x32xf32, #tpu.memory_space<hbm>>) target(%dma_start3A_62 : memref<128x32xf32, #tpu.memory_space<vmem>>) offsets(%dma_start3A_65 : memref<128xi32, #tpu.memory_space<vmem>>) semaphore(%arg8 : memref<!tpu.dma_semaphore, #tpu.memory_space<semaphore_mem>>)
    %dma_start3A_69 = arith.constant 6 : i32
    %dma_start3A_70 = arith.constant 768 : i32
    %dma_start3A_71 = arith.constant 0 : i32
    %dma_start3A_72 = tpu.memref_slice %arg6[%dma_start3A_70, %dma_start3A_71] : memref<1024x32xf32, #tpu.memory_space<vmem>> -> memref<128x32xf32, #tpu.memory_space<vmem>>
    %dma_start3A_73 = arith.constant 0 : i32
    %dma_start3A_74 = tpu.memref_slice %arg5[%dma_start3A_69, %dma_start3A_73] : memref<104x128xi32, #tpu.memory_space<vmem>> -> memref<1x128xi32, #tpu.memory_space<vmem>>
    %dma_start3A_75 = tpu.memref_squeeze %dma_start3A_74 : memref<1x128xi32, #tpu.memory_space<vmem>> -> memref<128xi32, #tpu.memory_space<vmem>>
    %dma_start3A_76 = arith.constant 0 : i32
    %dma_start3A_77 = arith.constant 0 : i32
    %dma_start3A_78 = tpu.memref_slice %arg3[%dma_start3A_76, %dma_start3A_77] : memref<2600000x32xf32, #tpu.memory_space<hbm>> -> memref<2600000x32xf32, #tpu.memory_space<hbm>>
    tpu.enqueue_indirect_dma source(%dma_start3A_78 : memref<2600000x32xf32, #tpu.memory_space<hbm>>) target(%dma_start3A_72 : memref<128x32xf32, #tpu.memory_space<vmem>>) offsets(%dma_start3A_75 : memref<128xi32, #tpu.memory_space<vmem>>) semaphore(%arg8 : memref<!tpu.dma_semaphore, #tpu.memory_space<semaphore_mem>>)
    %dma_start3A_79 = arith.constant 7 : i32
    %dma_start3A_80 = arith.constant 896 : i32
    %dma_start3A_81 = arith.constant 0 : i32
    %dma_start3A_82 = tpu.memref_slice %arg6[%dma_start3A_80, %dma_start3A_81] : memref<1024x32xf32, #tpu.memory_space<vmem>> -> memref<128x32xf32, #tpu.memory_space<vmem>>
    %dma_start3A_83 = arith.constant 0 : i32
    %dma_start3A_84 = tpu.memref_slice %arg5[%dma_start3A_79, %dma_start3A_83] : memref<104x128xi32, #tpu.memory_space<vmem>> -> memref<1x128xi32, #tpu.memory_space<vmem>>
    %dma_start3A_85 = tpu.memref_squeeze %dma_start3A_84 : memref<1x128xi32, #tpu.memory_space<vmem>> -> memref<128xi32, #tpu.memory_space<vmem>>
    %dma_start3A_86 = arith.constant 0 : i32
    %dma_start3A_87 = arith.constant 0 : i32
    %dma_start3A_88 = tpu.memref_slice %arg3[%dma_start3A_86, %dma_start3A_87] : memref<2600000x32xf32, #tpu.memory_space<hbm>> -> memref<2600000x32xf32, #tpu.memory_space<hbm>>
    tpu.enqueue_indirect_dma source(%dma_start3A_88 : memref<2600000x32xf32, #tpu.memory_space<hbm>>) target(%dma_start3A_82 : memref<128x32xf32, #tpu.memory_space<vmem>>) offsets(%dma_start3A_85 : memref<128xi32, #tpu.memory_space<vmem>>) semaphore(%arg8 : memref<!tpu.dma_semaphore, #tpu.memory_space<semaphore_mem>>)
    %dma_wait3A = arith.constant 0 : i32
    %dma_wait3A_89 = arith.constant 0 : i32
    %dma_wait3A_90 = arith.constant 0 : i32
    %dma_wait3A_91 = tpu.memref_slice %arg6[%dma_wait3A_89, %dma_wait3A_90] : memref<1024x32xf32, #tpu.memory_space<vmem>> -> memref<128x32xf32, #tpu.memory_space<vmem>>
    %dma_wait3A_92 = arith.constant 0 : i32
    %dma_wait3A_93 = tpu.memref_slice %arg5[%dma_wait3A, %dma_wait3A_92] : memref<104x128xi32, #tpu.memory_space<vmem>> -> memref<1x128xi32, #tpu.memory_space<vmem>>
    %dma_wait3A_94 = tpu.memref_squeeze %dma_wait3A_93 : memref<1x128xi32, #tpu.memory_space<vmem>> -> memref<128xi32, #tpu.memory_space<vmem>>
    %dma_wait3A_95 = arith.constant 0 : i32
    %dma_wait3A_96 = arith.constant 0 : i32
    %dma_wait3A_97 = tpu.memref_slice %arg3[%dma_wait3A_95, %dma_wait3A_96] : memref<2600000x32xf32, #tpu.memory_space<hbm>> -> memref<2600000x32xf32, #tpu.memory_space<hbm>>
    tpu.wait_indirect_dma semaphore(%arg8 : memref<!tpu.dma_semaphore, #tpu.memory_space<semaphore_mem>>) src(%dma_wait3A_97 : memref<2600000x32xf32, #tpu.memory_space<hbm>>) dst(%dma_wait3A_91 : memref<128x32xf32, #tpu.memory_space<vmem>>)
    %dma_wait3A_98 = arith.constant 1 : i32
    %dma_wait3A_99 = arith.constant 128 : i32
    %dma_wait3A_100 = arith.constant 0 : i32
    %dma_wait3A_101 = tpu.memref_slice %arg6[%dma_wait3A_99, %dma_wait3A_100] : memref<1024x32xf32, #tpu.memory_space<vmem>> -> memref<128x32xf32, #tpu.memory_space<vmem>>
    %dma_wait3A_102 = arith.constant 0 : i32
    %dma_wait3A_103 = tpu.memref_slice %arg5[%dma_wait3A_98, %dma_wait3A_102] : memref<104x128xi32, #tpu.memory_space<vmem>> -> memref<1x128xi32, #tpu.memory_space<vmem>>
    %dma_wait3A_104 = tpu.memref_squeeze %dma_wait3A_103 : memref<1x128xi32, #tpu.memory_space<vmem>> -> memref<128xi32, #tpu.memory_space<vmem>>
    %dma_wait3A_105 = arith.constant 0 : i32
    %dma_wait3A_106 = arith.constant 0 : i32
    %dma_wait3A_107 = tpu.memref_slice %arg3[%dma_wait3A_105, %dma_wait3A_106] : memref<2600000x32xf32, #tpu.memory_space<hbm>> -> memref<2600000x32xf32, #tpu.memory_space<hbm>>
    tpu.wait_indirect_dma semaphore(%arg8 : memref<!tpu.dma_semaphore, #tpu.memory_space<semaphore_mem>>) src(%dma_wait3A_107 : memref<2600000x32xf32, #tpu.memory_space<hbm>>) dst(%dma_wait3A_101 : memref<128x32xf32, #tpu.memory_space<vmem>>)
    %dma_wait3A_108 = arith.constant 2 : i32
    %dma_wait3A_109 = arith.constant 256 : i32
    %dma_wait3A_110 = arith.constant 0 : i32
    %dma_wait3A_111 = tpu.memref_slice %arg6[%dma_wait3A_109, %dma_wait3A_110] : memref<1024x32xf32, #tpu.memory_space<vmem>> -> memref<128x32xf32, #tpu.memory_space<vmem>>
    %dma_wait3A_112 = arith.constant 0 : i32
    %dma_wait3A_113 = tpu.memref_slice %arg5[%dma_wait3A_108, %dma_wait3A_112] : memref<104x128xi32, #tpu.memory_space<vmem>> -> memref<1x128xi32, #tpu.memory_space<vmem>>
    %dma_wait3A_114 = tpu.memref_squeeze %dma_wait3A_113 : memref<1x128xi32, #tpu.memory_space<vmem>> -> memref<128xi32, #tpu.memory_space<vmem>>
    %dma_wait3A_115 = arith.constant 0 : i32
    %dma_wait3A_116 = arith.constant 0 : i32
    %dma_wait3A_117 = tpu.memref_slice %arg3[%dma_wait3A_115, %dma_wait3A_116] : memref<2600000x32xf32, #tpu.memory_space<hbm>> -> memref<2600000x32xf32, #tpu.memory_space<hbm>>
    tpu.wait_indirect_dma semaphore(%arg8 : memref<!tpu.dma_semaphore, #tpu.memory_space<semaphore_mem>>) src(%dma_wait3A_117 : memref<2600000x32xf32, #tpu.memory_space<hbm>>) dst(%dma_wait3A_111 : memref<128x32xf32, #tpu.memory_space<vmem>>)
    %dma_wait3A_118 = arith.constant 3 : i32
    %dma_wait3A_119 = arith.constant 384 : i32
    %dma_wait3A_120 = arith.constant 0 : i32
    %dma_wait3A_121 = tpu.memref_slice %arg6[%dma_wait3A_119, %dma_wait3A_120] : memref<1024x32xf32, #tpu.memory_space<vmem>> -> memref<128x32xf32, #tpu.memory_space<vmem>>
    %dma_wait3A_122 = arith.constant 0 : i32
    %dma_wait3A_123 = tpu.memref_slice %arg5[%dma_wait3A_118, %dma_wait3A_122] : memref<104x128xi32, #tpu.memory_space<vmem>> -> memref<1x128xi32, #tpu.memory_space<vmem>>
    %dma_wait3A_124 = tpu.memref_squeeze %dma_wait3A_123 : memref<1x128xi32, #tpu.memory_space<vmem>> -> memref<128xi32, #tpu.memory_space<vmem>>
    %dma_wait3A_125 = arith.constant 0 : i32
    %dma_wait3A_126 = arith.constant 0 : i32
    %dma_wait3A_127 = tpu.memref_slice %arg3[%dma_wait3A_125, %dma_wait3A_126] : memref<2600000x32xf32, #tpu.memory_space<hbm>> -> memref<2600000x32xf32, #tpu.memory_space<hbm>>
    tpu.wait_indirect_dma semaphore(%arg8 : memref<!tpu.dma_semaphore, #tpu.memory_space<semaphore_mem>>) src(%dma_wait3A_127 : memref<2600000x32xf32, #tpu.memory_space<hbm>>) dst(%dma_wait3A_121 : memref<128x32xf32, #tpu.memory_space<vmem>>)
    %dma_wait3A_128 = arith.constant 4 : i32
    %dma_wait3A_129 = arith.constant 512 : i32
    %dma_wait3A_130 = arith.constant 0 : i32
    %dma_wait3A_131 = tpu.memref_slice %arg6[%dma_wait3A_129, %dma_wait3A_130] : memref<1024x32xf32, #tpu.memory_space<vmem>> -> memref<128x32xf32, #tpu.memory_space<vmem>>
    %dma_wait3A_132 = arith.constant 0 : i32
    %dma_wait3A_133 = tpu.memref_slice %arg5[%dma_wait3A_128, %dma_wait3A_132] : memref<104x128xi32, #tpu.memory_space<vmem>> -> memref<1x128xi32, #tpu.memory_space<vmem>>
    %dma_wait3A_134 = tpu.memref_squeeze %dma_wait3A_133 : memref<1x128xi32, #tpu.memory_space<vmem>> -> memref<128xi32, #tpu.memory_space<vmem>>
    %dma_wait3A_135 = arith.constant 0 : i32
    %dma_wait3A_136 = arith.constant 0 : i32
    %dma_wait3A_137 = tpu.memref_slice %arg3[%dma_wait3A_135, %dma_wait3A_136] : memref<2600000x32xf32, #tpu.memory_space<hbm>> -> memref<2600000x32xf32, #tpu.memory_space<hbm>>
    tpu.wait_indirect_dma semaphore(%arg8 : memref<!tpu.dma_semaphore, #tpu.memory_space<semaphore_mem>>) src(%dma_wait3A_137 : memref<2600000x32xf32, #tpu.memory_space<hbm>>) dst(%dma_wait3A_131 : memref<128x32xf32, #tpu.memory_space<vmem>>)
    %dma_wait3A_138 = arith.constant 5 : i32
    %dma_wait3A_139 = arith.constant 640 : i32
    %dma_wait3A_140 = arith.constant 0 : i32
    %dma_wait3A_141 = tpu.memref_slice %arg6[%dma_wait3A_139, %dma_wait3A_140] : memref<1024x32xf32, #tpu.memory_space<vmem>> -> memref<128x32xf32, #tpu.memory_space<vmem>>
    %dma_wait3A_142 = arith.constant 0 : i32
    %dma_wait3A_143 = tpu.memref_slice %arg5[%dma_wait3A_138, %dma_wait3A_142] : memref<104x128xi32, #tpu.memory_space<vmem>> -> memref<1x128xi32, #tpu.memory_space<vmem>>
    %dma_wait3A_144 = tpu.memref_squeeze %dma_wait3A_143 : memref<1x128xi32, #tpu.memory_space<vmem>> -> memref<128xi32, #tpu.memory_space<vmem>>
    %dma_wait3A_145 = arith.constant 0 : i32
    %dma_wait3A_146 = arith.constant 0 : i32
    %dma_wait3A_147 = tpu.memref_slice %arg3[%dma_wait3A_145, %dma_wait3A_146] : memref<2600000x32xf32, #tpu.memory_space<hbm>> -> memref<2600000x32xf32, #tpu.memory_space<hbm>>
    tpu.wait_indirect_dma semaphore(%arg8 : memref<!tpu.dma_semaphore, #tpu.memory_space<semaphore_mem>>) src(%dma_wait3A_147 : memref<2600000x32xf32, #tpu.memory_space<hbm>>) dst(%dma_wait3A_141 : memref<128x32xf32, #tpu.memory_space<vmem>>)
    %dma_wait3A_148 = arith.constant 6 : i32
    %dma_wait3A_149 = arith.constant 768 : i32
    %dma_wait3A_150 = arith.constant 0 : i32
    %dma_wait3A_151 = tpu.memref_slice %arg6[%dma_wait3A_149, %dma_wait3A_150] : memref<1024x32xf32, #tpu.memory_space<vmem>> -> memref<128x32xf32, #tpu.memory_space<vmem>>
    %dma_wait3A_152 = arith.constant 0 : i32
    %dma_wait3A_153 = tpu.memref_slice %arg5[%dma_wait3A_148, %dma_wait3A_152] : memref<104x128xi32, #tpu.memory_space<vmem>> -> memref<1x128xi32, #tpu.memory_space<vmem>>
    %dma_wait3A_154 = tpu.memref_squeeze %dma_wait3A_153 : memref<1x128xi32, #tpu.memory_space<vmem>> -> memref<128xi32, #tpu.memory_space<vmem>>
    %dma_wait3A_155 = arith.constant 0 : i32
    %dma_wait3A_156 = arith.constant 0 : i32
    %dma_wait3A_157 = tpu.memref_slice %arg3[%dma_wait3A_155, %dma_wait3A_156] : memref<2600000x32xf32, #tpu.memory_space<hbm>> -> memref<2600000x32xf32, #tpu.memory_space<hbm>>
    tpu.wait_indirect_dma semaphore(%arg8 : memref<!tpu.dma_semaphore, #tpu.memory_space<semaphore_mem>>) src(%dma_wait3A_157 : memref<2600000x32xf32, #tpu.memory_space<hbm>>) dst(%dma_wait3A_151 : memref<128x32xf32, #tpu.memory_space<vmem>>)
    %dma_wait3A_158 = arith.constant 7 : i32
    %dma_wait3A_159 = arith.constant 896 : i32
    %dma_wait3A_160 = arith.constant 0 : i32
    %dma_wait3A_161 = tpu.memref_slice %arg6[%dma_wait3A_159, %dma_wait3A_160] : memref<1024x32xf32, #tpu.memory_space<vmem>> -> memref<128x32xf32, #tpu.memory_space<vmem>>
    %dma_wait3A_162 = arith.constant 0 : i32
    %dma_wait3A_163 = tpu.memref_slice %arg5[%dma_wait3A_158, %dma_wait3A_162] : memref<104x128xi32, #tpu.memory_space<vmem>> -> memref<1x128xi32, #tpu.memory_space<vmem>>
    %dma_wait3A_164 = tpu.memref_squeeze %dma_wait3A_163 : memref<1x128xi32, #tpu.memory_space<vmem>> -> memref<128xi32, #tpu.memory_space<vmem>>
    %dma_wait3A_165 = arith.constant 0 : i32
    %dma_wait3A_166 = arith.constant 0 : i32
    %dma_wait3A_167 = tpu.memref_slice %arg3[%dma_wait3A_165, %dma_wait3A_166] : memref<2600000x32xf32, #tpu.memory_space<hbm>> -> memref<2600000x32xf32, #tpu.memory_space<hbm>>
    tpu.wait_indirect_dma semaphore(%arg8 : memref<!tpu.dma_semaphore, #tpu.memory_space<semaphore_mem>>) src(%dma_wait3A_167 : memref<2600000x32xf32, #tpu.memory_space<hbm>>) dst(%dma_wait3A_161 : memref<128x32xf32, #tpu.memory_space<vmem>>)
    %add3A_168 = arith.constant 0 : i32
    %add3A_169 = arith.addi %mul3A_4, %add3A_168 : i32
    %dma_start3A_170 = arith.constant 0 : i32
    %dma_start3A_171 = tpu.memref_slice %arg4[%add3A_169, %dma_start3A_170] : memref<425984x32xf32, #tpu.memory_space<hbm>> -> memref<1024x32xf32, #tpu.memory_space<hbm>>
    %dma_start3A_172 = arith.constant 0 : i32
    %dma_start3A_173 = tpu.memref_slice %arg4[%add3A_169, %dma_start3A_172] : memref<425984x32xf32, #tpu.memory_space<hbm>> -> memref<1024x32xf32, #tpu.memory_space<hbm>>
    tpu.enqueue_dma source(%arg6 : memref<1024x32xf32, #tpu.memory_space<vmem>>) target(%dma_start3A_173 : memref<1024x32xf32, #tpu.memory_space<hbm>>) target_semaphore(%arg9 : memref<!tpu.dma_semaphore, #tpu.memory_space<semaphore_mem>>)
    %dma_start3A_174 = arith.constant 8 : i32
    %dma_start3A_175 = arith.constant 0 : i32
    %dma_start3A_176 = arith.constant 0 : i32
    %dma_start3A_177 = tpu.memref_slice %arg7[%dma_start3A_175, %dma_start3A_176] : memref<1024x32xf32, #tpu.memory_space<vmem>> -> memref<128x32xf32, #tpu.memory_space<vmem>>
    %dma_start3A_178 = arith.constant 0 : i32
    %dma_start3A_179 = tpu.memref_slice %arg5[%dma_start3A_174, %dma_start3A_178] : memref<104x128xi32, #tpu.memory_space<vmem>> -> memref<1x128xi32, #tpu.memory_space<vmem>>
    %dma_start3A_180 = tpu.memref_squeeze %dma_start3A_179 : memref<1x128xi32, #tpu.memory_space<vmem>> -> memref<128xi32, #tpu.memory_space<vmem>>
    %dma_start3A_181 = arith.constant 0 : i32
    %dma_start3A_182 = arith.constant 0 : i32
    %dma_start3A_183 = tpu.memref_slice %arg3[%dma_start3A_181, %dma_start3A_182] : memref<2600000x32xf32, #tpu.memory_space<hbm>> -> memref<2600000x32xf32, #tpu.memory_space<hbm>>
    tpu.enqueue_indirect_dma source(%dma_start3A_183 : memref<2600000x32xf32, #tpu.memory_space<hbm>>) target(%dma_start3A_177 : memref<128x32xf32, #tpu.memory_space<vmem>>) offsets(%dma_start3A_180 : memref<128xi32, #tpu.memory_space<vmem>>) semaphore(%arg8 : memref<!tpu.dma_semaphore, #tpu.memory_space<semaphore_mem>>)
    %dma_start3A_184 = arith.constant 9 : i32
    %dma_start3A_185 = arith.constant 128 : i32
    %dma_start3A_186 = arith.constant 0 : i32
    %dma_start3A_187 = tpu.memref_slice %arg7[%dma_start3A_185, %dma_start3A_186] : memref<1024x32xf32, #tpu.memory_space<vmem>> -> memref<128x32xf32, #tpu.memory_space<vmem>>
    %dma_start3A_188 = arith.constant 0 : i32
    %dma_start3A_189 = tpu.memref_slice %arg5[%dma_start3A_184, %dma_start3A_188] : memref<104x128xi32, #tpu.memory_space<vmem>> -> memref<1x128xi32, #tpu.memory_space<vmem>>
    %dma_start3A_190 = tpu.memref_squeeze %dma_start3A_189 : memref<1x128xi32, #tpu.memory_space<vmem>> -> memref<128xi32, #tpu.memory_space<vmem>>
    %dma_start3A_191 = arith.constant 0 : i32
    %dma_start3A_192 = arith.constant 0 : i32
    %dma_start3A_193 = tpu.memref_slice %arg3[%dma_start3A_191, %dma_start3A_192] : memref<2600000x32xf32, #tpu.memory_space<hbm>> -> memref<2600000x32xf32, #tpu.memory_space<hbm>>
    tpu.enqueue_indirect_dma source(%dma_start3A_193 : memref<2600000x32xf32, #tpu.memory_space<hbm>>) target(%dma_start3A_187 : memref<128x32xf32, #tpu.memory_space<vmem>>) offsets(%dma_start3A_190 : memref<128xi32, #tpu.memory_space<vmem>>) semaphore(%arg8 : memref<!tpu.dma_semaphore, #tpu.memory_space<semaphore_mem>>)
    %dma_start3A_194 = arith.constant 10 : i32
    %dma_start3A_195 = arith.constant 256 : i32
    %dma_start3A_196 = arith.constant 0 : i32
    %dma_start3A_197 = tpu.memref_slice %arg7[%dma_start3A_195, %dma_start3A_196] : memref<1024x32xf32, #tpu.memory_space<vmem>> -> memref<128x32xf32, #tpu.memory_space<vmem>>
    %dma_start3A_198 = arith.constant 0 : i32
    %dma_start3A_199 = tpu.memref_slice %arg5[%dma_start3A_194, %dma_start3A_198] : memref<104x128xi32, #tpu.memory_space<vmem>> -> memref<1x128xi32, #tpu.memory_space<vmem>>
    %dma_start3A_200 = tpu.memref_squeeze %dma_start3A_199 : memref<1x128xi32, #tpu.memory_space<vmem>> -> memref<128xi32, #tpu.memory_space<vmem>>
    %dma_start3A_201 = arith.constant 0 : i32
    %dma_start3A_202 = arith.constant 0 : i32
    %dma_start3A_203 = tpu.memref_slice %arg3[%dma_start3A_201, %dma_start3A_202] : memref<2600000x32xf32, #tpu.memory_space<hbm>> -> memref<2600000x32xf32, #tpu.memory_space<hbm>>
    tpu.enqueue_indirect_dma source(%dma_start3A_203 : memref<2600000x32xf32, #tpu.memory_space<hbm>>) target(%dma_start3A_197 : memref<128x32xf32, #tpu.memory_space<vmem>>) offsets(%dma_start3A_200 : memref<128xi32, #tpu.memory_space<vmem>>) semaphore(%arg8 : memref<!tpu.dma_semaphore, #tpu.memory_space<semaphore_mem>>)
    %dma_start3A_204 = arith.constant 11 : i32
    %dma_start3A_205 = arith.constant 384 : i32
    %dma_start3A_206 = arith.constant 0 : i32
    %dma_start3A_207 = tpu.memref_slice %arg7[%dma_start3A_205, %dma_start3A_206] : memref<1024x32xf32, #tpu.memory_space<vmem>> -> memref<128x32xf32, #tpu.memory_space<vmem>>
    %dma_start3A_208 = arith.constant 0 : i32
    %dma_start3A_209 = tpu.memref_slice %arg5[%dma_start3A_204, %dma_start3A_208] : memref<104x128xi32, #tpu.memory_space<vmem>> -> memref<1x128xi32, #tpu.memory_space<vmem>>
    %dma_start3A_210 = tpu.memref_squeeze %dma_start3A_209 : memref<1x128xi32, #tpu.memory_space<vmem>> -> memref<128xi32, #tpu.memory_space<vmem>>
    %dma_start3A_211 = arith.constant 0 : i32
    %dma_start3A_212 = arith.constant 0 : i32
    %dma_start3A_213 = tpu.memref_slice %arg3[%dma_start3A_211, %dma_start3A_212] : memref<2600000x32xf32, #tpu.memory_space<hbm>> -> memref<2600000x32xf32, #tpu.memory_space<hbm>>
    tpu.enqueue_indirect_dma source(%dma_start3A_213 : memref<2600000x32xf32, #tpu.memory_space<hbm>>) target(%dma_start3A_207 : memref<128x32xf32, #tpu.memory_space<vmem>>) offsets(%dma_start3A_210 : memref<128xi32, #tpu.memory_space<vmem>>) semaphore(%arg8 : memref<!tpu.dma_semaphore, #tpu.memory_space<semaphore_mem>>)
    %dma_start3A_214 = arith.constant 12 : i32
    %dma_start3A_215 = arith.constant 512 : i32
    %dma_start3A_216 = arith.constant 0 : i32
    %dma_start3A_217 = tpu.memref_slice %arg7[%dma_start3A_215, %dma_start3A_216] : memref<1024x32xf32, #tpu.memory_space<vmem>> -> memref<128x32xf32, #tpu.memory_space<vmem>>
    %dma_start3A_218 = arith.constant 0 : i32
    %dma_start3A_219 = tpu.memref_slice %arg5[%dma_start3A_214, %dma_start3A_218] : memref<104x128xi32, #tpu.memory_space<vmem>> -> memref<1x128xi32, #tpu.memory_space<vmem>>
    %dma_start3A_220 = tpu.memref_squeeze %dma_start3A_219 : memref<1x128xi32, #tpu.memory_space<vmem>> -> memref<128xi32, #tpu.memory_space<vmem>>
    %dma_start3A_221 = arith.constant 0 : i32
    %dma_start3A_222 = arith.constant 0 : i32
    %dma_start3A_223 = tpu.memref_slice %arg3[%dma_start3A_221, %dma_start3A_222] : memref<2600000x32xf32, #tpu.memory_space<hbm>> -> memref<2600000x32xf32, #tpu.memory_space<hbm>>
    tpu.enqueue_indirect_dma source(%dma_start3A_223 : memref<2600000x32xf32, #tpu.memory_space<hbm>>) target(%dma_start3A_217 : memref<128x32xf32, #tpu.memory_space<vmem>>) offsets(%dma_start3A_220 : memref<128xi32, #tpu.memory_space<vmem>>) semaphore(%arg8 : memref<!tpu.dma_semaphore, #tpu.memory_space<semaphore_mem>>)
    %dma_start3A_224 = arith.constant 13 : i32
    %dma_start3A_225 = arith.constant 640 : i32
    %dma_start3A_226 = arith.constant 0 : i32
    %dma_start3A_227 = tpu.memref_slice %arg7[%dma_start3A_225, %dma_start3A_226] : memref<1024x32xf32, #tpu.memory_space<vmem>> -> memref<128x32xf32, #tpu.memory_space<vmem>>
    %dma_start3A_228 = arith.constant 0 : i32
    %dma_start3A_229 = tpu.memref_slice %arg5[%dma_start3A_224, %dma_start3A_228] : memref<104x128xi32, #tpu.memory_space<vmem>> -> memref<1x128xi32, #tpu.memory_space<vmem>>
    %dma_start3A_230 = tpu.memref_squeeze %dma_start3A_229 : memref<1x128xi32, #tpu.memory_space<vmem>> -> memref<128xi32, #tpu.memory_space<vmem>>
    %dma_start3A_231 = arith.constant 0 : i32
    %dma_start3A_232 = arith.constant 0 : i32
    %dma_start3A_233 = tpu.memref_slice %arg3[%dma_start3A_231, %dma_start3A_232] : memref<2600000x32xf32, #tpu.memory_space<hbm>> -> memref<2600000x32xf32, #tpu.memory_space<hbm>>
    tpu.enqueue_indirect_dma source(%dma_start3A_233 : memref<2600000x32xf32, #tpu.memory_space<hbm>>) target(%dma_start3A_227 : memref<128x32xf32, #tpu.memory_space<vmem>>) offsets(%dma_start3A_230 : memref<128xi32, #tpu.memory_space<vmem>>) semaphore(%arg8 : memref<!tpu.dma_semaphore, #tpu.memory_space<semaphore_mem>>)
    %dma_start3A_234 = arith.constant 14 : i32
    %dma_start3A_235 = arith.constant 768 : i32
    %dma_start3A_236 = arith.constant 0 : i32
    %dma_start3A_237 = tpu.memref_slice %arg7[%dma_start3A_235, %dma_start3A_236] : memref<1024x32xf32, #tpu.memory_space<vmem>> -> memref<128x32xf32, #tpu.memory_space<vmem>>
    %dma_start3A_238 = arith.constant 0 : i32
    %dma_start3A_239 = tpu.memref_slice %arg5[%dma_start3A_234, %dma_start3A_238] : memref<104x128xi32, #tpu.memory_space<vmem>> -> memref<1x128xi32, #tpu.memory_space<vmem>>
    %dma_start3A_240 = tpu.memref_squeeze %dma_start3A_239 : memref<1x128xi32, #tpu.memory_space<vmem>> -> memref<128xi32, #tpu.memory_space<vmem>>
    %dma_start3A_241 = arith.constant 0 : i32
    %dma_start3A_242 = arith.constant 0 : i32
    %dma_start3A_243 = tpu.memref_slice %arg3[%dma_start3A_241, %dma_start3A_242] : memref<2600000x32xf32, #tpu.memory_space<hbm>> -> memref<2600000x32xf32, #tpu.memory_space<hbm>>
    tpu.enqueue_indirect_dma source(%dma_start3A_243 : memref<2600000x32xf32, #tpu.memory_space<hbm>>) target(%dma_start3A_237 : memref<128x32xf32, #tpu.memory_space<vmem>>) offsets(%dma_start3A_240 : memref<128xi32, #tpu.memory_space<vmem>>) semaphore(%arg8 : memref<!tpu.dma_semaphore, #tpu.memory_space<semaphore_mem>>)
    %dma_start3A_244 = arith.constant 15 : i32
    %dma_start3A_245 = arith.constant 896 : i32
    %dma_start3A_246 = arith.constant 0 : i32
    %dma_start3A_247 = tpu.memref_slice %arg7[%dma_start3A_245, %dma_start3A_246] : memref<1024x32xf32, #tpu.memory_space<vmem>> -> memref<128x32xf32, #tpu.memory_space<vmem>>
    %dma_start3A_248 = arith.constant 0 : i32
    %dma_start3A_249 = tpu.memref_slice %arg5[%dma_start3A_244, %dma_start3A_248] : memref<104x128xi32, #tpu.memory_space<vmem>> -> memref<1x128xi32, #tpu.memory_space<vmem>>
    %dma_start3A_250 = tpu.memref_squeeze %dma_start3A_249 : memref<1x128xi32, #tpu.memory_space<vmem>> -> memref<128xi32, #tpu.memory_space<vmem>>
    %dma_start3A_251 = arith.constant 0 : i32
    %dma_start3A_252 = arith.constant 0 : i32
    %dma_start3A_253 = tpu.memref_slice %arg3[%dma_start3A_251, %dma_start3A_252] : memref<2600000x32xf32, #tpu.memory_space<hbm>> -> memref<2600000x32xf32, #tpu.memory_space<hbm>>
    tpu.enqueue_indirect_dma source(%dma_start3A_253 : memref<2600000x32xf32, #tpu.memory_space<hbm>>) target(%dma_start3A_247 : memref<128x32xf32, #tpu.memory_space<vmem>>) offsets(%dma_start3A_250 : memref<128xi32, #tpu.memory_space<vmem>>) semaphore(%arg8 : memref<!tpu.dma_semaphore, #tpu.memory_space<semaphore_mem>>)
    %dma_wait3A_254 = arith.constant 8 : i32
    %dma_wait3A_255 = arith.constant 0 : i32
    %dma_wait3A_256 = arith.constant 0 : i32
    %dma_wait3A_257 = tpu.memref_slice %arg7[%dma_wait3A_255, %dma_wait3A_256] : memref<1024x32xf32, #tpu.memory_space<vmem>> -> memref<128x32xf32, #tpu.memory_space<vmem>>
    %dma_wait3A_258 = arith.constant 0 : i32
    %dma_wait3A_259 = tpu.memref_slice %arg5[%dma_wait3A_254, %dma_wait3A_258] : memref<104x128xi32, #tpu.memory_space<vmem>> -> memref<1x128xi32, #tpu.memory_space<vmem>>
    %dma_wait3A_260 = tpu.memref_squeeze %dma_wait3A_259 : memref<1x128xi32, #tpu.memory_space<vmem>> -> memref<128xi32, #tpu.memory_space<vmem>>
    %dma_wait3A_261 = arith.constant 0 : i32
    %dma_wait3A_262 = arith.constant 0 : i32
    %dma_wait3A_263 = tpu.memref_slice %arg3[%dma_wait3A_261, %dma_wait3A_262] : memref<2600000x32xf32, #tpu.memory_space<hbm>> -> memref<2600000x32xf32, #tpu.memory_space<hbm>>
    tpu.wait_indirect_dma semaphore(%arg8 : memref<!tpu.dma_semaphore, #tpu.memory_space<semaphore_mem>>) src(%dma_wait3A_263 : memref<2600000x32xf32, #tpu.memory_space<hbm>>) dst(%dma_wait3A_257 : memref<128x32xf32, #tpu.memory_space<vmem>>)
    %dma_wait3A_264 = arith.constant 9 : i32
    %dma_wait3A_265 = arith.constant 128 : i32
    %dma_wait3A_266 = arith.constant 0 : i32
    %dma_wait3A_267 = tpu.memref_slice %arg7[%dma_wait3A_265, %dma_wait3A_266] : memref<1024x32xf32, #tpu.memory_space<vmem>> -> memref<128x32xf32, #tpu.memory_space<vmem>>
    %dma_wait3A_268 = arith.constant 0 : i32
    %dma_wait3A_269 = tpu.memref_slice %arg5[%dma_wait3A_264, %dma_wait3A_268] : memref<104x128xi32, #tpu.memory_space<vmem>> -> memref<1x128xi32, #tpu.memory_space<vmem>>
    %dma_wait3A_270 = tpu.memref_squeeze %dma_wait3A_269 : memref<1x128xi32, #tpu.memory_space<vmem>> -> memref<128xi32, #tpu.memory_space<vmem>>
    %dma_wait3A_271 = arith.constant 0 : i32
    %dma_wait3A_272 = arith.constant 0 : i32
    %dma_wait3A_273 = tpu.memref_slice %arg3[%dma_wait3A_271, %dma_wait3A_272] : memref<2600000x32xf32, #tpu.memory_space<hbm>> -> memref<2600000x32xf32, #tpu.memory_space<hbm>>
    tpu.wait_indirect_dma semaphore(%arg8 : memref<!tpu.dma_semaphore, #tpu.memory_space<semaphore_mem>>) src(%dma_wait3A_273 : memref<2600000x32xf32, #tpu.memory_space<hbm>>) dst(%dma_wait3A_267 : memref<128x32xf32, #tpu.memory_space<vmem>>)
    %dma_wait3A_274 = arith.constant 10 : i32
    %dma_wait3A_275 = arith.constant 256 : i32
    %dma_wait3A_276 = arith.constant 0 : i32
    %dma_wait3A_277 = tpu.memref_slice %arg7[%dma_wait3A_275, %dma_wait3A_276] : memref<1024x32xf32, #tpu.memory_space<vmem>> -> memref<128x32xf32, #tpu.memory_space<vmem>>
    %dma_wait3A_278 = arith.constant 0 : i32
    %dma_wait3A_279 = tpu.memref_slice %arg5[%dma_wait3A_274, %dma_wait3A_278] : memref<104x128xi32, #tpu.memory_space<vmem>> -> memref<1x128xi32, #tpu.memory_space<vmem>>
    %dma_wait3A_280 = tpu.memref_squeeze %dma_wait3A_279 : memref<1x128xi32, #tpu.memory_space<vmem>> -> memref<128xi32, #tpu.memory_space<vmem>>
    %dma_wait3A_281 = arith.constant 0 : i32
    %dma_wait3A_282 = arith.constant 0 : i32
    %dma_wait3A_283 = tpu.memref_slice %arg3[%dma_wait3A_281, %dma_wait3A_282] : memref<2600000x32xf32, #tpu.memory_space<hbm>> -> memref<2600000x32xf32, #tpu.memory_space<hbm>>
    tpu.wait_indirect_dma semaphore(%arg8 : memref<!tpu.dma_semaphore, #tpu.memory_space<semaphore_mem>>) src(%dma_wait3A_283 : memref<2600000x32xf32, #tpu.memory_space<hbm>>) dst(%dma_wait3A_277 : memref<128x32xf32, #tpu.memory_space<vmem>>)
    %dma_wait3A_284 = arith.constant 11 : i32
    %dma_wait3A_285 = arith.constant 384 : i32
    %dma_wait3A_286 = arith.constant 0 : i32
    %dma_wait3A_287 = tpu.memref_slice %arg7[%dma_wait3A_285, %dma_wait3A_286] : memref<1024x32xf32, #tpu.memory_space<vmem>> -> memref<128x32xf32, #tpu.memory_space<vmem>>
    %dma_wait3A_288 = arith.constant 0 : i32
    %dma_wait3A_289 = tpu.memref_slice %arg5[%dma_wait3A_284, %dma_wait3A_288] : memref<104x128xi32, #tpu.memory_space<vmem>> -> memref<1x128xi32, #tpu.memory_space<vmem>>
    %dma_wait3A_290 = tpu.memref_squeeze %dma_wait3A_289 : memref<1x128xi32, #tpu.memory_space<vmem>> -> memref<128xi32, #tpu.memory_space<vmem>>
    %dma_wait3A_291 = arith.constant 0 : i32
    %dma_wait3A_292 = arith.constant 0 : i32
    %dma_wait3A_293 = tpu.memref_slice %arg3[%dma_wait3A_291, %dma_wait3A_292] : memref<2600000x32xf32, #tpu.memory_space<hbm>> -> memref<2600000x32xf32, #tpu.memory_space<hbm>>
    tpu.wait_indirect_dma semaphore(%arg8 : memref<!tpu.dma_semaphore, #tpu.memory_space<semaphore_mem>>) src(%dma_wait3A_293 : memref<2600000x32xf32, #tpu.memory_space<hbm>>) dst(%dma_wait3A_287 : memref<128x32xf32, #tpu.memory_space<vmem>>)
    %dma_wait3A_294 = arith.constant 12 : i32
    %dma_wait3A_295 = arith.constant 512 : i32
    %dma_wait3A_296 = arith.constant 0 : i32
    %dma_wait3A_297 = tpu.memref_slice %arg7[%dma_wait3A_295, %dma_wait3A_296] : memref<1024x32xf32, #tpu.memory_space<vmem>> -> memref<128x32xf32, #tpu.memory_space<vmem>>
    %dma_wait3A_298 = arith.constant 0 : i32
    %dma_wait3A_299 = tpu.memref_slice %arg5[%dma_wait3A_294, %dma_wait3A_298] : memref<104x128xi32, #tpu.memory_space<vmem>> -> memref<1x128xi32, #tpu.memory_space<vmem>>
    %dma_wait3A_300 = tpu.memref_squeeze %dma_wait3A_299 : memref<1x128xi32, #tpu.memory_space<vmem>> -> memref<128xi32, #tpu.memory_space<vmem>>
    %dma_wait3A_301 = arith.constant 0 : i32
    %dma_wait3A_302 = arith.constant 0 : i32
    %dma_wait3A_303 = tpu.memref_slice %arg3[%dma_wait3A_301, %dma_wait3A_302] : memref<2600000x32xf32, #tpu.memory_space<hbm>> -> memref<2600000x32xf32, #tpu.memory_space<hbm>>
    tpu.wait_indirect_dma semaphore(%arg8 : memref<!tpu.dma_semaphore, #tpu.memory_space<semaphore_mem>>) src(%dma_wait3A_303 : memref<2600000x32xf32, #tpu.memory_space<hbm>>) dst(%dma_wait3A_297 : memref<128x32xf32, #tpu.memory_space<vmem>>)
    %dma_wait3A_304 = arith.constant 13 : i32
    %dma_wait3A_305 = arith.constant 640 : i32
    %dma_wait3A_306 = arith.constant 0 : i32
    %dma_wait3A_307 = tpu.memref_slice %arg7[%dma_wait3A_305, %dma_wait3A_306] : memref<1024x32xf32, #tpu.memory_space<vmem>> -> memref<128x32xf32, #tpu.memory_space<vmem>>
    %dma_wait3A_308 = arith.constant 0 : i32
    %dma_wait3A_309 = tpu.memref_slice %arg5[%dma_wait3A_304, %dma_wait3A_308] : memref<104x128xi32, #tpu.memory_space<vmem>> -> memref<1x128xi32, #tpu.memory_space<vmem>>
    %dma_wait3A_310 = tpu.memref_squeeze %dma_wait3A_309 : memref<1x128xi32, #tpu.memory_space<vmem>> -> memref<128xi32, #tpu.memory_space<vmem>>
    %dma_wait3A_311 = arith.constant 0 : i32
    %dma_wait3A_312 = arith.constant 0 : i32
    %dma_wait3A_313 = tpu.memref_slice %arg3[%dma_wait3A_311, %dma_wait3A_312] : memref<2600000x32xf32, #tpu.memory_space<hbm>> -> memref<2600000x32xf32, #tpu.memory_space<hbm>>
    tpu.wait_indirect_dma semaphore(%arg8 : memref<!tpu.dma_semaphore, #tpu.memory_space<semaphore_mem>>) src(%dma_wait3A_313 : memref<2600000x32xf32, #tpu.memory_space<hbm>>) dst(%dma_wait3A_307 : memref<128x32xf32, #tpu.memory_space<vmem>>)
    %dma_wait3A_314 = arith.constant 14 : i32
    %dma_wait3A_315 = arith.constant 768 : i32
    %dma_wait3A_316 = arith.constant 0 : i32
    %dma_wait3A_317 = tpu.memref_slice %arg7[%dma_wait3A_315, %dma_wait3A_316] : memref<1024x32xf32, #tpu.memory_space<vmem>> -> memref<128x32xf32, #tpu.memory_space<vmem>>
    %dma_wait3A_318 = arith.constant 0 : i32
    %dma_wait3A_319 = tpu.memref_slice %arg5[%dma_wait3A_314, %dma_wait3A_318] : memref<104x128xi32, #tpu.memory_space<vmem>> -> memref<1x128xi32, #tpu.memory_space<vmem>>
    %dma_wait3A_320 = tpu.memref_squeeze %dma_wait3A_319 : memref<1x128xi32, #tpu.memory_space<vmem>> -> memref<128xi32, #tpu.memory_space<vmem>>
    %dma_wait3A_321 = arith.constant 0 : i32
    %dma_wait3A_322 = arith.constant 0 : i32
    %dma_wait3A_323 = tpu.memref_slice %arg3[%dma_wait3A_321, %dma_wait3A_322] : memref<2600000x32xf32, #tpu.memory_space<hbm>> -> memref<2600000x32xf32, #tpu.memory_space<hbm>>
    tpu.wait_indirect_dma semaphore(%arg8 : memref<!tpu.dma_semaphore, #tpu.memory_space<semaphore_mem>>) src(%dma_wait3A_323 : memref<2600000x32xf32, #tpu.memory_space<hbm>>) dst(%dma_wait3A_317 : memref<128x32xf32, #tpu.memory_space<vmem>>)
    %dma_wait3A_324 = arith.constant 15 : i32
    %dma_wait3A_325 = arith.constant 896 : i32
    %dma_wait3A_326 = arith.constant 0 : i32
    %dma_wait3A_327 = tpu.memref_slice %arg7[%dma_wait3A_325, %dma_wait3A_326] : memref<1024x32xf32, #tpu.memory_space<vmem>> -> memref<128x32xf32, #tpu.memory_space<vmem>>
    %dma_wait3A_328 = arith.constant 0 : i32
    %dma_wait3A_329 = tpu.memref_slice %arg5[%dma_wait3A_324, %dma_wait3A_328] : memref<104x128xi32, #tpu.memory_space<vmem>> -> memref<1x128xi32, #tpu.memory_space<vmem>>
    %dma_wait3A_330 = tpu.memref_squeeze %dma_wait3A_329 : memref<1x128xi32, #tpu.memory_space<vmem>> -> memref<128xi32, #tpu.memory_space<vmem>>
    %dma_wait3A_331 = arith.constant 0 : i32
    %dma_wait3A_332 = arith.constant 0 : i32
    %dma_wait3A_333 = tpu.memref_slice %arg3[%dma_wait3A_331, %dma_wait3A_332] : memref<2600000x32xf32, #tpu.memory_space<hbm>> -> memref<2600000x32xf32, #tpu.memory_space<hbm>>
    tpu.wait_indirect_dma semaphore(%arg8 : memref<!tpu.dma_semaphore, #tpu.memory_space<semaphore_mem>>) src(%dma_wait3A_333 : memref<2600000x32xf32, #tpu.memory_space<hbm>>) dst(%dma_wait3A_327 : memref<128x32xf32, #tpu.memory_space<vmem>>)
    %add3A_334 = arith.constant 1024 : i32
    %add3A_335 = arith.addi %mul3A_4, %add3A_334 : i32
    %dma_start3A_336 = arith.constant 0 : i32
    %dma_start3A_337 = tpu.memref_slice %arg4[%add3A_335, %dma_start3A_336] : memref<425984x32xf32, #tpu.memory_space<hbm>> -> memref<1024x32xf32, #tpu.memory_space<hbm>>
    %dma_start3A_338 = arith.constant 0 : i32
    %dma_start3A_339 = tpu.memref_slice %arg4[%add3A_335, %dma_start3A_338] : memref<425984x32xf32, #tpu.memory_space<hbm>> -> memref<1024x32xf32, #tpu.memory_space<hbm>>
    tpu.enqueue_dma source(%arg7 : memref<1024x32xf32, #tpu.memory_space<vmem>>) target(%dma_start3A_339 : memref<1024x32xf32, #tpu.memory_space<hbm>>) target_semaphore(%arg9 : memref<!tpu.dma_semaphore, #tpu.memory_space<semaphore_mem>>)
    %dma_wait3A_340 = arith.constant 0 : i32
    %dma_wait3A_341 = tpu.memref_slice %arg4[%add3A_169, %dma_wait3A_340] : memref<425984x32xf32, #tpu.memory_space<hbm>> -> memref<1024x32xf32, #tpu.memory_space<hbm>>
    %dma_wait3A_342 = arith.constant 0 : i32
    %dma_wait3A_343 = tpu.memref_slice %arg4[%add3A_169, %dma_wait3A_342] : memref<425984x32xf32, #tpu.memory_space<hbm>> -> memref<1024x32xf32, #tpu.memory_space<hbm>>
    tpu.wait_dma2 semaphore(%arg9 : memref<!tpu.dma_semaphore, #tpu.memory_space<semaphore_mem>>) src(%arg6 : memref<1024x32xf32, #tpu.memory_space<vmem>>) dst(%dma_wait3A_343 : memref<1024x32xf32, #tpu.memory_space<hbm>>)
    %dma_start3A_344 = arith.constant 16 : i32
    %dma_start3A_345 = arith.constant 0 : i32
    %dma_start3A_346 = arith.constant 0 : i32
    %dma_start3A_347 = tpu.memref_slice %arg6[%dma_start3A_345, %dma_start3A_346] : memref<1024x32xf32, #tpu.memory_space<vmem>> -> memref<128x32xf32, #tpu.memory_space<vmem>>
    %dma_start3A_348 = arith.constant 0 : i32
    %dma_start3A_349 = tpu.memref_slice %arg5[%dma_start3A_344, %dma_start3A_348] : memref<104x128xi32, #tpu.memory_space<vmem>> -> memref<1x128xi32, #tpu.memory_space<vmem>>
    %dma_start3A_350 = tpu.memref_squeeze %dma_start3A_349 : memref<1x128xi32, #tpu.memory_space<vmem>> -> memref<128xi32, #tpu.memory_space<vmem>>
    %dma_start3A_351 = arith.constant 0 : i32
    %dma_start3A_352 = arith.constant 0 : i32
    %dma_start3A_353 = tpu.memref_slice %arg3[%dma_start3A_351, %dma_start3A_352] : memref<2600000x32xf32, #tpu.memory_space<hbm>> -> memref<2600000x32xf32, #tpu.memory_space<hbm>>
    tpu.enqueue_indirect_dma source(%dma_start3A_353 : memref<2600000x32xf32, #tpu.memory_space<hbm>>) target(%dma_start3A_347 : memref<128x32xf32, #tpu.memory_space<vmem>>) offsets(%dma_start3A_350 : memref<128xi32, #tpu.memory_space<vmem>>) semaphore(%arg8 : memref<!tpu.dma_semaphore, #tpu.memory_space<semaphore_mem>>)
    %dma_start3A_354 = arith.constant 17 : i32
    %dma_start3A_355 = arith.constant 128 : i32
    %dma_start3A_356 = arith.constant 0 : i32
    %dma_start3A_357 = tpu.memref_slice %arg6[%dma_start3A_355, %dma_start3A_356] : memref<1024x32xf32, #tpu.memory_space<vmem>> -> memref<128x32xf32, #tpu.memory_space<vmem>>
    %dma_start3A_358 = arith.constant 0 : i32
    %dma_start3A_359 = tpu.memref_slice %arg5[%dma_start3A_354, %dma_start3A_358] : memref<104x128xi32, #tpu.memory_space<vmem>> -> memref<1x128xi32, #tpu.memory_space<vmem>>
    %dma_start3A_360 = tpu.memref_squeeze %dma_start3A_359 : memref<1x128xi32, #tpu.memory_space<vmem>> -> memref<128xi32, #tpu.memory_space<vmem>>
    %dma_start3A_361 = arith.constant 0 : i32
    %dma_start3A_362 = arith.constant 0 : i32
    %dma_start3A_363 = tpu.memref_slice %arg3[%dma_start3A_361, %dma_start3A_362] : memref<2600000x32xf32, #tpu.memory_space<hbm>> -> memref<2600000x32xf32, #tpu.memory_space<hbm>>
    tpu.enqueue_indirect_dma source(%dma_start3A_363 : memref<2600000x32xf32, #tpu.memory_space<hbm>>) target(%dma_start3A_357 : memref<128x32xf32, #tpu.memory_space<vmem>>) offsets(%dma_start3A_360 : memref<128xi32, #tpu.memory_space<vmem>>) semaphore(%arg8 : memref<!tpu.dma_semaphore, #tpu.memory_space<semaphore_mem>>)
    %dma_start3A_364 = arith.constant 18 : i32
    %dma_start3A_365 = arith.constant 256 : i32
    %dma_start3A_366 = arith.constant 0 : i32
    %dma_start3A_367 = tpu.memref_slice %arg6[%dma_start3A_365, %dma_start3A_366] : memref<1024x32xf32, #tpu.memory_space<vmem>> -> memref<128x32xf32, #tpu.memory_space<vmem>>
    %dma_start3A_368 = arith.constant 0 : i32
    %dma_start3A_369 = tpu.memref_slice %arg5[%dma_start3A_364, %dma_start3A_368] : memref<104x128xi32, #tpu.memory_space<vmem>> -> memref<1x128xi32, #tpu.memory_space<vmem>>
    %dma_start3A_370 = tpu.memref_squeeze %dma_start3A_369 : memref<1x128xi32, #tpu.memory_space<vmem>> -> memref<128xi32, #tpu.memory_space<vmem>>
    %dma_start3A_371 = arith.constant 0 : i32
    %dma_start3A_372 = arith.constant 0 : i32
    %dma_start3A_373 = tpu.memref_slice %arg3[%dma_start3A_371, %dma_start3A_372] : memref<2600000x32xf32, #tpu.memory_space<hbm>> -> memref<2600000x32xf32, #tpu.memory_space<hbm>>
    tpu.enqueue_indirect_dma source(%dma_start3A_373 : memref<2600000x32xf32, #tpu.memory_space<hbm>>) target(%dma_start3A_367 : memref<128x32xf32, #tpu.memory_space<vmem>>) offsets(%dma_start3A_370 : memref<128xi32, #tpu.memory_space<vmem>>) semaphore(%arg8 : memref<!tpu.dma_semaphore, #tpu.memory_space<semaphore_mem>>)
    %dma_start3A_374 = arith.constant 19 : i32
    %dma_start3A_375 = arith.constant 384 : i32
    %dma_start3A_376 = arith.constant 0 : i32
    %dma_start3A_377 = tpu.memref_slice %arg6[%dma_start3A_375, %dma_start3A_376] : memref<1024x32xf32, #tpu.memory_space<vmem>> -> memref<128x32xf32, #tpu.memory_space<vmem>>
    %dma_start3A_378 = arith.constant 0 : i32
    %dma_start3A_379 = tpu.memref_slice %arg5[%dma_start3A_374, %dma_start3A_378] : memref<104x128xi32, #tpu.memory_space<vmem>> -> memref<1x128xi32, #tpu.memory_space<vmem>>
    %dma_start3A_380 = tpu.memref_squeeze %dma_start3A_379 : memref<1x128xi32, #tpu.memory_space<vmem>> -> memref<128xi32, #tpu.memory_space<vmem>>
    %dma_start3A_381 = arith.constant 0 : i32
    %dma_start3A_382 = arith.constant 0 : i32
    %dma_start3A_383 = tpu.memref_slice %arg3[%dma_start3A_381, %dma_start3A_382] : memref<2600000x32xf32, #tpu.memory_space<hbm>> -> memref<2600000x32xf32, #tpu.memory_space<hbm>>
    tpu.enqueue_indirect_dma source(%dma_start3A_383 : memref<2600000x32xf32, #tpu.memory_space<hbm>>) target(%dma_start3A_377 : memref<128x32xf32, #tpu.memory_space<vmem>>) offsets(%dma_start3A_380 : memref<128xi32, #tpu.memory_space<vmem>>) semaphore(%arg8 : memref<!tpu.dma_semaphore, #tpu.memory_space<semaphore_mem>>)
    %dma_start3A_384 = arith.constant 20 : i32
    %dma_start3A_385 = arith.constant 512 : i32
    %dma_start3A_386 = arith.constant 0 : i32
    %dma_start3A_387 = tpu.memref_slice %arg6[%dma_start3A_385, %dma_start3A_386] : memref<1024x32xf32, #tpu.memory_space<vmem>> -> memref<128x32xf32, #tpu.memory_space<vmem>>
    %dma_start3A_388 = arith.constant 0 : i32
    %dma_start3A_389 = tpu.memref_slice %arg5[%dma_start3A_384, %dma_start3A_388] : memref<104x128xi32, #tpu.memory_space<vmem>> -> memref<1x128xi32, #tpu.memory_space<vmem>>
    %dma_start3A_390 = tpu.memref_squeeze %dma_start3A_389 : memref<1x128xi32, #tpu.memory_space<vmem>> -> memref<128xi32, #tpu.memory_space<vmem>>
    %dma_start3A_391 = arith.constant 0 : i32
    %dma_start3A_392 = arith.constant 0 : i32
    %dma_start3A_393 = tpu.memref_slice %arg3[%dma_start3A_391, %dma_start3A_392] : memref<2600000x32xf32, #tpu.memory_space<hbm>> -> memref<2600000x32xf32, #tpu.memory_space<hbm>>
    tpu.enqueue_indirect_dma source(%dma_start3A_393 : memref<2600000x32xf32, #tpu.memory_space<hbm>>) target(%dma_start3A_387 : memref<128x32xf32, #tpu.memory_space<vmem>>) offsets(%dma_start3A_390 : memref<128xi32, #tpu.memory_space<vmem>>) semaphore(%arg8 : memref<!tpu.dma_semaphore, #tpu.memory_space<semaphore_mem>>)
    %dma_start3A_394 = arith.constant 21 : i32
    %dma_start3A_395 = arith.constant 640 : i32
    %dma_start3A_396 = arith.constant 0 : i32
    %dma_start3A_397 = tpu.memref_slice %arg6[%dma_start3A_395, %dma_start3A_396] : memref<1024x32xf32, #tpu.memory_space<vmem>> -> memref<128x32xf32, #tpu.memory_space<vmem>>
    %dma_start3A_398 = arith.constant 0 : i32
    %dma_start3A_399 = tpu.memref_slice %arg5[%dma_start3A_394, %dma_start3A_398] : memref<104x128xi32, #tpu.memory_space<vmem>> -> memref<1x128xi32, #tpu.memory_space<vmem>>
    %dma_start3A_400 = tpu.memref_squeeze %dma_start3A_399 : memref<1x128xi32, #tpu.memory_space<vmem>> -> memref<128xi32, #tpu.memory_space<vmem>>
    %dma_start3A_401 = arith.constant 0 : i32
    %dma_start3A_402 = arith.constant 0 : i32
    %dma_start3A_403 = tpu.memref_slice %arg3[%dma_start3A_401, %dma_start3A_402] : memref<2600000x32xf32, #tpu.memory_space<hbm>> -> memref<2600000x32xf32, #tpu.memory_space<hbm>>
    tpu.enqueue_indirect_dma source(%dma_start3A_403 : memref<2600000x32xf32, #tpu.memory_space<hbm>>) target(%dma_start3A_397 : memref<128x32xf32, #tpu.memory_space<vmem>>) offsets(%dma_start3A_400 : memref<128xi32, #tpu.memory_space<vmem>>) semaphore(%arg8 : memref<!tpu.dma_semaphore, #tpu.memory_space<semaphore_mem>>)
    %dma_start3A_404 = arith.constant 22 : i32
    %dma_start3A_405 = arith.constant 768 : i32
    %dma_start3A_406 = arith.constant 0 : i32
    %dma_start3A_407 = tpu.memref_slice %arg6[%dma_start3A_405, %dma_start3A_406] : memref<1024x32xf32, #tpu.memory_space<vmem>> -> memref<128x32xf32, #tpu.memory_space<vmem>>
    %dma_start3A_408 = arith.constant 0 : i32
    %dma_start3A_409 = tpu.memref_slice %arg5[%dma_start3A_404, %dma_start3A_408] : memref<104x128xi32, #tpu.memory_space<vmem>> -> memref<1x128xi32, #tpu.memory_space<vmem>>
    %dma_start3A_410 = tpu.memref_squeeze %dma_start3A_409 : memref<1x128xi32, #tpu.memory_space<vmem>> -> memref<128xi32, #tpu.memory_space<vmem>>
    %dma_start3A_411 = arith.constant 0 : i32
    %dma_start3A_412 = arith.constant 0 : i32
    %dma_start3A_413 = tpu.memref_slice %arg3[%dma_start3A_411, %dma_start3A_412] : memref<2600000x32xf32, #tpu.memory_space<hbm>> -> memref<2600000x32xf32, #tpu.memory_space<hbm>>
    tpu.enqueue_indirect_dma source(%dma_start3A_413 : memref<2600000x32xf32, #tpu.memory_space<hbm>>) target(%dma_start3A_407 : memref<128x32xf32, #tpu.memory_space<vmem>>) offsets(%dma_start3A_410 : memref<128xi32, #tpu.memory_space<vmem>>) semaphore(%arg8 : memref<!tpu.dma_semaphore, #tpu.memory_space<semaphore_mem>>)
    %dma_start3A_414 = arith.constant 23 : i32
    %dma_start3A_415 = arith.constant 896 : i32
    %dma_start3A_416 = arith.constant 0 : i32
    %dma_start3A_417 = tpu.memref_slice %arg6[%dma_start3A_415, %dma_start3A_416] : memref<1024x32xf32, #tpu.memory_space<vmem>> -> memref<128x32xf32, #tpu.memory_space<vmem>>
    %dma_start3A_418 = arith.constant 0 : i32
    %dma_start3A_419 = tpu.memref_slice %arg5[%dma_start3A_414, %dma_start3A_418] : memref<104x128xi32, #tpu.memory_space<vmem>> -> memref<1x128xi32, #tpu.memory_space<vmem>>
    %dma_start3A_420 = tpu.memref_squeeze %dma_start3A_419 : memref<1x128xi32, #tpu.memory_space<vmem>> -> memref<128xi32, #tpu.memory_space<vmem>>
    %dma_start3A_421 = arith.constant 0 : i32
    %dma_start3A_422 = arith.constant 0 : i32
    %dma_start3A_423 = tpu.memref_slice %arg3[%dma_start3A_421, %dma_start3A_422] : memref<2600000x32xf32, #tpu.memory_space<hbm>> -> memref<2600000x32xf32, #tpu.memory_space<hbm>>
    tpu.enqueue_indirect_dma source(%dma_start3A_423 : memref<2600000x32xf32, #tpu.memory_space<hbm>>) target(%dma_start3A_417 : memref<128x32xf32, #tpu.memory_space<vmem>>) offsets(%dma_start3A_420 : memref<128xi32, #tpu.memory_space<vmem>>) semaphore(%arg8 : memref<!tpu.dma_semaphore, #tpu.memory_space<semaphore_mem>>)
    %dma_wait3A_424 = arith.constant 16 : i32
    %dma_wait3A_425 = arith.constant 0 : i32
    %dma_wait3A_426 = arith.constant 0 : i32
    %dma_wait3A_427 = tpu.memref_slice %arg6[%dma_wait3A_425, %dma_wait3A_426] : memref<1024x32xf32, #tpu.memory_space<vmem>> -> memref<128x32xf32, #tpu.memory_space<vmem>>
    %dma_wait3A_428 = arith.constant 0 : i32
    %dma_wait3A_429 = tpu.memref_slice %arg5[%dma_wait3A_424, %dma_wait3A_428] : memref<104x128xi32, #tpu.memory_space<vmem>> -> memref<1x128xi32, #tpu.memory_space<vmem>>
    %dma_wait3A_430 = tpu.memref_squeeze %dma_wait3A_429 : memref<1x128xi32, #tpu.memory_space<vmem>> -> memref<128xi32, #tpu.memory_space<vmem>>
    %dma_wait3A_431 = arith.constant 0 : i32
    %dma_wait3A_432 = arith.constant 0 : i32
    %dma_wait3A_433 = tpu.memref_slice %arg3[%dma_wait3A_431, %dma_wait3A_432] : memref<2600000x32xf32, #tpu.memory_space<hbm>> -> memref<2600000x32xf32, #tpu.memory_space<hbm>>
    tpu.wait_indirect_dma semaphore(%arg8 : memref<!tpu.dma_semaphore, #tpu.memory_space<semaphore_mem>>) src(%dma_wait3A_433 : memref<2600000x32xf32, #tpu.memory_space<hbm>>) dst(%dma_wait3A_427 : memref<128x32xf32, #tpu.memory_space<vmem>>)
    %dma_wait3A_434 = arith.constant 17 : i32
    %dma_wait3A_435 = arith.constant 128 : i32
    %dma_wait3A_436 = arith.constant 0 : i32
    %dma_wait3A_437 = tpu.memref_slice %arg6[%dma_wait3A_435, %dma_wait3A_436] : memref<1024x32xf32, #tpu.memory_space<vmem>> -> memref<128x32xf32, #tpu.memory_space<vmem>>
    %dma_wait3A_438 = arith.constant 0 : i32
    %dma_wait3A_439 = tpu.memref_slice %arg5[%dma_wait3A_434, %dma_wait3A_438] : memref<104x128xi32, #tpu.memory_space<vmem>> -> memref<1x128xi32, #tpu.memory_space<vmem>>
    %dma_wait3A_440 = tpu.memref_squeeze %dma_wait3A_439 : memref<1x128xi32, #tpu.memory_space<vmem>> -> memref<128xi32, #tpu.memory_space<vmem>>
    %dma_wait3A_441 = arith.constant 0 : i32
    %dma_wait3A_442 = arith.constant 0 : i32
    %dma_wait3A_443 = tpu.memref_slice %arg3[%dma_wait3A_441, %dma_wait3A_442] : memref<2600000x32xf32, #tpu.memory_space<hbm>> -> memref<2600000x32xf32, #tpu.memory_space<hbm>>
    tpu.wait_indirect_dma semaphore(%arg8 : memref<!tpu.dma_semaphore, #tpu.memory_space<semaphore_mem>>) src(%dma_wait3A_443 : memref<2600000x32xf32, #tpu.memory_space<hbm>>) dst(%dma_wait3A_437 : memref<128x32xf32, #tpu.memory_space<vmem>>)
    %dma_wait3A_444 = arith.constant 18 : i32
    %dma_wait3A_445 = arith.constant 256 : i32
    %dma_wait3A_446 = arith.constant 0 : i32
    %dma_wait3A_447 = tpu.memref_slice %arg6[%dma_wait3A_445, %dma_wait3A_446] : memref<1024x32xf32, #tpu.memory_space<vmem>> -> memref<128x32xf32, #tpu.memory_space<vmem>>
    %dma_wait3A_448 = arith.constant 0 : i32
    %dma_wait3A_449 = tpu.memref_slice %arg5[%dma_wait3A_444, %dma_wait3A_448] : memref<104x128xi32, #tpu.memory_space<vmem>> -> memref<1x128xi32, #tpu.memory_space<vmem>>
    %dma_wait3A_450 = tpu.memref_squeeze %dma_wait3A_449 : memref<1x128xi32, #tpu.memory_space<vmem>> -> memref<128xi32, #tpu.memory_space<vmem>>
    %dma_wait3A_451 = arith.constant 0 : i32
    %dma_wait3A_452 = arith.constant 0 : i32
    %dma_wait3A_453 = tpu.memref_slice %arg3[%dma_wait3A_451, %dma_wait3A_452] : memref<2600000x32xf32, #tpu.memory_space<hbm>> -> memref<2600000x32xf32, #tpu.memory_space<hbm>>
    tpu.wait_indirect_dma semaphore(%arg8 : memref<!tpu.dma_semaphore, #tpu.memory_space<semaphore_mem>>) src(%dma_wait3A_453 : memref<2600000x32xf32, #tpu.memory_space<hbm>>) dst(%dma_wait3A_447 : memref<128x32xf32, #tpu.memory_space<vmem>>)
    %dma_wait3A_454 = arith.constant 19 : i32
    %dma_wait3A_455 = arith.constant 384 : i32
    %dma_wait3A_456 = arith.constant 0 : i32
    %dma_wait3A_457 = tpu.memref_slice %arg6[%dma_wait3A_455, %dma_wait3A_456] : memref<1024x32xf32, #tpu.memory_space<vmem>> -> memref<128x32xf32, #tpu.memory_space<vmem>>
    %dma_wait3A_458 = arith.constant 0 : i32
    %dma_wait3A_459 = tpu.memref_slice %arg5[%dma_wait3A_454, %dma_wait3A_458] : memref<104x128xi32, #tpu.memory_space<vmem>> -> memref<1x128xi32, #tpu.memory_space<vmem>>
    %dma_wait3A_460 = tpu.memref_squeeze %dma_wait3A_459 : memref<1x128xi32, #tpu.memory_space<vmem>> -> memref<128xi32, #tpu.memory_space<vmem>>
    %dma_wait3A_461 = arith.constant 0 : i32
    %dma_wait3A_462 = arith.constant 0 : i32
    %dma_wait3A_463 = tpu.memref_slice %arg3[%dma_wait3A_461, %dma_wait3A_462] : memref<2600000x32xf32, #tpu.memory_space<hbm>> -> memref<2600000x32xf32, #tpu.memory_space<hbm>>
    tpu.wait_indirect_dma semaphore(%arg8 : memref<!tpu.dma_semaphore, #tpu.memory_space<semaphore_mem>>) src(%dma_wait3A_463 : memref<2600000x32xf32, #tpu.memory_space<hbm>>) dst(%dma_wait3A_457 : memref<128x32xf32, #tpu.memory_space<vmem>>)
    %dma_wait3A_464 = arith.constant 20 : i32
    %dma_wait3A_465 = arith.constant 512 : i32
    %dma_wait3A_466 = arith.constant 0 : i32
    %dma_wait3A_467 = tpu.memref_slice %arg6[%dma_wait3A_465, %dma_wait3A_466] : memref<1024x32xf32, #tpu.memory_space<vmem>> -> memref<128x32xf32, #tpu.memory_space<vmem>>
    %dma_wait3A_468 = arith.constant 0 : i32
    %dma_wait3A_469 = tpu.memref_slice %arg5[%dma_wait3A_464, %dma_wait3A_468] : memref<104x128xi32, #tpu.memory_space<vmem>> -> memref<1x128xi32, #tpu.memory_space<vmem>>
    %dma_wait3A_470 = tpu.memref_squeeze %dma_wait3A_469 : memref<1x128xi32, #tpu.memory_space<vmem>> -> memref<128xi32, #tpu.memory_space<vmem>>
    %dma_wait3A_471 = arith.constant 0 : i32
    %dma_wait3A_472 = arith.constant 0 : i32
    %dma_wait3A_473 = tpu.memref_slice %arg3[%dma_wait3A_471, %dma_wait3A_472] : memref<2600000x32xf32, #tpu.memory_space<hbm>> -> memref<2600000x32xf32, #tpu.memory_space<hbm>>
    tpu.wait_indirect_dma semaphore(%arg8 : memref<!tpu.dma_semaphore, #tpu.memory_space<semaphore_mem>>) src(%dma_wait3A_473 : memref<2600000x32xf32, #tpu.memory_space<hbm>>) dst(%dma_wait3A_467 : memref<128x32xf32, #tpu.memory_space<vmem>>)
    %dma_wait3A_474 = arith.constant 21 : i32
    %dma_wait3A_475 = arith.constant 640 : i32
    %dma_wait3A_476 = arith.constant 0 : i32
    %dma_wait3A_477 = tpu.memref_slice %arg6[%dma_wait3A_475, %dma_wait3A_476] : memref<1024x32xf32, #tpu.memory_space<vmem>> -> memref<128x32xf32, #tpu.memory_space<vmem>>
    %dma_wait3A_478 = arith.constant 0 : i32
    %dma_wait3A_479 = tpu.memref_slice %arg5[%dma_wait3A_474, %dma_wait3A_478] : memref<104x128xi32, #tpu.memory_space<vmem>> -> memref<1x128xi32, #tpu.memory_space<vmem>>
    %dma_wait3A_480 = tpu.memref_squeeze %dma_wait3A_479 : memref<1x128xi32, #tpu.memory_space<vmem>> -> memref<128xi32, #tpu.memory_space<vmem>>
    %dma_wait3A_481 = arith.constant 0 : i32
    %dma_wait3A_482 = arith.constant 0 : i32
    %dma_wait3A_483 = tpu.memref_slice %arg3[%dma_wait3A_481, %dma_wait3A_482] : memref<2600000x32xf32, #tpu.memory_space<hbm>> -> memref<2600000x32xf32, #tpu.memory_space<hbm>>
    tpu.wait_indirect_dma semaphore(%arg8 : memref<!tpu.dma_semaphore, #tpu.memory_space<semaphore_mem>>) src(%dma_wait3A_483 : memref<2600000x32xf32, #tpu.memory_space<hbm>>) dst(%dma_wait3A_477 : memref<128x32xf32, #tpu.memory_space<vmem>>)
    %dma_wait3A_484 = arith.constant 22 : i32
    %dma_wait3A_485 = arith.constant 768 : i32
    %dma_wait3A_486 = arith.constant 0 : i32
    %dma_wait3A_487 = tpu.memref_slice %arg6[%dma_wait3A_485, %dma_wait3A_486] : memref<1024x32xf32, #tpu.memory_space<vmem>> -> memref<128x32xf32, #tpu.memory_space<vmem>>
    %dma_wait3A_488 = arith.constant 0 : i32
    %dma_wait3A_489 = tpu.memref_slice %arg5[%dma_wait3A_484, %dma_wait3A_488] : memref<104x128xi32, #tpu.memory_space<vmem>> -> memref<1x128xi32, #tpu.memory_space<vmem>>
    %dma_wait3A_490 = tpu.memref_squeeze %dma_wait3A_489 : memref<1x128xi32, #tpu.memory_space<vmem>> -> memref<128xi32, #tpu.memory_space<vmem>>
    %dma_wait3A_491 = arith.constant 0 : i32
    %dma_wait3A_492 = arith.constant 0 : i32
    %dma_wait3A_493 = tpu.memref_slice %arg3[%dma_wait3A_491, %dma_wait3A_492] : memref<2600000x32xf32, #tpu.memory_space<hbm>> -> memref<2600000x32xf32, #tpu.memory_space<hbm>>
    tpu.wait_indirect_dma semaphore(%arg8 : memref<!tpu.dma_semaphore, #tpu.memory_space<semaphore_mem>>) src(%dma_wait3A_493 : memref<2600000x32xf32, #tpu.memory_space<hbm>>) dst(%dma_wait3A_487 : memref<128x32xf32, #tpu.memory_space<vmem>>)
    %dma_wait3A_494 = arith.constant 23 : i32
    %dma_wait3A_495 = arith.constant 896 : i32
    %dma_wait3A_496 = arith.constant 0 : i32
    %dma_wait3A_497 = tpu.memref_slice %arg6[%dma_wait3A_495, %dma_wait3A_496] : memref<1024x32xf32, #tpu.memory_space<vmem>> -> memref<128x32xf32, #tpu.memory_space<vmem>>
    %dma_wait3A_498 = arith.constant 0 : i32
    %dma_wait3A_499 = tpu.memref_slice %arg5[%dma_wait3A_494, %dma_wait3A_498] : memref<104x128xi32, #tpu.memory_space<vmem>> -> memref<1x128xi32, #tpu.memory_space<vmem>>
    %dma_wait3A_500 = tpu.memref_squeeze %dma_wait3A_499 : memref<1x128xi32, #tpu.memory_space<vmem>> -> memref<128xi32, #tpu.memory_space<vmem>>
    %dma_wait3A_501 = arith.constant 0 : i32
    %dma_wait3A_502 = arith.constant 0 : i32
    %dma_wait3A_503 = tpu.memref_slice %arg3[%dma_wait3A_501, %dma_wait3A_502] : memref<2600000x32xf32, #tpu.memory_space<hbm>> -> memref<2600000x32xf32, #tpu.memory_space<hbm>>
    tpu.wait_indirect_dma semaphore(%arg8 : memref<!tpu.dma_semaphore, #tpu.memory_space<semaphore_mem>>) src(%dma_wait3A_503 : memref<2600000x32xf32, #tpu.memory_space<hbm>>) dst(%dma_wait3A_497 : memref<128x32xf32, #tpu.memory_space<vmem>>)
    %add3A_504 = arith.constant 2048 : i32
    %add3A_505 = arith.addi %mul3A_4, %add3A_504 : i32
    %dma_start3A_506 = arith.constant 0 : i32
    %dma_start3A_507 = tpu.memref_slice %arg4[%add3A_505, %dma_start3A_506] : memref<425984x32xf32, #tpu.memory_space<hbm>> -> memref<1024x32xf32, #tpu.memory_space<hbm>>
    %dma_start3A_508 = arith.constant 0 : i32
    %dma_start3A_509 = tpu.memref_slice %arg4[%add3A_505, %dma_start3A_508] : memref<425984x32xf32, #tpu.memory_space<hbm>> -> memref<1024x32xf32, #tpu.memory_space<hbm>>
    tpu.enqueue_dma source(%arg6 : memref<1024x32xf32, #tpu.memory_space<vmem>>) target(%dma_start3A_509 : memref<1024x32xf32, #tpu.memory_space<hbm>>) target_semaphore(%arg9 : memref<!tpu.dma_semaphore, #tpu.memory_space<semaphore_mem>>)
    %dma_wait3A_510 = arith.constant 0 : i32
    %dma_wait3A_511 = tpu.memref_slice %arg4[%add3A_335, %dma_wait3A_510] : memref<425984x32xf32, #tpu.memory_space<hbm>> -> memref<1024x32xf32, #tpu.memory_space<hbm>>
    %dma_wait3A_512 = arith.constant 0 : i32
    %dma_wait3A_513 = tpu.memref_slice %arg4[%add3A_335, %dma_wait3A_512] : memref<425984x32xf32, #tpu.memory_space<hbm>> -> memref<1024x32xf32, #tpu.memory_space<hbm>>
    tpu.wait_dma2 semaphore(%arg9 : memref<!tpu.dma_semaphore, #tpu.memory_space<semaphore_mem>>) src(%arg7 : memref<1024x32xf32, #tpu.memory_space<vmem>>) dst(%dma_wait3A_513 : memref<1024x32xf32, #tpu.memory_space<hbm>>)
    %dma_start3A_514 = arith.constant 24 : i32
    %dma_start3A_515 = arith.constant 0 : i32
    %dma_start3A_516 = arith.constant 0 : i32
    %dma_start3A_517 = tpu.memref_slice %arg7[%dma_start3A_515, %dma_start3A_516] : memref<1024x32xf32, #tpu.memory_space<vmem>> -> memref<128x32xf32, #tpu.memory_space<vmem>>
    %dma_start3A_518 = arith.constant 0 : i32
    %dma_start3A_519 = tpu.memref_slice %arg5[%dma_start3A_514, %dma_start3A_518] : memref<104x128xi32, #tpu.memory_space<vmem>> -> memref<1x128xi32, #tpu.memory_space<vmem>>
    %dma_start3A_520 = tpu.memref_squeeze %dma_start3A_519 : memref<1x128xi32, #tpu.memory_space<vmem>> -> memref<128xi32, #tpu.memory_space<vmem>>
    %dma_start3A_521 = arith.constant 0 : i32
    %dma_start3A_522 = arith.constant 0 : i32
    %dma_start3A_523 = tpu.memref_slice %arg3[%dma_start3A_521, %dma_start3A_522] : memref<2600000x32xf32, #tpu.memory_space<hbm>> -> memref<2600000x32xf32, #tpu.memory_space<hbm>>
    tpu.enqueue_indirect_dma source(%dma_start3A_523 : memref<2600000x32xf32, #tpu.memory_space<hbm>>) target(%dma_start3A_517 : memref<128x32xf32, #tpu.memory_space<vmem>>) offsets(%dma_start3A_520 : memref<128xi32, #tpu.memory_space<vmem>>) semaphore(%arg8 : memref<!tpu.dma_semaphore, #tpu.memory_space<semaphore_mem>>)
    %dma_start3A_524 = arith.constant 25 : i32
    %dma_start3A_525 = arith.constant 128 : i32
    %dma_start3A_526 = arith.constant 0 : i32
    %dma_start3A_527 = tpu.memref_slice %arg7[%dma_start3A_525, %dma_start3A_526] : memref<1024x32xf32, #tpu.memory_space<vmem>> -> memref<128x32xf32, #tpu.memory_space<vmem>>
    %dma_start3A_528 = arith.constant 0 : i32
    %dma_start3A_529 = tpu.memref_slice %arg5[%dma_start3A_524, %dma_start3A_528] : memref<104x128xi32, #tpu.memory_space<vmem>> -> memref<1x128xi32, #tpu.memory_space<vmem>>
    %dma_start3A_530 = tpu.memref_squeeze %dma_start3A_529 : memref<1x128xi32, #tpu.memory_space<vmem>> -> memref<128xi32, #tpu.memory_space<vmem>>
    %dma_start3A_531 = arith.constant 0 : i32
    %dma_start3A_532 = arith.constant 0 : i32
    %dma_start3A_533 = tpu.memref_slice %arg3[%dma_start3A_531, %dma_start3A_532] : memref<2600000x32xf32, #tpu.memory_space<hbm>> -> memref<2600000x32xf32, #tpu.memory_space<hbm>>
    tpu.enqueue_indirect_dma source(%dma_start3A_533 : memref<2600000x32xf32, #tpu.memory_space<hbm>>) target(%dma_start3A_527 : memref<128x32xf32, #tpu.memory_space<vmem>>) offsets(%dma_start3A_530 : memref<128xi32, #tpu.memory_space<vmem>>) semaphore(%arg8 : memref<!tpu.dma_semaphore, #tpu.memory_space<semaphore_mem>>)
    %dma_start3A_534 = arith.constant 26 : i32
    %dma_start3A_535 = arith.constant 256 : i32
    %dma_start3A_536 = arith.constant 0 : i32
    %dma_start3A_537 = tpu.memref_slice %arg7[%dma_start3A_535, %dma_start3A_536] : memref<1024x32xf32, #tpu.memory_space<vmem>> -> memref<128x32xf32, #tpu.memory_space<vmem>>
    %dma_start3A_538 = arith.constant 0 : i32
    %dma_start3A_539 = tpu.memref_slice %arg5[%dma_start3A_534, %dma_start3A_538] : memref<104x128xi32, #tpu.memory_space<vmem>> -> memref<1x128xi32, #tpu.memory_space<vmem>>
    %dma_start3A_540 = tpu.memref_squeeze %dma_start3A_539 : memref<1x128xi32, #tpu.memory_space<vmem>> -> memref<128xi32, #tpu.memory_space<vmem>>
    %dma_start3A_541 = arith.constant 0 : i32
    %dma_start3A_542 = arith.constant 0 : i32
    %dma_start3A_543 = tpu.memref_slice %arg3[%dma_start3A_541, %dma_start3A_542] : memref<2600000x32xf32, #tpu.memory_space<hbm>> -> memref<2600000x32xf32, #tpu.memory_space<hbm>>
    tpu.enqueue_indirect_dma source(%dma_start3A_543 : memref<2600000x32xf32, #tpu.memory_space<hbm>>) target(%dma_start3A_537 : memref<128x32xf32, #tpu.memory_space<vmem>>) offsets(%dma_start3A_540 : memref<128xi32, #tpu.memory_space<vmem>>) semaphore(%arg8 : memref<!tpu.dma_semaphore, #tpu.memory_space<semaphore_mem>>)
    %dma_start3A_544 = arith.constant 27 : i32
    %dma_start3A_545 = arith.constant 384 : i32
    %dma_start3A_546 = arith.constant 0 : i32
    %dma_start3A_547 = tpu.memref_slice %arg7[%dma_start3A_545, %dma_start3A_546] : memref<1024x32xf32, #tpu.memory_space<vmem>> -> memref<128x32xf32, #tpu.memory_space<vmem>>
    %dma_start3A_548 = arith.constant 0 : i32
    %dma_start3A_549 = tpu.memref_slice %arg5[%dma_start3A_544, %dma_start3A_548] : memref<104x128xi32, #tpu.memory_space<vmem>> -> memref<1x128xi32, #tpu.memory_space<vmem>>
    %dma_start3A_550 = tpu.memref_squeeze %dma_start3A_549 : memref<1x128xi32, #tpu.memory_space<vmem>> -> memref<128xi32, #tpu.memory_space<vmem>>
    %dma_start3A_551 = arith.constant 0 : i32
    %dma_start3A_552 = arith.constant 0 : i32
    %dma_start3A_553 = tpu.memref_slice %arg3[%dma_start3A_551, %dma_start3A_552] : memref<2600000x32xf32, #tpu.memory_space<hbm>> -> memref<2600000x32xf32, #tpu.memory_space<hbm>>
    tpu.enqueue_indirect_dma source(%dma_start3A_553 : memref<2600000x32xf32, #tpu.memory_space<hbm>>) target(%dma_start3A_547 : memref<128x32xf32, #tpu.memory_space<vmem>>) offsets(%dma_start3A_550 : memref<128xi32, #tpu.memory_space<vmem>>) semaphore(%arg8 : memref<!tpu.dma_semaphore, #tpu.memory_space<semaphore_mem>>)
    %dma_start3A_554 = arith.constant 28 : i32
    %dma_start3A_555 = arith.constant 512 : i32
    %dma_start3A_556 = arith.constant 0 : i32
    %dma_start3A_557 = tpu.memref_slice %arg7[%dma_start3A_555, %dma_start3A_556] : memref<1024x32xf32, #tpu.memory_space<vmem>> -> memref<128x32xf32, #tpu.memory_space<vmem>>
    %dma_start3A_558 = arith.constant 0 : i32
    %dma_start3A_559 = tpu.memref_slice %arg5[%dma_start3A_554, %dma_start3A_558] : memref<104x128xi32, #tpu.memory_space<vmem>> -> memref<1x128xi32, #tpu.memory_space<vmem>>
    %dma_start3A_560 = tpu.memref_squeeze %dma_start3A_559 : memref<1x128xi32, #tpu.memory_space<vmem>> -> memref<128xi32, #tpu.memory_space<vmem>>
    %dma_start3A_561 = arith.constant 0 : i32
    %dma_start3A_562 = arith.constant 0 : i32
    %dma_start3A_563 = tpu.memref_slice %arg3[%dma_start3A_561, %dma_start3A_562] : memref<2600000x32xf32, #tpu.memory_space<hbm>> -> memref<2600000x32xf32, #tpu.memory_space<hbm>>
    tpu.enqueue_indirect_dma source(%dma_start3A_563 : memref<2600000x32xf32, #tpu.memory_space<hbm>>) target(%dma_start3A_557 : memref<128x32xf32, #tpu.memory_space<vmem>>) offsets(%dma_start3A_560 : memref<128xi32, #tpu.memory_space<vmem>>) semaphore(%arg8 : memref<!tpu.dma_semaphore, #tpu.memory_space<semaphore_mem>>)
    %dma_start3A_564 = arith.constant 29 : i32
    %dma_start3A_565 = arith.constant 640 : i32
    %dma_start3A_566 = arith.constant 0 : i32
    %dma_start3A_567 = tpu.memref_slice %arg7[%dma_start3A_565, %dma_start3A_566] : memref<1024x32xf32, #tpu.memory_space<vmem>> -> memref<128x32xf32, #tpu.memory_space<vmem>>
    %dma_start3A_568 = arith.constant 0 : i32
    %dma_start3A_569 = tpu.memref_slice %arg5[%dma_start3A_564, %dma_start3A_568] : memref<104x128xi32, #tpu.memory_space<vmem>> -> memref<1x128xi32, #tpu.memory_space<vmem>>
    %dma_start3A_570 = tpu.memref_squeeze %dma_start3A_569 : memref<1x128xi32, #tpu.memory_space<vmem>> -> memref<128xi32, #tpu.memory_space<vmem>>
    %dma_start3A_571 = arith.constant 0 : i32
    %dma_start3A_572 = arith.constant 0 : i32
    %dma_start3A_573 = tpu.memref_slice %arg3[%dma_start3A_571, %dma_start3A_572] : memref<2600000x32xf32, #tpu.memory_space<hbm>> -> memref<2600000x32xf32, #tpu.memory_space<hbm>>
    tpu.enqueue_indirect_dma source(%dma_start3A_573 : memref<2600000x32xf32, #tpu.memory_space<hbm>>) target(%dma_start3A_567 : memref<128x32xf32, #tpu.memory_space<vmem>>) offsets(%dma_start3A_570 : memref<128xi32, #tpu.memory_space<vmem>>) semaphore(%arg8 : memref<!tpu.dma_semaphore, #tpu.memory_space<semaphore_mem>>)
    %dma_start3A_574 = arith.constant 30 : i32
    %dma_start3A_575 = arith.constant 768 : i32
    %dma_start3A_576 = arith.constant 0 : i32
    %dma_start3A_577 = tpu.memref_slice %arg7[%dma_start3A_575, %dma_start3A_576] : memref<1024x32xf32, #tpu.memory_space<vmem>> -> memref<128x32xf32, #tpu.memory_space<vmem>>
    %dma_start3A_578 = arith.constant 0 : i32
    %dma_start3A_579 = tpu.memref_slice %arg5[%dma_start3A_574, %dma_start3A_578] : memref<104x128xi32, #tpu.memory_space<vmem>> -> memref<1x128xi32, #tpu.memory_space<vmem>>
    %dma_start3A_580 = tpu.memref_squeeze %dma_start3A_579 : memref<1x128xi32, #tpu.memory_space<vmem>> -> memref<128xi32, #tpu.memory_space<vmem>>
    %dma_start3A_581 = arith.constant 0 : i32
    %dma_start3A_582 = arith.constant 0 : i32
    %dma_start3A_583 = tpu.memref_slice %arg3[%dma_start3A_581, %dma_start3A_582] : memref<2600000x32xf32, #tpu.memory_space<hbm>> -> memref<2600000x32xf32, #tpu.memory_space<hbm>>
    tpu.enqueue_indirect_dma source(%dma_start3A_583 : memref<2600000x32xf32, #tpu.memory_space<hbm>>) target(%dma_start3A_577 : memref<128x32xf32, #tpu.memory_space<vmem>>) offsets(%dma_start3A_580 : memref<128xi32, #tpu.memory_space<vmem>>) semaphore(%arg8 : memref<!tpu.dma_semaphore, #tpu.memory_space<semaphore_mem>>)
    %dma_start3A_584 = arith.constant 31 : i32
    %dma_start3A_585 = arith.constant 896 : i32
    %dma_start3A_586 = arith.constant 0 : i32
    %dma_start3A_587 = tpu.memref_slice %arg7[%dma_start3A_585, %dma_start3A_586] : memref<1024x32xf32, #tpu.memory_space<vmem>> -> memref<128x32xf32, #tpu.memory_space<vmem>>
    %dma_start3A_588 = arith.constant 0 : i32
    %dma_start3A_589 = tpu.memref_slice %arg5[%dma_start3A_584, %dma_start3A_588] : memref<104x128xi32, #tpu.memory_space<vmem>> -> memref<1x128xi32, #tpu.memory_space<vmem>>
    %dma_start3A_590 = tpu.memref_squeeze %dma_start3A_589 : memref<1x128xi32, #tpu.memory_space<vmem>> -> memref<128xi32, #tpu.memory_space<vmem>>
    %dma_start3A_591 = arith.constant 0 : i32
    %dma_start3A_592 = arith.constant 0 : i32
    %dma_start3A_593 = tpu.memref_slice %arg3[%dma_start3A_591, %dma_start3A_592] : memref<2600000x32xf32, #tpu.memory_space<hbm>> -> memref<2600000x32xf32, #tpu.memory_space<hbm>>
    tpu.enqueue_indirect_dma source(%dma_start3A_593 : memref<2600000x32xf32, #tpu.memory_space<hbm>>) target(%dma_start3A_587 : memref<128x32xf32, #tpu.memory_space<vmem>>) offsets(%dma_start3A_590 : memref<128xi32, #tpu.memory_space<vmem>>) semaphore(%arg8 : memref<!tpu.dma_semaphore, #tpu.memory_space<semaphore_mem>>)
    %dma_wait3A_594 = arith.constant 24 : i32
    %dma_wait3A_595 = arith.constant 0 : i32
    %dma_wait3A_596 = arith.constant 0 : i32
    %dma_wait3A_597 = tpu.memref_slice %arg7[%dma_wait3A_595, %dma_wait3A_596] : memref<1024x32xf32, #tpu.memory_space<vmem>> -> memref<128x32xf32, #tpu.memory_space<vmem>>
    %dma_wait3A_598 = arith.constant 0 : i32
    %dma_wait3A_599 = tpu.memref_slice %arg5[%dma_wait3A_594, %dma_wait3A_598] : memref<104x128xi32, #tpu.memory_space<vmem>> -> memref<1x128xi32, #tpu.memory_space<vmem>>
    %dma_wait3A_600 = tpu.memref_squeeze %dma_wait3A_599 : memref<1x128xi32, #tpu.memory_space<vmem>> -> memref<128xi32, #tpu.memory_space<vmem>>
    %dma_wait3A_601 = arith.constant 0 : i32
    %dma_wait3A_602 = arith.constant 0 : i32
    %dma_wait3A_603 = tpu.memref_slice %arg3[%dma_wait3A_601, %dma_wait3A_602] : memref<2600000x32xf32, #tpu.memory_space<hbm>> -> memref<2600000x32xf32, #tpu.memory_space<hbm>>
    tpu.wait_indirect_dma semaphore(%arg8 : memref<!tpu.dma_semaphore, #tpu.memory_space<semaphore_mem>>) src(%dma_wait3A_603 : memref<2600000x32xf32, #tpu.memory_space<hbm>>) dst(%dma_wait3A_597 : memref<128x32xf32, #tpu.memory_space<vmem>>)
    %dma_wait3A_604 = arith.constant 25 : i32
    %dma_wait3A_605 = arith.constant 128 : i32
    %dma_wait3A_606 = arith.constant 0 : i32
    %dma_wait3A_607 = tpu.memref_slice %arg7[%dma_wait3A_605, %dma_wait3A_606] : memref<1024x32xf32, #tpu.memory_space<vmem>> -> memref<128x32xf32, #tpu.memory_space<vmem>>
    %dma_wait3A_608 = arith.constant 0 : i32
    %dma_wait3A_609 = tpu.memref_slice %arg5[%dma_wait3A_604, %dma_wait3A_608] : memref<104x128xi32, #tpu.memory_space<vmem>> -> memref<1x128xi32, #tpu.memory_space<vmem>>
    %dma_wait3A_610 = tpu.memref_squeeze %dma_wait3A_609 : memref<1x128xi32, #tpu.memory_space<vmem>> -> memref<128xi32, #tpu.memory_space<vmem>>
    %dma_wait3A_611 = arith.constant 0 : i32
    %dma_wait3A_612 = arith.constant 0 : i32
    %dma_wait3A_613 = tpu.memref_slice %arg3[%dma_wait3A_611, %dma_wait3A_612] : memref<2600000x32xf32, #tpu.memory_space<hbm>> -> memref<2600000x32xf32, #tpu.memory_space<hbm>>
    tpu.wait_indirect_dma semaphore(%arg8 : memref<!tpu.dma_semaphore, #tpu.memory_space<semaphore_mem>>) src(%dma_wait3A_613 : memref<2600000x32xf32, #tpu.memory_space<hbm>>) dst(%dma_wait3A_607 : memref<128x32xf32, #tpu.memory_space<vmem>>)
    %dma_wait3A_614 = arith.constant 26 : i32
    %dma_wait3A_615 = arith.constant 256 : i32
    %dma_wait3A_616 = arith.constant 0 : i32
    %dma_wait3A_617 = tpu.memref_slice %arg7[%dma_wait3A_615, %dma_wait3A_616] : memref<1024x32xf32, #tpu.memory_space<vmem>> -> memref<128x32xf32, #tpu.memory_space<vmem>>
    %dma_wait3A_618 = arith.constant 0 : i32
    %dma_wait3A_619 = tpu.memref_slice %arg5[%dma_wait3A_614, %dma_wait3A_618] : memref<104x128xi32, #tpu.memory_space<vmem>> -> memref<1x128xi32, #tpu.memory_space<vmem>>
    %dma_wait3A_620 = tpu.memref_squeeze %dma_wait3A_619 : memref<1x128xi32, #tpu.memory_space<vmem>> -> memref<128xi32, #tpu.memory_space<vmem>>
    %dma_wait3A_621 = arith.constant 0 : i32
    %dma_wait3A_622 = arith.constant 0 : i32
    %dma_wait3A_623 = tpu.memref_slice %arg3[%dma_wait3A_621, %dma_wait3A_622] : memref<2600000x32xf32, #tpu.memory_space<hbm>> -> memref<2600000x32xf32, #tpu.memory_space<hbm>>
    tpu.wait_indirect_dma semaphore(%arg8 : memref<!tpu.dma_semaphore, #tpu.memory_space<semaphore_mem>>) src(%dma_wait3A_623 : memref<2600000x32xf32, #tpu.memory_space<hbm>>) dst(%dma_wait3A_617 : memref<128x32xf32, #tpu.memory_space<vmem>>)
    %dma_wait3A_624 = arith.constant 27 : i32
    %dma_wait3A_625 = arith.constant 384 : i32
    %dma_wait3A_626 = arith.constant 0 : i32
    %dma_wait3A_627 = tpu.memref_slice %arg7[%dma_wait3A_625, %dma_wait3A_626] : memref<1024x32xf32, #tpu.memory_space<vmem>> -> memref<128x32xf32, #tpu.memory_space<vmem>>
    %dma_wait3A_628 = arith.constant 0 : i32
    %dma_wait3A_629 = tpu.memref_slice %arg5[%dma_wait3A_624, %dma_wait3A_628] : memref<104x128xi32, #tpu.memory_space<vmem>> -> memref<1x128xi32, #tpu.memory_space<vmem>>
    %dma_wait3A_630 = tpu.memref_squeeze %dma_wait3A_629 : memref<1x128xi32, #tpu.memory_space<vmem>> -> memref<128xi32, #tpu.memory_space<vmem>>
    %dma_wait3A_631 = arith.constant 0 : i32
    %dma_wait3A_632 = arith.constant 0 : i32
    %dma_wait3A_633 = tpu.memref_slice %arg3[%dma_wait3A_631, %dma_wait3A_632] : memref<2600000x32xf32, #tpu.memory_space<hbm>> -> memref<2600000x32xf32, #tpu.memory_space<hbm>>
    tpu.wait_indirect_dma semaphore(%arg8 : memref<!tpu.dma_semaphore, #tpu.memory_space<semaphore_mem>>) src(%dma_wait3A_633 : memref<2600000x32xf32, #tpu.memory_space<hbm>>) dst(%dma_wait3A_627 : memref<128x32xf32, #tpu.memory_space<vmem>>)
    %dma_wait3A_634 = arith.constant 28 : i32
    %dma_wait3A_635 = arith.constant 512 : i32
    %dma_wait3A_636 = arith.constant 0 : i32
    %dma_wait3A_637 = tpu.memref_slice %arg7[%dma_wait3A_635, %dma_wait3A_636] : memref<1024x32xf32, #tpu.memory_space<vmem>> -> memref<128x32xf32, #tpu.memory_space<vmem>>
    %dma_wait3A_638 = arith.constant 0 : i32
    %dma_wait3A_639 = tpu.memref_slice %arg5[%dma_wait3A_634, %dma_wait3A_638] : memref<104x128xi32, #tpu.memory_space<vmem>> -> memref<1x128xi32, #tpu.memory_space<vmem>>
    %dma_wait3A_640 = tpu.memref_squeeze %dma_wait3A_639 : memref<1x128xi32, #tpu.memory_space<vmem>> -> memref<128xi32, #tpu.memory_space<vmem>>
    %dma_wait3A_641 = arith.constant 0 : i32
    %dma_wait3A_642 = arith.constant 0 : i32
    %dma_wait3A_643 = tpu.memref_slice %arg3[%dma_wait3A_641, %dma_wait3A_642] : memref<2600000x32xf32, #tpu.memory_space<hbm>> -> memref<2600000x32xf32, #tpu.memory_space<hbm>>
    tpu.wait_indirect_dma semaphore(%arg8 : memref<!tpu.dma_semaphore, #tpu.memory_space<semaphore_mem>>) src(%dma_wait3A_643 : memref<2600000x32xf32, #tpu.memory_space<hbm>>) dst(%dma_wait3A_637 : memref<128x32xf32, #tpu.memory_space<vmem>>)
    %dma_wait3A_644 = arith.constant 29 : i32
    %dma_wait3A_645 = arith.constant 640 : i32
    %dma_wait3A_646 = arith.constant 0 : i32
    %dma_wait3A_647 = tpu.memref_slice %arg7[%dma_wait3A_645, %dma_wait3A_646] : memref<1024x32xf32, #tpu.memory_space<vmem>> -> memref<128x32xf32, #tpu.memory_space<vmem>>
    %dma_wait3A_648 = arith.constant 0 : i32
    %dma_wait3A_649 = tpu.memref_slice %arg5[%dma_wait3A_644, %dma_wait3A_648] : memref<104x128xi32, #tpu.memory_space<vmem>> -> memref<1x128xi32, #tpu.memory_space<vmem>>
    %dma_wait3A_650 = tpu.memref_squeeze %dma_wait3A_649 : memref<1x128xi32, #tpu.memory_space<vmem>> -> memref<128xi32, #tpu.memory_space<vmem>>
    %dma_wait3A_651 = arith.constant 0 : i32
    %dma_wait3A_652 = arith.constant 0 : i32
    %dma_wait3A_653 = tpu.memref_slice %arg3[%dma_wait3A_651, %dma_wait3A_652] : memref<2600000x32xf32, #tpu.memory_space<hbm>> -> memref<2600000x32xf32, #tpu.memory_space<hbm>>
    tpu.wait_indirect_dma semaphore(%arg8 : memref<!tpu.dma_semaphore, #tpu.memory_space<semaphore_mem>>) src(%dma_wait3A_653 : memref<2600000x32xf32, #tpu.memory_space<hbm>>) dst(%dma_wait3A_647 : memref<128x32xf32, #tpu.memory_space<vmem>>)
    %dma_wait3A_654 = arith.constant 30 : i32
    %dma_wait3A_655 = arith.constant 768 : i32
    %dma_wait3A_656 = arith.constant 0 : i32
    %dma_wait3A_657 = tpu.memref_slice %arg7[%dma_wait3A_655, %dma_wait3A_656] : memref<1024x32xf32, #tpu.memory_space<vmem>> -> memref<128x32xf32, #tpu.memory_space<vmem>>
    %dma_wait3A_658 = arith.constant 0 : i32
    %dma_wait3A_659 = tpu.memref_slice %arg5[%dma_wait3A_654, %dma_wait3A_658] : memref<104x128xi32, #tpu.memory_space<vmem>> -> memref<1x128xi32, #tpu.memory_space<vmem>>
    %dma_wait3A_660 = tpu.memref_squeeze %dma_wait3A_659 : memref<1x128xi32, #tpu.memory_space<vmem>> -> memref<128xi32, #tpu.memory_space<vmem>>
    %dma_wait3A_661 = arith.constant 0 : i32
    %dma_wait3A_662 = arith.constant 0 : i32
    %dma_wait3A_663 = tpu.memref_slice %arg3[%dma_wait3A_661, %dma_wait3A_662] : memref<2600000x32xf32, #tpu.memory_space<hbm>> -> memref<2600000x32xf32, #tpu.memory_space<hbm>>
    tpu.wait_indirect_dma semaphore(%arg8 : memref<!tpu.dma_semaphore, #tpu.memory_space<semaphore_mem>>) src(%dma_wait3A_663 : memref<2600000x32xf32, #tpu.memory_space<hbm>>) dst(%dma_wait3A_657 : memref<128x32xf32, #tpu.memory_space<vmem>>)
    %dma_wait3A_664 = arith.constant 31 : i32
    %dma_wait3A_665 = arith.constant 896 : i32
    %dma_wait3A_666 = arith.constant 0 : i32
    %dma_wait3A_667 = tpu.memref_slice %arg7[%dma_wait3A_665, %dma_wait3A_666] : memref<1024x32xf32, #tpu.memory_space<vmem>> -> memref<128x32xf32, #tpu.memory_space<vmem>>
    %dma_wait3A_668 = arith.constant 0 : i32
    %dma_wait3A_669 = tpu.memref_slice %arg5[%dma_wait3A_664, %dma_wait3A_668] : memref<104x128xi32, #tpu.memory_space<vmem>> -> memref<1x128xi32, #tpu.memory_space<vmem>>
    %dma_wait3A_670 = tpu.memref_squeeze %dma_wait3A_669 : memref<1x128xi32, #tpu.memory_space<vmem>> -> memref<128xi32, #tpu.memory_space<vmem>>
    %dma_wait3A_671 = arith.constant 0 : i32
    %dma_wait3A_672 = arith.constant 0 : i32
    %dma_wait3A_673 = tpu.memref_slice %arg3[%dma_wait3A_671, %dma_wait3A_672] : memref<2600000x32xf32, #tpu.memory_space<hbm>> -> memref<2600000x32xf32, #tpu.memory_space<hbm>>
    tpu.wait_indirect_dma semaphore(%arg8 : memref<!tpu.dma_semaphore, #tpu.memory_space<semaphore_mem>>) src(%dma_wait3A_673 : memref<2600000x32xf32, #tpu.memory_space<hbm>>) dst(%dma_wait3A_667 : memref<128x32xf32, #tpu.memory_space<vmem>>)
    %add3A_674 = arith.constant 3072 : i32
    %add3A_675 = arith.addi %mul3A_4, %add3A_674 : i32
    %dma_start3A_676 = arith.constant 0 : i32
    %dma_start3A_677 = tpu.memref_slice %arg4[%add3A_675, %dma_start3A_676] : memref<425984x32xf32, #tpu.memory_space<hbm>> -> memref<1024x32xf32, #tpu.memory_space<hbm>>
    %dma_start3A_678 = arith.constant 0 : i32
    %dma_start3A_679 = tpu.memref_slice %arg4[%add3A_675, %dma_start3A_678] : memref<425984x32xf32, #tpu.memory_space<hbm>> -> memref<1024x32xf32, #tpu.memory_space<hbm>>
    tpu.enqueue_dma source(%arg7 : memref<1024x32xf32, #tpu.memory_space<vmem>>) target(%dma_start3A_679 : memref<1024x32xf32, #tpu.memory_space<hbm>>) target_semaphore(%arg9 : memref<!tpu.dma_semaphore, #tpu.memory_space<semaphore_mem>>)
    %dma_wait3A_680 = arith.constant 0 : i32
    %dma_wait3A_681 = tpu.memref_slice %arg4[%add3A_505, %dma_wait3A_680] : memref<425984x32xf32, #tpu.memory_space<hbm>> -> memref<1024x32xf32, #tpu.memory_space<hbm>>
    %dma_wait3A_682 = arith.constant 0 : i32
    %dma_wait3A_683 = tpu.memref_slice %arg4[%add3A_505, %dma_wait3A_682] : memref<425984x32xf32, #tpu.memory_space<hbm>> -> memref<1024x32xf32, #tpu.memory_space<hbm>>
    tpu.wait_dma2 semaphore(%arg9 : memref<!tpu.dma_semaphore, #tpu.memory_space<semaphore_mem>>) src(%arg6 : memref<1024x32xf32, #tpu.memory_space<vmem>>) dst(%dma_wait3A_683 : memref<1024x32xf32, #tpu.memory_space<hbm>>)
    %dma_start3A_684 = arith.constant 32 : i32
    %dma_start3A_685 = arith.constant 0 : i32
    %dma_start3A_686 = arith.constant 0 : i32
    %dma_start3A_687 = tpu.memref_slice %arg6[%dma_start3A_685, %dma_start3A_686] : memref<1024x32xf32, #tpu.memory_space<vmem>> -> memref<128x32xf32, #tpu.memory_space<vmem>>
    %dma_start3A_688 = arith.constant 0 : i32
    %dma_start3A_689 = tpu.memref_slice %arg5[%dma_start3A_684, %dma_start3A_688] : memref<104x128xi32, #tpu.memory_space<vmem>> -> memref<1x128xi32, #tpu.memory_space<vmem>>
    %dma_start3A_690 = tpu.memref_squeeze %dma_start3A_689 : memref<1x128xi32, #tpu.memory_space<vmem>> -> memref<128xi32, #tpu.memory_space<vmem>>
    %dma_start3A_691 = arith.constant 0 : i32
    %dma_start3A_692 = arith.constant 0 : i32
    %dma_start3A_693 = tpu.memref_slice %arg3[%dma_start3A_691, %dma_start3A_692] : memref<2600000x32xf32, #tpu.memory_space<hbm>> -> memref<2600000x32xf32, #tpu.memory_space<hbm>>
    tpu.enqueue_indirect_dma source(%dma_start3A_693 : memref<2600000x32xf32, #tpu.memory_space<hbm>>) target(%dma_start3A_687 : memref<128x32xf32, #tpu.memory_space<vmem>>) offsets(%dma_start3A_690 : memref<128xi32, #tpu.memory_space<vmem>>) semaphore(%arg8 : memref<!tpu.dma_semaphore, #tpu.memory_space<semaphore_mem>>)
    %dma_start3A_694 = arith.constant 33 : i32
    %dma_start3A_695 = arith.constant 128 : i32
    %dma_start3A_696 = arith.constant 0 : i32
    %dma_start3A_697 = tpu.memref_slice %arg6[%dma_start3A_695, %dma_start3A_696] : memref<1024x32xf32, #tpu.memory_space<vmem>> -> memref<128x32xf32, #tpu.memory_space<vmem>>
    %dma_start3A_698 = arith.constant 0 : i32
    %dma_start3A_699 = tpu.memref_slice %arg5[%dma_start3A_694, %dma_start3A_698] : memref<104x128xi32, #tpu.memory_space<vmem>> -> memref<1x128xi32, #tpu.memory_space<vmem>>
    %dma_start3A_700 = tpu.memref_squeeze %dma_start3A_699 : memref<1x128xi32, #tpu.memory_space<vmem>> -> memref<128xi32, #tpu.memory_space<vmem>>
    %dma_start3A_701 = arith.constant 0 : i32
    %dma_start3A_702 = arith.constant 0 : i32
    %dma_start3A_703 = tpu.memref_slice %arg3[%dma_start3A_701, %dma_start3A_702] : memref<2600000x32xf32, #tpu.memory_space<hbm>> -> memref<2600000x32xf32, #tpu.memory_space<hbm>>
    tpu.enqueue_indirect_dma source(%dma_start3A_703 : memref<2600000x32xf32, #tpu.memory_space<hbm>>) target(%dma_start3A_697 : memref<128x32xf32, #tpu.memory_space<vmem>>) offsets(%dma_start3A_700 : memref<128xi32, #tpu.memory_space<vmem>>) semaphore(%arg8 : memref<!tpu.dma_semaphore, #tpu.memory_space<semaphore_mem>>)
    %dma_start3A_704 = arith.constant 34 : i32
    %dma_start3A_705 = arith.constant 256 : i32
    %dma_start3A_706 = arith.constant 0 : i32
    %dma_start3A_707 = tpu.memref_slice %arg6[%dma_start3A_705, %dma_start3A_706] : memref<1024x32xf32, #tpu.memory_space<vmem>> -> memref<128x32xf32, #tpu.memory_space<vmem>>
    %dma_start3A_708 = arith.constant 0 : i32
    %dma_start3A_709 = tpu.memref_slice %arg5[%dma_start3A_704, %dma_start3A_708] : memref<104x128xi32, #tpu.memory_space<vmem>> -> memref<1x128xi32, #tpu.memory_space<vmem>>
    %dma_start3A_710 = tpu.memref_squeeze %dma_start3A_709 : memref<1x128xi32, #tpu.memory_space<vmem>> -> memref<128xi32, #tpu.memory_space<vmem>>
    %dma_start3A_711 = arith.constant 0 : i32
    %dma_start3A_712 = arith.constant 0 : i32
    %dma_start3A_713 = tpu.memref_slice %arg3[%dma_start3A_711, %dma_start3A_712] : memref<2600000x32xf32, #tpu.memory_space<hbm>> -> memref<2600000x32xf32, #tpu.memory_space<hbm>>
    tpu.enqueue_indirect_dma source(%dma_start3A_713 : memref<2600000x32xf32, #tpu.memory_space<hbm>>) target(%dma_start3A_707 : memref<128x32xf32, #tpu.memory_space<vmem>>) offsets(%dma_start3A_710 : memref<128xi32, #tpu.memory_space<vmem>>) semaphore(%arg8 : memref<!tpu.dma_semaphore, #tpu.memory_space<semaphore_mem>>)
    %dma_start3A_714 = arith.constant 35 : i32
    %dma_start3A_715 = arith.constant 384 : i32
    %dma_start3A_716 = arith.constant 0 : i32
    %dma_start3A_717 = tpu.memref_slice %arg6[%dma_start3A_715, %dma_start3A_716] : memref<1024x32xf32, #tpu.memory_space<vmem>> -> memref<128x32xf32, #tpu.memory_space<vmem>>
    %dma_start3A_718 = arith.constant 0 : i32
    %dma_start3A_719 = tpu.memref_slice %arg5[%dma_start3A_714, %dma_start3A_718] : memref<104x128xi32, #tpu.memory_space<vmem>> -> memref<1x128xi32, #tpu.memory_space<vmem>>
    %dma_start3A_720 = tpu.memref_squeeze %dma_start3A_719 : memref<1x128xi32, #tpu.memory_space<vmem>> -> memref<128xi32, #tpu.memory_space<vmem>>
    %dma_start3A_721 = arith.constant 0 : i32
    %dma_start3A_722 = arith.constant 0 : i32
    %dma_start3A_723 = tpu.memref_slice %arg3[%dma_start3A_721, %dma_start3A_722] : memref<2600000x32xf32, #tpu.memory_space<hbm>> -> memref<2600000x32xf32, #tpu.memory_space<hbm>>
    tpu.enqueue_indirect_dma source(%dma_start3A_723 : memref<2600000x32xf32, #tpu.memory_space<hbm>>) target(%dma_start3A_717 : memref<128x32xf32, #tpu.memory_space<vmem>>) offsets(%dma_start3A_720 : memref<128xi32, #tpu.memory_space<vmem>>) semaphore(%arg8 : memref<!tpu.dma_semaphore, #tpu.memory_space<semaphore_mem>>)
    %dma_start3A_724 = arith.constant 36 : i32
    %dma_start3A_725 = arith.constant 512 : i32
    %dma_start3A_726 = arith.constant 0 : i32
    %dma_start3A_727 = tpu.memref_slice %arg6[%dma_start3A_725, %dma_start3A_726] : memref<1024x32xf32, #tpu.memory_space<vmem>> -> memref<128x32xf32, #tpu.memory_space<vmem>>
    %dma_start3A_728 = arith.constant 0 : i32
    %dma_start3A_729 = tpu.memref_slice %arg5[%dma_start3A_724, %dma_start3A_728] : memref<104x128xi32, #tpu.memory_space<vmem>> -> memref<1x128xi32, #tpu.memory_space<vmem>>
    %dma_start3A_730 = tpu.memref_squeeze %dma_start3A_729 : memref<1x128xi32, #tpu.memory_space<vmem>> -> memref<128xi32, #tpu.memory_space<vmem>>
    %dma_start3A_731 = arith.constant 0 : i32
    %dma_start3A_732 = arith.constant 0 : i32
    %dma_start3A_733 = tpu.memref_slice %arg3[%dma_start3A_731, %dma_start3A_732] : memref<2600000x32xf32, #tpu.memory_space<hbm>> -> memref<2600000x32xf32, #tpu.memory_space<hbm>>
    tpu.enqueue_indirect_dma source(%dma_start3A_733 : memref<2600000x32xf32, #tpu.memory_space<hbm>>) target(%dma_start3A_727 : memref<128x32xf32, #tpu.memory_space<vmem>>) offsets(%dma_start3A_730 : memref<128xi32, #tpu.memory_space<vmem>>) semaphore(%arg8 : memref<!tpu.dma_semaphore, #tpu.memory_space<semaphore_mem>>)
    %dma_start3A_734 = arith.constant 37 : i32
    %dma_start3A_735 = arith.constant 640 : i32
    %dma_start3A_736 = arith.constant 0 : i32
    %dma_start3A_737 = tpu.memref_slice %arg6[%dma_start3A_735, %dma_start3A_736] : memref<1024x32xf32, #tpu.memory_space<vmem>> -> memref<128x32xf32, #tpu.memory_space<vmem>>
    %dma_start3A_738 = arith.constant 0 : i32
    %dma_start3A_739 = tpu.memref_slice %arg5[%dma_start3A_734, %dma_start3A_738] : memref<104x128xi32, #tpu.memory_space<vmem>> -> memref<1x128xi32, #tpu.memory_space<vmem>>
    %dma_start3A_740 = tpu.memref_squeeze %dma_start3A_739 : memref<1x128xi32, #tpu.memory_space<vmem>> -> memref<128xi32, #tpu.memory_space<vmem>>
    %dma_start3A_741 = arith.constant 0 : i32
    %dma_start3A_742 = arith.constant 0 : i32
    %dma_start3A_743 = tpu.memref_slice %arg3[%dma_start3A_741, %dma_start3A_742] : memref<2600000x32xf32, #tpu.memory_space<hbm>> -> memref<2600000x32xf32, #tpu.memory_space<hbm>>
    tpu.enqueue_indirect_dma source(%dma_start3A_743 : memref<2600000x32xf32, #tpu.memory_space<hbm>>) target(%dma_start3A_737 : memref<128x32xf32, #tpu.memory_space<vmem>>) offsets(%dma_start3A_740 : memref<128xi32, #tpu.memory_space<vmem>>) semaphore(%arg8 : memref<!tpu.dma_semaphore, #tpu.memory_space<semaphore_mem>>)
    %dma_start3A_744 = arith.constant 38 : i32
    %dma_start3A_745 = arith.constant 768 : i32
    %dma_start3A_746 = arith.constant 0 : i32
    %dma_start3A_747 = tpu.memref_slice %arg6[%dma_start3A_745, %dma_start3A_746] : memref<1024x32xf32, #tpu.memory_space<vmem>> -> memref<128x32xf32, #tpu.memory_space<vmem>>
    %dma_start3A_748 = arith.constant 0 : i32
    %dma_start3A_749 = tpu.memref_slice %arg5[%dma_start3A_744, %dma_start3A_748] : memref<104x128xi32, #tpu.memory_space<vmem>> -> memref<1x128xi32, #tpu.memory_space<vmem>>
    %dma_start3A_750 = tpu.memref_squeeze %dma_start3A_749 : memref<1x128xi32, #tpu.memory_space<vmem>> -> memref<128xi32, #tpu.memory_space<vmem>>
    %dma_start3A_751 = arith.constant 0 : i32
    %dma_start3A_752 = arith.constant 0 : i32
    %dma_start3A_753 = tpu.memref_slice %arg3[%dma_start3A_751, %dma_start3A_752] : memref<2600000x32xf32, #tpu.memory_space<hbm>> -> memref<2600000x32xf32, #tpu.memory_space<hbm>>
    tpu.enqueue_indirect_dma source(%dma_start3A_753 : memref<2600000x32xf32, #tpu.memory_space<hbm>>) target(%dma_start3A_747 : memref<128x32xf32, #tpu.memory_space<vmem>>) offsets(%dma_start3A_750 : memref<128xi32, #tpu.memory_space<vmem>>) semaphore(%arg8 : memref<!tpu.dma_semaphore, #tpu.memory_space<semaphore_mem>>)
    %dma_start3A_754 = arith.constant 39 : i32
    %dma_start3A_755 = arith.constant 896 : i32
    %dma_start3A_756 = arith.constant 0 : i32
    %dma_start3A_757 = tpu.memref_slice %arg6[%dma_start3A_755, %dma_start3A_756] : memref<1024x32xf32, #tpu.memory_space<vmem>> -> memref<128x32xf32, #tpu.memory_space<vmem>>
    %dma_start3A_758 = arith.constant 0 : i32
    %dma_start3A_759 = tpu.memref_slice %arg5[%dma_start3A_754, %dma_start3A_758] : memref<104x128xi32, #tpu.memory_space<vmem>> -> memref<1x128xi32, #tpu.memory_space<vmem>>
    %dma_start3A_760 = tpu.memref_squeeze %dma_start3A_759 : memref<1x128xi32, #tpu.memory_space<vmem>> -> memref<128xi32, #tpu.memory_space<vmem>>
    %dma_start3A_761 = arith.constant 0 : i32
    %dma_start3A_762 = arith.constant 0 : i32
    %dma_start3A_763 = tpu.memref_slice %arg3[%dma_start3A_761, %dma_start3A_762] : memref<2600000x32xf32, #tpu.memory_space<hbm>> -> memref<2600000x32xf32, #tpu.memory_space<hbm>>
    tpu.enqueue_indirect_dma source(%dma_start3A_763 : memref<2600000x32xf32, #tpu.memory_space<hbm>>) target(%dma_start3A_757 : memref<128x32xf32, #tpu.memory_space<vmem>>) offsets(%dma_start3A_760 : memref<128xi32, #tpu.memory_space<vmem>>) semaphore(%arg8 : memref<!tpu.dma_semaphore, #tpu.memory_space<semaphore_mem>>)
    %dma_wait3A_764 = arith.constant 32 : i32
    %dma_wait3A_765 = arith.constant 0 : i32
    %dma_wait3A_766 = arith.constant 0 : i32
    %dma_wait3A_767 = tpu.memref_slice %arg6[%dma_wait3A_765, %dma_wait3A_766] : memref<1024x32xf32, #tpu.memory_space<vmem>> -> memref<128x32xf32, #tpu.memory_space<vmem>>
    %dma_wait3A_768 = arith.constant 0 : i32
    %dma_wait3A_769 = tpu.memref_slice %arg5[%dma_wait3A_764, %dma_wait3A_768] : memref<104x128xi32, #tpu.memory_space<vmem>> -> memref<1x128xi32, #tpu.memory_space<vmem>>
    %dma_wait3A_770 = tpu.memref_squeeze %dma_wait3A_769 : memref<1x128xi32, #tpu.memory_space<vmem>> -> memref<128xi32, #tpu.memory_space<vmem>>
    %dma_wait3A_771 = arith.constant 0 : i32
    %dma_wait3A_772 = arith.constant 0 : i32
    %dma_wait3A_773 = tpu.memref_slice %arg3[%dma_wait3A_771, %dma_wait3A_772] : memref<2600000x32xf32, #tpu.memory_space<hbm>> -> memref<2600000x32xf32, #tpu.memory_space<hbm>>
    tpu.wait_indirect_dma semaphore(%arg8 : memref<!tpu.dma_semaphore, #tpu.memory_space<semaphore_mem>>) src(%dma_wait3A_773 : memref<2600000x32xf32, #tpu.memory_space<hbm>>) dst(%dma_wait3A_767 : memref<128x32xf32, #tpu.memory_space<vmem>>)
    %dma_wait3A_774 = arith.constant 33 : i32
    %dma_wait3A_775 = arith.constant 128 : i32
    %dma_wait3A_776 = arith.constant 0 : i32
    %dma_wait3A_777 = tpu.memref_slice %arg6[%dma_wait3A_775, %dma_wait3A_776] : memref<1024x32xf32, #tpu.memory_space<vmem>> -> memref<128x32xf32, #tpu.memory_space<vmem>>
    %dma_wait3A_778 = arith.constant 0 : i32
    %dma_wait3A_779 = tpu.memref_slice %arg5[%dma_wait3A_774, %dma_wait3A_778] : memref<104x128xi32, #tpu.memory_space<vmem>> -> memref<1x128xi32, #tpu.memory_space<vmem>>
    %dma_wait3A_780 = tpu.memref_squeeze %dma_wait3A_779 : memref<1x128xi32, #tpu.memory_space<vmem>> -> memref<128xi32, #tpu.memory_space<vmem>>
    %dma_wait3A_781 = arith.constant 0 : i32
    %dma_wait3A_782 = arith.constant 0 : i32
    %dma_wait3A_783 = tpu.memref_slice %arg3[%dma_wait3A_781, %dma_wait3A_782] : memref<2600000x32xf32, #tpu.memory_space<hbm>> -> memref<2600000x32xf32, #tpu.memory_space<hbm>>
    tpu.wait_indirect_dma semaphore(%arg8 : memref<!tpu.dma_semaphore, #tpu.memory_space<semaphore_mem>>) src(%dma_wait3A_783 : memref<2600000x32xf32, #tpu.memory_space<hbm>>) dst(%dma_wait3A_777 : memref<128x32xf32, #tpu.memory_space<vmem>>)
    %dma_wait3A_784 = arith.constant 34 : i32
    %dma_wait3A_785 = arith.constant 256 : i32
    %dma_wait3A_786 = arith.constant 0 : i32
    %dma_wait3A_787 = tpu.memref_slice %arg6[%dma_wait3A_785, %dma_wait3A_786] : memref<1024x32xf32, #tpu.memory_space<vmem>> -> memref<128x32xf32, #tpu.memory_space<vmem>>
    %dma_wait3A_788 = arith.constant 0 : i32
    %dma_wait3A_789 = tpu.memref_slice %arg5[%dma_wait3A_784, %dma_wait3A_788] : memref<104x128xi32, #tpu.memory_space<vmem>> -> memref<1x128xi32, #tpu.memory_space<vmem>>
    %dma_wait3A_790 = tpu.memref_squeeze %dma_wait3A_789 : memref<1x128xi32, #tpu.memory_space<vmem>> -> memref<128xi32, #tpu.memory_space<vmem>>
    %dma_wait3A_791 = arith.constant 0 : i32
    %dma_wait3A_792 = arith.constant 0 : i32
    %dma_wait3A_793 = tpu.memref_slice %arg3[%dma_wait3A_791, %dma_wait3A_792] : memref<2600000x32xf32, #tpu.memory_space<hbm>> -> memref<2600000x32xf32, #tpu.memory_space<hbm>>
    tpu.wait_indirect_dma semaphore(%arg8 : memref<!tpu.dma_semaphore, #tpu.memory_space<semaphore_mem>>) src(%dma_wait3A_793 : memref<2600000x32xf32, #tpu.memory_space<hbm>>) dst(%dma_wait3A_787 : memref<128x32xf32, #tpu.memory_space<vmem>>)
    %dma_wait3A_794 = arith.constant 35 : i32
    %dma_wait3A_795 = arith.constant 384 : i32
    %dma_wait3A_796 = arith.constant 0 : i32
    %dma_wait3A_797 = tpu.memref_slice %arg6[%dma_wait3A_795, %dma_wait3A_796] : memref<1024x32xf32, #tpu.memory_space<vmem>> -> memref<128x32xf32, #tpu.memory_space<vmem>>
    %dma_wait3A_798 = arith.constant 0 : i32
    %dma_wait3A_799 = tpu.memref_slice %arg5[%dma_wait3A_794, %dma_wait3A_798] : memref<104x128xi32, #tpu.memory_space<vmem>> -> memref<1x128xi32, #tpu.memory_space<vmem>>
    %dma_wait3A_800 = tpu.memref_squeeze %dma_wait3A_799 : memref<1x128xi32, #tpu.memory_space<vmem>> -> memref<128xi32, #tpu.memory_space<vmem>>
    %dma_wait3A_801 = arith.constant 0 : i32
    %dma_wait3A_802 = arith.constant 0 : i32
    %dma_wait3A_803 = tpu.memref_slice %arg3[%dma_wait3A_801, %dma_wait3A_802] : memref<2600000x32xf32, #tpu.memory_space<hbm>> -> memref<2600000x32xf32, #tpu.memory_space<hbm>>
    tpu.wait_indirect_dma semaphore(%arg8 : memref<!tpu.dma_semaphore, #tpu.memory_space<semaphore_mem>>) src(%dma_wait3A_803 : memref<2600000x32xf32, #tpu.memory_space<hbm>>) dst(%dma_wait3A_797 : memref<128x32xf32, #tpu.memory_space<vmem>>)
    %dma_wait3A_804 = arith.constant 36 : i32
    %dma_wait3A_805 = arith.constant 512 : i32
    %dma_wait3A_806 = arith.constant 0 : i32
    %dma_wait3A_807 = tpu.memref_slice %arg6[%dma_wait3A_805, %dma_wait3A_806] : memref<1024x32xf32, #tpu.memory_space<vmem>> -> memref<128x32xf32, #tpu.memory_space<vmem>>
    %dma_wait3A_808 = arith.constant 0 : i32
    %dma_wait3A_809 = tpu.memref_slice %arg5[%dma_wait3A_804, %dma_wait3A_808] : memref<104x128xi32, #tpu.memory_space<vmem>> -> memref<1x128xi32, #tpu.memory_space<vmem>>
    %dma_wait3A_810 = tpu.memref_squeeze %dma_wait3A_809 : memref<1x128xi32, #tpu.memory_space<vmem>> -> memref<128xi32, #tpu.memory_space<vmem>>
    %dma_wait3A_811 = arith.constant 0 : i32
    %dma_wait3A_812 = arith.constant 0 : i32
    %dma_wait3A_813 = tpu.memref_slice %arg3[%dma_wait3A_811, %dma_wait3A_812] : memref<2600000x32xf32, #tpu.memory_space<hbm>> -> memref<2600000x32xf32, #tpu.memory_space<hbm>>
    tpu.wait_indirect_dma semaphore(%arg8 : memref<!tpu.dma_semaphore, #tpu.memory_space<semaphore_mem>>) src(%dma_wait3A_813 : memref<2600000x32xf32, #tpu.memory_space<hbm>>) dst(%dma_wait3A_807 : memref<128x32xf32, #tpu.memory_space<vmem>>)
    %dma_wait3A_814 = arith.constant 37 : i32
    %dma_wait3A_815 = arith.constant 640 : i32
    %dma_wait3A_816 = arith.constant 0 : i32
    %dma_wait3A_817 = tpu.memref_slice %arg6[%dma_wait3A_815, %dma_wait3A_816] : memref<1024x32xf32, #tpu.memory_space<vmem>> -> memref<128x32xf32, #tpu.memory_space<vmem>>
    %dma_wait3A_818 = arith.constant 0 : i32
    %dma_wait3A_819 = tpu.memref_slice %arg5[%dma_wait3A_814, %dma_wait3A_818] : memref<104x128xi32, #tpu.memory_space<vmem>> -> memref<1x128xi32, #tpu.memory_space<vmem>>
    %dma_wait3A_820 = tpu.memref_squeeze %dma_wait3A_819 : memref<1x128xi32, #tpu.memory_space<vmem>> -> memref<128xi32, #tpu.memory_space<vmem>>
    %dma_wait3A_821 = arith.constant 0 : i32
    %dma_wait3A_822 = arith.constant 0 : i32
    %dma_wait3A_823 = tpu.memref_slice %arg3[%dma_wait3A_821, %dma_wait3A_822] : memref<2600000x32xf32, #tpu.memory_space<hbm>> -> memref<2600000x32xf32, #tpu.memory_space<hbm>>
    tpu.wait_indirect_dma semaphore(%arg8 : memref<!tpu.dma_semaphore, #tpu.memory_space<semaphore_mem>>) src(%dma_wait3A_823 : memref<2600000x32xf32, #tpu.memory_space<hbm>>) dst(%dma_wait3A_817 : memref<128x32xf32, #tpu.memory_space<vmem>>)
    %dma_wait3A_824 = arith.constant 38 : i32
    %dma_wait3A_825 = arith.constant 768 : i32
    %dma_wait3A_826 = arith.constant 0 : i32
    %dma_wait3A_827 = tpu.memref_slice %arg6[%dma_wait3A_825, %dma_wait3A_826] : memref<1024x32xf32, #tpu.memory_space<vmem>> -> memref<128x32xf32, #tpu.memory_space<vmem>>
    %dma_wait3A_828 = arith.constant 0 : i32
    %dma_wait3A_829 = tpu.memref_slice %arg5[%dma_wait3A_824, %dma_wait3A_828] : memref<104x128xi32, #tpu.memory_space<vmem>> -> memref<1x128xi32, #tpu.memory_space<vmem>>
    %dma_wait3A_830 = tpu.memref_squeeze %dma_wait3A_829 : memref<1x128xi32, #tpu.memory_space<vmem>> -> memref<128xi32, #tpu.memory_space<vmem>>
    %dma_wait3A_831 = arith.constant 0 : i32
    %dma_wait3A_832 = arith.constant 0 : i32
    %dma_wait3A_833 = tpu.memref_slice %arg3[%dma_wait3A_831, %dma_wait3A_832] : memref<2600000x32xf32, #tpu.memory_space<hbm>> -> memref<2600000x32xf32, #tpu.memory_space<hbm>>
    tpu.wait_indirect_dma semaphore(%arg8 : memref<!tpu.dma_semaphore, #tpu.memory_space<semaphore_mem>>) src(%dma_wait3A_833 : memref<2600000x32xf32, #tpu.memory_space<hbm>>) dst(%dma_wait3A_827 : memref<128x32xf32, #tpu.memory_space<vmem>>)
    %dma_wait3A_834 = arith.constant 39 : i32
    %dma_wait3A_835 = arith.constant 896 : i32
    %dma_wait3A_836 = arith.constant 0 : i32
    %dma_wait3A_837 = tpu.memref_slice %arg6[%dma_wait3A_835, %dma_wait3A_836] : memref<1024x32xf32, #tpu.memory_space<vmem>> -> memref<128x32xf32, #tpu.memory_space<vmem>>
    %dma_wait3A_838 = arith.constant 0 : i32
    %dma_wait3A_839 = tpu.memref_slice %arg5[%dma_wait3A_834, %dma_wait3A_838] : memref<104x128xi32, #tpu.memory_space<vmem>> -> memref<1x128xi32, #tpu.memory_space<vmem>>
    %dma_wait3A_840 = tpu.memref_squeeze %dma_wait3A_839 : memref<1x128xi32, #tpu.memory_space<vmem>> -> memref<128xi32, #tpu.memory_space<vmem>>
    %dma_wait3A_841 = arith.constant 0 : i32
    %dma_wait3A_842 = arith.constant 0 : i32
    %dma_wait3A_843 = tpu.memref_slice %arg3[%dma_wait3A_841, %dma_wait3A_842] : memref<2600000x32xf32, #tpu.memory_space<hbm>> -> memref<2600000x32xf32, #tpu.memory_space<hbm>>
    tpu.wait_indirect_dma semaphore(%arg8 : memref<!tpu.dma_semaphore, #tpu.memory_space<semaphore_mem>>) src(%dma_wait3A_843 : memref<2600000x32xf32, #tpu.memory_space<hbm>>) dst(%dma_wait3A_837 : memref<128x32xf32, #tpu.memory_space<vmem>>)
    %add3A_844 = arith.constant 4096 : i32
    %add3A_845 = arith.addi %mul3A_4, %add3A_844 : i32
    %dma_start3A_846 = arith.constant 0 : i32
    %dma_start3A_847 = tpu.memref_slice %arg4[%add3A_845, %dma_start3A_846] : memref<425984x32xf32, #tpu.memory_space<hbm>> -> memref<1024x32xf32, #tpu.memory_space<hbm>>
    %dma_start3A_848 = arith.constant 0 : i32
    %dma_start3A_849 = tpu.memref_slice %arg4[%add3A_845, %dma_start3A_848] : memref<425984x32xf32, #tpu.memory_space<hbm>> -> memref<1024x32xf32, #tpu.memory_space<hbm>>
    tpu.enqueue_dma source(%arg6 : memref<1024x32xf32, #tpu.memory_space<vmem>>) target(%dma_start3A_849 : memref<1024x32xf32, #tpu.memory_space<hbm>>) target_semaphore(%arg9 : memref<!tpu.dma_semaphore, #tpu.memory_space<semaphore_mem>>)
    %dma_wait3A_850 = arith.constant 0 : i32
    %dma_wait3A_851 = tpu.memref_slice %arg4[%add3A_675, %dma_wait3A_850] : memref<425984x32xf32, #tpu.memory_space<hbm>> -> memref<1024x32xf32, #tpu.memory_space<hbm>>
    %dma_wait3A_852 = arith.constant 0 : i32
    %dma_wait3A_853 = tpu.memref_slice %arg4[%add3A_675, %dma_wait3A_852] : memref<425984x32xf32, #tpu.memory_space<hbm>> -> memref<1024x32xf32, #tpu.memory_space<hbm>>
    tpu.wait_dma2 semaphore(%arg9 : memref<!tpu.dma_semaphore, #tpu.memory_space<semaphore_mem>>) src(%arg7 : memref<1024x32xf32, #tpu.memory_space<vmem>>) dst(%dma_wait3A_853 : memref<1024x32xf32, #tpu.memory_space<hbm>>)
    %dma_start3A_854 = arith.constant 40 : i32
    %dma_start3A_855 = arith.constant 0 : i32
    %dma_start3A_856 = arith.constant 0 : i32
    %dma_start3A_857 = tpu.memref_slice %arg7[%dma_start3A_855, %dma_start3A_856] : memref<1024x32xf32, #tpu.memory_space<vmem>> -> memref<128x32xf32, #tpu.memory_space<vmem>>
    %dma_start3A_858 = arith.constant 0 : i32
    %dma_start3A_859 = tpu.memref_slice %arg5[%dma_start3A_854, %dma_start3A_858] : memref<104x128xi32, #tpu.memory_space<vmem>> -> memref<1x128xi32, #tpu.memory_space<vmem>>
    %dma_start3A_860 = tpu.memref_squeeze %dma_start3A_859 : memref<1x128xi32, #tpu.memory_space<vmem>> -> memref<128xi32, #tpu.memory_space<vmem>>
    %dma_start3A_861 = arith.constant 0 : i32
    %dma_start3A_862 = arith.constant 0 : i32
    %dma_start3A_863 = tpu.memref_slice %arg3[%dma_start3A_861, %dma_start3A_862] : memref<2600000x32xf32, #tpu.memory_space<hbm>> -> memref<2600000x32xf32, #tpu.memory_space<hbm>>
    tpu.enqueue_indirect_dma source(%dma_start3A_863 : memref<2600000x32xf32, #tpu.memory_space<hbm>>) target(%dma_start3A_857 : memref<128x32xf32, #tpu.memory_space<vmem>>) offsets(%dma_start3A_860 : memref<128xi32, #tpu.memory_space<vmem>>) semaphore(%arg8 : memref<!tpu.dma_semaphore, #tpu.memory_space<semaphore_mem>>)
    %dma_start3A_864 = arith.constant 41 : i32
    %dma_start3A_865 = arith.constant 128 : i32
    %dma_start3A_866 = arith.constant 0 : i32
    %dma_start3A_867 = tpu.memref_slice %arg7[%dma_start3A_865, %dma_start3A_866] : memref<1024x32xf32, #tpu.memory_space<vmem>> -> memref<128x32xf32, #tpu.memory_space<vmem>>
    %dma_start3A_868 = arith.constant 0 : i32
    %dma_start3A_869 = tpu.memref_slice %arg5[%dma_start3A_864, %dma_start3A_868] : memref<104x128xi32, #tpu.memory_space<vmem>> -> memref<1x128xi32, #tpu.memory_space<vmem>>
    %dma_start3A_870 = tpu.memref_squeeze %dma_start3A_869 : memref<1x128xi32, #tpu.memory_space<vmem>> -> memref<128xi32, #tpu.memory_space<vmem>>
    %dma_start3A_871 = arith.constant 0 : i32
    %dma_start3A_872 = arith.constant 0 : i32
    %dma_start3A_873 = tpu.memref_slice %arg3[%dma_start3A_871, %dma_start3A_872] : memref<2600000x32xf32, #tpu.memory_space<hbm>> -> memref<2600000x32xf32, #tpu.memory_space<hbm>>
    tpu.enqueue_indirect_dma source(%dma_start3A_873 : memref<2600000x32xf32, #tpu.memory_space<hbm>>) target(%dma_start3A_867 : memref<128x32xf32, #tpu.memory_space<vmem>>) offsets(%dma_start3A_870 : memref<128xi32, #tpu.memory_space<vmem>>) semaphore(%arg8 : memref<!tpu.dma_semaphore, #tpu.memory_space<semaphore_mem>>)
    %dma_start3A_874 = arith.constant 42 : i32
    %dma_start3A_875 = arith.constant 256 : i32
    %dma_start3A_876 = arith.constant 0 : i32
    %dma_start3A_877 = tpu.memref_slice %arg7[%dma_start3A_875, %dma_start3A_876] : memref<1024x32xf32, #tpu.memory_space<vmem>> -> memref<128x32xf32, #tpu.memory_space<vmem>>
    %dma_start3A_878 = arith.constant 0 : i32
    %dma_start3A_879 = tpu.memref_slice %arg5[%dma_start3A_874, %dma_start3A_878] : memref<104x128xi32, #tpu.memory_space<vmem>> -> memref<1x128xi32, #tpu.memory_space<vmem>>
    %dma_start3A_880 = tpu.memref_squeeze %dma_start3A_879 : memref<1x128xi32, #tpu.memory_space<vmem>> -> memref<128xi32, #tpu.memory_space<vmem>>
    %dma_start3A_881 = arith.constant 0 : i32
    %dma_start3A_882 = arith.constant 0 : i32
    %dma_start3A_883 = tpu.memref_slice %arg3[%dma_start3A_881, %dma_start3A_882] : memref<2600000x32xf32, #tpu.memory_space<hbm>> -> memref<2600000x32xf32, #tpu.memory_space<hbm>>
    tpu.enqueue_indirect_dma source(%dma_start3A_883 : memref<2600000x32xf32, #tpu.memory_space<hbm>>) target(%dma_start3A_877 : memref<128x32xf32, #tpu.memory_space<vmem>>) offsets(%dma_start3A_880 : memref<128xi32, #tpu.memory_space<vmem>>) semaphore(%arg8 : memref<!tpu.dma_semaphore, #tpu.memory_space<semaphore_mem>>)
    %dma_start3A_884 = arith.constant 43 : i32
    %dma_start3A_885 = arith.constant 384 : i32
    %dma_start3A_886 = arith.constant 0 : i32
    %dma_start3A_887 = tpu.memref_slice %arg7[%dma_start3A_885, %dma_start3A_886] : memref<1024x32xf32, #tpu.memory_space<vmem>> -> memref<128x32xf32, #tpu.memory_space<vmem>>
    %dma_start3A_888 = arith.constant 0 : i32
    %dma_start3A_889 = tpu.memref_slice %arg5[%dma_start3A_884, %dma_start3A_888] : memref<104x128xi32, #tpu.memory_space<vmem>> -> memref<1x128xi32, #tpu.memory_space<vmem>>
    %dma_start3A_890 = tpu.memref_squeeze %dma_start3A_889 : memref<1x128xi32, #tpu.memory_space<vmem>> -> memref<128xi32, #tpu.memory_space<vmem>>
    %dma_start3A_891 = arith.constant 0 : i32
    %dma_start3A_892 = arith.constant 0 : i32
    %dma_start3A_893 = tpu.memref_slice %arg3[%dma_start3A_891, %dma_start3A_892] : memref<2600000x32xf32, #tpu.memory_space<hbm>> -> memref<2600000x32xf32, #tpu.memory_space<hbm>>
    tpu.enqueue_indirect_dma source(%dma_start3A_893 : memref<2600000x32xf32, #tpu.memory_space<hbm>>) target(%dma_start3A_887 : memref<128x32xf32, #tpu.memory_space<vmem>>) offsets(%dma_start3A_890 : memref<128xi32, #tpu.memory_space<vmem>>) semaphore(%arg8 : memref<!tpu.dma_semaphore, #tpu.memory_space<semaphore_mem>>)
    %dma_start3A_894 = arith.constant 44 : i32
    %dma_start3A_895 = arith.constant 512 : i32
    %dma_start3A_896 = arith.constant 0 : i32
    %dma_start3A_897 = tpu.memref_slice %arg7[%dma_start3A_895, %dma_start3A_896] : memref<1024x32xf32, #tpu.memory_space<vmem>> -> memref<128x32xf32, #tpu.memory_space<vmem>>
    %dma_start3A_898 = arith.constant 0 : i32
    %dma_start3A_899 = tpu.memref_slice %arg5[%dma_start3A_894, %dma_start3A_898] : memref<104x128xi32, #tpu.memory_space<vmem>> -> memref<1x128xi32, #tpu.memory_space<vmem>>
    %dma_start3A_900 = tpu.memref_squeeze %dma_start3A_899 : memref<1x128xi32, #tpu.memory_space<vmem>> -> memref<128xi32, #tpu.memory_space<vmem>>
    %dma_start3A_901 = arith.constant 0 : i32
    %dma_start3A_902 = arith.constant 0 : i32
    %dma_start3A_903 = tpu.memref_slice %arg3[%dma_start3A_901, %dma_start3A_902] : memref<2600000x32xf32, #tpu.memory_space<hbm>> -> memref<2600000x32xf32, #tpu.memory_space<hbm>>
    tpu.enqueue_indirect_dma source(%dma_start3A_903 : memref<2600000x32xf32, #tpu.memory_space<hbm>>) target(%dma_start3A_897 : memref<128x32xf32, #tpu.memory_space<vmem>>) offsets(%dma_start3A_900 : memref<128xi32, #tpu.memory_space<vmem>>) semaphore(%arg8 : memref<!tpu.dma_semaphore, #tpu.memory_space<semaphore_mem>>)
    %dma_start3A_904 = arith.constant 45 : i32
    %dma_start3A_905 = arith.constant 640 : i32
    %dma_start3A_906 = arith.constant 0 : i32
    %dma_start3A_907 = tpu.memref_slice %arg7[%dma_start3A_905, %dma_start3A_906] : memref<1024x32xf32, #tpu.memory_space<vmem>> -> memref<128x32xf32, #tpu.memory_space<vmem>>
    %dma_start3A_908 = arith.constant 0 : i32
    %dma_start3A_909 = tpu.memref_slice %arg5[%dma_start3A_904, %dma_start3A_908] : memref<104x128xi32, #tpu.memory_space<vmem>> -> memref<1x128xi32, #tpu.memory_space<vmem>>
    %dma_start3A_910 = tpu.memref_squeeze %dma_start3A_909 : memref<1x128xi32, #tpu.memory_space<vmem>> -> memref<128xi32, #tpu.memory_space<vmem>>
    %dma_start3A_911 = arith.constant 0 : i32
    %dma_start3A_912 = arith.constant 0 : i32
    %dma_start3A_913 = tpu.memref_slice %arg3[%dma_start3A_911, %dma_start3A_912] : memref<2600000x32xf32, #tpu.memory_space<hbm>> -> memref<2600000x32xf32, #tpu.memory_space<hbm>>
    tpu.enqueue_indirect_dma source(%dma_start3A_913 : memref<2600000x32xf32, #tpu.memory_space<hbm>>) target(%dma_start3A_907 : memref<128x32xf32, #tpu.memory_space<vmem>>) offsets(%dma_start3A_910 : memref<128xi32, #tpu.memory_space<vmem>>) semaphore(%arg8 : memref<!tpu.dma_semaphore, #tpu.memory_space<semaphore_mem>>)
    %dma_start3A_914 = arith.constant 46 : i32
    %dma_start3A_915 = arith.constant 768 : i32
    %dma_start3A_916 = arith.constant 0 : i32
    %dma_start3A_917 = tpu.memref_slice %arg7[%dma_start3A_915, %dma_start3A_916] : memref<1024x32xf32, #tpu.memory_space<vmem>> -> memref<128x32xf32, #tpu.memory_space<vmem>>
    %dma_start3A_918 = arith.constant 0 : i32
    %dma_start3A_919 = tpu.memref_slice %arg5[%dma_start3A_914, %dma_start3A_918] : memref<104x128xi32, #tpu.memory_space<vmem>> -> memref<1x128xi32, #tpu.memory_space<vmem>>
    %dma_start3A_920 = tpu.memref_squeeze %dma_start3A_919 : memref<1x128xi32, #tpu.memory_space<vmem>> -> memref<128xi32, #tpu.memory_space<vmem>>
    %dma_start3A_921 = arith.constant 0 : i32
    %dma_start3A_922 = arith.constant 0 : i32
    %dma_start3A_923 = tpu.memref_slice %arg3[%dma_start3A_921, %dma_start3A_922] : memref<2600000x32xf32, #tpu.memory_space<hbm>> -> memref<2600000x32xf32, #tpu.memory_space<hbm>>
    tpu.enqueue_indirect_dma source(%dma_start3A_923 : memref<2600000x32xf32, #tpu.memory_space<hbm>>) target(%dma_start3A_917 : memref<128x32xf32, #tpu.memory_space<vmem>>) offsets(%dma_start3A_920 : memref<128xi32, #tpu.memory_space<vmem>>) semaphore(%arg8 : memref<!tpu.dma_semaphore, #tpu.memory_space<semaphore_mem>>)
    %dma_start3A_924 = arith.constant 47 : i32
    %dma_start3A_925 = arith.constant 896 : i32
    %dma_start3A_926 = arith.constant 0 : i32
    %dma_start3A_927 = tpu.memref_slice %arg7[%dma_start3A_925, %dma_start3A_926] : memref<1024x32xf32, #tpu.memory_space<vmem>> -> memref<128x32xf32, #tpu.memory_space<vmem>>
    %dma_start3A_928 = arith.constant 0 : i32
    %dma_start3A_929 = tpu.memref_slice %arg5[%dma_start3A_924, %dma_start3A_928] : memref<104x128xi32, #tpu.memory_space<vmem>> -> memref<1x128xi32, #tpu.memory_space<vmem>>
    %dma_start3A_930 = tpu.memref_squeeze %dma_start3A_929 : memref<1x128xi32, #tpu.memory_space<vmem>> -> memref<128xi32, #tpu.memory_space<vmem>>
    %dma_start3A_931 = arith.constant 0 : i32
    %dma_start3A_932 = arith.constant 0 : i32
    %dma_start3A_933 = tpu.memref_slice %arg3[%dma_start3A_931, %dma_start3A_932] : memref<2600000x32xf32, #tpu.memory_space<hbm>> -> memref<2600000x32xf32, #tpu.memory_space<hbm>>
    tpu.enqueue_indirect_dma source(%dma_start3A_933 : memref<2600000x32xf32, #tpu.memory_space<hbm>>) target(%dma_start3A_927 : memref<128x32xf32, #tpu.memory_space<vmem>>) offsets(%dma_start3A_930 : memref<128xi32, #tpu.memory_space<vmem>>) semaphore(%arg8 : memref<!tpu.dma_semaphore, #tpu.memory_space<semaphore_mem>>)
    %dma_wait3A_934 = arith.constant 40 : i32
    %dma_wait3A_935 = arith.constant 0 : i32
    %dma_wait3A_936 = arith.constant 0 : i32
    %dma_wait3A_937 = tpu.memref_slice %arg7[%dma_wait3A_935, %dma_wait3A_936] : memref<1024x32xf32, #tpu.memory_space<vmem>> -> memref<128x32xf32, #tpu.memory_space<vmem>>
    %dma_wait3A_938 = arith.constant 0 : i32
    %dma_wait3A_939 = tpu.memref_slice %arg5[%dma_wait3A_934, %dma_wait3A_938] : memref<104x128xi32, #tpu.memory_space<vmem>> -> memref<1x128xi32, #tpu.memory_space<vmem>>
    %dma_wait3A_940 = tpu.memref_squeeze %dma_wait3A_939 : memref<1x128xi32, #tpu.memory_space<vmem>> -> memref<128xi32, #tpu.memory_space<vmem>>
    %dma_wait3A_941 = arith.constant 0 : i32
    %dma_wait3A_942 = arith.constant 0 : i32
    %dma_wait3A_943 = tpu.memref_slice %arg3[%dma_wait3A_941, %dma_wait3A_942] : memref<2600000x32xf32, #tpu.memory_space<hbm>> -> memref<2600000x32xf32, #tpu.memory_space<hbm>>
    tpu.wait_indirect_dma semaphore(%arg8 : memref<!tpu.dma_semaphore, #tpu.memory_space<semaphore_mem>>) src(%dma_wait3A_943 : memref<2600000x32xf32, #tpu.memory_space<hbm>>) dst(%dma_wait3A_937 : memref<128x32xf32, #tpu.memory_space<vmem>>)
    %dma_wait3A_944 = arith.constant 41 : i32
    %dma_wait3A_945 = arith.constant 128 : i32
    %dma_wait3A_946 = arith.constant 0 : i32
    %dma_wait3A_947 = tpu.memref_slice %arg7[%dma_wait3A_945, %dma_wait3A_946] : memref<1024x32xf32, #tpu.memory_space<vmem>> -> memref<128x32xf32, #tpu.memory_space<vmem>>
    %dma_wait3A_948 = arith.constant 0 : i32
    %dma_wait3A_949 = tpu.memref_slice %arg5[%dma_wait3A_944, %dma_wait3A_948] : memref<104x128xi32, #tpu.memory_space<vmem>> -> memref<1x128xi32, #tpu.memory_space<vmem>>
    %dma_wait3A_950 = tpu.memref_squeeze %dma_wait3A_949 : memref<1x128xi32, #tpu.memory_space<vmem>> -> memref<128xi32, #tpu.memory_space<vmem>>
    %dma_wait3A_951 = arith.constant 0 : i32
    %dma_wait3A_952 = arith.constant 0 : i32
    %dma_wait3A_953 = tpu.memref_slice %arg3[%dma_wait3A_951, %dma_wait3A_952] : memref<2600000x32xf32, #tpu.memory_space<hbm>> -> memref<2600000x32xf32, #tpu.memory_space<hbm>>
    tpu.wait_indirect_dma semaphore(%arg8 : memref<!tpu.dma_semaphore, #tpu.memory_space<semaphore_mem>>) src(%dma_wait3A_953 : memref<2600000x32xf32, #tpu.memory_space<hbm>>) dst(%dma_wait3A_947 : memref<128x32xf32, #tpu.memory_space<vmem>>)
    %dma_wait3A_954 = arith.constant 42 : i32
    %dma_wait3A_955 = arith.constant 256 : i32
    %dma_wait3A_956 = arith.constant 0 : i32
    %dma_wait3A_957 = tpu.memref_slice %arg7[%dma_wait3A_955, %dma_wait3A_956] : memref<1024x32xf32, #tpu.memory_space<vmem>> -> memref<128x32xf32, #tpu.memory_space<vmem>>
    %dma_wait3A_958 = arith.constant 0 : i32
    %dma_wait3A_959 = tpu.memref_slice %arg5[%dma_wait3A_954, %dma_wait3A_958] : memref<104x128xi32, #tpu.memory_space<vmem>> -> memref<1x128xi32, #tpu.memory_space<vmem>>
    %dma_wait3A_960 = tpu.memref_squeeze %dma_wait3A_959 : memref<1x128xi32, #tpu.memory_space<vmem>> -> memref<128xi32, #tpu.memory_space<vmem>>
    %dma_wait3A_961 = arith.constant 0 : i32
    %dma_wait3A_962 = arith.constant 0 : i32
    %dma_wait3A_963 = tpu.memref_slice %arg3[%dma_wait3A_961, %dma_wait3A_962] : memref<2600000x32xf32, #tpu.memory_space<hbm>> -> memref<2600000x32xf32, #tpu.memory_space<hbm>>
    tpu.wait_indirect_dma semaphore(%arg8 : memref<!tpu.dma_semaphore, #tpu.memory_space<semaphore_mem>>) src(%dma_wait3A_963 : memref<2600000x32xf32, #tpu.memory_space<hbm>>) dst(%dma_wait3A_957 : memref<128x32xf32, #tpu.memory_space<vmem>>)
    %dma_wait3A_964 = arith.constant 43 : i32
    %dma_wait3A_965 = arith.constant 384 : i32
    %dma_wait3A_966 = arith.constant 0 : i32
    %dma_wait3A_967 = tpu.memref_slice %arg7[%dma_wait3A_965, %dma_wait3A_966] : memref<1024x32xf32, #tpu.memory_space<vmem>> -> memref<128x32xf32, #tpu.memory_space<vmem>>
    %dma_wait3A_968 = arith.constant 0 : i32
    %dma_wait3A_969 = tpu.memref_slice %arg5[%dma_wait3A_964, %dma_wait3A_968] : memref<104x128xi32, #tpu.memory_space<vmem>> -> memref<1x128xi32, #tpu.memory_space<vmem>>
    %dma_wait3A_970 = tpu.memref_squeeze %dma_wait3A_969 : memref<1x128xi32, #tpu.memory_space<vmem>> -> memref<128xi32, #tpu.memory_space<vmem>>
    %dma_wait3A_971 = arith.constant 0 : i32
    %dma_wait3A_972 = arith.constant 0 : i32
    %dma_wait3A_973 = tpu.memref_slice %arg3[%dma_wait3A_971, %dma_wait3A_972] : memref<2600000x32xf32, #tpu.memory_space<hbm>> -> memref<2600000x32xf32, #tpu.memory_space<hbm>>
    tpu.wait_indirect_dma semaphore(%arg8 : memref<!tpu.dma_semaphore, #tpu.memory_space<semaphore_mem>>) src(%dma_wait3A_973 : memref<2600000x32xf32, #tpu.memory_space<hbm>>) dst(%dma_wait3A_967 : memref<128x32xf32, #tpu.memory_space<vmem>>)
    %dma_wait3A_974 = arith.constant 44 : i32
    %dma_wait3A_975 = arith.constant 512 : i32
    %dma_wait3A_976 = arith.constant 0 : i32
    %dma_wait3A_977 = tpu.memref_slice %arg7[%dma_wait3A_975, %dma_wait3A_976] : memref<1024x32xf32, #tpu.memory_space<vmem>> -> memref<128x32xf32, #tpu.memory_space<vmem>>
    %dma_wait3A_978 = arith.constant 0 : i32
    %dma_wait3A_979 = tpu.memref_slice %arg5[%dma_wait3A_974, %dma_wait3A_978] : memref<104x128xi32, #tpu.memory_space<vmem>> -> memref<1x128xi32, #tpu.memory_space<vmem>>
    %dma_wait3A_980 = tpu.memref_squeeze %dma_wait3A_979 : memref<1x128xi32, #tpu.memory_space<vmem>> -> memref<128xi32, #tpu.memory_space<vmem>>
    %dma_wait3A_981 = arith.constant 0 : i32
    %dma_wait3A_982 = arith.constant 0 : i32
    %dma_wait3A_983 = tpu.memref_slice %arg3[%dma_wait3A_981, %dma_wait3A_982] : memref<2600000x32xf32, #tpu.memory_space<hbm>> -> memref<2600000x32xf32, #tpu.memory_space<hbm>>
    tpu.wait_indirect_dma semaphore(%arg8 : memref<!tpu.dma_semaphore, #tpu.memory_space<semaphore_mem>>) src(%dma_wait3A_983 : memref<2600000x32xf32, #tpu.memory_space<hbm>>) dst(%dma_wait3A_977 : memref<128x32xf32, #tpu.memory_space<vmem>>)
    %dma_wait3A_984 = arith.constant 45 : i32
    %dma_wait3A_985 = arith.constant 640 : i32
    %dma_wait3A_986 = arith.constant 0 : i32
    %dma_wait3A_987 = tpu.memref_slice %arg7[%dma_wait3A_985, %dma_wait3A_986] : memref<1024x32xf32, #tpu.memory_space<vmem>> -> memref<128x32xf32, #tpu.memory_space<vmem>>
    %dma_wait3A_988 = arith.constant 0 : i32
    %dma_wait3A_989 = tpu.memref_slice %arg5[%dma_wait3A_984, %dma_wait3A_988] : memref<104x128xi32, #tpu.memory_space<vmem>> -> memref<1x128xi32, #tpu.memory_space<vmem>>
    %dma_wait3A_990 = tpu.memref_squeeze %dma_wait3A_989 : memref<1x128xi32, #tpu.memory_space<vmem>> -> memref<128xi32, #tpu.memory_space<vmem>>
    %dma_wait3A_991 = arith.constant 0 : i32
    %dma_wait3A_992 = arith.constant 0 : i32
    %dma_wait3A_993 = tpu.memref_slice %arg3[%dma_wait3A_991, %dma_wait3A_992] : memref<2600000x32xf32, #tpu.memory_space<hbm>> -> memref<2600000x32xf32, #tpu.memory_space<hbm>>
    tpu.wait_indirect_dma semaphore(%arg8 : memref<!tpu.dma_semaphore, #tpu.memory_space<semaphore_mem>>) src(%dma_wait3A_993 : memref<2600000x32xf32, #tpu.memory_space<hbm>>) dst(%dma_wait3A_987 : memref<128x32xf32, #tpu.memory_space<vmem>>)
    %dma_wait3A_994 = arith.constant 46 : i32
    %dma_wait3A_995 = arith.constant 768 : i32
    %dma_wait3A_996 = arith.constant 0 : i32
    %dma_wait3A_997 = tpu.memref_slice %arg7[%dma_wait3A_995, %dma_wait3A_996] : memref<1024x32xf32, #tpu.memory_space<vmem>> -> memref<128x32xf32, #tpu.memory_space<vmem>>
    %dma_wait3A_998 = arith.constant 0 : i32
    %dma_wait3A_999 = tpu.memref_slice %arg5[%dma_wait3A_994, %dma_wait3A_998] : memref<104x128xi32, #tpu.memory_space<vmem>> -> memref<1x128xi32, #tpu.memory_space<vmem>>
    %dma_wait3A_1000 = tpu.memref_squeeze %dma_wait3A_999 : memref<1x128xi32, #tpu.memory_space<vmem>> -> memref<128xi32, #tpu.memory_space<vmem>>
    %dma_wait3A_1001 = arith.constant 0 : i32
    %dma_wait3A_1002 = arith.constant 0 : i32
    %dma_wait3A_1003 = tpu.memref_slice %arg3[%dma_wait3A_1001, %dma_wait3A_1002] : memref<2600000x32xf32, #tpu.memory_space<hbm>> -> memref<2600000x32xf32, #tpu.memory_space<hbm>>
    tpu.wait_indirect_dma semaphore(%arg8 : memref<!tpu.dma_semaphore, #tpu.memory_space<semaphore_mem>>) src(%dma_wait3A_1003 : memref<2600000x32xf32, #tpu.memory_space<hbm>>) dst(%dma_wait3A_997 : memref<128x32xf32, #tpu.memory_space<vmem>>)
    %dma_wait3A_1004 = arith.constant 47 : i32
    %dma_wait3A_1005 = arith.constant 896 : i32
    %dma_wait3A_1006 = arith.constant 0 : i32
    %dma_wait3A_1007 = tpu.memref_slice %arg7[%dma_wait3A_1005, %dma_wait3A_1006] : memref<1024x32xf32, #tpu.memory_space<vmem>> -> memref<128x32xf32, #tpu.memory_space<vmem>>
    %dma_wait3A_1008 = arith.constant 0 : i32
    %dma_wait3A_1009 = tpu.memref_slice %arg5[%dma_wait3A_1004, %dma_wait3A_1008] : memref<104x128xi32, #tpu.memory_space<vmem>> -> memref<1x128xi32, #tpu.memory_space<vmem>>
    %dma_wait3A_1010 = tpu.memref_squeeze %dma_wait3A_1009 : memref<1x128xi32, #tpu.memory_space<vmem>> -> memref<128xi32, #tpu.memory_space<vmem>>
    %dma_wait3A_1011 = arith.constant 0 : i32
    %dma_wait3A_1012 = arith.constant 0 : i32
    %dma_wait3A_1013 = tpu.memref_slice %arg3[%dma_wait3A_1011, %dma_wait3A_1012] : memref<2600000x32xf32, #tpu.memory_space<hbm>> -> memref<2600000x32xf32, #tpu.memory_space<hbm>>
    tpu.wait_indirect_dma semaphore(%arg8 : memref<!tpu.dma_semaphore, #tpu.memory_space<semaphore_mem>>) src(%dma_wait3A_1013 : memref<2600000x32xf32, #tpu.memory_space<hbm>>) dst(%dma_wait3A_1007 : memref<128x32xf32, #tpu.memory_space<vmem>>)
    %add3A_1014 = arith.constant 5120 : i32
    %add3A_1015 = arith.addi %mul3A_4, %add3A_1014 : i32
    %dma_start3A_1016 = arith.constant 0 : i32
    %dma_start3A_1017 = tpu.memref_slice %arg4[%add3A_1015, %dma_start3A_1016] : memref<425984x32xf32, #tpu.memory_space<hbm>> -> memref<1024x32xf32, #tpu.memory_space<hbm>>
    %dma_start3A_1018 = arith.constant 0 : i32
    %dma_start3A_1019 = tpu.memref_slice %arg4[%add3A_1015, %dma_start3A_1018] : memref<425984x32xf32, #tpu.memory_space<hbm>> -> memref<1024x32xf32, #tpu.memory_space<hbm>>
    tpu.enqueue_dma source(%arg7 : memref<1024x32xf32, #tpu.memory_space<vmem>>) target(%dma_start3A_1019 : memref<1024x32xf32, #tpu.memory_space<hbm>>) target_semaphore(%arg9 : memref<!tpu.dma_semaphore, #tpu.memory_space<semaphore_mem>>)
    %dma_wait3A_1020 = arith.constant 0 : i32
    %dma_wait3A_1021 = tpu.memref_slice %arg4[%add3A_845, %dma_wait3A_1020] : memref<425984x32xf32, #tpu.memory_space<hbm>> -> memref<1024x32xf32, #tpu.memory_space<hbm>>
    %dma_wait3A_1022 = arith.constant 0 : i32
    %dma_wait3A_1023 = tpu.memref_slice %arg4[%add3A_845, %dma_wait3A_1022] : memref<425984x32xf32, #tpu.memory_space<hbm>> -> memref<1024x32xf32, #tpu.memory_space<hbm>>
    tpu.wait_dma2 semaphore(%arg9 : memref<!tpu.dma_semaphore, #tpu.memory_space<semaphore_mem>>) src(%arg6 : memref<1024x32xf32, #tpu.memory_space<vmem>>) dst(%dma_wait3A_1023 : memref<1024x32xf32, #tpu.memory_space<hbm>>)
    %dma_start3A_1024 = arith.constant 48 : i32
    %dma_start3A_1025 = arith.constant 0 : i32
    %dma_start3A_1026 = arith.constant 0 : i32
    %dma_start3A_1027 = tpu.memref_slice %arg6[%dma_start3A_1025, %dma_start3A_1026] : memref<1024x32xf32, #tpu.memory_space<vmem>> -> memref<128x32xf32, #tpu.memory_space<vmem>>
    %dma_start3A_1028 = arith.constant 0 : i32
    %dma_start3A_1029 = tpu.memref_slice %arg5[%dma_start3A_1024, %dma_start3A_1028] : memref<104x128xi32, #tpu.memory_space<vmem>> -> memref<1x128xi32, #tpu.memory_space<vmem>>
    %dma_start3A_1030 = tpu.memref_squeeze %dma_start3A_1029 : memref<1x128xi32, #tpu.memory_space<vmem>> -> memref<128xi32, #tpu.memory_space<vmem>>
    %dma_start3A_1031 = arith.constant 0 : i32
    %dma_start3A_1032 = arith.constant 0 : i32
    %dma_start3A_1033 = tpu.memref_slice %arg3[%dma_start3A_1031, %dma_start3A_1032] : memref<2600000x32xf32, #tpu.memory_space<hbm>> -> memref<2600000x32xf32, #tpu.memory_space<hbm>>
    tpu.enqueue_indirect_dma source(%dma_start3A_1033 : memref<2600000x32xf32, #tpu.memory_space<hbm>>) target(%dma_start3A_1027 : memref<128x32xf32, #tpu.memory_space<vmem>>) offsets(%dma_start3A_1030 : memref<128xi32, #tpu.memory_space<vmem>>) semaphore(%arg8 : memref<!tpu.dma_semaphore, #tpu.memory_space<semaphore_mem>>)
    %dma_start3A_1034 = arith.constant 49 : i32
    %dma_start3A_1035 = arith.constant 128 : i32
    %dma_start3A_1036 = arith.constant 0 : i32
    %dma_start3A_1037 = tpu.memref_slice %arg6[%dma_start3A_1035, %dma_start3A_1036] : memref<1024x32xf32, #tpu.memory_space<vmem>> -> memref<128x32xf32, #tpu.memory_space<vmem>>
    %dma_start3A_1038 = arith.constant 0 : i32
    %dma_start3A_1039 = tpu.memref_slice %arg5[%dma_start3A_1034, %dma_start3A_1038] : memref<104x128xi32, #tpu.memory_space<vmem>> -> memref<1x128xi32, #tpu.memory_space<vmem>>
    %dma_start3A_1040 = tpu.memref_squeeze %dma_start3A_1039 : memref<1x128xi32, #tpu.memory_space<vmem>> -> memref<128xi32, #tpu.memory_space<vmem>>
    %dma_start3A_1041 = arith.constant 0 : i32
    %dma_start3A_1042 = arith.constant 0 : i32
    %dma_start3A_1043 = tpu.memref_slice %arg3[%dma_start3A_1041, %dma_start3A_1042] : memref<2600000x32xf32, #tpu.memory_space<hbm>> -> memref<2600000x32xf32, #tpu.memory_space<hbm>>
    tpu.enqueue_indirect_dma source(%dma_start3A_1043 : memref<2600000x32xf32, #tpu.memory_space<hbm>>) target(%dma_start3A_1037 : memref<128x32xf32, #tpu.memory_space<vmem>>) offsets(%dma_start3A_1040 : memref<128xi32, #tpu.memory_space<vmem>>) semaphore(%arg8 : memref<!tpu.dma_semaphore, #tpu.memory_space<semaphore_mem>>)
    %dma_start3A_1044 = arith.constant 50 : i32
    %dma_start3A_1045 = arith.constant 256 : i32
    %dma_start3A_1046 = arith.constant 0 : i32
    %dma_start3A_1047 = tpu.memref_slice %arg6[%dma_start3A_1045, %dma_start3A_1046] : memref<1024x32xf32, #tpu.memory_space<vmem>> -> memref<128x32xf32, #tpu.memory_space<vmem>>
    %dma_start3A_1048 = arith.constant 0 : i32
    %dma_start3A_1049 = tpu.memref_slice %arg5[%dma_start3A_1044, %dma_start3A_1048] : memref<104x128xi32, #tpu.memory_space<vmem>> -> memref<1x128xi32, #tpu.memory_space<vmem>>
    %dma_start3A_1050 = tpu.memref_squeeze %dma_start3A_1049 : memref<1x128xi32, #tpu.memory_space<vmem>> -> memref<128xi32, #tpu.memory_space<vmem>>
    %dma_start3A_1051 = arith.constant 0 : i32
    %dma_start3A_1052 = arith.constant 0 : i32
    %dma_start3A_1053 = tpu.memref_slice %arg3[%dma_start3A_1051, %dma_start3A_1052] : memref<2600000x32xf32, #tpu.memory_space<hbm>> -> memref<2600000x32xf32, #tpu.memory_space<hbm>>
    tpu.enqueue_indirect_dma source(%dma_start3A_1053 : memref<2600000x32xf32, #tpu.memory_space<hbm>>) target(%dma_start3A_1047 : memref<128x32xf32, #tpu.memory_space<vmem>>) offsets(%dma_start3A_1050 : memref<128xi32, #tpu.memory_space<vmem>>) semaphore(%arg8 : memref<!tpu.dma_semaphore, #tpu.memory_space<semaphore_mem>>)
    %dma_start3A_1054 = arith.constant 51 : i32
    %dma_start3A_1055 = arith.constant 384 : i32
    %dma_start3A_1056 = arith.constant 0 : i32
    %dma_start3A_1057 = tpu.memref_slice %arg6[%dma_start3A_1055, %dma_start3A_1056] : memref<1024x32xf32, #tpu.memory_space<vmem>> -> memref<128x32xf32, #tpu.memory_space<vmem>>
    %dma_start3A_1058 = arith.constant 0 : i32
    %dma_start3A_1059 = tpu.memref_slice %arg5[%dma_start3A_1054, %dma_start3A_1058] : memref<104x128xi32, #tpu.memory_space<vmem>> -> memref<1x128xi32, #tpu.memory_space<vmem>>
    %dma_start3A_1060 = tpu.memref_squeeze %dma_start3A_1059 : memref<1x128xi32, #tpu.memory_space<vmem>> -> memref<128xi32, #tpu.memory_space<vmem>>
    %dma_start3A_1061 = arith.constant 0 : i32
    %dma_start3A_1062 = arith.constant 0 : i32
    %dma_start3A_1063 = tpu.memref_slice %arg3[%dma_start3A_1061, %dma_start3A_1062] : memref<2600000x32xf32, #tpu.memory_space<hbm>> -> memref<2600000x32xf32, #tpu.memory_space<hbm>>
    tpu.enqueue_indirect_dma source(%dma_start3A_1063 : memref<2600000x32xf32, #tpu.memory_space<hbm>>) target(%dma_start3A_1057 : memref<128x32xf32, #tpu.memory_space<vmem>>) offsets(%dma_start3A_1060 : memref<128xi32, #tpu.memory_space<vmem>>) semaphore(%arg8 : memref<!tpu.dma_semaphore, #tpu.memory_space<semaphore_mem>>)
    %dma_start3A_1064 = arith.constant 52 : i32
    %dma_start3A_1065 = arith.constant 512 : i32
    %dma_start3A_1066 = arith.constant 0 : i32
    %dma_start3A_1067 = tpu.memref_slice %arg6[%dma_start3A_1065, %dma_start3A_1066] : memref<1024x32xf32, #tpu.memory_space<vmem>> -> memref<128x32xf32, #tpu.memory_space<vmem>>
    %dma_start3A_1068 = arith.constant 0 : i32
    %dma_start3A_1069 = tpu.memref_slice %arg5[%dma_start3A_1064, %dma_start3A_1068] : memref<104x128xi32, #tpu.memory_space<vmem>> -> memref<1x128xi32, #tpu.memory_space<vmem>>
    %dma_start3A_1070 = tpu.memref_squeeze %dma_start3A_1069 : memref<1x128xi32, #tpu.memory_space<vmem>> -> memref<128xi32, #tpu.memory_space<vmem>>
    %dma_start3A_1071 = arith.constant 0 : i32
    %dma_start3A_1072 = arith.constant 0 : i32
    %dma_start3A_1073 = tpu.memref_slice %arg3[%dma_start3A_1071, %dma_start3A_1072] : memref<2600000x32xf32, #tpu.memory_space<hbm>> -> memref<2600000x32xf32, #tpu.memory_space<hbm>>
    tpu.enqueue_indirect_dma source(%dma_start3A_1073 : memref<2600000x32xf32, #tpu.memory_space<hbm>>) target(%dma_start3A_1067 : memref<128x32xf32, #tpu.memory_space<vmem>>) offsets(%dma_start3A_1070 : memref<128xi32, #tpu.memory_space<vmem>>) semaphore(%arg8 : memref<!tpu.dma_semaphore, #tpu.memory_space<semaphore_mem>>)
    %dma_start3A_1074 = arith.constant 53 : i32
    %dma_start3A_1075 = arith.constant 640 : i32
    %dma_start3A_1076 = arith.constant 0 : i32
    %dma_start3A_1077 = tpu.memref_slice %arg6[%dma_start3A_1075, %dma_start3A_1076] : memref<1024x32xf32, #tpu.memory_space<vmem>> -> memref<128x32xf32, #tpu.memory_space<vmem>>
    %dma_start3A_1078 = arith.constant 0 : i32
    %dma_start3A_1079 = tpu.memref_slice %arg5[%dma_start3A_1074, %dma_start3A_1078] : memref<104x128xi32, #tpu.memory_space<vmem>> -> memref<1x128xi32, #tpu.memory_space<vmem>>
    %dma_start3A_1080 = tpu.memref_squeeze %dma_start3A_1079 : memref<1x128xi32, #tpu.memory_space<vmem>> -> memref<128xi32, #tpu.memory_space<vmem>>
    %dma_start3A_1081 = arith.constant 0 : i32
    %dma_start3A_1082 = arith.constant 0 : i32
    %dma_start3A_1083 = tpu.memref_slice %arg3[%dma_start3A_1081, %dma_start3A_1082] : memref<2600000x32xf32, #tpu.memory_space<hbm>> -> memref<2600000x32xf32, #tpu.memory_space<hbm>>
    tpu.enqueue_indirect_dma source(%dma_start3A_1083 : memref<2600000x32xf32, #tpu.memory_space<hbm>>) target(%dma_start3A_1077 : memref<128x32xf32, #tpu.memory_space<vmem>>) offsets(%dma_start3A_1080 : memref<128xi32, #tpu.memory_space<vmem>>) semaphore(%arg8 : memref<!tpu.dma_semaphore, #tpu.memory_space<semaphore_mem>>)
    %dma_start3A_1084 = arith.constant 54 : i32
    %dma_start3A_1085 = arith.constant 768 : i32
    %dma_start3A_1086 = arith.constant 0 : i32
    %dma_start3A_1087 = tpu.memref_slice %arg6[%dma_start3A_1085, %dma_start3A_1086] : memref<1024x32xf32, #tpu.memory_space<vmem>> -> memref<128x32xf32, #tpu.memory_space<vmem>>
    %dma_start3A_1088 = arith.constant 0 : i32
    %dma_start3A_1089 = tpu.memref_slice %arg5[%dma_start3A_1084, %dma_start3A_1088] : memref<104x128xi32, #tpu.memory_space<vmem>> -> memref<1x128xi32, #tpu.memory_space<vmem>>
    %dma_start3A_1090 = tpu.memref_squeeze %dma_start3A_1089 : memref<1x128xi32, #tpu.memory_space<vmem>> -> memref<128xi32, #tpu.memory_space<vmem>>
    %dma_start3A_1091 = arith.constant 0 : i32
    %dma_start3A_1092 = arith.constant 0 : i32
    %dma_start3A_1093 = tpu.memref_slice %arg3[%dma_start3A_1091, %dma_start3A_1092] : memref<2600000x32xf32, #tpu.memory_space<hbm>> -> memref<2600000x32xf32, #tpu.memory_space<hbm>>
    tpu.enqueue_indirect_dma source(%dma_start3A_1093 : memref<2600000x32xf32, #tpu.memory_space<hbm>>) target(%dma_start3A_1087 : memref<128x32xf32, #tpu.memory_space<vmem>>) offsets(%dma_start3A_1090 : memref<128xi32, #tpu.memory_space<vmem>>) semaphore(%arg8 : memref<!tpu.dma_semaphore, #tpu.memory_space<semaphore_mem>>)
    %dma_start3A_1094 = arith.constant 55 : i32
    %dma_start3A_1095 = arith.constant 896 : i32
    %dma_start3A_1096 = arith.constant 0 : i32
    %dma_start3A_1097 = tpu.memref_slice %arg6[%dma_start3A_1095, %dma_start3A_1096] : memref<1024x32xf32, #tpu.memory_space<vmem>> -> memref<128x32xf32, #tpu.memory_space<vmem>>
    %dma_start3A_1098 = arith.constant 0 : i32
    %dma_start3A_1099 = tpu.memref_slice %arg5[%dma_start3A_1094, %dma_start3A_1098] : memref<104x128xi32, #tpu.memory_space<vmem>> -> memref<1x128xi32, #tpu.memory_space<vmem>>
    %dma_start3A_1100 = tpu.memref_squeeze %dma_start3A_1099 : memref<1x128xi32, #tpu.memory_space<vmem>> -> memref<128xi32, #tpu.memory_space<vmem>>
    %dma_start3A_1101 = arith.constant 0 : i32
    %dma_start3A_1102 = arith.constant 0 : i32
    %dma_start3A_1103 = tpu.memref_slice %arg3[%dma_start3A_1101, %dma_start3A_1102] : memref<2600000x32xf32, #tpu.memory_space<hbm>> -> memref<2600000x32xf32, #tpu.memory_space<hbm>>
    tpu.enqueue_indirect_dma source(%dma_start3A_1103 : memref<2600000x32xf32, #tpu.memory_space<hbm>>) target(%dma_start3A_1097 : memref<128x32xf32, #tpu.memory_space<vmem>>) offsets(%dma_start3A_1100 : memref<128xi32, #tpu.memory_space<vmem>>) semaphore(%arg8 : memref<!tpu.dma_semaphore, #tpu.memory_space<semaphore_mem>>)
    %dma_wait3A_1104 = arith.constant 48 : i32
    %dma_wait3A_1105 = arith.constant 0 : i32
    %dma_wait3A_1106 = arith.constant 0 : i32
    %dma_wait3A_1107 = tpu.memref_slice %arg6[%dma_wait3A_1105, %dma_wait3A_1106] : memref<1024x32xf32, #tpu.memory_space<vmem>> -> memref<128x32xf32, #tpu.memory_space<vmem>>
    %dma_wait3A_1108 = arith.constant 0 : i32
    %dma_wait3A_1109 = tpu.memref_slice %arg5[%dma_wait3A_1104, %dma_wait3A_1108] : memref<104x128xi32, #tpu.memory_space<vmem>> -> memref<1x128xi32, #tpu.memory_space<vmem>>
    %dma_wait3A_1110 = tpu.memref_squeeze %dma_wait3A_1109 : memref<1x128xi32, #tpu.memory_space<vmem>> -> memref<128xi32, #tpu.memory_space<vmem>>
    %dma_wait3A_1111 = arith.constant 0 : i32
    %dma_wait3A_1112 = arith.constant 0 : i32
    %dma_wait3A_1113 = tpu.memref_slice %arg3[%dma_wait3A_1111, %dma_wait3A_1112] : memref<2600000x32xf32, #tpu.memory_space<hbm>> -> memref<2600000x32xf32, #tpu.memory_space<hbm>>
    tpu.wait_indirect_dma semaphore(%arg8 : memref<!tpu.dma_semaphore, #tpu.memory_space<semaphore_mem>>) src(%dma_wait3A_1113 : memref<2600000x32xf32, #tpu.memory_space<hbm>>) dst(%dma_wait3A_1107 : memref<128x32xf32, #tpu.memory_space<vmem>>)
    %dma_wait3A_1114 = arith.constant 49 : i32
    %dma_wait3A_1115 = arith.constant 128 : i32
    %dma_wait3A_1116 = arith.constant 0 : i32
    %dma_wait3A_1117 = tpu.memref_slice %arg6[%dma_wait3A_1115, %dma_wait3A_1116] : memref<1024x32xf32, #tpu.memory_space<vmem>> -> memref<128x32xf32, #tpu.memory_space<vmem>>
    %dma_wait3A_1118 = arith.constant 0 : i32
    %dma_wait3A_1119 = tpu.memref_slice %arg5[%dma_wait3A_1114, %dma_wait3A_1118] : memref<104x128xi32, #tpu.memory_space<vmem>> -> memref<1x128xi32, #tpu.memory_space<vmem>>
    %dma_wait3A_1120 = tpu.memref_squeeze %dma_wait3A_1119 : memref<1x128xi32, #tpu.memory_space<vmem>> -> memref<128xi32, #tpu.memory_space<vmem>>
    %dma_wait3A_1121 = arith.constant 0 : i32
    %dma_wait3A_1122 = arith.constant 0 : i32
    %dma_wait3A_1123 = tpu.memref_slice %arg3[%dma_wait3A_1121, %dma_wait3A_1122] : memref<2600000x32xf32, #tpu.memory_space<hbm>> -> memref<2600000x32xf32, #tpu.memory_space<hbm>>
    tpu.wait_indirect_dma semaphore(%arg8 : memref<!tpu.dma_semaphore, #tpu.memory_space<semaphore_mem>>) src(%dma_wait3A_1123 : memref<2600000x32xf32, #tpu.memory_space<hbm>>) dst(%dma_wait3A_1117 : memref<128x32xf32, #tpu.memory_space<vmem>>)
    %dma_wait3A_1124 = arith.constant 50 : i32
    %dma_wait3A_1125 = arith.constant 256 : i32
    %dma_wait3A_1126 = arith.constant 0 : i32
    %dma_wait3A_1127 = tpu.memref_slice %arg6[%dma_wait3A_1125, %dma_wait3A_1126] : memref<1024x32xf32, #tpu.memory_space<vmem>> -> memref<128x32xf32, #tpu.memory_space<vmem>>
    %dma_wait3A_1128 = arith.constant 0 : i32
    %dma_wait3A_1129 = tpu.memref_slice %arg5[%dma_wait3A_1124, %dma_wait3A_1128] : memref<104x128xi32, #tpu.memory_space<vmem>> -> memref<1x128xi32, #tpu.memory_space<vmem>>
    %dma_wait3A_1130 = tpu.memref_squeeze %dma_wait3A_1129 : memref<1x128xi32, #tpu.memory_space<vmem>> -> memref<128xi32, #tpu.memory_space<vmem>>
    %dma_wait3A_1131 = arith.constant 0 : i32
    %dma_wait3A_1132 = arith.constant 0 : i32
    %dma_wait3A_1133 = tpu.memref_slice %arg3[%dma_wait3A_1131, %dma_wait3A_1132] : memref<2600000x32xf32, #tpu.memory_space<hbm>> -> memref<2600000x32xf32, #tpu.memory_space<hbm>>
    tpu.wait_indirect_dma semaphore(%arg8 : memref<!tpu.dma_semaphore, #tpu.memory_space<semaphore_mem>>) src(%dma_wait3A_1133 : memref<2600000x32xf32, #tpu.memory_space<hbm>>) dst(%dma_wait3A_1127 : memref<128x32xf32, #tpu.memory_space<vmem>>)
    %dma_wait3A_1134 = arith.constant 51 : i32
    %dma_wait3A_1135 = arith.constant 384 : i32
    %dma_wait3A_1136 = arith.constant 0 : i32
    %dma_wait3A_1137 = tpu.memref_slice %arg6[%dma_wait3A_1135, %dma_wait3A_1136] : memref<1024x32xf32, #tpu.memory_space<vmem>> -> memref<128x32xf32, #tpu.memory_space<vmem>>
    %dma_wait3A_1138 = arith.constant 0 : i32
    %dma_wait3A_1139 = tpu.memref_slice %arg5[%dma_wait3A_1134, %dma_wait3A_1138] : memref<104x128xi32, #tpu.memory_space<vmem>> -> memref<1x128xi32, #tpu.memory_space<vmem>>
    %dma_wait3A_1140 = tpu.memref_squeeze %dma_wait3A_1139 : memref<1x128xi32, #tpu.memory_space<vmem>> -> memref<128xi32, #tpu.memory_space<vmem>>
    %dma_wait3A_1141 = arith.constant 0 : i32
    %dma_wait3A_1142 = arith.constant 0 : i32
    %dma_wait3A_1143 = tpu.memref_slice %arg3[%dma_wait3A_1141, %dma_wait3A_1142] : memref<2600000x32xf32, #tpu.memory_space<hbm>> -> memref<2600000x32xf32, #tpu.memory_space<hbm>>
    tpu.wait_indirect_dma semaphore(%arg8 : memref<!tpu.dma_semaphore, #tpu.memory_space<semaphore_mem>>) src(%dma_wait3A_1143 : memref<2600000x32xf32, #tpu.memory_space<hbm>>) dst(%dma_wait3A_1137 : memref<128x32xf32, #tpu.memory_space<vmem>>)
    %dma_wait3A_1144 = arith.constant 52 : i32
    %dma_wait3A_1145 = arith.constant 512 : i32
    %dma_wait3A_1146 = arith.constant 0 : i32
    %dma_wait3A_1147 = tpu.memref_slice %arg6[%dma_wait3A_1145, %dma_wait3A_1146] : memref<1024x32xf32, #tpu.memory_space<vmem>> -> memref<128x32xf32, #tpu.memory_space<vmem>>
    %dma_wait3A_1148 = arith.constant 0 : i32
    %dma_wait3A_1149 = tpu.memref_slice %arg5[%dma_wait3A_1144, %dma_wait3A_1148] : memref<104x128xi32, #tpu.memory_space<vmem>> -> memref<1x128xi32, #tpu.memory_space<vmem>>
    %dma_wait3A_1150 = tpu.memref_squeeze %dma_wait3A_1149 : memref<1x128xi32, #tpu.memory_space<vmem>> -> memref<128xi32, #tpu.memory_space<vmem>>
    %dma_wait3A_1151 = arith.constant 0 : i32
    %dma_wait3A_1152 = arith.constant 0 : i32
    %dma_wait3A_1153 = tpu.memref_slice %arg3[%dma_wait3A_1151, %dma_wait3A_1152] : memref<2600000x32xf32, #tpu.memory_space<hbm>> -> memref<2600000x32xf32, #tpu.memory_space<hbm>>
    tpu.wait_indirect_dma semaphore(%arg8 : memref<!tpu.dma_semaphore, #tpu.memory_space<semaphore_mem>>) src(%dma_wait3A_1153 : memref<2600000x32xf32, #tpu.memory_space<hbm>>) dst(%dma_wait3A_1147 : memref<128x32xf32, #tpu.memory_space<vmem>>)
    %dma_wait3A_1154 = arith.constant 53 : i32
    %dma_wait3A_1155 = arith.constant 640 : i32
    %dma_wait3A_1156 = arith.constant 0 : i32
    %dma_wait3A_1157 = tpu.memref_slice %arg6[%dma_wait3A_1155, %dma_wait3A_1156] : memref<1024x32xf32, #tpu.memory_space<vmem>> -> memref<128x32xf32, #tpu.memory_space<vmem>>
    %dma_wait3A_1158 = arith.constant 0 : i32
    %dma_wait3A_1159 = tpu.memref_slice %arg5[%dma_wait3A_1154, %dma_wait3A_1158] : memref<104x128xi32, #tpu.memory_space<vmem>> -> memref<1x128xi32, #tpu.memory_space<vmem>>
    %dma_wait3A_1160 = tpu.memref_squeeze %dma_wait3A_1159 : memref<1x128xi32, #tpu.memory_space<vmem>> -> memref<128xi32, #tpu.memory_space<vmem>>
    %dma_wait3A_1161 = arith.constant 0 : i32
    %dma_wait3A_1162 = arith.constant 0 : i32
    %dma_wait3A_1163 = tpu.memref_slice %arg3[%dma_wait3A_1161, %dma_wait3A_1162] : memref<2600000x32xf32, #tpu.memory_space<hbm>> -> memref<2600000x32xf32, #tpu.memory_space<hbm>>
    tpu.wait_indirect_dma semaphore(%arg8 : memref<!tpu.dma_semaphore, #tpu.memory_space<semaphore_mem>>) src(%dma_wait3A_1163 : memref<2600000x32xf32, #tpu.memory_space<hbm>>) dst(%dma_wait3A_1157 : memref<128x32xf32, #tpu.memory_space<vmem>>)
    %dma_wait3A_1164 = arith.constant 54 : i32
    %dma_wait3A_1165 = arith.constant 768 : i32
    %dma_wait3A_1166 = arith.constant 0 : i32
    %dma_wait3A_1167 = tpu.memref_slice %arg6[%dma_wait3A_1165, %dma_wait3A_1166] : memref<1024x32xf32, #tpu.memory_space<vmem>> -> memref<128x32xf32, #tpu.memory_space<vmem>>
    %dma_wait3A_1168 = arith.constant 0 : i32
    %dma_wait3A_1169 = tpu.memref_slice %arg5[%dma_wait3A_1164, %dma_wait3A_1168] : memref<104x128xi32, #tpu.memory_space<vmem>> -> memref<1x128xi32, #tpu.memory_space<vmem>>
    %dma_wait3A_1170 = tpu.memref_squeeze %dma_wait3A_1169 : memref<1x128xi32, #tpu.memory_space<vmem>> -> memref<128xi32, #tpu.memory_space<vmem>>
    %dma_wait3A_1171 = arith.constant 0 : i32
    %dma_wait3A_1172 = arith.constant 0 : i32
    %dma_wait3A_1173 = tpu.memref_slice %arg3[%dma_wait3A_1171, %dma_wait3A_1172] : memref<2600000x32xf32, #tpu.memory_space<hbm>> -> memref<2600000x32xf32, #tpu.memory_space<hbm>>
    tpu.wait_indirect_dma semaphore(%arg8 : memref<!tpu.dma_semaphore, #tpu.memory_space<semaphore_mem>>) src(%dma_wait3A_1173 : memref<2600000x32xf32, #tpu.memory_space<hbm>>) dst(%dma_wait3A_1167 : memref<128x32xf32, #tpu.memory_space<vmem>>)
    %dma_wait3A_1174 = arith.constant 55 : i32
    %dma_wait3A_1175 = arith.constant 896 : i32
    %dma_wait3A_1176 = arith.constant 0 : i32
    %dma_wait3A_1177 = tpu.memref_slice %arg6[%dma_wait3A_1175, %dma_wait3A_1176] : memref<1024x32xf32, #tpu.memory_space<vmem>> -> memref<128x32xf32, #tpu.memory_space<vmem>>
    %dma_wait3A_1178 = arith.constant 0 : i32
    %dma_wait3A_1179 = tpu.memref_slice %arg5[%dma_wait3A_1174, %dma_wait3A_1178] : memref<104x128xi32, #tpu.memory_space<vmem>> -> memref<1x128xi32, #tpu.memory_space<vmem>>
    %dma_wait3A_1180 = tpu.memref_squeeze %dma_wait3A_1179 : memref<1x128xi32, #tpu.memory_space<vmem>> -> memref<128xi32, #tpu.memory_space<vmem>>
    %dma_wait3A_1181 = arith.constant 0 : i32
    %dma_wait3A_1182 = arith.constant 0 : i32
    %dma_wait3A_1183 = tpu.memref_slice %arg3[%dma_wait3A_1181, %dma_wait3A_1182] : memref<2600000x32xf32, #tpu.memory_space<hbm>> -> memref<2600000x32xf32, #tpu.memory_space<hbm>>
    tpu.wait_indirect_dma semaphore(%arg8 : memref<!tpu.dma_semaphore, #tpu.memory_space<semaphore_mem>>) src(%dma_wait3A_1183 : memref<2600000x32xf32, #tpu.memory_space<hbm>>) dst(%dma_wait3A_1177 : memref<128x32xf32, #tpu.memory_space<vmem>>)
    %add3A_1184 = arith.constant 6144 : i32
    %add3A_1185 = arith.addi %mul3A_4, %add3A_1184 : i32
    %dma_start3A_1186 = arith.constant 0 : i32
    %dma_start3A_1187 = tpu.memref_slice %arg4[%add3A_1185, %dma_start3A_1186] : memref<425984x32xf32, #tpu.memory_space<hbm>> -> memref<1024x32xf32, #tpu.memory_space<hbm>>
    %dma_start3A_1188 = arith.constant 0 : i32
    %dma_start3A_1189 = tpu.memref_slice %arg4[%add3A_1185, %dma_start3A_1188] : memref<425984x32xf32, #tpu.memory_space<hbm>> -> memref<1024x32xf32, #tpu.memory_space<hbm>>
    tpu.enqueue_dma source(%arg6 : memref<1024x32xf32, #tpu.memory_space<vmem>>) target(%dma_start3A_1189 : memref<1024x32xf32, #tpu.memory_space<hbm>>) target_semaphore(%arg9 : memref<!tpu.dma_semaphore, #tpu.memory_space<semaphore_mem>>)
    %dma_wait3A_1190 = arith.constant 0 : i32
    %dma_wait3A_1191 = tpu.memref_slice %arg4[%add3A_1015, %dma_wait3A_1190] : memref<425984x32xf32, #tpu.memory_space<hbm>> -> memref<1024x32xf32, #tpu.memory_space<hbm>>
    %dma_wait3A_1192 = arith.constant 0 : i32
    %dma_wait3A_1193 = tpu.memref_slice %arg4[%add3A_1015, %dma_wait3A_1192] : memref<425984x32xf32, #tpu.memory_space<hbm>> -> memref<1024x32xf32, #tpu.memory_space<hbm>>
    tpu.wait_dma2 semaphore(%arg9 : memref<!tpu.dma_semaphore, #tpu.memory_space<semaphore_mem>>) src(%arg7 : memref<1024x32xf32, #tpu.memory_space<vmem>>) dst(%dma_wait3A_1193 : memref<1024x32xf32, #tpu.memory_space<hbm>>)
    %dma_start3A_1194 = arith.constant 56 : i32
    %dma_start3A_1195 = arith.constant 0 : i32
    %dma_start3A_1196 = arith.constant 0 : i32
    %dma_start3A_1197 = tpu.memref_slice %arg7[%dma_start3A_1195, %dma_start3A_1196] : memref<1024x32xf32, #tpu.memory_space<vmem>> -> memref<128x32xf32, #tpu.memory_space<vmem>>
    %dma_start3A_1198 = arith.constant 0 : i32
    %dma_start3A_1199 = tpu.memref_slice %arg5[%dma_start3A_1194, %dma_start3A_1198] : memref<104x128xi32, #tpu.memory_space<vmem>> -> memref<1x128xi32, #tpu.memory_space<vmem>>
    %dma_start3A_1200 = tpu.memref_squeeze %dma_start3A_1199 : memref<1x128xi32, #tpu.memory_space<vmem>> -> memref<128xi32, #tpu.memory_space<vmem>>
    %dma_start3A_1201 = arith.constant 0 : i32
    %dma_start3A_1202 = arith.constant 0 : i32
    %dma_start3A_1203 = tpu.memref_slice %arg3[%dma_start3A_1201, %dma_start3A_1202] : memref<2600000x32xf32, #tpu.memory_space<hbm>> -> memref<2600000x32xf32, #tpu.memory_space<hbm>>
    tpu.enqueue_indirect_dma source(%dma_start3A_1203 : memref<2600000x32xf32, #tpu.memory_space<hbm>>) target(%dma_start3A_1197 : memref<128x32xf32, #tpu.memory_space<vmem>>) offsets(%dma_start3A_1200 : memref<128xi32, #tpu.memory_space<vmem>>) semaphore(%arg8 : memref<!tpu.dma_semaphore, #tpu.memory_space<semaphore_mem>>)
    %dma_start3A_1204 = arith.constant 57 : i32
    %dma_start3A_1205 = arith.constant 128 : i32
    %dma_start3A_1206 = arith.constant 0 : i32
    %dma_start3A_1207 = tpu.memref_slice %arg7[%dma_start3A_1205, %dma_start3A_1206] : memref<1024x32xf32, #tpu.memory_space<vmem>> -> memref<128x32xf32, #tpu.memory_space<vmem>>
    %dma_start3A_1208 = arith.constant 0 : i32
    %dma_start3A_1209 = tpu.memref_slice %arg5[%dma_start3A_1204, %dma_start3A_1208] : memref<104x128xi32, #tpu.memory_space<vmem>> -> memref<1x128xi32, #tpu.memory_space<vmem>>
    %dma_start3A_1210 = tpu.memref_squeeze %dma_start3A_1209 : memref<1x128xi32, #tpu.memory_space<vmem>> -> memref<128xi32, #tpu.memory_space<vmem>>
    %dma_start3A_1211 = arith.constant 0 : i32
    %dma_start3A_1212 = arith.constant 0 : i32
    %dma_start3A_1213 = tpu.memref_slice %arg3[%dma_start3A_1211, %dma_start3A_1212] : memref<2600000x32xf32, #tpu.memory_space<hbm>> -> memref<2600000x32xf32, #tpu.memory_space<hbm>>
    tpu.enqueue_indirect_dma source(%dma_start3A_1213 : memref<2600000x32xf32, #tpu.memory_space<hbm>>) target(%dma_start3A_1207 : memref<128x32xf32, #tpu.memory_space<vmem>>) offsets(%dma_start3A_1210 : memref<128xi32, #tpu.memory_space<vmem>>) semaphore(%arg8 : memref<!tpu.dma_semaphore, #tpu.memory_space<semaphore_mem>>)
    %dma_start3A_1214 = arith.constant 58 : i32
    %dma_start3A_1215 = arith.constant 256 : i32
    %dma_start3A_1216 = arith.constant 0 : i32
    %dma_start3A_1217 = tpu.memref_slice %arg7[%dma_start3A_1215, %dma_start3A_1216] : memref<1024x32xf32, #tpu.memory_space<vmem>> -> memref<128x32xf32, #tpu.memory_space<vmem>>
    %dma_start3A_1218 = arith.constant 0 : i32
    %dma_start3A_1219 = tpu.memref_slice %arg5[%dma_start3A_1214, %dma_start3A_1218] : memref<104x128xi32, #tpu.memory_space<vmem>> -> memref<1x128xi32, #tpu.memory_space<vmem>>
    %dma_start3A_1220 = tpu.memref_squeeze %dma_start3A_1219 : memref<1x128xi32, #tpu.memory_space<vmem>> -> memref<128xi32, #tpu.memory_space<vmem>>
    %dma_start3A_1221 = arith.constant 0 : i32
    %dma_start3A_1222 = arith.constant 0 : i32
    %dma_start3A_1223 = tpu.memref_slice %arg3[%dma_start3A_1221, %dma_start3A_1222] : memref<2600000x32xf32, #tpu.memory_space<hbm>> -> memref<2600000x32xf32, #tpu.memory_space<hbm>>
    tpu.enqueue_indirect_dma source(%dma_start3A_1223 : memref<2600000x32xf32, #tpu.memory_space<hbm>>) target(%dma_start3A_1217 : memref<128x32xf32, #tpu.memory_space<vmem>>) offsets(%dma_start3A_1220 : memref<128xi32, #tpu.memory_space<vmem>>) semaphore(%arg8 : memref<!tpu.dma_semaphore, #tpu.memory_space<semaphore_mem>>)
    %dma_start3A_1224 = arith.constant 59 : i32
    %dma_start3A_1225 = arith.constant 384 : i32
    %dma_start3A_1226 = arith.constant 0 : i32
    %dma_start3A_1227 = tpu.memref_slice %arg7[%dma_start3A_1225, %dma_start3A_1226] : memref<1024x32xf32, #tpu.memory_space<vmem>> -> memref<128x32xf32, #tpu.memory_space<vmem>>
    %dma_start3A_1228 = arith.constant 0 : i32
    %dma_start3A_1229 = tpu.memref_slice %arg5[%dma_start3A_1224, %dma_start3A_1228] : memref<104x128xi32, #tpu.memory_space<vmem>> -> memref<1x128xi32, #tpu.memory_space<vmem>>
    %dma_start3A_1230 = tpu.memref_squeeze %dma_start3A_1229 : memref<1x128xi32, #tpu.memory_space<vmem>> -> memref<128xi32, #tpu.memory_space<vmem>>
    %dma_start3A_1231 = arith.constant 0 : i32
    %dma_start3A_1232 = arith.constant 0 : i32
    %dma_start3A_1233 = tpu.memref_slice %arg3[%dma_start3A_1231, %dma_start3A_1232] : memref<2600000x32xf32, #tpu.memory_space<hbm>> -> memref<2600000x32xf32, #tpu.memory_space<hbm>>
    tpu.enqueue_indirect_dma source(%dma_start3A_1233 : memref<2600000x32xf32, #tpu.memory_space<hbm>>) target(%dma_start3A_1227 : memref<128x32xf32, #tpu.memory_space<vmem>>) offsets(%dma_start3A_1230 : memref<128xi32, #tpu.memory_space<vmem>>) semaphore(%arg8 : memref<!tpu.dma_semaphore, #tpu.memory_space<semaphore_mem>>)
    %dma_start3A_1234 = arith.constant 60 : i32
    %dma_start3A_1235 = arith.constant 512 : i32
    %dma_start3A_1236 = arith.constant 0 : i32
    %dma_start3A_1237 = tpu.memref_slice %arg7[%dma_start3A_1235, %dma_start3A_1236] : memref<1024x32xf32, #tpu.memory_space<vmem>> -> memref<128x32xf32, #tpu.memory_space<vmem>>
    %dma_start3A_1238 = arith.constant 0 : i32
    %dma_start3A_1239 = tpu.memref_slice %arg5[%dma_start3A_1234, %dma_start3A_1238] : memref<104x128xi32, #tpu.memory_space<vmem>> -> memref<1x128xi32, #tpu.memory_space<vmem>>
    %dma_start3A_1240 = tpu.memref_squeeze %dma_start3A_1239 : memref<1x128xi32, #tpu.memory_space<vmem>> -> memref<128xi32, #tpu.memory_space<vmem>>
    %dma_start3A_1241 = arith.constant 0 : i32
    %dma_start3A_1242 = arith.constant 0 : i32
    %dma_start3A_1243 = tpu.memref_slice %arg3[%dma_start3A_1241, %dma_start3A_1242] : memref<2600000x32xf32, #tpu.memory_space<hbm>> -> memref<2600000x32xf32, #tpu.memory_space<hbm>>
    tpu.enqueue_indirect_dma source(%dma_start3A_1243 : memref<2600000x32xf32, #tpu.memory_space<hbm>>) target(%dma_start3A_1237 : memref<128x32xf32, #tpu.memory_space<vmem>>) offsets(%dma_start3A_1240 : memref<128xi32, #tpu.memory_space<vmem>>) semaphore(%arg8 : memref<!tpu.dma_semaphore, #tpu.memory_space<semaphore_mem>>)
    %dma_start3A_1244 = arith.constant 61 : i32
    %dma_start3A_1245 = arith.constant 640 : i32
    %dma_start3A_1246 = arith.constant 0 : i32
    %dma_start3A_1247 = tpu.memref_slice %arg7[%dma_start3A_1245, %dma_start3A_1246] : memref<1024x32xf32, #tpu.memory_space<vmem>> -> memref<128x32xf32, #tpu.memory_space<vmem>>
    %dma_start3A_1248 = arith.constant 0 : i32
    %dma_start3A_1249 = tpu.memref_slice %arg5[%dma_start3A_1244, %dma_start3A_1248] : memref<104x128xi32, #tpu.memory_space<vmem>> -> memref<1x128xi32, #tpu.memory_space<vmem>>
    %dma_start3A_1250 = tpu.memref_squeeze %dma_start3A_1249 : memref<1x128xi32, #tpu.memory_space<vmem>> -> memref<128xi32, #tpu.memory_space<vmem>>
    %dma_start3A_1251 = arith.constant 0 : i32
    %dma_start3A_1252 = arith.constant 0 : i32
    %dma_start3A_1253 = tpu.memref_slice %arg3[%dma_start3A_1251, %dma_start3A_1252] : memref<2600000x32xf32, #tpu.memory_space<hbm>> -> memref<2600000x32xf32, #tpu.memory_space<hbm>>
    tpu.enqueue_indirect_dma source(%dma_start3A_1253 : memref<2600000x32xf32, #tpu.memory_space<hbm>>) target(%dma_start3A_1247 : memref<128x32xf32, #tpu.memory_space<vmem>>) offsets(%dma_start3A_1250 : memref<128xi32, #tpu.memory_space<vmem>>) semaphore(%arg8 : memref<!tpu.dma_semaphore, #tpu.memory_space<semaphore_mem>>)
    %dma_start3A_1254 = arith.constant 62 : i32
    %dma_start3A_1255 = arith.constant 768 : i32
    %dma_start3A_1256 = arith.constant 0 : i32
    %dma_start3A_1257 = tpu.memref_slice %arg7[%dma_start3A_1255, %dma_start3A_1256] : memref<1024x32xf32, #tpu.memory_space<vmem>> -> memref<128x32xf32, #tpu.memory_space<vmem>>
    %dma_start3A_1258 = arith.constant 0 : i32
    %dma_start3A_1259 = tpu.memref_slice %arg5[%dma_start3A_1254, %dma_start3A_1258] : memref<104x128xi32, #tpu.memory_space<vmem>> -> memref<1x128xi32, #tpu.memory_space<vmem>>
    %dma_start3A_1260 = tpu.memref_squeeze %dma_start3A_1259 : memref<1x128xi32, #tpu.memory_space<vmem>> -> memref<128xi32, #tpu.memory_space<vmem>>
    %dma_start3A_1261 = arith.constant 0 : i32
    %dma_start3A_1262 = arith.constant 0 : i32
    %dma_start3A_1263 = tpu.memref_slice %arg3[%dma_start3A_1261, %dma_start3A_1262] : memref<2600000x32xf32, #tpu.memory_space<hbm>> -> memref<2600000x32xf32, #tpu.memory_space<hbm>>
    tpu.enqueue_indirect_dma source(%dma_start3A_1263 : memref<2600000x32xf32, #tpu.memory_space<hbm>>) target(%dma_start3A_1257 : memref<128x32xf32, #tpu.memory_space<vmem>>) offsets(%dma_start3A_1260 : memref<128xi32, #tpu.memory_space<vmem>>) semaphore(%arg8 : memref<!tpu.dma_semaphore, #tpu.memory_space<semaphore_mem>>)
    %dma_start3A_1264 = arith.constant 63 : i32
    %dma_start3A_1265 = arith.constant 896 : i32
    %dma_start3A_1266 = arith.constant 0 : i32
    %dma_start3A_1267 = tpu.memref_slice %arg7[%dma_start3A_1265, %dma_start3A_1266] : memref<1024x32xf32, #tpu.memory_space<vmem>> -> memref<128x32xf32, #tpu.memory_space<vmem>>
    %dma_start3A_1268 = arith.constant 0 : i32
    %dma_start3A_1269 = tpu.memref_slice %arg5[%dma_start3A_1264, %dma_start3A_1268] : memref<104x128xi32, #tpu.memory_space<vmem>> -> memref<1x128xi32, #tpu.memory_space<vmem>>
    %dma_start3A_1270 = tpu.memref_squeeze %dma_start3A_1269 : memref<1x128xi32, #tpu.memory_space<vmem>> -> memref<128xi32, #tpu.memory_space<vmem>>
    %dma_start3A_1271 = arith.constant 0 : i32
    %dma_start3A_1272 = arith.constant 0 : i32
    %dma_start3A_1273 = tpu.memref_slice %arg3[%dma_start3A_1271, %dma_start3A_1272] : memref<2600000x32xf32, #tpu.memory_space<hbm>> -> memref<2600000x32xf32, #tpu.memory_space<hbm>>
    tpu.enqueue_indirect_dma source(%dma_start3A_1273 : memref<2600000x32xf32, #tpu.memory_space<hbm>>) target(%dma_start3A_1267 : memref<128x32xf32, #tpu.memory_space<vmem>>) offsets(%dma_start3A_1270 : memref<128xi32, #tpu.memory_space<vmem>>) semaphore(%arg8 : memref<!tpu.dma_semaphore, #tpu.memory_space<semaphore_mem>>)
    %dma_wait3A_1274 = arith.constant 56 : i32
    %dma_wait3A_1275 = arith.constant 0 : i32
    %dma_wait3A_1276 = arith.constant 0 : i32
    %dma_wait3A_1277 = tpu.memref_slice %arg7[%dma_wait3A_1275, %dma_wait3A_1276] : memref<1024x32xf32, #tpu.memory_space<vmem>> -> memref<128x32xf32, #tpu.memory_space<vmem>>
    %dma_wait3A_1278 = arith.constant 0 : i32
    %dma_wait3A_1279 = tpu.memref_slice %arg5[%dma_wait3A_1274, %dma_wait3A_1278] : memref<104x128xi32, #tpu.memory_space<vmem>> -> memref<1x128xi32, #tpu.memory_space<vmem>>
    %dma_wait3A_1280 = tpu.memref_squeeze %dma_wait3A_1279 : memref<1x128xi32, #tpu.memory_space<vmem>> -> memref<128xi32, #tpu.memory_space<vmem>>
    %dma_wait3A_1281 = arith.constant 0 : i32
    %dma_wait3A_1282 = arith.constant 0 : i32
    %dma_wait3A_1283 = tpu.memref_slice %arg3[%dma_wait3A_1281, %dma_wait3A_1282] : memref<2600000x32xf32, #tpu.memory_space<hbm>> -> memref<2600000x32xf32, #tpu.memory_space<hbm>>
    tpu.wait_indirect_dma semaphore(%arg8 : memref<!tpu.dma_semaphore, #tpu.memory_space<semaphore_mem>>) src(%dma_wait3A_1283 : memref<2600000x32xf32, #tpu.memory_space<hbm>>) dst(%dma_wait3A_1277 : memref<128x32xf32, #tpu.memory_space<vmem>>)
    %dma_wait3A_1284 = arith.constant 57 : i32
    %dma_wait3A_1285 = arith.constant 128 : i32
    %dma_wait3A_1286 = arith.constant 0 : i32
    %dma_wait3A_1287 = tpu.memref_slice %arg7[%dma_wait3A_1285, %dma_wait3A_1286] : memref<1024x32xf32, #tpu.memory_space<vmem>> -> memref<128x32xf32, #tpu.memory_space<vmem>>
    %dma_wait3A_1288 = arith.constant 0 : i32
    %dma_wait3A_1289 = tpu.memref_slice %arg5[%dma_wait3A_1284, %dma_wait3A_1288] : memref<104x128xi32, #tpu.memory_space<vmem>> -> memref<1x128xi32, #tpu.memory_space<vmem>>
    %dma_wait3A_1290 = tpu.memref_squeeze %dma_wait3A_1289 : memref<1x128xi32, #tpu.memory_space<vmem>> -> memref<128xi32, #tpu.memory_space<vmem>>
    %dma_wait3A_1291 = arith.constant 0 : i32
    %dma_wait3A_1292 = arith.constant 0 : i32
    %dma_wait3A_1293 = tpu.memref_slice %arg3[%dma_wait3A_1291, %dma_wait3A_1292] : memref<2600000x32xf32, #tpu.memory_space<hbm>> -> memref<2600000x32xf32, #tpu.memory_space<hbm>>
    tpu.wait_indirect_dma semaphore(%arg8 : memref<!tpu.dma_semaphore, #tpu.memory_space<semaphore_mem>>) src(%dma_wait3A_1293 : memref<2600000x32xf32, #tpu.memory_space<hbm>>) dst(%dma_wait3A_1287 : memref<128x32xf32, #tpu.memory_space<vmem>>)
    %dma_wait3A_1294 = arith.constant 58 : i32
    %dma_wait3A_1295 = arith.constant 256 : i32
    %dma_wait3A_1296 = arith.constant 0 : i32
    %dma_wait3A_1297 = tpu.memref_slice %arg7[%dma_wait3A_1295, %dma_wait3A_1296] : memref<1024x32xf32, #tpu.memory_space<vmem>> -> memref<128x32xf32, #tpu.memory_space<vmem>>
    %dma_wait3A_1298 = arith.constant 0 : i32
    %dma_wait3A_1299 = tpu.memref_slice %arg5[%dma_wait3A_1294, %dma_wait3A_1298] : memref<104x128xi32, #tpu.memory_space<vmem>> -> memref<1x128xi32, #tpu.memory_space<vmem>>
    %dma_wait3A_1300 = tpu.memref_squeeze %dma_wait3A_1299 : memref<1x128xi32, #tpu.memory_space<vmem>> -> memref<128xi32, #tpu.memory_space<vmem>>
    %dma_wait3A_1301 = arith.constant 0 : i32
    %dma_wait3A_1302 = arith.constant 0 : i32
    %dma_wait3A_1303 = tpu.memref_slice %arg3[%dma_wait3A_1301, %dma_wait3A_1302] : memref<2600000x32xf32, #tpu.memory_space<hbm>> -> memref<2600000x32xf32, #tpu.memory_space<hbm>>
    tpu.wait_indirect_dma semaphore(%arg8 : memref<!tpu.dma_semaphore, #tpu.memory_space<semaphore_mem>>) src(%dma_wait3A_1303 : memref<2600000x32xf32, #tpu.memory_space<hbm>>) dst(%dma_wait3A_1297 : memref<128x32xf32, #tpu.memory_space<vmem>>)
    %dma_wait3A_1304 = arith.constant 59 : i32
    %dma_wait3A_1305 = arith.constant 384 : i32
    %dma_wait3A_1306 = arith.constant 0 : i32
    %dma_wait3A_1307 = tpu.memref_slice %arg7[%dma_wait3A_1305, %dma_wait3A_1306] : memref<1024x32xf32, #tpu.memory_space<vmem>> -> memref<128x32xf32, #tpu.memory_space<vmem>>
    %dma_wait3A_1308 = arith.constant 0 : i32
    %dma_wait3A_1309 = tpu.memref_slice %arg5[%dma_wait3A_1304, %dma_wait3A_1308] : memref<104x128xi32, #tpu.memory_space<vmem>> -> memref<1x128xi32, #tpu.memory_space<vmem>>
    %dma_wait3A_1310 = tpu.memref_squeeze %dma_wait3A_1309 : memref<1x128xi32, #tpu.memory_space<vmem>> -> memref<128xi32, #tpu.memory_space<vmem>>
    %dma_wait3A_1311 = arith.constant 0 : i32
    %dma_wait3A_1312 = arith.constant 0 : i32
    %dma_wait3A_1313 = tpu.memref_slice %arg3[%dma_wait3A_1311, %dma_wait3A_1312] : memref<2600000x32xf32, #tpu.memory_space<hbm>> -> memref<2600000x32xf32, #tpu.memory_space<hbm>>
    tpu.wait_indirect_dma semaphore(%arg8 : memref<!tpu.dma_semaphore, #tpu.memory_space<semaphore_mem>>) src(%dma_wait3A_1313 : memref<2600000x32xf32, #tpu.memory_space<hbm>>) dst(%dma_wait3A_1307 : memref<128x32xf32, #tpu.memory_space<vmem>>)
    %dma_wait3A_1314 = arith.constant 60 : i32
    %dma_wait3A_1315 = arith.constant 512 : i32
    %dma_wait3A_1316 = arith.constant 0 : i32
    %dma_wait3A_1317 = tpu.memref_slice %arg7[%dma_wait3A_1315, %dma_wait3A_1316] : memref<1024x32xf32, #tpu.memory_space<vmem>> -> memref<128x32xf32, #tpu.memory_space<vmem>>
    %dma_wait3A_1318 = arith.constant 0 : i32
    %dma_wait3A_1319 = tpu.memref_slice %arg5[%dma_wait3A_1314, %dma_wait3A_1318] : memref<104x128xi32, #tpu.memory_space<vmem>> -> memref<1x128xi32, #tpu.memory_space<vmem>>
    %dma_wait3A_1320 = tpu.memref_squeeze %dma_wait3A_1319 : memref<1x128xi32, #tpu.memory_space<vmem>> -> memref<128xi32, #tpu.memory_space<vmem>>
    %dma_wait3A_1321 = arith.constant 0 : i32
    %dma_wait3A_1322 = arith.constant 0 : i32
    %dma_wait3A_1323 = tpu.memref_slice %arg3[%dma_wait3A_1321, %dma_wait3A_1322] : memref<2600000x32xf32, #tpu.memory_space<hbm>> -> memref<2600000x32xf32, #tpu.memory_space<hbm>>
    tpu.wait_indirect_dma semaphore(%arg8 : memref<!tpu.dma_semaphore, #tpu.memory_space<semaphore_mem>>) src(%dma_wait3A_1323 : memref<2600000x32xf32, #tpu.memory_space<hbm>>) dst(%dma_wait3A_1317 : memref<128x32xf32, #tpu.memory_space<vmem>>)
    %dma_wait3A_1324 = arith.constant 61 : i32
    %dma_wait3A_1325 = arith.constant 640 : i32
    %dma_wait3A_1326 = arith.constant 0 : i32
    %dma_wait3A_1327 = tpu.memref_slice %arg7[%dma_wait3A_1325, %dma_wait3A_1326] : memref<1024x32xf32, #tpu.memory_space<vmem>> -> memref<128x32xf32, #tpu.memory_space<vmem>>
    %dma_wait3A_1328 = arith.constant 0 : i32
    %dma_wait3A_1329 = tpu.memref_slice %arg5[%dma_wait3A_1324, %dma_wait3A_1328] : memref<104x128xi32, #tpu.memory_space<vmem>> -> memref<1x128xi32, #tpu.memory_space<vmem>>
    %dma_wait3A_1330 = tpu.memref_squeeze %dma_wait3A_1329 : memref<1x128xi32, #tpu.memory_space<vmem>> -> memref<128xi32, #tpu.memory_space<vmem>>
    %dma_wait3A_1331 = arith.constant 0 : i32
    %dma_wait3A_1332 = arith.constant 0 : i32
    %dma_wait3A_1333 = tpu.memref_slice %arg3[%dma_wait3A_1331, %dma_wait3A_1332] : memref<2600000x32xf32, #tpu.memory_space<hbm>> -> memref<2600000x32xf32, #tpu.memory_space<hbm>>
    tpu.wait_indirect_dma semaphore(%arg8 : memref<!tpu.dma_semaphore, #tpu.memory_space<semaphore_mem>>) src(%dma_wait3A_1333 : memref<2600000x32xf32, #tpu.memory_space<hbm>>) dst(%dma_wait3A_1327 : memref<128x32xf32, #tpu.memory_space<vmem>>)
    %dma_wait3A_1334 = arith.constant 62 : i32
    %dma_wait3A_1335 = arith.constant 768 : i32
    %dma_wait3A_1336 = arith.constant 0 : i32
    %dma_wait3A_1337 = tpu.memref_slice %arg7[%dma_wait3A_1335, %dma_wait3A_1336] : memref<1024x32xf32, #tpu.memory_space<vmem>> -> memref<128x32xf32, #tpu.memory_space<vmem>>
    %dma_wait3A_1338 = arith.constant 0 : i32
    %dma_wait3A_1339 = tpu.memref_slice %arg5[%dma_wait3A_1334, %dma_wait3A_1338] : memref<104x128xi32, #tpu.memory_space<vmem>> -> memref<1x128xi32, #tpu.memory_space<vmem>>
    %dma_wait3A_1340 = tpu.memref_squeeze %dma_wait3A_1339 : memref<1x128xi32, #tpu.memory_space<vmem>> -> memref<128xi32, #tpu.memory_space<vmem>>
    %dma_wait3A_1341 = arith.constant 0 : i32
    %dma_wait3A_1342 = arith.constant 0 : i32
    %dma_wait3A_1343 = tpu.memref_slice %arg3[%dma_wait3A_1341, %dma_wait3A_1342] : memref<2600000x32xf32, #tpu.memory_space<hbm>> -> memref<2600000x32xf32, #tpu.memory_space<hbm>>
    tpu.wait_indirect_dma semaphore(%arg8 : memref<!tpu.dma_semaphore, #tpu.memory_space<semaphore_mem>>) src(%dma_wait3A_1343 : memref<2600000x32xf32, #tpu.memory_space<hbm>>) dst(%dma_wait3A_1337 : memref<128x32xf32, #tpu.memory_space<vmem>>)
    %dma_wait3A_1344 = arith.constant 63 : i32
    %dma_wait3A_1345 = arith.constant 896 : i32
    %dma_wait3A_1346 = arith.constant 0 : i32
    %dma_wait3A_1347 = tpu.memref_slice %arg7[%dma_wait3A_1345, %dma_wait3A_1346] : memref<1024x32xf32, #tpu.memory_space<vmem>> -> memref<128x32xf32, #tpu.memory_space<vmem>>
    %dma_wait3A_1348 = arith.constant 0 : i32
    %dma_wait3A_1349 = tpu.memref_slice %arg5[%dma_wait3A_1344, %dma_wait3A_1348] : memref<104x128xi32, #tpu.memory_space<vmem>> -> memref<1x128xi32, #tpu.memory_space<vmem>>
    %dma_wait3A_1350 = tpu.memref_squeeze %dma_wait3A_1349 : memref<1x128xi32, #tpu.memory_space<vmem>> -> memref<128xi32, #tpu.memory_space<vmem>>
    %dma_wait3A_1351 = arith.constant 0 : i32
    %dma_wait3A_1352 = arith.constant 0 : i32
    %dma_wait3A_1353 = tpu.memref_slice %arg3[%dma_wait3A_1351, %dma_wait3A_1352] : memref<2600000x32xf32, #tpu.memory_space<hbm>> -> memref<2600000x32xf32, #tpu.memory_space<hbm>>
    tpu.wait_indirect_dma semaphore(%arg8 : memref<!tpu.dma_semaphore, #tpu.memory_space<semaphore_mem>>) src(%dma_wait3A_1353 : memref<2600000x32xf32, #tpu.memory_space<hbm>>) dst(%dma_wait3A_1347 : memref<128x32xf32, #tpu.memory_space<vmem>>)
    %add3A_1354 = arith.constant 7168 : i32
    %add3A_1355 = arith.addi %mul3A_4, %add3A_1354 : i32
    %dma_start3A_1356 = arith.constant 0 : i32
    %dma_start3A_1357 = tpu.memref_slice %arg4[%add3A_1355, %dma_start3A_1356] : memref<425984x32xf32, #tpu.memory_space<hbm>> -> memref<1024x32xf32, #tpu.memory_space<hbm>>
    %dma_start3A_1358 = arith.constant 0 : i32
    %dma_start3A_1359 = tpu.memref_slice %arg4[%add3A_1355, %dma_start3A_1358] : memref<425984x32xf32, #tpu.memory_space<hbm>> -> memref<1024x32xf32, #tpu.memory_space<hbm>>
    tpu.enqueue_dma source(%arg7 : memref<1024x32xf32, #tpu.memory_space<vmem>>) target(%dma_start3A_1359 : memref<1024x32xf32, #tpu.memory_space<hbm>>) target_semaphore(%arg9 : memref<!tpu.dma_semaphore, #tpu.memory_space<semaphore_mem>>)
    %dma_wait3A_1360 = arith.constant 0 : i32
    %dma_wait3A_1361 = tpu.memref_slice %arg4[%add3A_1185, %dma_wait3A_1360] : memref<425984x32xf32, #tpu.memory_space<hbm>> -> memref<1024x32xf32, #tpu.memory_space<hbm>>
    %dma_wait3A_1362 = arith.constant 0 : i32
    %dma_wait3A_1363 = tpu.memref_slice %arg4[%add3A_1185, %dma_wait3A_1362] : memref<425984x32xf32, #tpu.memory_space<hbm>> -> memref<1024x32xf32, #tpu.memory_space<hbm>>
    tpu.wait_dma2 semaphore(%arg9 : memref<!tpu.dma_semaphore, #tpu.memory_space<semaphore_mem>>) src(%arg6 : memref<1024x32xf32, #tpu.memory_space<vmem>>) dst(%dma_wait3A_1363 : memref<1024x32xf32, #tpu.memory_space<hbm>>)
    %dma_start3A_1364 = arith.constant 64 : i32
    %dma_start3A_1365 = arith.constant 0 : i32
    %dma_start3A_1366 = arith.constant 0 : i32
    %dma_start3A_1367 = tpu.memref_slice %arg6[%dma_start3A_1365, %dma_start3A_1366] : memref<1024x32xf32, #tpu.memory_space<vmem>> -> memref<128x32xf32, #tpu.memory_space<vmem>>
    %dma_start3A_1368 = arith.constant 0 : i32
    %dma_start3A_1369 = tpu.memref_slice %arg5[%dma_start3A_1364, %dma_start3A_1368] : memref<104x128xi32, #tpu.memory_space<vmem>> -> memref<1x128xi32, #tpu.memory_space<vmem>>
    %dma_start3A_1370 = tpu.memref_squeeze %dma_start3A_1369 : memref<1x128xi32, #tpu.memory_space<vmem>> -> memref<128xi32, #tpu.memory_space<vmem>>
    %dma_start3A_1371 = arith.constant 0 : i32
    %dma_start3A_1372 = arith.constant 0 : i32
    %dma_start3A_1373 = tpu.memref_slice %arg3[%dma_start3A_1371, %dma_start3A_1372] : memref<2600000x32xf32, #tpu.memory_space<hbm>> -> memref<2600000x32xf32, #tpu.memory_space<hbm>>
    tpu.enqueue_indirect_dma source(%dma_start3A_1373 : memref<2600000x32xf32, #tpu.memory_space<hbm>>) target(%dma_start3A_1367 : memref<128x32xf32, #tpu.memory_space<vmem>>) offsets(%dma_start3A_1370 : memref<128xi32, #tpu.memory_space<vmem>>) semaphore(%arg8 : memref<!tpu.dma_semaphore, #tpu.memory_space<semaphore_mem>>)
    %dma_start3A_1374 = arith.constant 65 : i32
    %dma_start3A_1375 = arith.constant 128 : i32
    %dma_start3A_1376 = arith.constant 0 : i32
    %dma_start3A_1377 = tpu.memref_slice %arg6[%dma_start3A_1375, %dma_start3A_1376] : memref<1024x32xf32, #tpu.memory_space<vmem>> -> memref<128x32xf32, #tpu.memory_space<vmem>>
    %dma_start3A_1378 = arith.constant 0 : i32
    %dma_start3A_1379 = tpu.memref_slice %arg5[%dma_start3A_1374, %dma_start3A_1378] : memref<104x128xi32, #tpu.memory_space<vmem>> -> memref<1x128xi32, #tpu.memory_space<vmem>>
    %dma_start3A_1380 = tpu.memref_squeeze %dma_start3A_1379 : memref<1x128xi32, #tpu.memory_space<vmem>> -> memref<128xi32, #tpu.memory_space<vmem>>
    %dma_start3A_1381 = arith.constant 0 : i32
    %dma_start3A_1382 = arith.constant 0 : i32
    %dma_start3A_1383 = tpu.memref_slice %arg3[%dma_start3A_1381, %dma_start3A_1382] : memref<2600000x32xf32, #tpu.memory_space<hbm>> -> memref<2600000x32xf32, #tpu.memory_space<hbm>>
    tpu.enqueue_indirect_dma source(%dma_start3A_1383 : memref<2600000x32xf32, #tpu.memory_space<hbm>>) target(%dma_start3A_1377 : memref<128x32xf32, #tpu.memory_space<vmem>>) offsets(%dma_start3A_1380 : memref<128xi32, #tpu.memory_space<vmem>>) semaphore(%arg8 : memref<!tpu.dma_semaphore, #tpu.memory_space<semaphore_mem>>)
    %dma_start3A_1384 = arith.constant 66 : i32
    %dma_start3A_1385 = arith.constant 256 : i32
    %dma_start3A_1386 = arith.constant 0 : i32
    %dma_start3A_1387 = tpu.memref_slice %arg6[%dma_start3A_1385, %dma_start3A_1386] : memref<1024x32xf32, #tpu.memory_space<vmem>> -> memref<128x32xf32, #tpu.memory_space<vmem>>
    %dma_start3A_1388 = arith.constant 0 : i32
    %dma_start3A_1389 = tpu.memref_slice %arg5[%dma_start3A_1384, %dma_start3A_1388] : memref<104x128xi32, #tpu.memory_space<vmem>> -> memref<1x128xi32, #tpu.memory_space<vmem>>
    %dma_start3A_1390 = tpu.memref_squeeze %dma_start3A_1389 : memref<1x128xi32, #tpu.memory_space<vmem>> -> memref<128xi32, #tpu.memory_space<vmem>>
    %dma_start3A_1391 = arith.constant 0 : i32
    %dma_start3A_1392 = arith.constant 0 : i32
    %dma_start3A_1393 = tpu.memref_slice %arg3[%dma_start3A_1391, %dma_start3A_1392] : memref<2600000x32xf32, #tpu.memory_space<hbm>> -> memref<2600000x32xf32, #tpu.memory_space<hbm>>
    tpu.enqueue_indirect_dma source(%dma_start3A_1393 : memref<2600000x32xf32, #tpu.memory_space<hbm>>) target(%dma_start3A_1387 : memref<128x32xf32, #tpu.memory_space<vmem>>) offsets(%dma_start3A_1390 : memref<128xi32, #tpu.memory_space<vmem>>) semaphore(%arg8 : memref<!tpu.dma_semaphore, #tpu.memory_space<semaphore_mem>>)
    %dma_start3A_1394 = arith.constant 67 : i32
    %dma_start3A_1395 = arith.constant 384 : i32
    %dma_start3A_1396 = arith.constant 0 : i32
    %dma_start3A_1397 = tpu.memref_slice %arg6[%dma_start3A_1395, %dma_start3A_1396] : memref<1024x32xf32, #tpu.memory_space<vmem>> -> memref<128x32xf32, #tpu.memory_space<vmem>>
    %dma_start3A_1398 = arith.constant 0 : i32
    %dma_start3A_1399 = tpu.memref_slice %arg5[%dma_start3A_1394, %dma_start3A_1398] : memref<104x128xi32, #tpu.memory_space<vmem>> -> memref<1x128xi32, #tpu.memory_space<vmem>>
    %dma_start3A_1400 = tpu.memref_squeeze %dma_start3A_1399 : memref<1x128xi32, #tpu.memory_space<vmem>> -> memref<128xi32, #tpu.memory_space<vmem>>
    %dma_start3A_1401 = arith.constant 0 : i32
    %dma_start3A_1402 = arith.constant 0 : i32
    %dma_start3A_1403 = tpu.memref_slice %arg3[%dma_start3A_1401, %dma_start3A_1402] : memref<2600000x32xf32, #tpu.memory_space<hbm>> -> memref<2600000x32xf32, #tpu.memory_space<hbm>>
    tpu.enqueue_indirect_dma source(%dma_start3A_1403 : memref<2600000x32xf32, #tpu.memory_space<hbm>>) target(%dma_start3A_1397 : memref<128x32xf32, #tpu.memory_space<vmem>>) offsets(%dma_start3A_1400 : memref<128xi32, #tpu.memory_space<vmem>>) semaphore(%arg8 : memref<!tpu.dma_semaphore, #tpu.memory_space<semaphore_mem>>)
    %dma_start3A_1404 = arith.constant 68 : i32
    %dma_start3A_1405 = arith.constant 512 : i32
    %dma_start3A_1406 = arith.constant 0 : i32
    %dma_start3A_1407 = tpu.memref_slice %arg6[%dma_start3A_1405, %dma_start3A_1406] : memref<1024x32xf32, #tpu.memory_space<vmem>> -> memref<128x32xf32, #tpu.memory_space<vmem>>
    %dma_start3A_1408 = arith.constant 0 : i32
    %dma_start3A_1409 = tpu.memref_slice %arg5[%dma_start3A_1404, %dma_start3A_1408] : memref<104x128xi32, #tpu.memory_space<vmem>> -> memref<1x128xi32, #tpu.memory_space<vmem>>
    %dma_start3A_1410 = tpu.memref_squeeze %dma_start3A_1409 : memref<1x128xi32, #tpu.memory_space<vmem>> -> memref<128xi32, #tpu.memory_space<vmem>>
    %dma_start3A_1411 = arith.constant 0 : i32
    %dma_start3A_1412 = arith.constant 0 : i32
    %dma_start3A_1413 = tpu.memref_slice %arg3[%dma_start3A_1411, %dma_start3A_1412] : memref<2600000x32xf32, #tpu.memory_space<hbm>> -> memref<2600000x32xf32, #tpu.memory_space<hbm>>
    tpu.enqueue_indirect_dma source(%dma_start3A_1413 : memref<2600000x32xf32, #tpu.memory_space<hbm>>) target(%dma_start3A_1407 : memref<128x32xf32, #tpu.memory_space<vmem>>) offsets(%dma_start3A_1410 : memref<128xi32, #tpu.memory_space<vmem>>) semaphore(%arg8 : memref<!tpu.dma_semaphore, #tpu.memory_space<semaphore_mem>>)
    %dma_start3A_1414 = arith.constant 69 : i32
    %dma_start3A_1415 = arith.constant 640 : i32
    %dma_start3A_1416 = arith.constant 0 : i32
    %dma_start3A_1417 = tpu.memref_slice %arg6[%dma_start3A_1415, %dma_start3A_1416] : memref<1024x32xf32, #tpu.memory_space<vmem>> -> memref<128x32xf32, #tpu.memory_space<vmem>>
    %dma_start3A_1418 = arith.constant 0 : i32
    %dma_start3A_1419 = tpu.memref_slice %arg5[%dma_start3A_1414, %dma_start3A_1418] : memref<104x128xi32, #tpu.memory_space<vmem>> -> memref<1x128xi32, #tpu.memory_space<vmem>>
    %dma_start3A_1420 = tpu.memref_squeeze %dma_start3A_1419 : memref<1x128xi32, #tpu.memory_space<vmem>> -> memref<128xi32, #tpu.memory_space<vmem>>
    %dma_start3A_1421 = arith.constant 0 : i32
    %dma_start3A_1422 = arith.constant 0 : i32
    %dma_start3A_1423 = tpu.memref_slice %arg3[%dma_start3A_1421, %dma_start3A_1422] : memref<2600000x32xf32, #tpu.memory_space<hbm>> -> memref<2600000x32xf32, #tpu.memory_space<hbm>>
    tpu.enqueue_indirect_dma source(%dma_start3A_1423 : memref<2600000x32xf32, #tpu.memory_space<hbm>>) target(%dma_start3A_1417 : memref<128x32xf32, #tpu.memory_space<vmem>>) offsets(%dma_start3A_1420 : memref<128xi32, #tpu.memory_space<vmem>>) semaphore(%arg8 : memref<!tpu.dma_semaphore, #tpu.memory_space<semaphore_mem>>)
    %dma_start3A_1424 = arith.constant 70 : i32
    %dma_start3A_1425 = arith.constant 768 : i32
    %dma_start3A_1426 = arith.constant 0 : i32
    %dma_start3A_1427 = tpu.memref_slice %arg6[%dma_start3A_1425, %dma_start3A_1426] : memref<1024x32xf32, #tpu.memory_space<vmem>> -> memref<128x32xf32, #tpu.memory_space<vmem>>
    %dma_start3A_1428 = arith.constant 0 : i32
    %dma_start3A_1429 = tpu.memref_slice %arg5[%dma_start3A_1424, %dma_start3A_1428] : memref<104x128xi32, #tpu.memory_space<vmem>> -> memref<1x128xi32, #tpu.memory_space<vmem>>
    %dma_start3A_1430 = tpu.memref_squeeze %dma_start3A_1429 : memref<1x128xi32, #tpu.memory_space<vmem>> -> memref<128xi32, #tpu.memory_space<vmem>>
    %dma_start3A_1431 = arith.constant 0 : i32
    %dma_start3A_1432 = arith.constant 0 : i32
    %dma_start3A_1433 = tpu.memref_slice %arg3[%dma_start3A_1431, %dma_start3A_1432] : memref<2600000x32xf32, #tpu.memory_space<hbm>> -> memref<2600000x32xf32, #tpu.memory_space<hbm>>
    tpu.enqueue_indirect_dma source(%dma_start3A_1433 : memref<2600000x32xf32, #tpu.memory_space<hbm>>) target(%dma_start3A_1427 : memref<128x32xf32, #tpu.memory_space<vmem>>) offsets(%dma_start3A_1430 : memref<128xi32, #tpu.memory_space<vmem>>) semaphore(%arg8 : memref<!tpu.dma_semaphore, #tpu.memory_space<semaphore_mem>>)
    %dma_start3A_1434 = arith.constant 71 : i32
    %dma_start3A_1435 = arith.constant 896 : i32
    %dma_start3A_1436 = arith.constant 0 : i32
    %dma_start3A_1437 = tpu.memref_slice %arg6[%dma_start3A_1435, %dma_start3A_1436] : memref<1024x32xf32, #tpu.memory_space<vmem>> -> memref<128x32xf32, #tpu.memory_space<vmem>>
    %dma_start3A_1438 = arith.constant 0 : i32
    %dma_start3A_1439 = tpu.memref_slice %arg5[%dma_start3A_1434, %dma_start3A_1438] : memref<104x128xi32, #tpu.memory_space<vmem>> -> memref<1x128xi32, #tpu.memory_space<vmem>>
    %dma_start3A_1440 = tpu.memref_squeeze %dma_start3A_1439 : memref<1x128xi32, #tpu.memory_space<vmem>> -> memref<128xi32, #tpu.memory_space<vmem>>
    %dma_start3A_1441 = arith.constant 0 : i32
    %dma_start3A_1442 = arith.constant 0 : i32
    %dma_start3A_1443 = tpu.memref_slice %arg3[%dma_start3A_1441, %dma_start3A_1442] : memref<2600000x32xf32, #tpu.memory_space<hbm>> -> memref<2600000x32xf32, #tpu.memory_space<hbm>>
    tpu.enqueue_indirect_dma source(%dma_start3A_1443 : memref<2600000x32xf32, #tpu.memory_space<hbm>>) target(%dma_start3A_1437 : memref<128x32xf32, #tpu.memory_space<vmem>>) offsets(%dma_start3A_1440 : memref<128xi32, #tpu.memory_space<vmem>>) semaphore(%arg8 : memref<!tpu.dma_semaphore, #tpu.memory_space<semaphore_mem>>)
    %dma_wait3A_1444 = arith.constant 64 : i32
    %dma_wait3A_1445 = arith.constant 0 : i32
    %dma_wait3A_1446 = arith.constant 0 : i32
    %dma_wait3A_1447 = tpu.memref_slice %arg6[%dma_wait3A_1445, %dma_wait3A_1446] : memref<1024x32xf32, #tpu.memory_space<vmem>> -> memref<128x32xf32, #tpu.memory_space<vmem>>
    %dma_wait3A_1448 = arith.constant 0 : i32
    %dma_wait3A_1449 = tpu.memref_slice %arg5[%dma_wait3A_1444, %dma_wait3A_1448] : memref<104x128xi32, #tpu.memory_space<vmem>> -> memref<1x128xi32, #tpu.memory_space<vmem>>
    %dma_wait3A_1450 = tpu.memref_squeeze %dma_wait3A_1449 : memref<1x128xi32, #tpu.memory_space<vmem>> -> memref<128xi32, #tpu.memory_space<vmem>>
    %dma_wait3A_1451 = arith.constant 0 : i32
    %dma_wait3A_1452 = arith.constant 0 : i32
    %dma_wait3A_1453 = tpu.memref_slice %arg3[%dma_wait3A_1451, %dma_wait3A_1452] : memref<2600000x32xf32, #tpu.memory_space<hbm>> -> memref<2600000x32xf32, #tpu.memory_space<hbm>>
    tpu.wait_indirect_dma semaphore(%arg8 : memref<!tpu.dma_semaphore, #tpu.memory_space<semaphore_mem>>) src(%dma_wait3A_1453 : memref<2600000x32xf32, #tpu.memory_space<hbm>>) dst(%dma_wait3A_1447 : memref<128x32xf32, #tpu.memory_space<vmem>>)
    %dma_wait3A_1454 = arith.constant 65 : i32
    %dma_wait3A_1455 = arith.constant 128 : i32
    %dma_wait3A_1456 = arith.constant 0 : i32
    %dma_wait3A_1457 = tpu.memref_slice %arg6[%dma_wait3A_1455, %dma_wait3A_1456] : memref<1024x32xf32, #tpu.memory_space<vmem>> -> memref<128x32xf32, #tpu.memory_space<vmem>>
    %dma_wait3A_1458 = arith.constant 0 : i32
    %dma_wait3A_1459 = tpu.memref_slice %arg5[%dma_wait3A_1454, %dma_wait3A_1458] : memref<104x128xi32, #tpu.memory_space<vmem>> -> memref<1x128xi32, #tpu.memory_space<vmem>>
    %dma_wait3A_1460 = tpu.memref_squeeze %dma_wait3A_1459 : memref<1x128xi32, #tpu.memory_space<vmem>> -> memref<128xi32, #tpu.memory_space<vmem>>
    %dma_wait3A_1461 = arith.constant 0 : i32
    %dma_wait3A_1462 = arith.constant 0 : i32
    %dma_wait3A_1463 = tpu.memref_slice %arg3[%dma_wait3A_1461, %dma_wait3A_1462] : memref<2600000x32xf32, #tpu.memory_space<hbm>> -> memref<2600000x32xf32, #tpu.memory_space<hbm>>
    tpu.wait_indirect_dma semaphore(%arg8 : memref<!tpu.dma_semaphore, #tpu.memory_space<semaphore_mem>>) src(%dma_wait3A_1463 : memref<2600000x32xf32, #tpu.memory_space<hbm>>) dst(%dma_wait3A_1457 : memref<128x32xf32, #tpu.memory_space<vmem>>)
    %dma_wait3A_1464 = arith.constant 66 : i32
    %dma_wait3A_1465 = arith.constant 256 : i32
    %dma_wait3A_1466 = arith.constant 0 : i32
    %dma_wait3A_1467 = tpu.memref_slice %arg6[%dma_wait3A_1465, %dma_wait3A_1466] : memref<1024x32xf32, #tpu.memory_space<vmem>> -> memref<128x32xf32, #tpu.memory_space<vmem>>
    %dma_wait3A_1468 = arith.constant 0 : i32
    %dma_wait3A_1469 = tpu.memref_slice %arg5[%dma_wait3A_1464, %dma_wait3A_1468] : memref<104x128xi32, #tpu.memory_space<vmem>> -> memref<1x128xi32, #tpu.memory_space<vmem>>
    %dma_wait3A_1470 = tpu.memref_squeeze %dma_wait3A_1469 : memref<1x128xi32, #tpu.memory_space<vmem>> -> memref<128xi32, #tpu.memory_space<vmem>>
    %dma_wait3A_1471 = arith.constant 0 : i32
    %dma_wait3A_1472 = arith.constant 0 : i32
    %dma_wait3A_1473 = tpu.memref_slice %arg3[%dma_wait3A_1471, %dma_wait3A_1472] : memref<2600000x32xf32, #tpu.memory_space<hbm>> -> memref<2600000x32xf32, #tpu.memory_space<hbm>>
    tpu.wait_indirect_dma semaphore(%arg8 : memref<!tpu.dma_semaphore, #tpu.memory_space<semaphore_mem>>) src(%dma_wait3A_1473 : memref<2600000x32xf32, #tpu.memory_space<hbm>>) dst(%dma_wait3A_1467 : memref<128x32xf32, #tpu.memory_space<vmem>>)
    %dma_wait3A_1474 = arith.constant 67 : i32
    %dma_wait3A_1475 = arith.constant 384 : i32
    %dma_wait3A_1476 = arith.constant 0 : i32
    %dma_wait3A_1477 = tpu.memref_slice %arg6[%dma_wait3A_1475, %dma_wait3A_1476] : memref<1024x32xf32, #tpu.memory_space<vmem>> -> memref<128x32xf32, #tpu.memory_space<vmem>>
    %dma_wait3A_1478 = arith.constant 0 : i32
    %dma_wait3A_1479 = tpu.memref_slice %arg5[%dma_wait3A_1474, %dma_wait3A_1478] : memref<104x128xi32, #tpu.memory_space<vmem>> -> memref<1x128xi32, #tpu.memory_space<vmem>>
    %dma_wait3A_1480 = tpu.memref_squeeze %dma_wait3A_1479 : memref<1x128xi32, #tpu.memory_space<vmem>> -> memref<128xi32, #tpu.memory_space<vmem>>
    %dma_wait3A_1481 = arith.constant 0 : i32
    %dma_wait3A_1482 = arith.constant 0 : i32
    %dma_wait3A_1483 = tpu.memref_slice %arg3[%dma_wait3A_1481, %dma_wait3A_1482] : memref<2600000x32xf32, #tpu.memory_space<hbm>> -> memref<2600000x32xf32, #tpu.memory_space<hbm>>
    tpu.wait_indirect_dma semaphore(%arg8 : memref<!tpu.dma_semaphore, #tpu.memory_space<semaphore_mem>>) src(%dma_wait3A_1483 : memref<2600000x32xf32, #tpu.memory_space<hbm>>) dst(%dma_wait3A_1477 : memref<128x32xf32, #tpu.memory_space<vmem>>)
    %dma_wait3A_1484 = arith.constant 68 : i32
    %dma_wait3A_1485 = arith.constant 512 : i32
    %dma_wait3A_1486 = arith.constant 0 : i32
    %dma_wait3A_1487 = tpu.memref_slice %arg6[%dma_wait3A_1485, %dma_wait3A_1486] : memref<1024x32xf32, #tpu.memory_space<vmem>> -> memref<128x32xf32, #tpu.memory_space<vmem>>
    %dma_wait3A_1488 = arith.constant 0 : i32
    %dma_wait3A_1489 = tpu.memref_slice %arg5[%dma_wait3A_1484, %dma_wait3A_1488] : memref<104x128xi32, #tpu.memory_space<vmem>> -> memref<1x128xi32, #tpu.memory_space<vmem>>
    %dma_wait3A_1490 = tpu.memref_squeeze %dma_wait3A_1489 : memref<1x128xi32, #tpu.memory_space<vmem>> -> memref<128xi32, #tpu.memory_space<vmem>>
    %dma_wait3A_1491 = arith.constant 0 : i32
    %dma_wait3A_1492 = arith.constant 0 : i32
    %dma_wait3A_1493 = tpu.memref_slice %arg3[%dma_wait3A_1491, %dma_wait3A_1492] : memref<2600000x32xf32, #tpu.memory_space<hbm>> -> memref<2600000x32xf32, #tpu.memory_space<hbm>>
    tpu.wait_indirect_dma semaphore(%arg8 : memref<!tpu.dma_semaphore, #tpu.memory_space<semaphore_mem>>) src(%dma_wait3A_1493 : memref<2600000x32xf32, #tpu.memory_space<hbm>>) dst(%dma_wait3A_1487 : memref<128x32xf32, #tpu.memory_space<vmem>>)
    %dma_wait3A_1494 = arith.constant 69 : i32
    %dma_wait3A_1495 = arith.constant 640 : i32
    %dma_wait3A_1496 = arith.constant 0 : i32
    %dma_wait3A_1497 = tpu.memref_slice %arg6[%dma_wait3A_1495, %dma_wait3A_1496] : memref<1024x32xf32, #tpu.memory_space<vmem>> -> memref<128x32xf32, #tpu.memory_space<vmem>>
    %dma_wait3A_1498 = arith.constant 0 : i32
    %dma_wait3A_1499 = tpu.memref_slice %arg5[%dma_wait3A_1494, %dma_wait3A_1498] : memref<104x128xi32, #tpu.memory_space<vmem>> -> memref<1x128xi32, #tpu.memory_space<vmem>>
    %dma_wait3A_1500 = tpu.memref_squeeze %dma_wait3A_1499 : memref<1x128xi32, #tpu.memory_space<vmem>> -> memref<128xi32, #tpu.memory_space<vmem>>
    %dma_wait3A_1501 = arith.constant 0 : i32
    %dma_wait3A_1502 = arith.constant 0 : i32
    %dma_wait3A_1503 = tpu.memref_slice %arg3[%dma_wait3A_1501, %dma_wait3A_1502] : memref<2600000x32xf32, #tpu.memory_space<hbm>> -> memref<2600000x32xf32, #tpu.memory_space<hbm>>
    tpu.wait_indirect_dma semaphore(%arg8 : memref<!tpu.dma_semaphore, #tpu.memory_space<semaphore_mem>>) src(%dma_wait3A_1503 : memref<2600000x32xf32, #tpu.memory_space<hbm>>) dst(%dma_wait3A_1497 : memref<128x32xf32, #tpu.memory_space<vmem>>)
    %dma_wait3A_1504 = arith.constant 70 : i32
    %dma_wait3A_1505 = arith.constant 768 : i32
    %dma_wait3A_1506 = arith.constant 0 : i32
    %dma_wait3A_1507 = tpu.memref_slice %arg6[%dma_wait3A_1505, %dma_wait3A_1506] : memref<1024x32xf32, #tpu.memory_space<vmem>> -> memref<128x32xf32, #tpu.memory_space<vmem>>
    %dma_wait3A_1508 = arith.constant 0 : i32
    %dma_wait3A_1509 = tpu.memref_slice %arg5[%dma_wait3A_1504, %dma_wait3A_1508] : memref<104x128xi32, #tpu.memory_space<vmem>> -> memref<1x128xi32, #tpu.memory_space<vmem>>
    %dma_wait3A_1510 = tpu.memref_squeeze %dma_wait3A_1509 : memref<1x128xi32, #tpu.memory_space<vmem>> -> memref<128xi32, #tpu.memory_space<vmem>>
    %dma_wait3A_1511 = arith.constant 0 : i32
    %dma_wait3A_1512 = arith.constant 0 : i32
    %dma_wait3A_1513 = tpu.memref_slice %arg3[%dma_wait3A_1511, %dma_wait3A_1512] : memref<2600000x32xf32, #tpu.memory_space<hbm>> -> memref<2600000x32xf32, #tpu.memory_space<hbm>>
    tpu.wait_indirect_dma semaphore(%arg8 : memref<!tpu.dma_semaphore, #tpu.memory_space<semaphore_mem>>) src(%dma_wait3A_1513 : memref<2600000x32xf32, #tpu.memory_space<hbm>>) dst(%dma_wait3A_1507 : memref<128x32xf32, #tpu.memory_space<vmem>>)
    %dma_wait3A_1514 = arith.constant 71 : i32
    %dma_wait3A_1515 = arith.constant 896 : i32
    %dma_wait3A_1516 = arith.constant 0 : i32
    %dma_wait3A_1517 = tpu.memref_slice %arg6[%dma_wait3A_1515, %dma_wait3A_1516] : memref<1024x32xf32, #tpu.memory_space<vmem>> -> memref<128x32xf32, #tpu.memory_space<vmem>>
    %dma_wait3A_1518 = arith.constant 0 : i32
    %dma_wait3A_1519 = tpu.memref_slice %arg5[%dma_wait3A_1514, %dma_wait3A_1518] : memref<104x128xi32, #tpu.memory_space<vmem>> -> memref<1x128xi32, #tpu.memory_space<vmem>>
    %dma_wait3A_1520 = tpu.memref_squeeze %dma_wait3A_1519 : memref<1x128xi32, #tpu.memory_space<vmem>> -> memref<128xi32, #tpu.memory_space<vmem>>
    %dma_wait3A_1521 = arith.constant 0 : i32
    %dma_wait3A_1522 = arith.constant 0 : i32
    %dma_wait3A_1523 = tpu.memref_slice %arg3[%dma_wait3A_1521, %dma_wait3A_1522] : memref<2600000x32xf32, #tpu.memory_space<hbm>> -> memref<2600000x32xf32, #tpu.memory_space<hbm>>
    tpu.wait_indirect_dma semaphore(%arg8 : memref<!tpu.dma_semaphore, #tpu.memory_space<semaphore_mem>>) src(%dma_wait3A_1523 : memref<2600000x32xf32, #tpu.memory_space<hbm>>) dst(%dma_wait3A_1517 : memref<128x32xf32, #tpu.memory_space<vmem>>)
    %add3A_1524 = arith.constant 8192 : i32
    %add3A_1525 = arith.addi %mul3A_4, %add3A_1524 : i32
    %dma_start3A_1526 = arith.constant 0 : i32
    %dma_start3A_1527 = tpu.memref_slice %arg4[%add3A_1525, %dma_start3A_1526] : memref<425984x32xf32, #tpu.memory_space<hbm>> -> memref<1024x32xf32, #tpu.memory_space<hbm>>
    %dma_start3A_1528 = arith.constant 0 : i32
    %dma_start3A_1529 = tpu.memref_slice %arg4[%add3A_1525, %dma_start3A_1528] : memref<425984x32xf32, #tpu.memory_space<hbm>> -> memref<1024x32xf32, #tpu.memory_space<hbm>>
    tpu.enqueue_dma source(%arg6 : memref<1024x32xf32, #tpu.memory_space<vmem>>) target(%dma_start3A_1529 : memref<1024x32xf32, #tpu.memory_space<hbm>>) target_semaphore(%arg9 : memref<!tpu.dma_semaphore, #tpu.memory_space<semaphore_mem>>)
    %dma_wait3A_1530 = arith.constant 0 : i32
    %dma_wait3A_1531 = tpu.memref_slice %arg4[%add3A_1355, %dma_wait3A_1530] : memref<425984x32xf32, #tpu.memory_space<hbm>> -> memref<1024x32xf32, #tpu.memory_space<hbm>>
    %dma_wait3A_1532 = arith.constant 0 : i32
    %dma_wait3A_1533 = tpu.memref_slice %arg4[%add3A_1355, %dma_wait3A_1532] : memref<425984x32xf32, #tpu.memory_space<hbm>> -> memref<1024x32xf32, #tpu.memory_space<hbm>>
    tpu.wait_dma2 semaphore(%arg9 : memref<!tpu.dma_semaphore, #tpu.memory_space<semaphore_mem>>) src(%arg7 : memref<1024x32xf32, #tpu.memory_space<vmem>>) dst(%dma_wait3A_1533 : memref<1024x32xf32, #tpu.memory_space<hbm>>)
    %dma_start3A_1534 = arith.constant 72 : i32
    %dma_start3A_1535 = arith.constant 0 : i32
    %dma_start3A_1536 = arith.constant 0 : i32
    %dma_start3A_1537 = tpu.memref_slice %arg7[%dma_start3A_1535, %dma_start3A_1536] : memref<1024x32xf32, #tpu.memory_space<vmem>> -> memref<128x32xf32, #tpu.memory_space<vmem>>
    %dma_start3A_1538 = arith.constant 0 : i32
    %dma_start3A_1539 = tpu.memref_slice %arg5[%dma_start3A_1534, %dma_start3A_1538] : memref<104x128xi32, #tpu.memory_space<vmem>> -> memref<1x128xi32, #tpu.memory_space<vmem>>
    %dma_start3A_1540 = tpu.memref_squeeze %dma_start3A_1539 : memref<1x128xi32, #tpu.memory_space<vmem>> -> memref<128xi32, #tpu.memory_space<vmem>>
    %dma_start3A_1541 = arith.constant 0 : i32
    %dma_start3A_1542 = arith.constant 0 : i32
    %dma_start3A_1543 = tpu.memref_slice %arg3[%dma_start3A_1541, %dma_start3A_1542] : memref<2600000x32xf32, #tpu.memory_space<hbm>> -> memref<2600000x32xf32, #tpu.memory_space<hbm>>
    tpu.enqueue_indirect_dma source(%dma_start3A_1543 : memref<2600000x32xf32, #tpu.memory_space<hbm>>) target(%dma_start3A_1537 : memref<128x32xf32, #tpu.memory_space<vmem>>) offsets(%dma_start3A_1540 : memref<128xi32, #tpu.memory_space<vmem>>) semaphore(%arg8 : memref<!tpu.dma_semaphore, #tpu.memory_space<semaphore_mem>>)
    %dma_start3A_1544 = arith.constant 73 : i32
    %dma_start3A_1545 = arith.constant 128 : i32
    %dma_start3A_1546 = arith.constant 0 : i32
    %dma_start3A_1547 = tpu.memref_slice %arg7[%dma_start3A_1545, %dma_start3A_1546] : memref<1024x32xf32, #tpu.memory_space<vmem>> -> memref<128x32xf32, #tpu.memory_space<vmem>>
    %dma_start3A_1548 = arith.constant 0 : i32
    %dma_start3A_1549 = tpu.memref_slice %arg5[%dma_start3A_1544, %dma_start3A_1548] : memref<104x128xi32, #tpu.memory_space<vmem>> -> memref<1x128xi32, #tpu.memory_space<vmem>>
    %dma_start3A_1550 = tpu.memref_squeeze %dma_start3A_1549 : memref<1x128xi32, #tpu.memory_space<vmem>> -> memref<128xi32, #tpu.memory_space<vmem>>
    %dma_start3A_1551 = arith.constant 0 : i32
    %dma_start3A_1552 = arith.constant 0 : i32
    %dma_start3A_1553 = tpu.memref_slice %arg3[%dma_start3A_1551, %dma_start3A_1552] : memref<2600000x32xf32, #tpu.memory_space<hbm>> -> memref<2600000x32xf32, #tpu.memory_space<hbm>>
    tpu.enqueue_indirect_dma source(%dma_start3A_1553 : memref<2600000x32xf32, #tpu.memory_space<hbm>>) target(%dma_start3A_1547 : memref<128x32xf32, #tpu.memory_space<vmem>>) offsets(%dma_start3A_1550 : memref<128xi32, #tpu.memory_space<vmem>>) semaphore(%arg8 : memref<!tpu.dma_semaphore, #tpu.memory_space<semaphore_mem>>)
    %dma_start3A_1554 = arith.constant 74 : i32
    %dma_start3A_1555 = arith.constant 256 : i32
    %dma_start3A_1556 = arith.constant 0 : i32
    %dma_start3A_1557 = tpu.memref_slice %arg7[%dma_start3A_1555, %dma_start3A_1556] : memref<1024x32xf32, #tpu.memory_space<vmem>> -> memref<128x32xf32, #tpu.memory_space<vmem>>
    %dma_start3A_1558 = arith.constant 0 : i32
    %dma_start3A_1559 = tpu.memref_slice %arg5[%dma_start3A_1554, %dma_start3A_1558] : memref<104x128xi32, #tpu.memory_space<vmem>> -> memref<1x128xi32, #tpu.memory_space<vmem>>
    %dma_start3A_1560 = tpu.memref_squeeze %dma_start3A_1559 : memref<1x128xi32, #tpu.memory_space<vmem>> -> memref<128xi32, #tpu.memory_space<vmem>>
    %dma_start3A_1561 = arith.constant 0 : i32
    %dma_start3A_1562 = arith.constant 0 : i32
    %dma_start3A_1563 = tpu.memref_slice %arg3[%dma_start3A_1561, %dma_start3A_1562] : memref<2600000x32xf32, #tpu.memory_space<hbm>> -> memref<2600000x32xf32, #tpu.memory_space<hbm>>
    tpu.enqueue_indirect_dma source(%dma_start3A_1563 : memref<2600000x32xf32, #tpu.memory_space<hbm>>) target(%dma_start3A_1557 : memref<128x32xf32, #tpu.memory_space<vmem>>) offsets(%dma_start3A_1560 : memref<128xi32, #tpu.memory_space<vmem>>) semaphore(%arg8 : memref<!tpu.dma_semaphore, #tpu.memory_space<semaphore_mem>>)
    %dma_start3A_1564 = arith.constant 75 : i32
    %dma_start3A_1565 = arith.constant 384 : i32
    %dma_start3A_1566 = arith.constant 0 : i32
    %dma_start3A_1567 = tpu.memref_slice %arg7[%dma_start3A_1565, %dma_start3A_1566] : memref<1024x32xf32, #tpu.memory_space<vmem>> -> memref<128x32xf32, #tpu.memory_space<vmem>>
    %dma_start3A_1568 = arith.constant 0 : i32
    %dma_start3A_1569 = tpu.memref_slice %arg5[%dma_start3A_1564, %dma_start3A_1568] : memref<104x128xi32, #tpu.memory_space<vmem>> -> memref<1x128xi32, #tpu.memory_space<vmem>>
    %dma_start3A_1570 = tpu.memref_squeeze %dma_start3A_1569 : memref<1x128xi32, #tpu.memory_space<vmem>> -> memref<128xi32, #tpu.memory_space<vmem>>
    %dma_start3A_1571 = arith.constant 0 : i32
    %dma_start3A_1572 = arith.constant 0 : i32
    %dma_start3A_1573 = tpu.memref_slice %arg3[%dma_start3A_1571, %dma_start3A_1572] : memref<2600000x32xf32, #tpu.memory_space<hbm>> -> memref<2600000x32xf32, #tpu.memory_space<hbm>>
    tpu.enqueue_indirect_dma source(%dma_start3A_1573 : memref<2600000x32xf32, #tpu.memory_space<hbm>>) target(%dma_start3A_1567 : memref<128x32xf32, #tpu.memory_space<vmem>>) offsets(%dma_start3A_1570 : memref<128xi32, #tpu.memory_space<vmem>>) semaphore(%arg8 : memref<!tpu.dma_semaphore, #tpu.memory_space<semaphore_mem>>)
    %dma_start3A_1574 = arith.constant 76 : i32
    %dma_start3A_1575 = arith.constant 512 : i32
    %dma_start3A_1576 = arith.constant 0 : i32
    %dma_start3A_1577 = tpu.memref_slice %arg7[%dma_start3A_1575, %dma_start3A_1576] : memref<1024x32xf32, #tpu.memory_space<vmem>> -> memref<128x32xf32, #tpu.memory_space<vmem>>
    %dma_start3A_1578 = arith.constant 0 : i32
    %dma_start3A_1579 = tpu.memref_slice %arg5[%dma_start3A_1574, %dma_start3A_1578] : memref<104x128xi32, #tpu.memory_space<vmem>> -> memref<1x128xi32, #tpu.memory_space<vmem>>
    %dma_start3A_1580 = tpu.memref_squeeze %dma_start3A_1579 : memref<1x128xi32, #tpu.memory_space<vmem>> -> memref<128xi32, #tpu.memory_space<vmem>>
    %dma_start3A_1581 = arith.constant 0 : i32
    %dma_start3A_1582 = arith.constant 0 : i32
    %dma_start3A_1583 = tpu.memref_slice %arg3[%dma_start3A_1581, %dma_start3A_1582] : memref<2600000x32xf32, #tpu.memory_space<hbm>> -> memref<2600000x32xf32, #tpu.memory_space<hbm>>
    tpu.enqueue_indirect_dma source(%dma_start3A_1583 : memref<2600000x32xf32, #tpu.memory_space<hbm>>) target(%dma_start3A_1577 : memref<128x32xf32, #tpu.memory_space<vmem>>) offsets(%dma_start3A_1580 : memref<128xi32, #tpu.memory_space<vmem>>) semaphore(%arg8 : memref<!tpu.dma_semaphore, #tpu.memory_space<semaphore_mem>>)
    %dma_start3A_1584 = arith.constant 77 : i32
    %dma_start3A_1585 = arith.constant 640 : i32
    %dma_start3A_1586 = arith.constant 0 : i32
    %dma_start3A_1587 = tpu.memref_slice %arg7[%dma_start3A_1585, %dma_start3A_1586] : memref<1024x32xf32, #tpu.memory_space<vmem>> -> memref<128x32xf32, #tpu.memory_space<vmem>>
    %dma_start3A_1588 = arith.constant 0 : i32
    %dma_start3A_1589 = tpu.memref_slice %arg5[%dma_start3A_1584, %dma_start3A_1588] : memref<104x128xi32, #tpu.memory_space<vmem>> -> memref<1x128xi32, #tpu.memory_space<vmem>>
    %dma_start3A_1590 = tpu.memref_squeeze %dma_start3A_1589 : memref<1x128xi32, #tpu.memory_space<vmem>> -> memref<128xi32, #tpu.memory_space<vmem>>
    %dma_start3A_1591 = arith.constant 0 : i32
    %dma_start3A_1592 = arith.constant 0 : i32
    %dma_start3A_1593 = tpu.memref_slice %arg3[%dma_start3A_1591, %dma_start3A_1592] : memref<2600000x32xf32, #tpu.memory_space<hbm>> -> memref<2600000x32xf32, #tpu.memory_space<hbm>>
    tpu.enqueue_indirect_dma source(%dma_start3A_1593 : memref<2600000x32xf32, #tpu.memory_space<hbm>>) target(%dma_start3A_1587 : memref<128x32xf32, #tpu.memory_space<vmem>>) offsets(%dma_start3A_1590 : memref<128xi32, #tpu.memory_space<vmem>>) semaphore(%arg8 : memref<!tpu.dma_semaphore, #tpu.memory_space<semaphore_mem>>)
    %dma_start3A_1594 = arith.constant 78 : i32
    %dma_start3A_1595 = arith.constant 768 : i32
    %dma_start3A_1596 = arith.constant 0 : i32
    %dma_start3A_1597 = tpu.memref_slice %arg7[%dma_start3A_1595, %dma_start3A_1596] : memref<1024x32xf32, #tpu.memory_space<vmem>> -> memref<128x32xf32, #tpu.memory_space<vmem>>
    %dma_start3A_1598 = arith.constant 0 : i32
    %dma_start3A_1599 = tpu.memref_slice %arg5[%dma_start3A_1594, %dma_start3A_1598] : memref<104x128xi32, #tpu.memory_space<vmem>> -> memref<1x128xi32, #tpu.memory_space<vmem>>
    %dma_start3A_1600 = tpu.memref_squeeze %dma_start3A_1599 : memref<1x128xi32, #tpu.memory_space<vmem>> -> memref<128xi32, #tpu.memory_space<vmem>>
    %dma_start3A_1601 = arith.constant 0 : i32
    %dma_start3A_1602 = arith.constant 0 : i32
    %dma_start3A_1603 = tpu.memref_slice %arg3[%dma_start3A_1601, %dma_start3A_1602] : memref<2600000x32xf32, #tpu.memory_space<hbm>> -> memref<2600000x32xf32, #tpu.memory_space<hbm>>
    tpu.enqueue_indirect_dma source(%dma_start3A_1603 : memref<2600000x32xf32, #tpu.memory_space<hbm>>) target(%dma_start3A_1597 : memref<128x32xf32, #tpu.memory_space<vmem>>) offsets(%dma_start3A_1600 : memref<128xi32, #tpu.memory_space<vmem>>) semaphore(%arg8 : memref<!tpu.dma_semaphore, #tpu.memory_space<semaphore_mem>>)
    %dma_start3A_1604 = arith.constant 79 : i32
    %dma_start3A_1605 = arith.constant 896 : i32
    %dma_start3A_1606 = arith.constant 0 : i32
    %dma_start3A_1607 = tpu.memref_slice %arg7[%dma_start3A_1605, %dma_start3A_1606] : memref<1024x32xf32, #tpu.memory_space<vmem>> -> memref<128x32xf32, #tpu.memory_space<vmem>>
    %dma_start3A_1608 = arith.constant 0 : i32
    %dma_start3A_1609 = tpu.memref_slice %arg5[%dma_start3A_1604, %dma_start3A_1608] : memref<104x128xi32, #tpu.memory_space<vmem>> -> memref<1x128xi32, #tpu.memory_space<vmem>>
    %dma_start3A_1610 = tpu.memref_squeeze %dma_start3A_1609 : memref<1x128xi32, #tpu.memory_space<vmem>> -> memref<128xi32, #tpu.memory_space<vmem>>
    %dma_start3A_1611 = arith.constant 0 : i32
    %dma_start3A_1612 = arith.constant 0 : i32
    %dma_start3A_1613 = tpu.memref_slice %arg3[%dma_start3A_1611, %dma_start3A_1612] : memref<2600000x32xf32, #tpu.memory_space<hbm>> -> memref<2600000x32xf32, #tpu.memory_space<hbm>>
    tpu.enqueue_indirect_dma source(%dma_start3A_1613 : memref<2600000x32xf32, #tpu.memory_space<hbm>>) target(%dma_start3A_1607 : memref<128x32xf32, #tpu.memory_space<vmem>>) offsets(%dma_start3A_1610 : memref<128xi32, #tpu.memory_space<vmem>>) semaphore(%arg8 : memref<!tpu.dma_semaphore, #tpu.memory_space<semaphore_mem>>)
    %dma_wait3A_1614 = arith.constant 72 : i32
    %dma_wait3A_1615 = arith.constant 0 : i32
    %dma_wait3A_1616 = arith.constant 0 : i32
    %dma_wait3A_1617 = tpu.memref_slice %arg7[%dma_wait3A_1615, %dma_wait3A_1616] : memref<1024x32xf32, #tpu.memory_space<vmem>> -> memref<128x32xf32, #tpu.memory_space<vmem>>
    %dma_wait3A_1618 = arith.constant 0 : i32
    %dma_wait3A_1619 = tpu.memref_slice %arg5[%dma_wait3A_1614, %dma_wait3A_1618] : memref<104x128xi32, #tpu.memory_space<vmem>> -> memref<1x128xi32, #tpu.memory_space<vmem>>
    %dma_wait3A_1620 = tpu.memref_squeeze %dma_wait3A_1619 : memref<1x128xi32, #tpu.memory_space<vmem>> -> memref<128xi32, #tpu.memory_space<vmem>>
    %dma_wait3A_1621 = arith.constant 0 : i32
    %dma_wait3A_1622 = arith.constant 0 : i32
    %dma_wait3A_1623 = tpu.memref_slice %arg3[%dma_wait3A_1621, %dma_wait3A_1622] : memref<2600000x32xf32, #tpu.memory_space<hbm>> -> memref<2600000x32xf32, #tpu.memory_space<hbm>>
    tpu.wait_indirect_dma semaphore(%arg8 : memref<!tpu.dma_semaphore, #tpu.memory_space<semaphore_mem>>) src(%dma_wait3A_1623 : memref<2600000x32xf32, #tpu.memory_space<hbm>>) dst(%dma_wait3A_1617 : memref<128x32xf32, #tpu.memory_space<vmem>>)
    %dma_wait3A_1624 = arith.constant 73 : i32
    %dma_wait3A_1625 = arith.constant 128 : i32
    %dma_wait3A_1626 = arith.constant 0 : i32
    %dma_wait3A_1627 = tpu.memref_slice %arg7[%dma_wait3A_1625, %dma_wait3A_1626] : memref<1024x32xf32, #tpu.memory_space<vmem>> -> memref<128x32xf32, #tpu.memory_space<vmem>>
    %dma_wait3A_1628 = arith.constant 0 : i32
    %dma_wait3A_1629 = tpu.memref_slice %arg5[%dma_wait3A_1624, %dma_wait3A_1628] : memref<104x128xi32, #tpu.memory_space<vmem>> -> memref<1x128xi32, #tpu.memory_space<vmem>>
    %dma_wait3A_1630 = tpu.memref_squeeze %dma_wait3A_1629 : memref<1x128xi32, #tpu.memory_space<vmem>> -> memref<128xi32, #tpu.memory_space<vmem>>
    %dma_wait3A_1631 = arith.constant 0 : i32
    %dma_wait3A_1632 = arith.constant 0 : i32
    %dma_wait3A_1633 = tpu.memref_slice %arg3[%dma_wait3A_1631, %dma_wait3A_1632] : memref<2600000x32xf32, #tpu.memory_space<hbm>> -> memref<2600000x32xf32, #tpu.memory_space<hbm>>
    tpu.wait_indirect_dma semaphore(%arg8 : memref<!tpu.dma_semaphore, #tpu.memory_space<semaphore_mem>>) src(%dma_wait3A_1633 : memref<2600000x32xf32, #tpu.memory_space<hbm>>) dst(%dma_wait3A_1627 : memref<128x32xf32, #tpu.memory_space<vmem>>)
    %dma_wait3A_1634 = arith.constant 74 : i32
    %dma_wait3A_1635 = arith.constant 256 : i32
    %dma_wait3A_1636 = arith.constant 0 : i32
    %dma_wait3A_1637 = tpu.memref_slice %arg7[%dma_wait3A_1635, %dma_wait3A_1636] : memref<1024x32xf32, #tpu.memory_space<vmem>> -> memref<128x32xf32, #tpu.memory_space<vmem>>
    %dma_wait3A_1638 = arith.constant 0 : i32
    %dma_wait3A_1639 = tpu.memref_slice %arg5[%dma_wait3A_1634, %dma_wait3A_1638] : memref<104x128xi32, #tpu.memory_space<vmem>> -> memref<1x128xi32, #tpu.memory_space<vmem>>
    %dma_wait3A_1640 = tpu.memref_squeeze %dma_wait3A_1639 : memref<1x128xi32, #tpu.memory_space<vmem>> -> memref<128xi32, #tpu.memory_space<vmem>>
    %dma_wait3A_1641 = arith.constant 0 : i32
    %dma_wait3A_1642 = arith.constant 0 : i32
    %dma_wait3A_1643 = tpu.memref_slice %arg3[%dma_wait3A_1641, %dma_wait3A_1642] : memref<2600000x32xf32, #tpu.memory_space<hbm>> -> memref<2600000x32xf32, #tpu.memory_space<hbm>>
    tpu.wait_indirect_dma semaphore(%arg8 : memref<!tpu.dma_semaphore, #tpu.memory_space<semaphore_mem>>) src(%dma_wait3A_1643 : memref<2600000x32xf32, #tpu.memory_space<hbm>>) dst(%dma_wait3A_1637 : memref<128x32xf32, #tpu.memory_space<vmem>>)
    %dma_wait3A_1644 = arith.constant 75 : i32
    %dma_wait3A_1645 = arith.constant 384 : i32
    %dma_wait3A_1646 = arith.constant 0 : i32
    %dma_wait3A_1647 = tpu.memref_slice %arg7[%dma_wait3A_1645, %dma_wait3A_1646] : memref<1024x32xf32, #tpu.memory_space<vmem>> -> memref<128x32xf32, #tpu.memory_space<vmem>>
    %dma_wait3A_1648 = arith.constant 0 : i32
    %dma_wait3A_1649 = tpu.memref_slice %arg5[%dma_wait3A_1644, %dma_wait3A_1648] : memref<104x128xi32, #tpu.memory_space<vmem>> -> memref<1x128xi32, #tpu.memory_space<vmem>>
    %dma_wait3A_1650 = tpu.memref_squeeze %dma_wait3A_1649 : memref<1x128xi32, #tpu.memory_space<vmem>> -> memref<128xi32, #tpu.memory_space<vmem>>
    %dma_wait3A_1651 = arith.constant 0 : i32
    %dma_wait3A_1652 = arith.constant 0 : i32
    %dma_wait3A_1653 = tpu.memref_slice %arg3[%dma_wait3A_1651, %dma_wait3A_1652] : memref<2600000x32xf32, #tpu.memory_space<hbm>> -> memref<2600000x32xf32, #tpu.memory_space<hbm>>
    tpu.wait_indirect_dma semaphore(%arg8 : memref<!tpu.dma_semaphore, #tpu.memory_space<semaphore_mem>>) src(%dma_wait3A_1653 : memref<2600000x32xf32, #tpu.memory_space<hbm>>) dst(%dma_wait3A_1647 : memref<128x32xf32, #tpu.memory_space<vmem>>)
    %dma_wait3A_1654 = arith.constant 76 : i32
    %dma_wait3A_1655 = arith.constant 512 : i32
    %dma_wait3A_1656 = arith.constant 0 : i32
    %dma_wait3A_1657 = tpu.memref_slice %arg7[%dma_wait3A_1655, %dma_wait3A_1656] : memref<1024x32xf32, #tpu.memory_space<vmem>> -> memref<128x32xf32, #tpu.memory_space<vmem>>
    %dma_wait3A_1658 = arith.constant 0 : i32
    %dma_wait3A_1659 = tpu.memref_slice %arg5[%dma_wait3A_1654, %dma_wait3A_1658] : memref<104x128xi32, #tpu.memory_space<vmem>> -> memref<1x128xi32, #tpu.memory_space<vmem>>
    %dma_wait3A_1660 = tpu.memref_squeeze %dma_wait3A_1659 : memref<1x128xi32, #tpu.memory_space<vmem>> -> memref<128xi32, #tpu.memory_space<vmem>>
    %dma_wait3A_1661 = arith.constant 0 : i32
    %dma_wait3A_1662 = arith.constant 0 : i32
    %dma_wait3A_1663 = tpu.memref_slice %arg3[%dma_wait3A_1661, %dma_wait3A_1662] : memref<2600000x32xf32, #tpu.memory_space<hbm>> -> memref<2600000x32xf32, #tpu.memory_space<hbm>>
    tpu.wait_indirect_dma semaphore(%arg8 : memref<!tpu.dma_semaphore, #tpu.memory_space<semaphore_mem>>) src(%dma_wait3A_1663 : memref<2600000x32xf32, #tpu.memory_space<hbm>>) dst(%dma_wait3A_1657 : memref<128x32xf32, #tpu.memory_space<vmem>>)
    %dma_wait3A_1664 = arith.constant 77 : i32
    %dma_wait3A_1665 = arith.constant 640 : i32
    %dma_wait3A_1666 = arith.constant 0 : i32
    %dma_wait3A_1667 = tpu.memref_slice %arg7[%dma_wait3A_1665, %dma_wait3A_1666] : memref<1024x32xf32, #tpu.memory_space<vmem>> -> memref<128x32xf32, #tpu.memory_space<vmem>>
    %dma_wait3A_1668 = arith.constant 0 : i32
    %dma_wait3A_1669 = tpu.memref_slice %arg5[%dma_wait3A_1664, %dma_wait3A_1668] : memref<104x128xi32, #tpu.memory_space<vmem>> -> memref<1x128xi32, #tpu.memory_space<vmem>>
    %dma_wait3A_1670 = tpu.memref_squeeze %dma_wait3A_1669 : memref<1x128xi32, #tpu.memory_space<vmem>> -> memref<128xi32, #tpu.memory_space<vmem>>
    %dma_wait3A_1671 = arith.constant 0 : i32
    %dma_wait3A_1672 = arith.constant 0 : i32
    %dma_wait3A_1673 = tpu.memref_slice %arg3[%dma_wait3A_1671, %dma_wait3A_1672] : memref<2600000x32xf32, #tpu.memory_space<hbm>> -> memref<2600000x32xf32, #tpu.memory_space<hbm>>
    tpu.wait_indirect_dma semaphore(%arg8 : memref<!tpu.dma_semaphore, #tpu.memory_space<semaphore_mem>>) src(%dma_wait3A_1673 : memref<2600000x32xf32, #tpu.memory_space<hbm>>) dst(%dma_wait3A_1667 : memref<128x32xf32, #tpu.memory_space<vmem>>)
    %dma_wait3A_1674 = arith.constant 78 : i32
    %dma_wait3A_1675 = arith.constant 768 : i32
    %dma_wait3A_1676 = arith.constant 0 : i32
    %dma_wait3A_1677 = tpu.memref_slice %arg7[%dma_wait3A_1675, %dma_wait3A_1676] : memref<1024x32xf32, #tpu.memory_space<vmem>> -> memref<128x32xf32, #tpu.memory_space<vmem>>
    %dma_wait3A_1678 = arith.constant 0 : i32
    %dma_wait3A_1679 = tpu.memref_slice %arg5[%dma_wait3A_1674, %dma_wait3A_1678] : memref<104x128xi32, #tpu.memory_space<vmem>> -> memref<1x128xi32, #tpu.memory_space<vmem>>
    %dma_wait3A_1680 = tpu.memref_squeeze %dma_wait3A_1679 : memref<1x128xi32, #tpu.memory_space<vmem>> -> memref<128xi32, #tpu.memory_space<vmem>>
    %dma_wait3A_1681 = arith.constant 0 : i32
    %dma_wait3A_1682 = arith.constant 0 : i32
    %dma_wait3A_1683 = tpu.memref_slice %arg3[%dma_wait3A_1681, %dma_wait3A_1682] : memref<2600000x32xf32, #tpu.memory_space<hbm>> -> memref<2600000x32xf32, #tpu.memory_space<hbm>>
    tpu.wait_indirect_dma semaphore(%arg8 : memref<!tpu.dma_semaphore, #tpu.memory_space<semaphore_mem>>) src(%dma_wait3A_1683 : memref<2600000x32xf32, #tpu.memory_space<hbm>>) dst(%dma_wait3A_1677 : memref<128x32xf32, #tpu.memory_space<vmem>>)
    %dma_wait3A_1684 = arith.constant 79 : i32
    %dma_wait3A_1685 = arith.constant 896 : i32
    %dma_wait3A_1686 = arith.constant 0 : i32
    %dma_wait3A_1687 = tpu.memref_slice %arg7[%dma_wait3A_1685, %dma_wait3A_1686] : memref<1024x32xf32, #tpu.memory_space<vmem>> -> memref<128x32xf32, #tpu.memory_space<vmem>>
    %dma_wait3A_1688 = arith.constant 0 : i32
    %dma_wait3A_1689 = tpu.memref_slice %arg5[%dma_wait3A_1684, %dma_wait3A_1688] : memref<104x128xi32, #tpu.memory_space<vmem>> -> memref<1x128xi32, #tpu.memory_space<vmem>>
    %dma_wait3A_1690 = tpu.memref_squeeze %dma_wait3A_1689 : memref<1x128xi32, #tpu.memory_space<vmem>> -> memref<128xi32, #tpu.memory_space<vmem>>
    %dma_wait3A_1691 = arith.constant 0 : i32
    %dma_wait3A_1692 = arith.constant 0 : i32
    %dma_wait3A_1693 = tpu.memref_slice %arg3[%dma_wait3A_1691, %dma_wait3A_1692] : memref<2600000x32xf32, #tpu.memory_space<hbm>> -> memref<2600000x32xf32, #tpu.memory_space<hbm>>
    tpu.wait_indirect_dma semaphore(%arg8 : memref<!tpu.dma_semaphore, #tpu.memory_space<semaphore_mem>>) src(%dma_wait3A_1693 : memref<2600000x32xf32, #tpu.memory_space<hbm>>) dst(%dma_wait3A_1687 : memref<128x32xf32, #tpu.memory_space<vmem>>)
    %add3A_1694 = arith.constant 9216 : i32
    %add3A_1695 = arith.addi %mul3A_4, %add3A_1694 : i32
    %dma_start3A_1696 = arith.constant 0 : i32
    %dma_start3A_1697 = tpu.memref_slice %arg4[%add3A_1695, %dma_start3A_1696] : memref<425984x32xf32, #tpu.memory_space<hbm>> -> memref<1024x32xf32, #tpu.memory_space<hbm>>
    %dma_start3A_1698 = arith.constant 0 : i32
    %dma_start3A_1699 = tpu.memref_slice %arg4[%add3A_1695, %dma_start3A_1698] : memref<425984x32xf32, #tpu.memory_space<hbm>> -> memref<1024x32xf32, #tpu.memory_space<hbm>>
    tpu.enqueue_dma source(%arg7 : memref<1024x32xf32, #tpu.memory_space<vmem>>) target(%dma_start3A_1699 : memref<1024x32xf32, #tpu.memory_space<hbm>>) target_semaphore(%arg9 : memref<!tpu.dma_semaphore, #tpu.memory_space<semaphore_mem>>)
    %dma_wait3A_1700 = arith.constant 0 : i32
    %dma_wait3A_1701 = tpu.memref_slice %arg4[%add3A_1525, %dma_wait3A_1700] : memref<425984x32xf32, #tpu.memory_space<hbm>> -> memref<1024x32xf32, #tpu.memory_space<hbm>>
    %dma_wait3A_1702 = arith.constant 0 : i32
    %dma_wait3A_1703 = tpu.memref_slice %arg4[%add3A_1525, %dma_wait3A_1702] : memref<425984x32xf32, #tpu.memory_space<hbm>> -> memref<1024x32xf32, #tpu.memory_space<hbm>>
    tpu.wait_dma2 semaphore(%arg9 : memref<!tpu.dma_semaphore, #tpu.memory_space<semaphore_mem>>) src(%arg6 : memref<1024x32xf32, #tpu.memory_space<vmem>>) dst(%dma_wait3A_1703 : memref<1024x32xf32, #tpu.memory_space<hbm>>)
    %dma_start3A_1704 = arith.constant 80 : i32
    %dma_start3A_1705 = arith.constant 0 : i32
    %dma_start3A_1706 = arith.constant 0 : i32
    %dma_start3A_1707 = tpu.memref_slice %arg6[%dma_start3A_1705, %dma_start3A_1706] : memref<1024x32xf32, #tpu.memory_space<vmem>> -> memref<128x32xf32, #tpu.memory_space<vmem>>
    %dma_start3A_1708 = arith.constant 0 : i32
    %dma_start3A_1709 = tpu.memref_slice %arg5[%dma_start3A_1704, %dma_start3A_1708] : memref<104x128xi32, #tpu.memory_space<vmem>> -> memref<1x128xi32, #tpu.memory_space<vmem>>
    %dma_start3A_1710 = tpu.memref_squeeze %dma_start3A_1709 : memref<1x128xi32, #tpu.memory_space<vmem>> -> memref<128xi32, #tpu.memory_space<vmem>>
    %dma_start3A_1711 = arith.constant 0 : i32
    %dma_start3A_1712 = arith.constant 0 : i32
    %dma_start3A_1713 = tpu.memref_slice %arg3[%dma_start3A_1711, %dma_start3A_1712] : memref<2600000x32xf32, #tpu.memory_space<hbm>> -> memref<2600000x32xf32, #tpu.memory_space<hbm>>
    tpu.enqueue_indirect_dma source(%dma_start3A_1713 : memref<2600000x32xf32, #tpu.memory_space<hbm>>) target(%dma_start3A_1707 : memref<128x32xf32, #tpu.memory_space<vmem>>) offsets(%dma_start3A_1710 : memref<128xi32, #tpu.memory_space<vmem>>) semaphore(%arg8 : memref<!tpu.dma_semaphore, #tpu.memory_space<semaphore_mem>>)
    %dma_start3A_1714 = arith.constant 81 : i32
    %dma_start3A_1715 = arith.constant 128 : i32
    %dma_start3A_1716 = arith.constant 0 : i32
    %dma_start3A_1717 = tpu.memref_slice %arg6[%dma_start3A_1715, %dma_start3A_1716] : memref<1024x32xf32, #tpu.memory_space<vmem>> -> memref<128x32xf32, #tpu.memory_space<vmem>>
    %dma_start3A_1718 = arith.constant 0 : i32
    %dma_start3A_1719 = tpu.memref_slice %arg5[%dma_start3A_1714, %dma_start3A_1718] : memref<104x128xi32, #tpu.memory_space<vmem>> -> memref<1x128xi32, #tpu.memory_space<vmem>>
    %dma_start3A_1720 = tpu.memref_squeeze %dma_start3A_1719 : memref<1x128xi32, #tpu.memory_space<vmem>> -> memref<128xi32, #tpu.memory_space<vmem>>
    %dma_start3A_1721 = arith.constant 0 : i32
    %dma_start3A_1722 = arith.constant 0 : i32
    %dma_start3A_1723 = tpu.memref_slice %arg3[%dma_start3A_1721, %dma_start3A_1722] : memref<2600000x32xf32, #tpu.memory_space<hbm>> -> memref<2600000x32xf32, #tpu.memory_space<hbm>>
    tpu.enqueue_indirect_dma source(%dma_start3A_1723 : memref<2600000x32xf32, #tpu.memory_space<hbm>>) target(%dma_start3A_1717 : memref<128x32xf32, #tpu.memory_space<vmem>>) offsets(%dma_start3A_1720 : memref<128xi32, #tpu.memory_space<vmem>>) semaphore(%arg8 : memref<!tpu.dma_semaphore, #tpu.memory_space<semaphore_mem>>)
    %dma_start3A_1724 = arith.constant 82 : i32
    %dma_start3A_1725 = arith.constant 256 : i32
    %dma_start3A_1726 = arith.constant 0 : i32
    %dma_start3A_1727 = tpu.memref_slice %arg6[%dma_start3A_1725, %dma_start3A_1726] : memref<1024x32xf32, #tpu.memory_space<vmem>> -> memref<128x32xf32, #tpu.memory_space<vmem>>
    %dma_start3A_1728 = arith.constant 0 : i32
    %dma_start3A_1729 = tpu.memref_slice %arg5[%dma_start3A_1724, %dma_start3A_1728] : memref<104x128xi32, #tpu.memory_space<vmem>> -> memref<1x128xi32, #tpu.memory_space<vmem>>
    %dma_start3A_1730 = tpu.memref_squeeze %dma_start3A_1729 : memref<1x128xi32, #tpu.memory_space<vmem>> -> memref<128xi32, #tpu.memory_space<vmem>>
    %dma_start3A_1731 = arith.constant 0 : i32
    %dma_start3A_1732 = arith.constant 0 : i32
    %dma_start3A_1733 = tpu.memref_slice %arg3[%dma_start3A_1731, %dma_start3A_1732] : memref<2600000x32xf32, #tpu.memory_space<hbm>> -> memref<2600000x32xf32, #tpu.memory_space<hbm>>
    tpu.enqueue_indirect_dma source(%dma_start3A_1733 : memref<2600000x32xf32, #tpu.memory_space<hbm>>) target(%dma_start3A_1727 : memref<128x32xf32, #tpu.memory_space<vmem>>) offsets(%dma_start3A_1730 : memref<128xi32, #tpu.memory_space<vmem>>) semaphore(%arg8 : memref<!tpu.dma_semaphore, #tpu.memory_space<semaphore_mem>>)
    %dma_start3A_1734 = arith.constant 83 : i32
    %dma_start3A_1735 = arith.constant 384 : i32
    %dma_start3A_1736 = arith.constant 0 : i32
    %dma_start3A_1737 = tpu.memref_slice %arg6[%dma_start3A_1735, %dma_start3A_1736] : memref<1024x32xf32, #tpu.memory_space<vmem>> -> memref<128x32xf32, #tpu.memory_space<vmem>>
    %dma_start3A_1738 = arith.constant 0 : i32
    %dma_start3A_1739 = tpu.memref_slice %arg5[%dma_start3A_1734, %dma_start3A_1738] : memref<104x128xi32, #tpu.memory_space<vmem>> -> memref<1x128xi32, #tpu.memory_space<vmem>>
    %dma_start3A_1740 = tpu.memref_squeeze %dma_start3A_1739 : memref<1x128xi32, #tpu.memory_space<vmem>> -> memref<128xi32, #tpu.memory_space<vmem>>
    %dma_start3A_1741 = arith.constant 0 : i32
    %dma_start3A_1742 = arith.constant 0 : i32
    %dma_start3A_1743 = tpu.memref_slice %arg3[%dma_start3A_1741, %dma_start3A_1742] : memref<2600000x32xf32, #tpu.memory_space<hbm>> -> memref<2600000x32xf32, #tpu.memory_space<hbm>>
    tpu.enqueue_indirect_dma source(%dma_start3A_1743 : memref<2600000x32xf32, #tpu.memory_space<hbm>>) target(%dma_start3A_1737 : memref<128x32xf32, #tpu.memory_space<vmem>>) offsets(%dma_start3A_1740 : memref<128xi32, #tpu.memory_space<vmem>>) semaphore(%arg8 : memref<!tpu.dma_semaphore, #tpu.memory_space<semaphore_mem>>)
    %dma_start3A_1744 = arith.constant 84 : i32
    %dma_start3A_1745 = arith.constant 512 : i32
    %dma_start3A_1746 = arith.constant 0 : i32
    %dma_start3A_1747 = tpu.memref_slice %arg6[%dma_start3A_1745, %dma_start3A_1746] : memref<1024x32xf32, #tpu.memory_space<vmem>> -> memref<128x32xf32, #tpu.memory_space<vmem>>
    %dma_start3A_1748 = arith.constant 0 : i32
    %dma_start3A_1749 = tpu.memref_slice %arg5[%dma_start3A_1744, %dma_start3A_1748] : memref<104x128xi32, #tpu.memory_space<vmem>> -> memref<1x128xi32, #tpu.memory_space<vmem>>
    %dma_start3A_1750 = tpu.memref_squeeze %dma_start3A_1749 : memref<1x128xi32, #tpu.memory_space<vmem>> -> memref<128xi32, #tpu.memory_space<vmem>>
    %dma_start3A_1751 = arith.constant 0 : i32
    %dma_start3A_1752 = arith.constant 0 : i32
    %dma_start3A_1753 = tpu.memref_slice %arg3[%dma_start3A_1751, %dma_start3A_1752] : memref<2600000x32xf32, #tpu.memory_space<hbm>> -> memref<2600000x32xf32, #tpu.memory_space<hbm>>
    tpu.enqueue_indirect_dma source(%dma_start3A_1753 : memref<2600000x32xf32, #tpu.memory_space<hbm>>) target(%dma_start3A_1747 : memref<128x32xf32, #tpu.memory_space<vmem>>) offsets(%dma_start3A_1750 : memref<128xi32, #tpu.memory_space<vmem>>) semaphore(%arg8 : memref<!tpu.dma_semaphore, #tpu.memory_space<semaphore_mem>>)
    %dma_start3A_1754 = arith.constant 85 : i32
    %dma_start3A_1755 = arith.constant 640 : i32
    %dma_start3A_1756 = arith.constant 0 : i32
    %dma_start3A_1757 = tpu.memref_slice %arg6[%dma_start3A_1755, %dma_start3A_1756] : memref<1024x32xf32, #tpu.memory_space<vmem>> -> memref<128x32xf32, #tpu.memory_space<vmem>>
    %dma_start3A_1758 = arith.constant 0 : i32
    %dma_start3A_1759 = tpu.memref_slice %arg5[%dma_start3A_1754, %dma_start3A_1758] : memref<104x128xi32, #tpu.memory_space<vmem>> -> memref<1x128xi32, #tpu.memory_space<vmem>>
    %dma_start3A_1760 = tpu.memref_squeeze %dma_start3A_1759 : memref<1x128xi32, #tpu.memory_space<vmem>> -> memref<128xi32, #tpu.memory_space<vmem>>
    %dma_start3A_1761 = arith.constant 0 : i32
    %dma_start3A_1762 = arith.constant 0 : i32
    %dma_start3A_1763 = tpu.memref_slice %arg3[%dma_start3A_1761, %dma_start3A_1762] : memref<2600000x32xf32, #tpu.memory_space<hbm>> -> memref<2600000x32xf32, #tpu.memory_space<hbm>>
    tpu.enqueue_indirect_dma source(%dma_start3A_1763 : memref<2600000x32xf32, #tpu.memory_space<hbm>>) target(%dma_start3A_1757 : memref<128x32xf32, #tpu.memory_space<vmem>>) offsets(%dma_start3A_1760 : memref<128xi32, #tpu.memory_space<vmem>>) semaphore(%arg8 : memref<!tpu.dma_semaphore, #tpu.memory_space<semaphore_mem>>)
    %dma_start3A_1764 = arith.constant 86 : i32
    %dma_start3A_1765 = arith.constant 768 : i32
    %dma_start3A_1766 = arith.constant 0 : i32
    %dma_start3A_1767 = tpu.memref_slice %arg6[%dma_start3A_1765, %dma_start3A_1766] : memref<1024x32xf32, #tpu.memory_space<vmem>> -> memref<128x32xf32, #tpu.memory_space<vmem>>
    %dma_start3A_1768 = arith.constant 0 : i32
    %dma_start3A_1769 = tpu.memref_slice %arg5[%dma_start3A_1764, %dma_start3A_1768] : memref<104x128xi32, #tpu.memory_space<vmem>> -> memref<1x128xi32, #tpu.memory_space<vmem>>
    %dma_start3A_1770 = tpu.memref_squeeze %dma_start3A_1769 : memref<1x128xi32, #tpu.memory_space<vmem>> -> memref<128xi32, #tpu.memory_space<vmem>>
    %dma_start3A_1771 = arith.constant 0 : i32
    %dma_start3A_1772 = arith.constant 0 : i32
    %dma_start3A_1773 = tpu.memref_slice %arg3[%dma_start3A_1771, %dma_start3A_1772] : memref<2600000x32xf32, #tpu.memory_space<hbm>> -> memref<2600000x32xf32, #tpu.memory_space<hbm>>
    tpu.enqueue_indirect_dma source(%dma_start3A_1773 : memref<2600000x32xf32, #tpu.memory_space<hbm>>) target(%dma_start3A_1767 : memref<128x32xf32, #tpu.memory_space<vmem>>) offsets(%dma_start3A_1770 : memref<128xi32, #tpu.memory_space<vmem>>) semaphore(%arg8 : memref<!tpu.dma_semaphore, #tpu.memory_space<semaphore_mem>>)
    %dma_start3A_1774 = arith.constant 87 : i32
    %dma_start3A_1775 = arith.constant 896 : i32
    %dma_start3A_1776 = arith.constant 0 : i32
    %dma_start3A_1777 = tpu.memref_slice %arg6[%dma_start3A_1775, %dma_start3A_1776] : memref<1024x32xf32, #tpu.memory_space<vmem>> -> memref<128x32xf32, #tpu.memory_space<vmem>>
    %dma_start3A_1778 = arith.constant 0 : i32
    %dma_start3A_1779 = tpu.memref_slice %arg5[%dma_start3A_1774, %dma_start3A_1778] : memref<104x128xi32, #tpu.memory_space<vmem>> -> memref<1x128xi32, #tpu.memory_space<vmem>>
    %dma_start3A_1780 = tpu.memref_squeeze %dma_start3A_1779 : memref<1x128xi32, #tpu.memory_space<vmem>> -> memref<128xi32, #tpu.memory_space<vmem>>
    %dma_start3A_1781 = arith.constant 0 : i32
    %dma_start3A_1782 = arith.constant 0 : i32
    %dma_start3A_1783 = tpu.memref_slice %arg3[%dma_start3A_1781, %dma_start3A_1782] : memref<2600000x32xf32, #tpu.memory_space<hbm>> -> memref<2600000x32xf32, #tpu.memory_space<hbm>>
    tpu.enqueue_indirect_dma source(%dma_start3A_1783 : memref<2600000x32xf32, #tpu.memory_space<hbm>>) target(%dma_start3A_1777 : memref<128x32xf32, #tpu.memory_space<vmem>>) offsets(%dma_start3A_1780 : memref<128xi32, #tpu.memory_space<vmem>>) semaphore(%arg8 : memref<!tpu.dma_semaphore, #tpu.memory_space<semaphore_mem>>)
    %dma_wait3A_1784 = arith.constant 80 : i32
    %dma_wait3A_1785 = arith.constant 0 : i32
    %dma_wait3A_1786 = arith.constant 0 : i32
    %dma_wait3A_1787 = tpu.memref_slice %arg6[%dma_wait3A_1785, %dma_wait3A_1786] : memref<1024x32xf32, #tpu.memory_space<vmem>> -> memref<128x32xf32, #tpu.memory_space<vmem>>
    %dma_wait3A_1788 = arith.constant 0 : i32
    %dma_wait3A_1789 = tpu.memref_slice %arg5[%dma_wait3A_1784, %dma_wait3A_1788] : memref<104x128xi32, #tpu.memory_space<vmem>> -> memref<1x128xi32, #tpu.memory_space<vmem>>
    %dma_wait3A_1790 = tpu.memref_squeeze %dma_wait3A_1789 : memref<1x128xi32, #tpu.memory_space<vmem>> -> memref<128xi32, #tpu.memory_space<vmem>>
    %dma_wait3A_1791 = arith.constant 0 : i32
    %dma_wait3A_1792 = arith.constant 0 : i32
    %dma_wait3A_1793 = tpu.memref_slice %arg3[%dma_wait3A_1791, %dma_wait3A_1792] : memref<2600000x32xf32, #tpu.memory_space<hbm>> -> memref<2600000x32xf32, #tpu.memory_space<hbm>>
    tpu.wait_indirect_dma semaphore(%arg8 : memref<!tpu.dma_semaphore, #tpu.memory_space<semaphore_mem>>) src(%dma_wait3A_1793 : memref<2600000x32xf32, #tpu.memory_space<hbm>>) dst(%dma_wait3A_1787 : memref<128x32xf32, #tpu.memory_space<vmem>>)
    %dma_wait3A_1794 = arith.constant 81 : i32
    %dma_wait3A_1795 = arith.constant 128 : i32
    %dma_wait3A_1796 = arith.constant 0 : i32
    %dma_wait3A_1797 = tpu.memref_slice %arg6[%dma_wait3A_1795, %dma_wait3A_1796] : memref<1024x32xf32, #tpu.memory_space<vmem>> -> memref<128x32xf32, #tpu.memory_space<vmem>>
    %dma_wait3A_1798 = arith.constant 0 : i32
    %dma_wait3A_1799 = tpu.memref_slice %arg5[%dma_wait3A_1794, %dma_wait3A_1798] : memref<104x128xi32, #tpu.memory_space<vmem>> -> memref<1x128xi32, #tpu.memory_space<vmem>>
    %dma_wait3A_1800 = tpu.memref_squeeze %dma_wait3A_1799 : memref<1x128xi32, #tpu.memory_space<vmem>> -> memref<128xi32, #tpu.memory_space<vmem>>
    %dma_wait3A_1801 = arith.constant 0 : i32
    %dma_wait3A_1802 = arith.constant 0 : i32
    %dma_wait3A_1803 = tpu.memref_slice %arg3[%dma_wait3A_1801, %dma_wait3A_1802] : memref<2600000x32xf32, #tpu.memory_space<hbm>> -> memref<2600000x32xf32, #tpu.memory_space<hbm>>
    tpu.wait_indirect_dma semaphore(%arg8 : memref<!tpu.dma_semaphore, #tpu.memory_space<semaphore_mem>>) src(%dma_wait3A_1803 : memref<2600000x32xf32, #tpu.memory_space<hbm>>) dst(%dma_wait3A_1797 : memref<128x32xf32, #tpu.memory_space<vmem>>)
    %dma_wait3A_1804 = arith.constant 82 : i32
    %dma_wait3A_1805 = arith.constant 256 : i32
    %dma_wait3A_1806 = arith.constant 0 : i32
    %dma_wait3A_1807 = tpu.memref_slice %arg6[%dma_wait3A_1805, %dma_wait3A_1806] : memref<1024x32xf32, #tpu.memory_space<vmem>> -> memref<128x32xf32, #tpu.memory_space<vmem>>
    %dma_wait3A_1808 = arith.constant 0 : i32
    %dma_wait3A_1809 = tpu.memref_slice %arg5[%dma_wait3A_1804, %dma_wait3A_1808] : memref<104x128xi32, #tpu.memory_space<vmem>> -> memref<1x128xi32, #tpu.memory_space<vmem>>
    %dma_wait3A_1810 = tpu.memref_squeeze %dma_wait3A_1809 : memref<1x128xi32, #tpu.memory_space<vmem>> -> memref<128xi32, #tpu.memory_space<vmem>>
    %dma_wait3A_1811 = arith.constant 0 : i32
    %dma_wait3A_1812 = arith.constant 0 : i32
    %dma_wait3A_1813 = tpu.memref_slice %arg3[%dma_wait3A_1811, %dma_wait3A_1812] : memref<2600000x32xf32, #tpu.memory_space<hbm>> -> memref<2600000x32xf32, #tpu.memory_space<hbm>>
    tpu.wait_indirect_dma semaphore(%arg8 : memref<!tpu.dma_semaphore, #tpu.memory_space<semaphore_mem>>) src(%dma_wait3A_1813 : memref<2600000x32xf32, #tpu.memory_space<hbm>>) dst(%dma_wait3A_1807 : memref<128x32xf32, #tpu.memory_space<vmem>>)
    %dma_wait3A_1814 = arith.constant 83 : i32
    %dma_wait3A_1815 = arith.constant 384 : i32
    %dma_wait3A_1816 = arith.constant 0 : i32
    %dma_wait3A_1817 = tpu.memref_slice %arg6[%dma_wait3A_1815, %dma_wait3A_1816] : memref<1024x32xf32, #tpu.memory_space<vmem>> -> memref<128x32xf32, #tpu.memory_space<vmem>>
    %dma_wait3A_1818 = arith.constant 0 : i32
    %dma_wait3A_1819 = tpu.memref_slice %arg5[%dma_wait3A_1814, %dma_wait3A_1818] : memref<104x128xi32, #tpu.memory_space<vmem>> -> memref<1x128xi32, #tpu.memory_space<vmem>>
    %dma_wait3A_1820 = tpu.memref_squeeze %dma_wait3A_1819 : memref<1x128xi32, #tpu.memory_space<vmem>> -> memref<128xi32, #tpu.memory_space<vmem>>
    %dma_wait3A_1821 = arith.constant 0 : i32
    %dma_wait3A_1822 = arith.constant 0 : i32
    %dma_wait3A_1823 = tpu.memref_slice %arg3[%dma_wait3A_1821, %dma_wait3A_1822] : memref<2600000x32xf32, #tpu.memory_space<hbm>> -> memref<2600000x32xf32, #tpu.memory_space<hbm>>
    tpu.wait_indirect_dma semaphore(%arg8 : memref<!tpu.dma_semaphore, #tpu.memory_space<semaphore_mem>>) src(%dma_wait3A_1823 : memref<2600000x32xf32, #tpu.memory_space<hbm>>) dst(%dma_wait3A_1817 : memref<128x32xf32, #tpu.memory_space<vmem>>)
    %dma_wait3A_1824 = arith.constant 84 : i32
    %dma_wait3A_1825 = arith.constant 512 : i32
    %dma_wait3A_1826 = arith.constant 0 : i32
    %dma_wait3A_1827 = tpu.memref_slice %arg6[%dma_wait3A_1825, %dma_wait3A_1826] : memref<1024x32xf32, #tpu.memory_space<vmem>> -> memref<128x32xf32, #tpu.memory_space<vmem>>
    %dma_wait3A_1828 = arith.constant 0 : i32
    %dma_wait3A_1829 = tpu.memref_slice %arg5[%dma_wait3A_1824, %dma_wait3A_1828] : memref<104x128xi32, #tpu.memory_space<vmem>> -> memref<1x128xi32, #tpu.memory_space<vmem>>
    %dma_wait3A_1830 = tpu.memref_squeeze %dma_wait3A_1829 : memref<1x128xi32, #tpu.memory_space<vmem>> -> memref<128xi32, #tpu.memory_space<vmem>>
    %dma_wait3A_1831 = arith.constant 0 : i32
    %dma_wait3A_1832 = arith.constant 0 : i32
    %dma_wait3A_1833 = tpu.memref_slice %arg3[%dma_wait3A_1831, %dma_wait3A_1832] : memref<2600000x32xf32, #tpu.memory_space<hbm>> -> memref<2600000x32xf32, #tpu.memory_space<hbm>>
    tpu.wait_indirect_dma semaphore(%arg8 : memref<!tpu.dma_semaphore, #tpu.memory_space<semaphore_mem>>) src(%dma_wait3A_1833 : memref<2600000x32xf32, #tpu.memory_space<hbm>>) dst(%dma_wait3A_1827 : memref<128x32xf32, #tpu.memory_space<vmem>>)
    %dma_wait3A_1834 = arith.constant 85 : i32
    %dma_wait3A_1835 = arith.constant 640 : i32
    %dma_wait3A_1836 = arith.constant 0 : i32
    %dma_wait3A_1837 = tpu.memref_slice %arg6[%dma_wait3A_1835, %dma_wait3A_1836] : memref<1024x32xf32, #tpu.memory_space<vmem>> -> memref<128x32xf32, #tpu.memory_space<vmem>>
    %dma_wait3A_1838 = arith.constant 0 : i32
    %dma_wait3A_1839 = tpu.memref_slice %arg5[%dma_wait3A_1834, %dma_wait3A_1838] : memref<104x128xi32, #tpu.memory_space<vmem>> -> memref<1x128xi32, #tpu.memory_space<vmem>>
    %dma_wait3A_1840 = tpu.memref_squeeze %dma_wait3A_1839 : memref<1x128xi32, #tpu.memory_space<vmem>> -> memref<128xi32, #tpu.memory_space<vmem>>
    %dma_wait3A_1841 = arith.constant 0 : i32
    %dma_wait3A_1842 = arith.constant 0 : i32
    %dma_wait3A_1843 = tpu.memref_slice %arg3[%dma_wait3A_1841, %dma_wait3A_1842] : memref<2600000x32xf32, #tpu.memory_space<hbm>> -> memref<2600000x32xf32, #tpu.memory_space<hbm>>
    tpu.wait_indirect_dma semaphore(%arg8 : memref<!tpu.dma_semaphore, #tpu.memory_space<semaphore_mem>>) src(%dma_wait3A_1843 : memref<2600000x32xf32, #tpu.memory_space<hbm>>) dst(%dma_wait3A_1837 : memref<128x32xf32, #tpu.memory_space<vmem>>)
    %dma_wait3A_1844 = arith.constant 86 : i32
    %dma_wait3A_1845 = arith.constant 768 : i32
    %dma_wait3A_1846 = arith.constant 0 : i32
    %dma_wait3A_1847 = tpu.memref_slice %arg6[%dma_wait3A_1845, %dma_wait3A_1846] : memref<1024x32xf32, #tpu.memory_space<vmem>> -> memref<128x32xf32, #tpu.memory_space<vmem>>
    %dma_wait3A_1848 = arith.constant 0 : i32
    %dma_wait3A_1849 = tpu.memref_slice %arg5[%dma_wait3A_1844, %dma_wait3A_1848] : memref<104x128xi32, #tpu.memory_space<vmem>> -> memref<1x128xi32, #tpu.memory_space<vmem>>
    %dma_wait3A_1850 = tpu.memref_squeeze %dma_wait3A_1849 : memref<1x128xi32, #tpu.memory_space<vmem>> -> memref<128xi32, #tpu.memory_space<vmem>>
    %dma_wait3A_1851 = arith.constant 0 : i32
    %dma_wait3A_1852 = arith.constant 0 : i32
    %dma_wait3A_1853 = tpu.memref_slice %arg3[%dma_wait3A_1851, %dma_wait3A_1852] : memref<2600000x32xf32, #tpu.memory_space<hbm>> -> memref<2600000x32xf32, #tpu.memory_space<hbm>>
    tpu.wait_indirect_dma semaphore(%arg8 : memref<!tpu.dma_semaphore, #tpu.memory_space<semaphore_mem>>) src(%dma_wait3A_1853 : memref<2600000x32xf32, #tpu.memory_space<hbm>>) dst(%dma_wait3A_1847 : memref<128x32xf32, #tpu.memory_space<vmem>>)
    %dma_wait3A_1854 = arith.constant 87 : i32
    %dma_wait3A_1855 = arith.constant 896 : i32
    %dma_wait3A_1856 = arith.constant 0 : i32
    %dma_wait3A_1857 = tpu.memref_slice %arg6[%dma_wait3A_1855, %dma_wait3A_1856] : memref<1024x32xf32, #tpu.memory_space<vmem>> -> memref<128x32xf32, #tpu.memory_space<vmem>>
    %dma_wait3A_1858 = arith.constant 0 : i32
    %dma_wait3A_1859 = tpu.memref_slice %arg5[%dma_wait3A_1854, %dma_wait3A_1858] : memref<104x128xi32, #tpu.memory_space<vmem>> -> memref<1x128xi32, #tpu.memory_space<vmem>>
    %dma_wait3A_1860 = tpu.memref_squeeze %dma_wait3A_1859 : memref<1x128xi32, #tpu.memory_space<vmem>> -> memref<128xi32, #tpu.memory_space<vmem>>
    %dma_wait3A_1861 = arith.constant 0 : i32
    %dma_wait3A_1862 = arith.constant 0 : i32
    %dma_wait3A_1863 = tpu.memref_slice %arg3[%dma_wait3A_1861, %dma_wait3A_1862] : memref<2600000x32xf32, #tpu.memory_space<hbm>> -> memref<2600000x32xf32, #tpu.memory_space<hbm>>
    tpu.wait_indirect_dma semaphore(%arg8 : memref<!tpu.dma_semaphore, #tpu.memory_space<semaphore_mem>>) src(%dma_wait3A_1863 : memref<2600000x32xf32, #tpu.memory_space<hbm>>) dst(%dma_wait3A_1857 : memref<128x32xf32, #tpu.memory_space<vmem>>)
    %add3A_1864 = arith.constant 10240 : i32
    %add3A_1865 = arith.addi %mul3A_4, %add3A_1864 : i32
    %dma_start3A_1866 = arith.constant 0 : i32
    %dma_start3A_1867 = tpu.memref_slice %arg4[%add3A_1865, %dma_start3A_1866] : memref<425984x32xf32, #tpu.memory_space<hbm>> -> memref<1024x32xf32, #tpu.memory_space<hbm>>
    %dma_start3A_1868 = arith.constant 0 : i32
    %dma_start3A_1869 = tpu.memref_slice %arg4[%add3A_1865, %dma_start3A_1868] : memref<425984x32xf32, #tpu.memory_space<hbm>> -> memref<1024x32xf32, #tpu.memory_space<hbm>>
    tpu.enqueue_dma source(%arg6 : memref<1024x32xf32, #tpu.memory_space<vmem>>) target(%dma_start3A_1869 : memref<1024x32xf32, #tpu.memory_space<hbm>>) target_semaphore(%arg9 : memref<!tpu.dma_semaphore, #tpu.memory_space<semaphore_mem>>)
    %dma_wait3A_1870 = arith.constant 0 : i32
    %dma_wait3A_1871 = tpu.memref_slice %arg4[%add3A_1695, %dma_wait3A_1870] : memref<425984x32xf32, #tpu.memory_space<hbm>> -> memref<1024x32xf32, #tpu.memory_space<hbm>>
    %dma_wait3A_1872 = arith.constant 0 : i32
    %dma_wait3A_1873 = tpu.memref_slice %arg4[%add3A_1695, %dma_wait3A_1872] : memref<425984x32xf32, #tpu.memory_space<hbm>> -> memref<1024x32xf32, #tpu.memory_space<hbm>>
    tpu.wait_dma2 semaphore(%arg9 : memref<!tpu.dma_semaphore, #tpu.memory_space<semaphore_mem>>) src(%arg7 : memref<1024x32xf32, #tpu.memory_space<vmem>>) dst(%dma_wait3A_1873 : memref<1024x32xf32, #tpu.memory_space<hbm>>)
    %dma_start3A_1874 = arith.constant 88 : i32
    %dma_start3A_1875 = arith.constant 0 : i32
    %dma_start3A_1876 = arith.constant 0 : i32
    %dma_start3A_1877 = tpu.memref_slice %arg7[%dma_start3A_1875, %dma_start3A_1876] : memref<1024x32xf32, #tpu.memory_space<vmem>> -> memref<128x32xf32, #tpu.memory_space<vmem>>
    %dma_start3A_1878 = arith.constant 0 : i32
    %dma_start3A_1879 = tpu.memref_slice %arg5[%dma_start3A_1874, %dma_start3A_1878] : memref<104x128xi32, #tpu.memory_space<vmem>> -> memref<1x128xi32, #tpu.memory_space<vmem>>
    %dma_start3A_1880 = tpu.memref_squeeze %dma_start3A_1879 : memref<1x128xi32, #tpu.memory_space<vmem>> -> memref<128xi32, #tpu.memory_space<vmem>>
    %dma_start3A_1881 = arith.constant 0 : i32
    %dma_start3A_1882 = arith.constant 0 : i32
    %dma_start3A_1883 = tpu.memref_slice %arg3[%dma_start3A_1881, %dma_start3A_1882] : memref<2600000x32xf32, #tpu.memory_space<hbm>> -> memref<2600000x32xf32, #tpu.memory_space<hbm>>
    tpu.enqueue_indirect_dma source(%dma_start3A_1883 : memref<2600000x32xf32, #tpu.memory_space<hbm>>) target(%dma_start3A_1877 : memref<128x32xf32, #tpu.memory_space<vmem>>) offsets(%dma_start3A_1880 : memref<128xi32, #tpu.memory_space<vmem>>) semaphore(%arg8 : memref<!tpu.dma_semaphore, #tpu.memory_space<semaphore_mem>>)
    %dma_start3A_1884 = arith.constant 89 : i32
    %dma_start3A_1885 = arith.constant 128 : i32
    %dma_start3A_1886 = arith.constant 0 : i32
    %dma_start3A_1887 = tpu.memref_slice %arg7[%dma_start3A_1885, %dma_start3A_1886] : memref<1024x32xf32, #tpu.memory_space<vmem>> -> memref<128x32xf32, #tpu.memory_space<vmem>>
    %dma_start3A_1888 = arith.constant 0 : i32
    %dma_start3A_1889 = tpu.memref_slice %arg5[%dma_start3A_1884, %dma_start3A_1888] : memref<104x128xi32, #tpu.memory_space<vmem>> -> memref<1x128xi32, #tpu.memory_space<vmem>>
    %dma_start3A_1890 = tpu.memref_squeeze %dma_start3A_1889 : memref<1x128xi32, #tpu.memory_space<vmem>> -> memref<128xi32, #tpu.memory_space<vmem>>
    %dma_start3A_1891 = arith.constant 0 : i32
    %dma_start3A_1892 = arith.constant 0 : i32
    %dma_start3A_1893 = tpu.memref_slice %arg3[%dma_start3A_1891, %dma_start3A_1892] : memref<2600000x32xf32, #tpu.memory_space<hbm>> -> memref<2600000x32xf32, #tpu.memory_space<hbm>>
    tpu.enqueue_indirect_dma source(%dma_start3A_1893 : memref<2600000x32xf32, #tpu.memory_space<hbm>>) target(%dma_start3A_1887 : memref<128x32xf32, #tpu.memory_space<vmem>>) offsets(%dma_start3A_1890 : memref<128xi32, #tpu.memory_space<vmem>>) semaphore(%arg8 : memref<!tpu.dma_semaphore, #tpu.memory_space<semaphore_mem>>)
    %dma_start3A_1894 = arith.constant 90 : i32
    %dma_start3A_1895 = arith.constant 256 : i32
    %dma_start3A_1896 = arith.constant 0 : i32
    %dma_start3A_1897 = tpu.memref_slice %arg7[%dma_start3A_1895, %dma_start3A_1896] : memref<1024x32xf32, #tpu.memory_space<vmem>> -> memref<128x32xf32, #tpu.memory_space<vmem>>
    %dma_start3A_1898 = arith.constant 0 : i32
    %dma_start3A_1899 = tpu.memref_slice %arg5[%dma_start3A_1894, %dma_start3A_1898] : memref<104x128xi32, #tpu.memory_space<vmem>> -> memref<1x128xi32, #tpu.memory_space<vmem>>
    %dma_start3A_1900 = tpu.memref_squeeze %dma_start3A_1899 : memref<1x128xi32, #tpu.memory_space<vmem>> -> memref<128xi32, #tpu.memory_space<vmem>>
    %dma_start3A_1901 = arith.constant 0 : i32
    %dma_start3A_1902 = arith.constant 0 : i32
    %dma_start3A_1903 = tpu.memref_slice %arg3[%dma_start3A_1901, %dma_start3A_1902] : memref<2600000x32xf32, #tpu.memory_space<hbm>> -> memref<2600000x32xf32, #tpu.memory_space<hbm>>
    tpu.enqueue_indirect_dma source(%dma_start3A_1903 : memref<2600000x32xf32, #tpu.memory_space<hbm>>) target(%dma_start3A_1897 : memref<128x32xf32, #tpu.memory_space<vmem>>) offsets(%dma_start3A_1900 : memref<128xi32, #tpu.memory_space<vmem>>) semaphore(%arg8 : memref<!tpu.dma_semaphore, #tpu.memory_space<semaphore_mem>>)
    %dma_start3A_1904 = arith.constant 91 : i32
    %dma_start3A_1905 = arith.constant 384 : i32
    %dma_start3A_1906 = arith.constant 0 : i32
    %dma_start3A_1907 = tpu.memref_slice %arg7[%dma_start3A_1905, %dma_start3A_1906] : memref<1024x32xf32, #tpu.memory_space<vmem>> -> memref<128x32xf32, #tpu.memory_space<vmem>>
    %dma_start3A_1908 = arith.constant 0 : i32
    %dma_start3A_1909 = tpu.memref_slice %arg5[%dma_start3A_1904, %dma_start3A_1908] : memref<104x128xi32, #tpu.memory_space<vmem>> -> memref<1x128xi32, #tpu.memory_space<vmem>>
    %dma_start3A_1910 = tpu.memref_squeeze %dma_start3A_1909 : memref<1x128xi32, #tpu.memory_space<vmem>> -> memref<128xi32, #tpu.memory_space<vmem>>
    %dma_start3A_1911 = arith.constant 0 : i32
    %dma_start3A_1912 = arith.constant 0 : i32
    %dma_start3A_1913 = tpu.memref_slice %arg3[%dma_start3A_1911, %dma_start3A_1912] : memref<2600000x32xf32, #tpu.memory_space<hbm>> -> memref<2600000x32xf32, #tpu.memory_space<hbm>>
    tpu.enqueue_indirect_dma source(%dma_start3A_1913 : memref<2600000x32xf32, #tpu.memory_space<hbm>>) target(%dma_start3A_1907 : memref<128x32xf32, #tpu.memory_space<vmem>>) offsets(%dma_start3A_1910 : memref<128xi32, #tpu.memory_space<vmem>>) semaphore(%arg8 : memref<!tpu.dma_semaphore, #tpu.memory_space<semaphore_mem>>)
    %dma_start3A_1914 = arith.constant 92 : i32
    %dma_start3A_1915 = arith.constant 512 : i32
    %dma_start3A_1916 = arith.constant 0 : i32
    %dma_start3A_1917 = tpu.memref_slice %arg7[%dma_start3A_1915, %dma_start3A_1916] : memref<1024x32xf32, #tpu.memory_space<vmem>> -> memref<128x32xf32, #tpu.memory_space<vmem>>
    %dma_start3A_1918 = arith.constant 0 : i32
    %dma_start3A_1919 = tpu.memref_slice %arg5[%dma_start3A_1914, %dma_start3A_1918] : memref<104x128xi32, #tpu.memory_space<vmem>> -> memref<1x128xi32, #tpu.memory_space<vmem>>
    %dma_start3A_1920 = tpu.memref_squeeze %dma_start3A_1919 : memref<1x128xi32, #tpu.memory_space<vmem>> -> memref<128xi32, #tpu.memory_space<vmem>>
    %dma_start3A_1921 = arith.constant 0 : i32
    %dma_start3A_1922 = arith.constant 0 : i32
    %dma_start3A_1923 = tpu.memref_slice %arg3[%dma_start3A_1921, %dma_start3A_1922] : memref<2600000x32xf32, #tpu.memory_space<hbm>> -> memref<2600000x32xf32, #tpu.memory_space<hbm>>
    tpu.enqueue_indirect_dma source(%dma_start3A_1923 : memref<2600000x32xf32, #tpu.memory_space<hbm>>) target(%dma_start3A_1917 : memref<128x32xf32, #tpu.memory_space<vmem>>) offsets(%dma_start3A_1920 : memref<128xi32, #tpu.memory_space<vmem>>) semaphore(%arg8 : memref<!tpu.dma_semaphore, #tpu.memory_space<semaphore_mem>>)
    %dma_start3A_1924 = arith.constant 93 : i32
    %dma_start3A_1925 = arith.constant 640 : i32
    %dma_start3A_1926 = arith.constant 0 : i32
    %dma_start3A_1927 = tpu.memref_slice %arg7[%dma_start3A_1925, %dma_start3A_1926] : memref<1024x32xf32, #tpu.memory_space<vmem>> -> memref<128x32xf32, #tpu.memory_space<vmem>>
    %dma_start3A_1928 = arith.constant 0 : i32
    %dma_start3A_1929 = tpu.memref_slice %arg5[%dma_start3A_1924, %dma_start3A_1928] : memref<104x128xi32, #tpu.memory_space<vmem>> -> memref<1x128xi32, #tpu.memory_space<vmem>>
    %dma_start3A_1930 = tpu.memref_squeeze %dma_start3A_1929 : memref<1x128xi32, #tpu.memory_space<vmem>> -> memref<128xi32, #tpu.memory_space<vmem>>
    %dma_start3A_1931 = arith.constant 0 : i32
    %dma_start3A_1932 = arith.constant 0 : i32
    %dma_start3A_1933 = tpu.memref_slice %arg3[%dma_start3A_1931, %dma_start3A_1932] : memref<2600000x32xf32, #tpu.memory_space<hbm>> -> memref<2600000x32xf32, #tpu.memory_space<hbm>>
    tpu.enqueue_indirect_dma source(%dma_start3A_1933 : memref<2600000x32xf32, #tpu.memory_space<hbm>>) target(%dma_start3A_1927 : memref<128x32xf32, #tpu.memory_space<vmem>>) offsets(%dma_start3A_1930 : memref<128xi32, #tpu.memory_space<vmem>>) semaphore(%arg8 : memref<!tpu.dma_semaphore, #tpu.memory_space<semaphore_mem>>)
    %dma_start3A_1934 = arith.constant 94 : i32
    %dma_start3A_1935 = arith.constant 768 : i32
    %dma_start3A_1936 = arith.constant 0 : i32
    %dma_start3A_1937 = tpu.memref_slice %arg7[%dma_start3A_1935, %dma_start3A_1936] : memref<1024x32xf32, #tpu.memory_space<vmem>> -> memref<128x32xf32, #tpu.memory_space<vmem>>
    %dma_start3A_1938 = arith.constant 0 : i32
    %dma_start3A_1939 = tpu.memref_slice %arg5[%dma_start3A_1934, %dma_start3A_1938] : memref<104x128xi32, #tpu.memory_space<vmem>> -> memref<1x128xi32, #tpu.memory_space<vmem>>
    %dma_start3A_1940 = tpu.memref_squeeze %dma_start3A_1939 : memref<1x128xi32, #tpu.memory_space<vmem>> -> memref<128xi32, #tpu.memory_space<vmem>>
    %dma_start3A_1941 = arith.constant 0 : i32
    %dma_start3A_1942 = arith.constant 0 : i32
    %dma_start3A_1943 = tpu.memref_slice %arg3[%dma_start3A_1941, %dma_start3A_1942] : memref<2600000x32xf32, #tpu.memory_space<hbm>> -> memref<2600000x32xf32, #tpu.memory_space<hbm>>
    tpu.enqueue_indirect_dma source(%dma_start3A_1943 : memref<2600000x32xf32, #tpu.memory_space<hbm>>) target(%dma_start3A_1937 : memref<128x32xf32, #tpu.memory_space<vmem>>) offsets(%dma_start3A_1940 : memref<128xi32, #tpu.memory_space<vmem>>) semaphore(%arg8 : memref<!tpu.dma_semaphore, #tpu.memory_space<semaphore_mem>>)
    %dma_start3A_1944 = arith.constant 95 : i32
    %dma_start3A_1945 = arith.constant 896 : i32
    %dma_start3A_1946 = arith.constant 0 : i32
    %dma_start3A_1947 = tpu.memref_slice %arg7[%dma_start3A_1945, %dma_start3A_1946] : memref<1024x32xf32, #tpu.memory_space<vmem>> -> memref<128x32xf32, #tpu.memory_space<vmem>>
    %dma_start3A_1948 = arith.constant 0 : i32
    %dma_start3A_1949 = tpu.memref_slice %arg5[%dma_start3A_1944, %dma_start3A_1948] : memref<104x128xi32, #tpu.memory_space<vmem>> -> memref<1x128xi32, #tpu.memory_space<vmem>>
    %dma_start3A_1950 = tpu.memref_squeeze %dma_start3A_1949 : memref<1x128xi32, #tpu.memory_space<vmem>> -> memref<128xi32, #tpu.memory_space<vmem>>
    %dma_start3A_1951 = arith.constant 0 : i32
    %dma_start3A_1952 = arith.constant 0 : i32
    %dma_start3A_1953 = tpu.memref_slice %arg3[%dma_start3A_1951, %dma_start3A_1952] : memref<2600000x32xf32, #tpu.memory_space<hbm>> -> memref<2600000x32xf32, #tpu.memory_space<hbm>>
    tpu.enqueue_indirect_dma source(%dma_start3A_1953 : memref<2600000x32xf32, #tpu.memory_space<hbm>>) target(%dma_start3A_1947 : memref<128x32xf32, #tpu.memory_space<vmem>>) offsets(%dma_start3A_1950 : memref<128xi32, #tpu.memory_space<vmem>>) semaphore(%arg8 : memref<!tpu.dma_semaphore, #tpu.memory_space<semaphore_mem>>)
    %dma_wait3A_1954 = arith.constant 88 : i32
    %dma_wait3A_1955 = arith.constant 0 : i32
    %dma_wait3A_1956 = arith.constant 0 : i32
    %dma_wait3A_1957 = tpu.memref_slice %arg7[%dma_wait3A_1955, %dma_wait3A_1956] : memref<1024x32xf32, #tpu.memory_space<vmem>> -> memref<128x32xf32, #tpu.memory_space<vmem>>
    %dma_wait3A_1958 = arith.constant 0 : i32
    %dma_wait3A_1959 = tpu.memref_slice %arg5[%dma_wait3A_1954, %dma_wait3A_1958] : memref<104x128xi32, #tpu.memory_space<vmem>> -> memref<1x128xi32, #tpu.memory_space<vmem>>
    %dma_wait3A_1960 = tpu.memref_squeeze %dma_wait3A_1959 : memref<1x128xi32, #tpu.memory_space<vmem>> -> memref<128xi32, #tpu.memory_space<vmem>>
    %dma_wait3A_1961 = arith.constant 0 : i32
    %dma_wait3A_1962 = arith.constant 0 : i32
    %dma_wait3A_1963 = tpu.memref_slice %arg3[%dma_wait3A_1961, %dma_wait3A_1962] : memref<2600000x32xf32, #tpu.memory_space<hbm>> -> memref<2600000x32xf32, #tpu.memory_space<hbm>>
    tpu.wait_indirect_dma semaphore(%arg8 : memref<!tpu.dma_semaphore, #tpu.memory_space<semaphore_mem>>) src(%dma_wait3A_1963 : memref<2600000x32xf32, #tpu.memory_space<hbm>>) dst(%dma_wait3A_1957 : memref<128x32xf32, #tpu.memory_space<vmem>>)
    %dma_wait3A_1964 = arith.constant 89 : i32
    %dma_wait3A_1965 = arith.constant 128 : i32
    %dma_wait3A_1966 = arith.constant 0 : i32
    %dma_wait3A_1967 = tpu.memref_slice %arg7[%dma_wait3A_1965, %dma_wait3A_1966] : memref<1024x32xf32, #tpu.memory_space<vmem>> -> memref<128x32xf32, #tpu.memory_space<vmem>>
    %dma_wait3A_1968 = arith.constant 0 : i32
    %dma_wait3A_1969 = tpu.memref_slice %arg5[%dma_wait3A_1964, %dma_wait3A_1968] : memref<104x128xi32, #tpu.memory_space<vmem>> -> memref<1x128xi32, #tpu.memory_space<vmem>>
    %dma_wait3A_1970 = tpu.memref_squeeze %dma_wait3A_1969 : memref<1x128xi32, #tpu.memory_space<vmem>> -> memref<128xi32, #tpu.memory_space<vmem>>
    %dma_wait3A_1971 = arith.constant 0 : i32
    %dma_wait3A_1972 = arith.constant 0 : i32
    %dma_wait3A_1973 = tpu.memref_slice %arg3[%dma_wait3A_1971, %dma_wait3A_1972] : memref<2600000x32xf32, #tpu.memory_space<hbm>> -> memref<2600000x32xf32, #tpu.memory_space<hbm>>
    tpu.wait_indirect_dma semaphore(%arg8 : memref<!tpu.dma_semaphore, #tpu.memory_space<semaphore_mem>>) src(%dma_wait3A_1973 : memref<2600000x32xf32, #tpu.memory_space<hbm>>) dst(%dma_wait3A_1967 : memref<128x32xf32, #tpu.memory_space<vmem>>)
    %dma_wait3A_1974 = arith.constant 90 : i32
    %dma_wait3A_1975 = arith.constant 256 : i32
    %dma_wait3A_1976 = arith.constant 0 : i32
    %dma_wait3A_1977 = tpu.memref_slice %arg7[%dma_wait3A_1975, %dma_wait3A_1976] : memref<1024x32xf32, #tpu.memory_space<vmem>> -> memref<128x32xf32, #tpu.memory_space<vmem>>
    %dma_wait3A_1978 = arith.constant 0 : i32
    %dma_wait3A_1979 = tpu.memref_slice %arg5[%dma_wait3A_1974, %dma_wait3A_1978] : memref<104x128xi32, #tpu.memory_space<vmem>> -> memref<1x128xi32, #tpu.memory_space<vmem>>
    %dma_wait3A_1980 = tpu.memref_squeeze %dma_wait3A_1979 : memref<1x128xi32, #tpu.memory_space<vmem>> -> memref<128xi32, #tpu.memory_space<vmem>>
    %dma_wait3A_1981 = arith.constant 0 : i32
    %dma_wait3A_1982 = arith.constant 0 : i32
    %dma_wait3A_1983 = tpu.memref_slice %arg3[%dma_wait3A_1981, %dma_wait3A_1982] : memref<2600000x32xf32, #tpu.memory_space<hbm>> -> memref<2600000x32xf32, #tpu.memory_space<hbm>>
    tpu.wait_indirect_dma semaphore(%arg8 : memref<!tpu.dma_semaphore, #tpu.memory_space<semaphore_mem>>) src(%dma_wait3A_1983 : memref<2600000x32xf32, #tpu.memory_space<hbm>>) dst(%dma_wait3A_1977 : memref<128x32xf32, #tpu.memory_space<vmem>>)
    %dma_wait3A_1984 = arith.constant 91 : i32
    %dma_wait3A_1985 = arith.constant 384 : i32
    %dma_wait3A_1986 = arith.constant 0 : i32
    %dma_wait3A_1987 = tpu.memref_slice %arg7[%dma_wait3A_1985, %dma_wait3A_1986] : memref<1024x32xf32, #tpu.memory_space<vmem>> -> memref<128x32xf32, #tpu.memory_space<vmem>>
    %dma_wait3A_1988 = arith.constant 0 : i32
    %dma_wait3A_1989 = tpu.memref_slice %arg5[%dma_wait3A_1984, %dma_wait3A_1988] : memref<104x128xi32, #tpu.memory_space<vmem>> -> memref<1x128xi32, #tpu.memory_space<vmem>>
    %dma_wait3A_1990 = tpu.memref_squeeze %dma_wait3A_1989 : memref<1x128xi32, #tpu.memory_space<vmem>> -> memref<128xi32, #tpu.memory_space<vmem>>
    %dma_wait3A_1991 = arith.constant 0 : i32
    %dma_wait3A_1992 = arith.constant 0 : i32
    %dma_wait3A_1993 = tpu.memref_slice %arg3[%dma_wait3A_1991, %dma_wait3A_1992] : memref<2600000x32xf32, #tpu.memory_space<hbm>> -> memref<2600000x32xf32, #tpu.memory_space<hbm>>
    tpu.wait_indirect_dma semaphore(%arg8 : memref<!tpu.dma_semaphore, #tpu.memory_space<semaphore_mem>>) src(%dma_wait3A_1993 : memref<2600000x32xf32, #tpu.memory_space<hbm>>) dst(%dma_wait3A_1987 : memref<128x32xf32, #tpu.memory_space<vmem>>)
    %dma_wait3A_1994 = arith.constant 92 : i32
    %dma_wait3A_1995 = arith.constant 512 : i32
    %dma_wait3A_1996 = arith.constant 0 : i32
    %dma_wait3A_1997 = tpu.memref_slice %arg7[%dma_wait3A_1995, %dma_wait3A_1996] : memref<1024x32xf32, #tpu.memory_space<vmem>> -> memref<128x32xf32, #tpu.memory_space<vmem>>
    %dma_wait3A_1998 = arith.constant 0 : i32
    %dma_wait3A_1999 = tpu.memref_slice %arg5[%dma_wait3A_1994, %dma_wait3A_1998] : memref<104x128xi32, #tpu.memory_space<vmem>> -> memref<1x128xi32, #tpu.memory_space<vmem>>
    %dma_wait3A_2000 = tpu.memref_squeeze %dma_wait3A_1999 : memref<1x128xi32, #tpu.memory_space<vmem>> -> memref<128xi32, #tpu.memory_space<vmem>>
    %dma_wait3A_2001 = arith.constant 0 : i32
    %dma_wait3A_2002 = arith.constant 0 : i32
    %dma_wait3A_2003 = tpu.memref_slice %arg3[%dma_wait3A_2001, %dma_wait3A_2002] : memref<2600000x32xf32, #tpu.memory_space<hbm>> -> memref<2600000x32xf32, #tpu.memory_space<hbm>>
    tpu.wait_indirect_dma semaphore(%arg8 : memref<!tpu.dma_semaphore, #tpu.memory_space<semaphore_mem>>) src(%dma_wait3A_2003 : memref<2600000x32xf32, #tpu.memory_space<hbm>>) dst(%dma_wait3A_1997 : memref<128x32xf32, #tpu.memory_space<vmem>>)
    %dma_wait3A_2004 = arith.constant 93 : i32
    %dma_wait3A_2005 = arith.constant 640 : i32
    %dma_wait3A_2006 = arith.constant 0 : i32
    %dma_wait3A_2007 = tpu.memref_slice %arg7[%dma_wait3A_2005, %dma_wait3A_2006] : memref<1024x32xf32, #tpu.memory_space<vmem>> -> memref<128x32xf32, #tpu.memory_space<vmem>>
    %dma_wait3A_2008 = arith.constant 0 : i32
    %dma_wait3A_2009 = tpu.memref_slice %arg5[%dma_wait3A_2004, %dma_wait3A_2008] : memref<104x128xi32, #tpu.memory_space<vmem>> -> memref<1x128xi32, #tpu.memory_space<vmem>>
    %dma_wait3A_2010 = tpu.memref_squeeze %dma_wait3A_2009 : memref<1x128xi32, #tpu.memory_space<vmem>> -> memref<128xi32, #tpu.memory_space<vmem>>
    %dma_wait3A_2011 = arith.constant 0 : i32
    %dma_wait3A_2012 = arith.constant 0 : i32
    %dma_wait3A_2013 = tpu.memref_slice %arg3[%dma_wait3A_2011, %dma_wait3A_2012] : memref<2600000x32xf32, #tpu.memory_space<hbm>> -> memref<2600000x32xf32, #tpu.memory_space<hbm>>
    tpu.wait_indirect_dma semaphore(%arg8 : memref<!tpu.dma_semaphore, #tpu.memory_space<semaphore_mem>>) src(%dma_wait3A_2013 : memref<2600000x32xf32, #tpu.memory_space<hbm>>) dst(%dma_wait3A_2007 : memref<128x32xf32, #tpu.memory_space<vmem>>)
    %dma_wait3A_2014 = arith.constant 94 : i32
    %dma_wait3A_2015 = arith.constant 768 : i32
    %dma_wait3A_2016 = arith.constant 0 : i32
    %dma_wait3A_2017 = tpu.memref_slice %arg7[%dma_wait3A_2015, %dma_wait3A_2016] : memref<1024x32xf32, #tpu.memory_space<vmem>> -> memref<128x32xf32, #tpu.memory_space<vmem>>
    %dma_wait3A_2018 = arith.constant 0 : i32
    %dma_wait3A_2019 = tpu.memref_slice %arg5[%dma_wait3A_2014, %dma_wait3A_2018] : memref<104x128xi32, #tpu.memory_space<vmem>> -> memref<1x128xi32, #tpu.memory_space<vmem>>
    %dma_wait3A_2020 = tpu.memref_squeeze %dma_wait3A_2019 : memref<1x128xi32, #tpu.memory_space<vmem>> -> memref<128xi32, #tpu.memory_space<vmem>>
    %dma_wait3A_2021 = arith.constant 0 : i32
    %dma_wait3A_2022 = arith.constant 0 : i32
    %dma_wait3A_2023 = tpu.memref_slice %arg3[%dma_wait3A_2021, %dma_wait3A_2022] : memref<2600000x32xf32, #tpu.memory_space<hbm>> -> memref<2600000x32xf32, #tpu.memory_space<hbm>>
    tpu.wait_indirect_dma semaphore(%arg8 : memref<!tpu.dma_semaphore, #tpu.memory_space<semaphore_mem>>) src(%dma_wait3A_2023 : memref<2600000x32xf32, #tpu.memory_space<hbm>>) dst(%dma_wait3A_2017 : memref<128x32xf32, #tpu.memory_space<vmem>>)
    %dma_wait3A_2024 = arith.constant 95 : i32
    %dma_wait3A_2025 = arith.constant 896 : i32
    %dma_wait3A_2026 = arith.constant 0 : i32
    %dma_wait3A_2027 = tpu.memref_slice %arg7[%dma_wait3A_2025, %dma_wait3A_2026] : memref<1024x32xf32, #tpu.memory_space<vmem>> -> memref<128x32xf32, #tpu.memory_space<vmem>>
    %dma_wait3A_2028 = arith.constant 0 : i32
    %dma_wait3A_2029 = tpu.memref_slice %arg5[%dma_wait3A_2024, %dma_wait3A_2028] : memref<104x128xi32, #tpu.memory_space<vmem>> -> memref<1x128xi32, #tpu.memory_space<vmem>>
    %dma_wait3A_2030 = tpu.memref_squeeze %dma_wait3A_2029 : memref<1x128xi32, #tpu.memory_space<vmem>> -> memref<128xi32, #tpu.memory_space<vmem>>
    %dma_wait3A_2031 = arith.constant 0 : i32
    %dma_wait3A_2032 = arith.constant 0 : i32
    %dma_wait3A_2033 = tpu.memref_slice %arg3[%dma_wait3A_2031, %dma_wait3A_2032] : memref<2600000x32xf32, #tpu.memory_space<hbm>> -> memref<2600000x32xf32, #tpu.memory_space<hbm>>
    tpu.wait_indirect_dma semaphore(%arg8 : memref<!tpu.dma_semaphore, #tpu.memory_space<semaphore_mem>>) src(%dma_wait3A_2033 : memref<2600000x32xf32, #tpu.memory_space<hbm>>) dst(%dma_wait3A_2027 : memref<128x32xf32, #tpu.memory_space<vmem>>)
    %add3A_2034 = arith.constant 11264 : i32
    %add3A_2035 = arith.addi %mul3A_4, %add3A_2034 : i32
    %dma_start3A_2036 = arith.constant 0 : i32
    %dma_start3A_2037 = tpu.memref_slice %arg4[%add3A_2035, %dma_start3A_2036] : memref<425984x32xf32, #tpu.memory_space<hbm>> -> memref<1024x32xf32, #tpu.memory_space<hbm>>
    %dma_start3A_2038 = arith.constant 0 : i32
    %dma_start3A_2039 = tpu.memref_slice %arg4[%add3A_2035, %dma_start3A_2038] : memref<425984x32xf32, #tpu.memory_space<hbm>> -> memref<1024x32xf32, #tpu.memory_space<hbm>>
    tpu.enqueue_dma source(%arg7 : memref<1024x32xf32, #tpu.memory_space<vmem>>) target(%dma_start3A_2039 : memref<1024x32xf32, #tpu.memory_space<hbm>>) target_semaphore(%arg9 : memref<!tpu.dma_semaphore, #tpu.memory_space<semaphore_mem>>)
    %dma_wait3A_2040 = arith.constant 0 : i32
    %dma_wait3A_2041 = tpu.memref_slice %arg4[%add3A_1865, %dma_wait3A_2040] : memref<425984x32xf32, #tpu.memory_space<hbm>> -> memref<1024x32xf32, #tpu.memory_space<hbm>>
    %dma_wait3A_2042 = arith.constant 0 : i32
    %dma_wait3A_2043 = tpu.memref_slice %arg4[%add3A_1865, %dma_wait3A_2042] : memref<425984x32xf32, #tpu.memory_space<hbm>> -> memref<1024x32xf32, #tpu.memory_space<hbm>>
    tpu.wait_dma2 semaphore(%arg9 : memref<!tpu.dma_semaphore, #tpu.memory_space<semaphore_mem>>) src(%arg6 : memref<1024x32xf32, #tpu.memory_space<vmem>>) dst(%dma_wait3A_2043 : memref<1024x32xf32, #tpu.memory_space<hbm>>)
    %dma_start3A_2044 = arith.constant 96 : i32
    %dma_start3A_2045 = arith.constant 0 : i32
    %dma_start3A_2046 = arith.constant 0 : i32
    %dma_start3A_2047 = tpu.memref_slice %arg6[%dma_start3A_2045, %dma_start3A_2046] : memref<1024x32xf32, #tpu.memory_space<vmem>> -> memref<128x32xf32, #tpu.memory_space<vmem>>
    %dma_start3A_2048 = arith.constant 0 : i32
    %dma_start3A_2049 = tpu.memref_slice %arg5[%dma_start3A_2044, %dma_start3A_2048] : memref<104x128xi32, #tpu.memory_space<vmem>> -> memref<1x128xi32, #tpu.memory_space<vmem>>
    %dma_start3A_2050 = tpu.memref_squeeze %dma_start3A_2049 : memref<1x128xi32, #tpu.memory_space<vmem>> -> memref<128xi32, #tpu.memory_space<vmem>>
    %dma_start3A_2051 = arith.constant 0 : i32
    %dma_start3A_2052 = arith.constant 0 : i32
    %dma_start3A_2053 = tpu.memref_slice %arg3[%dma_start3A_2051, %dma_start3A_2052] : memref<2600000x32xf32, #tpu.memory_space<hbm>> -> memref<2600000x32xf32, #tpu.memory_space<hbm>>
    tpu.enqueue_indirect_dma source(%dma_start3A_2053 : memref<2600000x32xf32, #tpu.memory_space<hbm>>) target(%dma_start3A_2047 : memref<128x32xf32, #tpu.memory_space<vmem>>) offsets(%dma_start3A_2050 : memref<128xi32, #tpu.memory_space<vmem>>) semaphore(%arg8 : memref<!tpu.dma_semaphore, #tpu.memory_space<semaphore_mem>>)
    %dma_start3A_2054 = arith.constant 97 : i32
    %dma_start3A_2055 = arith.constant 128 : i32
    %dma_start3A_2056 = arith.constant 0 : i32
    %dma_start3A_2057 = tpu.memref_slice %arg6[%dma_start3A_2055, %dma_start3A_2056] : memref<1024x32xf32, #tpu.memory_space<vmem>> -> memref<128x32xf32, #tpu.memory_space<vmem>>
    %dma_start3A_2058 = arith.constant 0 : i32
    %dma_start3A_2059 = tpu.memref_slice %arg5[%dma_start3A_2054, %dma_start3A_2058] : memref<104x128xi32, #tpu.memory_space<vmem>> -> memref<1x128xi32, #tpu.memory_space<vmem>>
    %dma_start3A_2060 = tpu.memref_squeeze %dma_start3A_2059 : memref<1x128xi32, #tpu.memory_space<vmem>> -> memref<128xi32, #tpu.memory_space<vmem>>
    %dma_start3A_2061 = arith.constant 0 : i32
    %dma_start3A_2062 = arith.constant 0 : i32
    %dma_start3A_2063 = tpu.memref_slice %arg3[%dma_start3A_2061, %dma_start3A_2062] : memref<2600000x32xf32, #tpu.memory_space<hbm>> -> memref<2600000x32xf32, #tpu.memory_space<hbm>>
    tpu.enqueue_indirect_dma source(%dma_start3A_2063 : memref<2600000x32xf32, #tpu.memory_space<hbm>>) target(%dma_start3A_2057 : memref<128x32xf32, #tpu.memory_space<vmem>>) offsets(%dma_start3A_2060 : memref<128xi32, #tpu.memory_space<vmem>>) semaphore(%arg8 : memref<!tpu.dma_semaphore, #tpu.memory_space<semaphore_mem>>)
    %dma_start3A_2064 = arith.constant 98 : i32
    %dma_start3A_2065 = arith.constant 256 : i32
    %dma_start3A_2066 = arith.constant 0 : i32
    %dma_start3A_2067 = tpu.memref_slice %arg6[%dma_start3A_2065, %dma_start3A_2066] : memref<1024x32xf32, #tpu.memory_space<vmem>> -> memref<128x32xf32, #tpu.memory_space<vmem>>
    %dma_start3A_2068 = arith.constant 0 : i32
    %dma_start3A_2069 = tpu.memref_slice %arg5[%dma_start3A_2064, %dma_start3A_2068] : memref<104x128xi32, #tpu.memory_space<vmem>> -> memref<1x128xi32, #tpu.memory_space<vmem>>
    %dma_start3A_2070 = tpu.memref_squeeze %dma_start3A_2069 : memref<1x128xi32, #tpu.memory_space<vmem>> -> memref<128xi32, #tpu.memory_space<vmem>>
    %dma_start3A_2071 = arith.constant 0 : i32
    %dma_start3A_2072 = arith.constant 0 : i32
    %dma_start3A_2073 = tpu.memref_slice %arg3[%dma_start3A_2071, %dma_start3A_2072] : memref<2600000x32xf32, #tpu.memory_space<hbm>> -> memref<2600000x32xf32, #tpu.memory_space<hbm>>
    tpu.enqueue_indirect_dma source(%dma_start3A_2073 : memref<2600000x32xf32, #tpu.memory_space<hbm>>) target(%dma_start3A_2067 : memref<128x32xf32, #tpu.memory_space<vmem>>) offsets(%dma_start3A_2070 : memref<128xi32, #tpu.memory_space<vmem>>) semaphore(%arg8 : memref<!tpu.dma_semaphore, #tpu.memory_space<semaphore_mem>>)
    %dma_start3A_2074 = arith.constant 99 : i32
    %dma_start3A_2075 = arith.constant 384 : i32
    %dma_start3A_2076 = arith.constant 0 : i32
    %dma_start3A_2077 = tpu.memref_slice %arg6[%dma_start3A_2075, %dma_start3A_2076] : memref<1024x32xf32, #tpu.memory_space<vmem>> -> memref<128x32xf32, #tpu.memory_space<vmem>>
    %dma_start3A_2078 = arith.constant 0 : i32
    %dma_start3A_2079 = tpu.memref_slice %arg5[%dma_start3A_2074, %dma_start3A_2078] : memref<104x128xi32, #tpu.memory_space<vmem>> -> memref<1x128xi32, #tpu.memory_space<vmem>>
    %dma_start3A_2080 = tpu.memref_squeeze %dma_start3A_2079 : memref<1x128xi32, #tpu.memory_space<vmem>> -> memref<128xi32, #tpu.memory_space<vmem>>
    %dma_start3A_2081 = arith.constant 0 : i32
    %dma_start3A_2082 = arith.constant 0 : i32
    %dma_start3A_2083 = tpu.memref_slice %arg3[%dma_start3A_2081, %dma_start3A_2082] : memref<2600000x32xf32, #tpu.memory_space<hbm>> -> memref<2600000x32xf32, #tpu.memory_space<hbm>>
    tpu.enqueue_indirect_dma source(%dma_start3A_2083 : memref<2600000x32xf32, #tpu.memory_space<hbm>>) target(%dma_start3A_2077 : memref<128x32xf32, #tpu.memory_space<vmem>>) offsets(%dma_start3A_2080 : memref<128xi32, #tpu.memory_space<vmem>>) semaphore(%arg8 : memref<!tpu.dma_semaphore, #tpu.memory_space<semaphore_mem>>)
    %dma_start3A_2084 = arith.constant 100 : i32
    %dma_start3A_2085 = arith.constant 512 : i32
    %dma_start3A_2086 = arith.constant 0 : i32
    %dma_start3A_2087 = tpu.memref_slice %arg6[%dma_start3A_2085, %dma_start3A_2086] : memref<1024x32xf32, #tpu.memory_space<vmem>> -> memref<128x32xf32, #tpu.memory_space<vmem>>
    %dma_start3A_2088 = arith.constant 0 : i32
    %dma_start3A_2089 = tpu.memref_slice %arg5[%dma_start3A_2084, %dma_start3A_2088] : memref<104x128xi32, #tpu.memory_space<vmem>> -> memref<1x128xi32, #tpu.memory_space<vmem>>
    %dma_start3A_2090 = tpu.memref_squeeze %dma_start3A_2089 : memref<1x128xi32, #tpu.memory_space<vmem>> -> memref<128xi32, #tpu.memory_space<vmem>>
    %dma_start3A_2091 = arith.constant 0 : i32
    %dma_start3A_2092 = arith.constant 0 : i32
    %dma_start3A_2093 = tpu.memref_slice %arg3[%dma_start3A_2091, %dma_start3A_2092] : memref<2600000x32xf32, #tpu.memory_space<hbm>> -> memref<2600000x32xf32, #tpu.memory_space<hbm>>
    tpu.enqueue_indirect_dma source(%dma_start3A_2093 : memref<2600000x32xf32, #tpu.memory_space<hbm>>) target(%dma_start3A_2087 : memref<128x32xf32, #tpu.memory_space<vmem>>) offsets(%dma_start3A_2090 : memref<128xi32, #tpu.memory_space<vmem>>) semaphore(%arg8 : memref<!tpu.dma_semaphore, #tpu.memory_space<semaphore_mem>>)
    %dma_start3A_2094 = arith.constant 101 : i32
    %dma_start3A_2095 = arith.constant 640 : i32
    %dma_start3A_2096 = arith.constant 0 : i32
    %dma_start3A_2097 = tpu.memref_slice %arg6[%dma_start3A_2095, %dma_start3A_2096] : memref<1024x32xf32, #tpu.memory_space<vmem>> -> memref<128x32xf32, #tpu.memory_space<vmem>>
    %dma_start3A_2098 = arith.constant 0 : i32
    %dma_start3A_2099 = tpu.memref_slice %arg5[%dma_start3A_2094, %dma_start3A_2098] : memref<104x128xi32, #tpu.memory_space<vmem>> -> memref<1x128xi32, #tpu.memory_space<vmem>>
    %dma_start3A_2100 = tpu.memref_squeeze %dma_start3A_2099 : memref<1x128xi32, #tpu.memory_space<vmem>> -> memref<128xi32, #tpu.memory_space<vmem>>
    %dma_start3A_2101 = arith.constant 0 : i32
    %dma_start3A_2102 = arith.constant 0 : i32
    %dma_start3A_2103 = tpu.memref_slice %arg3[%dma_start3A_2101, %dma_start3A_2102] : memref<2600000x32xf32, #tpu.memory_space<hbm>> -> memref<2600000x32xf32, #tpu.memory_space<hbm>>
    tpu.enqueue_indirect_dma source(%dma_start3A_2103 : memref<2600000x32xf32, #tpu.memory_space<hbm>>) target(%dma_start3A_2097 : memref<128x32xf32, #tpu.memory_space<vmem>>) offsets(%dma_start3A_2100 : memref<128xi32, #tpu.memory_space<vmem>>) semaphore(%arg8 : memref<!tpu.dma_semaphore, #tpu.memory_space<semaphore_mem>>)
    %dma_start3A_2104 = arith.constant 102 : i32
    %dma_start3A_2105 = arith.constant 768 : i32
    %dma_start3A_2106 = arith.constant 0 : i32
    %dma_start3A_2107 = tpu.memref_slice %arg6[%dma_start3A_2105, %dma_start3A_2106] : memref<1024x32xf32, #tpu.memory_space<vmem>> -> memref<128x32xf32, #tpu.memory_space<vmem>>
    %dma_start3A_2108 = arith.constant 0 : i32
    %dma_start3A_2109 = tpu.memref_slice %arg5[%dma_start3A_2104, %dma_start3A_2108] : memref<104x128xi32, #tpu.memory_space<vmem>> -> memref<1x128xi32, #tpu.memory_space<vmem>>
    %dma_start3A_2110 = tpu.memref_squeeze %dma_start3A_2109 : memref<1x128xi32, #tpu.memory_space<vmem>> -> memref<128xi32, #tpu.memory_space<vmem>>
    %dma_start3A_2111 = arith.constant 0 : i32
    %dma_start3A_2112 = arith.constant 0 : i32
    %dma_start3A_2113 = tpu.memref_slice %arg3[%dma_start3A_2111, %dma_start3A_2112] : memref<2600000x32xf32, #tpu.memory_space<hbm>> -> memref<2600000x32xf32, #tpu.memory_space<hbm>>
    tpu.enqueue_indirect_dma source(%dma_start3A_2113 : memref<2600000x32xf32, #tpu.memory_space<hbm>>) target(%dma_start3A_2107 : memref<128x32xf32, #tpu.memory_space<vmem>>) offsets(%dma_start3A_2110 : memref<128xi32, #tpu.memory_space<vmem>>) semaphore(%arg8 : memref<!tpu.dma_semaphore, #tpu.memory_space<semaphore_mem>>)
    %dma_start3A_2114 = arith.constant 103 : i32
    %dma_start3A_2115 = arith.constant 896 : i32
    %dma_start3A_2116 = arith.constant 0 : i32
    %dma_start3A_2117 = tpu.memref_slice %arg6[%dma_start3A_2115, %dma_start3A_2116] : memref<1024x32xf32, #tpu.memory_space<vmem>> -> memref<128x32xf32, #tpu.memory_space<vmem>>
    %dma_start3A_2118 = arith.constant 0 : i32
    %dma_start3A_2119 = tpu.memref_slice %arg5[%dma_start3A_2114, %dma_start3A_2118] : memref<104x128xi32, #tpu.memory_space<vmem>> -> memref<1x128xi32, #tpu.memory_space<vmem>>
    %dma_start3A_2120 = tpu.memref_squeeze %dma_start3A_2119 : memref<1x128xi32, #tpu.memory_space<vmem>> -> memref<128xi32, #tpu.memory_space<vmem>>
    %dma_start3A_2121 = arith.constant 0 : i32
    %dma_start3A_2122 = arith.constant 0 : i32
    %dma_start3A_2123 = tpu.memref_slice %arg3[%dma_start3A_2121, %dma_start3A_2122] : memref<2600000x32xf32, #tpu.memory_space<hbm>> -> memref<2600000x32xf32, #tpu.memory_space<hbm>>
    tpu.enqueue_indirect_dma source(%dma_start3A_2123 : memref<2600000x32xf32, #tpu.memory_space<hbm>>) target(%dma_start3A_2117 : memref<128x32xf32, #tpu.memory_space<vmem>>) offsets(%dma_start3A_2120 : memref<128xi32, #tpu.memory_space<vmem>>) semaphore(%arg8 : memref<!tpu.dma_semaphore, #tpu.memory_space<semaphore_mem>>)
    %dma_wait3A_2124 = arith.constant 96 : i32
    %dma_wait3A_2125 = arith.constant 0 : i32
    %dma_wait3A_2126 = arith.constant 0 : i32
    %dma_wait3A_2127 = tpu.memref_slice %arg6[%dma_wait3A_2125, %dma_wait3A_2126] : memref<1024x32xf32, #tpu.memory_space<vmem>> -> memref<128x32xf32, #tpu.memory_space<vmem>>
    %dma_wait3A_2128 = arith.constant 0 : i32
    %dma_wait3A_2129 = tpu.memref_slice %arg5[%dma_wait3A_2124, %dma_wait3A_2128] : memref<104x128xi32, #tpu.memory_space<vmem>> -> memref<1x128xi32, #tpu.memory_space<vmem>>
    %dma_wait3A_2130 = tpu.memref_squeeze %dma_wait3A_2129 : memref<1x128xi32, #tpu.memory_space<vmem>> -> memref<128xi32, #tpu.memory_space<vmem>>
    %dma_wait3A_2131 = arith.constant 0 : i32
    %dma_wait3A_2132 = arith.constant 0 : i32
    %dma_wait3A_2133 = tpu.memref_slice %arg3[%dma_wait3A_2131, %dma_wait3A_2132] : memref<2600000x32xf32, #tpu.memory_space<hbm>> -> memref<2600000x32xf32, #tpu.memory_space<hbm>>
    tpu.wait_indirect_dma semaphore(%arg8 : memref<!tpu.dma_semaphore, #tpu.memory_space<semaphore_mem>>) src(%dma_wait3A_2133 : memref<2600000x32xf32, #tpu.memory_space<hbm>>) dst(%dma_wait3A_2127 : memref<128x32xf32, #tpu.memory_space<vmem>>)
    %dma_wait3A_2134 = arith.constant 97 : i32
    %dma_wait3A_2135 = arith.constant 128 : i32
    %dma_wait3A_2136 = arith.constant 0 : i32
    %dma_wait3A_2137 = tpu.memref_slice %arg6[%dma_wait3A_2135, %dma_wait3A_2136] : memref<1024x32xf32, #tpu.memory_space<vmem>> -> memref<128x32xf32, #tpu.memory_space<vmem>>
    %dma_wait3A_2138 = arith.constant 0 : i32
    %dma_wait3A_2139 = tpu.memref_slice %arg5[%dma_wait3A_2134, %dma_wait3A_2138] : memref<104x128xi32, #tpu.memory_space<vmem>> -> memref<1x128xi32, #tpu.memory_space<vmem>>
    %dma_wait3A_2140 = tpu.memref_squeeze %dma_wait3A_2139 : memref<1x128xi32, #tpu.memory_space<vmem>> -> memref<128xi32, #tpu.memory_space<vmem>>
    %dma_wait3A_2141 = arith.constant 0 : i32
    %dma_wait3A_2142 = arith.constant 0 : i32
    %dma_wait3A_2143 = tpu.memref_slice %arg3[%dma_wait3A_2141, %dma_wait3A_2142] : memref<2600000x32xf32, #tpu.memory_space<hbm>> -> memref<2600000x32xf32, #tpu.memory_space<hbm>>
    tpu.wait_indirect_dma semaphore(%arg8 : memref<!tpu.dma_semaphore, #tpu.memory_space<semaphore_mem>>) src(%dma_wait3A_2143 : memref<2600000x32xf32, #tpu.memory_space<hbm>>) dst(%dma_wait3A_2137 : memref<128x32xf32, #tpu.memory_space<vmem>>)
    %dma_wait3A_2144 = arith.constant 98 : i32
    %dma_wait3A_2145 = arith.constant 256 : i32
    %dma_wait3A_2146 = arith.constant 0 : i32
    %dma_wait3A_2147 = tpu.memref_slice %arg6[%dma_wait3A_2145, %dma_wait3A_2146] : memref<1024x32xf32, #tpu.memory_space<vmem>> -> memref<128x32xf32, #tpu.memory_space<vmem>>
    %dma_wait3A_2148 = arith.constant 0 : i32
    %dma_wait3A_2149 = tpu.memref_slice %arg5[%dma_wait3A_2144, %dma_wait3A_2148] : memref<104x128xi32, #tpu.memory_space<vmem>> -> memref<1x128xi32, #tpu.memory_space<vmem>>
    %dma_wait3A_2150 = tpu.memref_squeeze %dma_wait3A_2149 : memref<1x128xi32, #tpu.memory_space<vmem>> -> memref<128xi32, #tpu.memory_space<vmem>>
    %dma_wait3A_2151 = arith.constant 0 : i32
    %dma_wait3A_2152 = arith.constant 0 : i32
    %dma_wait3A_2153 = tpu.memref_slice %arg3[%dma_wait3A_2151, %dma_wait3A_2152] : memref<2600000x32xf32, #tpu.memory_space<hbm>> -> memref<2600000x32xf32, #tpu.memory_space<hbm>>
    tpu.wait_indirect_dma semaphore(%arg8 : memref<!tpu.dma_semaphore, #tpu.memory_space<semaphore_mem>>) src(%dma_wait3A_2153 : memref<2600000x32xf32, #tpu.memory_space<hbm>>) dst(%dma_wait3A_2147 : memref<128x32xf32, #tpu.memory_space<vmem>>)
    %dma_wait3A_2154 = arith.constant 99 : i32
    %dma_wait3A_2155 = arith.constant 384 : i32
    %dma_wait3A_2156 = arith.constant 0 : i32
    %dma_wait3A_2157 = tpu.memref_slice %arg6[%dma_wait3A_2155, %dma_wait3A_2156] : memref<1024x32xf32, #tpu.memory_space<vmem>> -> memref<128x32xf32, #tpu.memory_space<vmem>>
    %dma_wait3A_2158 = arith.constant 0 : i32
    %dma_wait3A_2159 = tpu.memref_slice %arg5[%dma_wait3A_2154, %dma_wait3A_2158] : memref<104x128xi32, #tpu.memory_space<vmem>> -> memref<1x128xi32, #tpu.memory_space<vmem>>
    %dma_wait3A_2160 = tpu.memref_squeeze %dma_wait3A_2159 : memref<1x128xi32, #tpu.memory_space<vmem>> -> memref<128xi32, #tpu.memory_space<vmem>>
    %dma_wait3A_2161 = arith.constant 0 : i32
    %dma_wait3A_2162 = arith.constant 0 : i32
    %dma_wait3A_2163 = tpu.memref_slice %arg3[%dma_wait3A_2161, %dma_wait3A_2162] : memref<2600000x32xf32, #tpu.memory_space<hbm>> -> memref<2600000x32xf32, #tpu.memory_space<hbm>>
    tpu.wait_indirect_dma semaphore(%arg8 : memref<!tpu.dma_semaphore, #tpu.memory_space<semaphore_mem>>) src(%dma_wait3A_2163 : memref<2600000x32xf32, #tpu.memory_space<hbm>>) dst(%dma_wait3A_2157 : memref<128x32xf32, #tpu.memory_space<vmem>>)
    %dma_wait3A_2164 = arith.constant 100 : i32
    %dma_wait3A_2165 = arith.constant 512 : i32
    %dma_wait3A_2166 = arith.constant 0 : i32
    %dma_wait3A_2167 = tpu.memref_slice %arg6[%dma_wait3A_2165, %dma_wait3A_2166] : memref<1024x32xf32, #tpu.memory_space<vmem>> -> memref<128x32xf32, #tpu.memory_space<vmem>>
    %dma_wait3A_2168 = arith.constant 0 : i32
    %dma_wait3A_2169 = tpu.memref_slice %arg5[%dma_wait3A_2164, %dma_wait3A_2168] : memref<104x128xi32, #tpu.memory_space<vmem>> -> memref<1x128xi32, #tpu.memory_space<vmem>>
    %dma_wait3A_2170 = tpu.memref_squeeze %dma_wait3A_2169 : memref<1x128xi32, #tpu.memory_space<vmem>> -> memref<128xi32, #tpu.memory_space<vmem>>
    %dma_wait3A_2171 = arith.constant 0 : i32
    %dma_wait3A_2172 = arith.constant 0 : i32
    %dma_wait3A_2173 = tpu.memref_slice %arg3[%dma_wait3A_2171, %dma_wait3A_2172] : memref<2600000x32xf32, #tpu.memory_space<hbm>> -> memref<2600000x32xf32, #tpu.memory_space<hbm>>
    tpu.wait_indirect_dma semaphore(%arg8 : memref<!tpu.dma_semaphore, #tpu.memory_space<semaphore_mem>>) src(%dma_wait3A_2173 : memref<2600000x32xf32, #tpu.memory_space<hbm>>) dst(%dma_wait3A_2167 : memref<128x32xf32, #tpu.memory_space<vmem>>)
    %dma_wait3A_2174 = arith.constant 101 : i32
    %dma_wait3A_2175 = arith.constant 640 : i32
    %dma_wait3A_2176 = arith.constant 0 : i32
    %dma_wait3A_2177 = tpu.memref_slice %arg6[%dma_wait3A_2175, %dma_wait3A_2176] : memref<1024x32xf32, #tpu.memory_space<vmem>> -> memref<128x32xf32, #tpu.memory_space<vmem>>
    %dma_wait3A_2178 = arith.constant 0 : i32
    %dma_wait3A_2179 = tpu.memref_slice %arg5[%dma_wait3A_2174, %dma_wait3A_2178] : memref<104x128xi32, #tpu.memory_space<vmem>> -> memref<1x128xi32, #tpu.memory_space<vmem>>
    %dma_wait3A_2180 = tpu.memref_squeeze %dma_wait3A_2179 : memref<1x128xi32, #tpu.memory_space<vmem>> -> memref<128xi32, #tpu.memory_space<vmem>>
    %dma_wait3A_2181 = arith.constant 0 : i32
    %dma_wait3A_2182 = arith.constant 0 : i32
    %dma_wait3A_2183 = tpu.memref_slice %arg3[%dma_wait3A_2181, %dma_wait3A_2182] : memref<2600000x32xf32, #tpu.memory_space<hbm>> -> memref<2600000x32xf32, #tpu.memory_space<hbm>>
    tpu.wait_indirect_dma semaphore(%arg8 : memref<!tpu.dma_semaphore, #tpu.memory_space<semaphore_mem>>) src(%dma_wait3A_2183 : memref<2600000x32xf32, #tpu.memory_space<hbm>>) dst(%dma_wait3A_2177 : memref<128x32xf32, #tpu.memory_space<vmem>>)
    %dma_wait3A_2184 = arith.constant 102 : i32
    %dma_wait3A_2185 = arith.constant 768 : i32
    %dma_wait3A_2186 = arith.constant 0 : i32
    %dma_wait3A_2187 = tpu.memref_slice %arg6[%dma_wait3A_2185, %dma_wait3A_2186] : memref<1024x32xf32, #tpu.memory_space<vmem>> -> memref<128x32xf32, #tpu.memory_space<vmem>>
    %dma_wait3A_2188 = arith.constant 0 : i32
    %dma_wait3A_2189 = tpu.memref_slice %arg5[%dma_wait3A_2184, %dma_wait3A_2188] : memref<104x128xi32, #tpu.memory_space<vmem>> -> memref<1x128xi32, #tpu.memory_space<vmem>>
    %dma_wait3A_2190 = tpu.memref_squeeze %dma_wait3A_2189 : memref<1x128xi32, #tpu.memory_space<vmem>> -> memref<128xi32, #tpu.memory_space<vmem>>
    %dma_wait3A_2191 = arith.constant 0 : i32
    %dma_wait3A_2192 = arith.constant 0 : i32
    %dma_wait3A_2193 = tpu.memref_slice %arg3[%dma_wait3A_2191, %dma_wait3A_2192] : memref<2600000x32xf32, #tpu.memory_space<hbm>> -> memref<2600000x32xf32, #tpu.memory_space<hbm>>
    tpu.wait_indirect_dma semaphore(%arg8 : memref<!tpu.dma_semaphore, #tpu.memory_space<semaphore_mem>>) src(%dma_wait3A_2193 : memref<2600000x32xf32, #tpu.memory_space<hbm>>) dst(%dma_wait3A_2187 : memref<128x32xf32, #tpu.memory_space<vmem>>)
    %dma_wait3A_2194 = arith.constant 103 : i32
    %dma_wait3A_2195 = arith.constant 896 : i32
    %dma_wait3A_2196 = arith.constant 0 : i32
    %dma_wait3A_2197 = tpu.memref_slice %arg6[%dma_wait3A_2195, %dma_wait3A_2196] : memref<1024x32xf32, #tpu.memory_space<vmem>> -> memref<128x32xf32, #tpu.memory_space<vmem>>
    %dma_wait3A_2198 = arith.constant 0 : i32
    %dma_wait3A_2199 = tpu.memref_slice %arg5[%dma_wait3A_2194, %dma_wait3A_2198] : memref<104x128xi32, #tpu.memory_space<vmem>> -> memref<1x128xi32, #tpu.memory_space<vmem>>
    %dma_wait3A_2200 = tpu.memref_squeeze %dma_wait3A_2199 : memref<1x128xi32, #tpu.memory_space<vmem>> -> memref<128xi32, #tpu.memory_space<vmem>>
    %dma_wait3A_2201 = arith.constant 0 : i32
    %dma_wait3A_2202 = arith.constant 0 : i32
    %dma_wait3A_2203 = tpu.memref_slice %arg3[%dma_wait3A_2201, %dma_wait3A_2202] : memref<2600000x32xf32, #tpu.memory_space<hbm>> -> memref<2600000x32xf32, #tpu.memory_space<hbm>>
    tpu.wait_indirect_dma semaphore(%arg8 : memref<!tpu.dma_semaphore, #tpu.memory_space<semaphore_mem>>) src(%dma_wait3A_2203 : memref<2600000x32xf32, #tpu.memory_space<hbm>>) dst(%dma_wait3A_2197 : memref<128x32xf32, #tpu.memory_space<vmem>>)
    %add3A_2204 = arith.constant 12288 : i32
    %add3A_2205 = arith.addi %mul3A_4, %add3A_2204 : i32
    %dma_start3A_2206 = arith.constant 0 : i32
    %dma_start3A_2207 = tpu.memref_slice %arg4[%add3A_2205, %dma_start3A_2206] : memref<425984x32xf32, #tpu.memory_space<hbm>> -> memref<1024x32xf32, #tpu.memory_space<hbm>>
    %dma_start3A_2208 = arith.constant 0 : i32
    %dma_start3A_2209 = tpu.memref_slice %arg4[%add3A_2205, %dma_start3A_2208] : memref<425984x32xf32, #tpu.memory_space<hbm>> -> memref<1024x32xf32, #tpu.memory_space<hbm>>
    tpu.enqueue_dma source(%arg6 : memref<1024x32xf32, #tpu.memory_space<vmem>>) target(%dma_start3A_2209 : memref<1024x32xf32, #tpu.memory_space<hbm>>) target_semaphore(%arg9 : memref<!tpu.dma_semaphore, #tpu.memory_space<semaphore_mem>>)
    %dma_wait3A_2210 = arith.constant 0 : i32
    %dma_wait3A_2211 = tpu.memref_slice %arg4[%add3A_2035, %dma_wait3A_2210] : memref<425984x32xf32, #tpu.memory_space<hbm>> -> memref<1024x32xf32, #tpu.memory_space<hbm>>
    %dma_wait3A_2212 = arith.constant 0 : i32
    %dma_wait3A_2213 = tpu.memref_slice %arg4[%add3A_2035, %dma_wait3A_2212] : memref<425984x32xf32, #tpu.memory_space<hbm>> -> memref<1024x32xf32, #tpu.memory_space<hbm>>
    tpu.wait_dma2 semaphore(%arg9 : memref<!tpu.dma_semaphore, #tpu.memory_space<semaphore_mem>>) src(%arg7 : memref<1024x32xf32, #tpu.memory_space<vmem>>) dst(%dma_wait3A_2213 : memref<1024x32xf32, #tpu.memory_space<hbm>>)
    %dma_wait3A_2214 = arith.constant 0 : i32
    %dma_wait3A_2215 = tpu.memref_slice %arg4[%add3A_2205, %dma_wait3A_2214] : memref<425984x32xf32, #tpu.memory_space<hbm>> -> memref<1024x32xf32, #tpu.memory_space<hbm>>
    %dma_wait3A_2216 = arith.constant 0 : i32
    %dma_wait3A_2217 = tpu.memref_slice %arg4[%add3A_2205, %dma_wait3A_2216] : memref<425984x32xf32, #tpu.memory_space<hbm>> -> memref<1024x32xf32, #tpu.memory_space<hbm>>
    tpu.wait_dma2 semaphore(%arg9 : memref<!tpu.dma_semaphore, #tpu.memory_space<semaphore_mem>>) src(%arg6 : memref<1024x32xf32, #tpu.memory_space<vmem>>) dst(%dma_wait3A_2217 : memref<1024x32xf32, #tpu.memory_space<hbm>>)
    return
  }
}

module attributes {stable_mosaic.version = 14 : i64} {
  func.func @_mlp_body(%arg0: i32, %arg1: memref<1024x832xf32, #tpu.memory_space<vmem>>, %arg2: memref<1024x13xf32, #tpu.memory_space<vmem>>, %arg3: memref<845x128xf32, #tpu.memory_space<vmem>>, %arg4: memref<128xf32, #tpu.memory_space<vmem>>, %arg5: memref<128x64xf32, #tpu.memory_space<vmem>>, %arg6: memref<64xf32, #tpu.memory_space<vmem>>, %arg7: memref<64x32xf32, #tpu.memory_space<vmem>>, %arg8: memref<32xf32, #tpu.memory_space<vmem>>, %arg9: memref<32x1xf32, #tpu.memory_space<vmem>>, %arg10: memref<1xf32, #tpu.memory_space<vmem>>, %arg11: memref<1024x1xf32, #tpu.memory_space<vmem>>) attributes {dimension_semantics = [#tpu.dimension_semantics<arbitrary>], iteration_bounds = array<i64: 16>, scalar_prefetch = 0 : i64, scratch_operands = 0 : i64, tpu.core_type = #tpu.core_type<tc>, window_params = [{transform_indices = @transform_0, window_bounds = array<i64: 1024, 832>}, {transform_indices = @transform_1, window_bounds = array<i64: 1024, 13>}, {pipeline_mode = #tpu.pipeline_mode<synchronous>, transform_indices = @transform_2, window_bounds = array<i64: 845, 128>}, {pipeline_mode = #tpu.pipeline_mode<synchronous>, transform_indices = @transform_3, window_bounds = array<i64: 128>}, {pipeline_mode = #tpu.pipeline_mode<synchronous>, transform_indices = @transform_4, window_bounds = array<i64: 128, 64>}, {pipeline_mode = #tpu.pipeline_mode<synchronous>, transform_indices = @transform_5, window_bounds = array<i64: 64>}, {pipeline_mode = #tpu.pipeline_mode<synchronous>, transform_indices = @transform_6, window_bounds = array<i64: 64, 32>}, {pipeline_mode = #tpu.pipeline_mode<synchronous>, transform_indices = @transform_7, window_bounds = array<i64: 32>}, {pipeline_mode = #tpu.pipeline_mode<synchronous>, transform_indices = @transform_8, window_bounds = array<i64: 32, 1>}, {pipeline_mode = #tpu.pipeline_mode<synchronous>, transform_indices = @transform_9, window_bounds = array<i64: 1>}, {transform_indices = @transform_10, window_bounds = array<i64: 1024, 1>}]} {
    %get3A = arith.constant 0 : index
    %get3A_0 = arith.constant 0 : index
    %get3A_1 = vector.load %arg1[%get3A, %get3A_0] : memref<1024x832xf32, #tpu.memory_space<vmem>>, vector<1024x832xf32>
    %get3A_2 = arith.constant 0 : index
    %get3A_3 = arith.constant 0 : index
    %get3A_4 = vector.load %arg2[%get3A_2, %get3A_3] : memref<1024x13xf32, #tpu.memory_space<vmem>>, vector<1024x13xf32>
    %get3A_5 = arith.constant 0 : index
    %get3A_6 = arith.constant 0 : index
    %get3A_7 = vector.load %arg3[%get3A_5, %get3A_6] : memref<845x128xf32, #tpu.memory_space<vmem>>, vector<832x128xf32>
    %get3A_8 = arith.constant 832 : index
    %get3A_9 = arith.constant 0 : index
    %get3A_10 = vector.load %arg3[%get3A_8, %get3A_9] : memref<845x128xf32, #tpu.memory_space<vmem>>, vector<13x128xf32>
    %dot_general3A = arith.constant dense<0.000000e+00> : vector<1024x128xf32>
    %dot_general3A_11 = tpu.matmul %get3A_1, %get3A_7, %dot_general3A {dimension_numbers = #tpu.dot_dimension_numbers<[1], [0], [0], [1], [0, 0, 1, 1], [], []>, transpose_lhs_hint = false} : vector<1024x832xf32>, vector<832x128xf32>, vector<1024x128xf32> -> vector<1024x128xf32>
    %dot_general3A_12 = arith.constant dense<0.000000e+00> : vector<1024x128xf32>
    %dot_general3A_13 = tpu.matmul %get3A_4, %get3A_10, %dot_general3A_12 {dimension_numbers = #tpu.dot_dimension_numbers<[1], [0], [0], [1], [0, 0, 1, 1], [], []>, transpose_lhs_hint = false} : vector<1024x13xf32>, vector<13x128xf32>, vector<1024x128xf32> -> vector<1024x128xf32>
    %add3A = arith.addf %dot_general3A_11, %dot_general3A_13 : vector<1024x128xf32>
    %get3A_14 = arith.constant 0 : index
    %get3A_15 = vector.load %arg4[%get3A_14] : memref<128xf32, #tpu.memory_space<vmem>>, vector<128xf32>
    %broadcast_in_dim3A = vector.shape_cast %get3A_15 : vector<128xf32> to vector<1x128xf32>
    %add3A_16 = vector.broadcast %broadcast_in_dim3A : vector<1x128xf32> to vector<1024x128xf32>
    %add3A_17 = arith.addf %add3A, %add3A_16 : vector<1024x128xf32>
    %max3A = arith.constant 0.000000e+00 : f32
    %max3A_18 = vector.broadcast %max3A : f32 to vector<1024x128xf32>
    %max3A_19 = arith.maximumf %add3A_17, %max3A_18 : vector<1024x128xf32>
    %get3A_20 = arith.constant 0 : index
    %get3A_21 = arith.constant 0 : index
    %get3A_22 = vector.load %arg5[%get3A_20, %get3A_21] : memref<128x64xf32, #tpu.memory_space<vmem>>, vector<128x64xf32>
    %dot_general3A_23 = arith.constant dense<0.000000e+00> : vector<1024x64xf32>
    %dot_general3A_24 = tpu.matmul %max3A_19, %get3A_22, %dot_general3A_23 {dimension_numbers = #tpu.dot_dimension_numbers<[1], [0], [0], [1], [0, 0, 1, 1], [], []>, transpose_lhs_hint = false} : vector<1024x128xf32>, vector<128x64xf32>, vector<1024x64xf32> -> vector<1024x64xf32>
    %get3A_25 = arith.constant 0 : index
    %get3A_26 = vector.load %arg6[%get3A_25] : memref<64xf32, #tpu.memory_space<vmem>>, vector<64xf32>
    %broadcast_in_dim3A_27 = vector.shape_cast %get3A_26 : vector<64xf32> to vector<1x64xf32>
    %add3A_28 = vector.broadcast %broadcast_in_dim3A_27 : vector<1x64xf32> to vector<1024x64xf32>
    %add3A_29 = arith.addf %dot_general3A_24, %add3A_28 : vector<1024x64xf32>
    %max3A_30 = arith.constant 0.000000e+00 : f32
    %max3A_31 = vector.broadcast %max3A_30 : f32 to vector<1024x64xf32>
    %max3A_32 = arith.maximumf %add3A_29, %max3A_31 : vector<1024x64xf32>
    %get3A_33 = arith.constant 0 : index
    %get3A_34 = arith.constant 0 : index
    %get3A_35 = vector.load %arg7[%get3A_33, %get3A_34] : memref<64x32xf32, #tpu.memory_space<vmem>>, vector<64x32xf32>
    %dot_general3A_36 = arith.constant dense<0.000000e+00> : vector<1024x32xf32>
    %dot_general3A_37 = tpu.matmul %max3A_32, %get3A_35, %dot_general3A_36 {dimension_numbers = #tpu.dot_dimension_numbers<[1], [0], [0], [1], [0, 0, 1, 1], [], []>, transpose_lhs_hint = false} : vector<1024x64xf32>, vector<64x32xf32>, vector<1024x32xf32> -> vector<1024x32xf32>
    %get3A_38 = arith.constant 0 : index
    %get3A_39 = vector.load %arg8[%get3A_38] : memref<32xf32, #tpu.memory_space<vmem>>, vector<32xf32>
    %broadcast_in_dim3A_40 = vector.shape_cast %get3A_39 : vector<32xf32> to vector<1x32xf32>
    %add3A_41 = vector.broadcast %broadcast_in_dim3A_40 : vector<1x32xf32> to vector<1024x32xf32>
    %add3A_42 = arith.addf %dot_general3A_37, %add3A_41 : vector<1024x32xf32>
    %max3A_43 = arith.constant 0.000000e+00 : f32
    %max3A_44 = vector.broadcast %max3A_43 : f32 to vector<1024x32xf32>
    %max3A_45 = arith.maximumf %add3A_42, %max3A_44 : vector<1024x32xf32>
    %get3A_46 = arith.constant 0 : index
    %get3A_47 = arith.constant 0 : index
    %get3A_48 = vector.load %arg9[%get3A_46, %get3A_47] : memref<32x1xf32, #tpu.memory_space<vmem>>, vector<32x1xf32>
    %dot_general3A_49 = arith.constant dense<0.000000e+00> : vector<1024x1xf32>
    %dot_general3A_50 = tpu.matmul %max3A_45, %get3A_48, %dot_general3A_49 {dimension_numbers = #tpu.dot_dimension_numbers<[1], [0], [0], [1], [0, 0, 1, 1], [], []>, transpose_lhs_hint = false} : vector<1024x32xf32>, vector<32x1xf32>, vector<1024x1xf32> -> vector<1024x1xf32>
    %get3A_51 = arith.constant 0 : index
    %get3A_52 = vector.load %arg10[%get3A_51] : memref<1xf32, #tpu.memory_space<vmem>>, vector<1xf32>
    %broadcast_in_dim3A_53 = vector.shape_cast %get3A_52 : vector<1xf32> to vector<1x1xf32>
    %add3A_54 = vector.broadcast %broadcast_in_dim3A_53 : vector<1x1xf32> to vector<1024x1xf32>
    %add3A_55 = arith.addf %dot_general3A_50, %add3A_54 : vector<1024x1xf32>
    %swap3A = arith.constant 0 : index
    %swap3A_56 = arith.constant 0 : index
    %swap3A_57 = vector.load %arg11[%swap3A, %swap3A_56] : memref<1024x1xf32, #tpu.memory_space<vmem>>, vector<1024x1xf32>
    tpu.vector_store %arg11[%swap3A, %swap3A_56], %add3A_55 {strides = array<i32>} : memref<1024x1xf32, #tpu.memory_space<vmem>>, vector<1024x1xf32>,
    return
  }
  func.func @transform_0(%arg0: i32) -> (i32, i32) {
    %c0_i32 = arith.constant 0 : i32
    %c0_i32_0 = arith.constant 0 : i32
    return %arg0, %c0_i32 : i32, i32
  }
  func.func @transform_1(%arg0: i32) -> (i32, i32) {
    %c0_i32 = arith.constant 0 : i32
    %c0_i32_0 = arith.constant 0 : i32
    return %arg0, %c0_i32 : i32, i32
  }
  func.func @transform_2(%arg0: i32) -> (i32, i32) {
    %c0_i32 = arith.constant 0 : i32
    %c0_i32_0 = arith.constant 0 : i32
    %c0_i32_1 = arith.constant 0 : i32
    return %c0_i32, %c0_i32_0 : i32, i32
  }
  func.func @transform_3(%arg0: i32) -> i32 {
    %c0_i32 = arith.constant 0 : i32
    %c0_i32_0 = arith.constant 0 : i32
    return %c0_i32 : i32
  }
  func.func @transform_4(%arg0: i32) -> (i32, i32) {
    %c0_i32 = arith.constant 0 : i32
    %c0_i32_0 = arith.constant 0 : i32
    %c0_i32_1 = arith.constant 0 : i32
    return %c0_i32, %c0_i32_0 : i32, i32
  }
  func.func @transform_5(%arg0: i32) -> i32 {
    %c0_i32 = arith.constant 0 : i32
    %c0_i32_0 = arith.constant 0 : i32
    return %c0_i32 : i32
  }
  func.func @transform_6(%arg0: i32) -> (i32, i32) {
    %c0_i32 = arith.constant 0 : i32
    %c0_i32_0 = arith.constant 0 : i32
    %c0_i32_1 = arith.constant 0 : i32
    return %c0_i32, %c0_i32_0 : i32, i32
  }
  func.func @transform_7(%arg0: i32) -> i32 {
    %c0_i32 = arith.constant 0 : i32
    %c0_i32_0 = arith.constant 0 : i32
    return %c0_i32 : i32
  }
  func.func @transform_8(%arg0: i32) -> (i32, i32) {
    %c0_i32 = arith.constant 0 : i32
    %c0_i32_0 = arith.constant 0 : i32
    %c0_i32_1 = arith.constant 0 : i32
    return %c0_i32, %c0_i32_0 : i32, i32
  }
  func.func @transform_9(%arg0: i32) -> i32 {
    %c0_i32 = arith.constant 0 : i32
    %c0_i32_0 = arith.constant 0 : i32
    return %c0_i32 : i32
  }
  func.func @transform_10(%arg0: i32) -> (i32, i32) {
    %c0_i32 = arith.constant 0 : i32
    %c0_i32_0 = arith.constant 0 : i32
    return %arg0, %c0_i32 : i32, i32
  }
}

</mosaic_0001>

<sc_bundles>
// kernel: kernel.4.cloned.1.call-start
scs
__scs_entry_jumppad:
0x0: {  	(pc) =	sbr.rel $0x88, $3  }
0x1: {  	(tag) =	ssettag $0x0;
	lr =	simm.s32 $0x1  }
0x2: {  	[smem:$0x3F96] =	sst lr;
	_ =	strace $0xD0000000  }
0x3: {  	_ = 	snop  }
0x4: {  	_ = 	snop  }
0x5: {  	_ = 	snop  }
0x6: {  	_ = 	snop  }
0x7: {  	_ = 	snop  }
__scs_overlays_trampoline_lowered:
0x8: {  	[smem:$0x3FA5] =	sst s0  }
0x9: {  	[smem:$0x3FA6] =	sst s1  }
0xa: {  	[smem:$0x3FA7] =	sst s2  }
0xb: {  	[smem:$0x3FA8] =	sst s3  }
0xc: {  	[smem:$0x3FA9] =	sst s4  }
0xd: {  	[smem:$0x3FAA] =	sst s5  }
0xe: {  	[smem:$0x3FAB] =	sst s6  }
0xf: {  	[smem:$0x3FAC] =	sst s7  }
0x10: {  	[smem:$0x3FAD] =	sst s8  }
0x11: {  	[smem:$0x3FAE] =	sst s9;
	s0 =	simm.s32 @!p0 $0x0  }
0x12: {  	s1 =	sld [smem:$0x3F94];
	s0 =	simm.s32 @p0 $0x1  }
0x13: {  	[smem:$0x3FAF] =	sst s0;
	s0 =	simm.s32 @!p1 $0x0  }
0x14: {  	s2 =	sld [smem:$0x3F93];
	s0 =	simm.s32 @p1 $0x1  }
0x15: {  	[smem:$0x3FB0] =	sst s0;
	s0 =	simm.s32 @!p2 $0x0  }
0x16: {  	s3 =	sld [smem:$0x3FDB];
	s0 =	simm.s32 @p2 $0x1  }
0x17: {  	s4 =	simm.s32 $0x1BF5;
	[smem:$0x3FB2] =	sst s0  }
0x18: {  	s0 =	sld [smem:$0x3F95];
	_ =	swait.ge [sflag:s4], $0x0  }
0x19: {  	s7 =	sld [smem:$0x3F96]  }
0x1a: {  	s8 =	sadd.s32 $0xFFFFE003, lr  }
0x1b: {  	s9 =	sadd.s32 $0xFFFFFEF7, lr;
	s5 =	simm.s32 $0xFFFFFFFF;
	p2 =	slt.u32 s8, $0xFFFFF086  }
0x1c: {  	p1 =	slt.u32 s9, $0xF7A;
	s5 =	simm.s32 @!p2 $0x0  }
0x1d: {  	s5 =	simm.s32 @p1 $0x1;
	p0 =	seq.s32 s7, s2  }
0x1e: {  	s7 =	smul.u32 @!p0 $0xF7A, s2;
	p2 =	seq.s32 @!p0 s5, $0x0  }
0x1f: {  	s9 =	smul.u32 $0xF7A, s1;
	s8 =	simm.s32 @!p0 $0x1BF5;
	p2 =	por !p2, p0  }
0x20: {  	[sflag:s8] =	ssyncset.s32 @!p0 $0xFFFFF086;
	s6 =	sadd.s32 @!p0 s3, s7;
	s7 =	simm.s32 @!p0 $0x108  }
0x21: {  	s3 =	sadd.s32 s3, s9;
	s6 =	sadd.s32 @!p0 $0x88, s6;
	s7 =	simm.s32 @p2 $0x1082  }
0x22: {  	[simem:s7], [sflag:s8] =	dma.local @!p0 [hbm:s6], $0xF7A  }
0x23: {  	s9 =	sor.u32 $0xD0000000, s2;
	s6 =	simm.s32 $0x108;
	_ =	swait.ge @!p0 [sflag:s8], $0x0  }
0x24: {  	s3 =	sadd.s32 $0x88, s3;
	s6 =	simm.s32 @!p1 $0x1082;
	[sflag:s4] =	ssyncset.s32 $0xFFFFF086  }
0x25: {  	[simem:s6], [sflag:s4] =	dma.local [hbm:s3], $0xF7A  }
0x26: {  	[smem:$0x3F96] =	sst s1;
	(tag) =	ssettag s2;
	_ =	strace s9  }
0x27: {  	s1 =	sld [smem:$0x3FA6]  }
0x28: {  	s2 =	sld [smem:$0x3FA7]  }
0x29: {  	s4 =	sld [smem:$0x3FA9]  }
0x2a: {  	p0 =	seq.s32 s5, $0x0;
	s5 =	sld [smem:$0x3FAA]  }
0x2b: {  	s6 =	sld [smem:$0x3FAB]  }
0x2c: {  	s7 =	sld [smem:$0x3FAC]  }
0x2d: {  	s3 =	simm.s32 $0x108;
	s8 =	sld [smem:$0x3FAD]  }
0x2e: {  	s3 =	simm.s32 @!p0 $0x1082;
	s9 =	sld [smem:$0x3FAE]  }
0x2f: {  	lr =	sadd.s32 s0, s3;
	s0 =	sld [smem:$0x3FA5]  }
0x30: {  	s3 =	sld [smem:$0x3FA8]  }
0x31: {  	[smem:$0x3FB1] =	sst s10  }
0x32: {  	s10 =	sld [smem:$0x3FAF];
	_ =	sdelay $0x3  }
0x33: {  	p0 =	seq.s32 s10, $0x1;
	s10 =	sld [smem:$0x3FB1];
	_ =	sdelay $0x3  }
0x34: {  	[smem:$0x3FB1] =	sst s10  }
0x35: {  	s10 =	sld [smem:$0x3FB0];
	_ =	sdelay $0x3  }
0x36: {  	p1 =	seq.s32 s10, $0x1;
	s10 =	sld [smem:$0x3FB1];
	_ =	sdelay $0x3  }
0x37: {  	[smem:$0x3FB1] =	sst s10  }
0x38: {  	s10 =	sld [smem:$0x3FB2]  }
0x39: {  	_ = 	snop;
	(pc) =	sbr.ind lr, $3  }
0x3a: {  	_ = 	snop  }
0x3b: {  	_ = 	snop  }
0x3c: {  	p2 =	seq.s32 s10, $0x1;
	s10 =	sld [smem:$0x3FB1]  }
0x3d: {  	_ =	shalt  }
0x3e: {  	_ =	shalt  }
0x3f: {  	_ =	shalt  }
0x40: {  	_ =	shalt  }
0x41: {  	_ =	shalt  }
0x42: {  	_ =	shalt  }
0x43: {  	_ =	shalt  }
0x44: {  	_ =	shalt  }
0x45: {  	_ =	shalt  }
0x46: {  	_ =	shalt  }
0x47: {  	_ =	shalt  }
0x48: {  	_ =	shalt  }
0x49: {  	_ =	shalt  }
0x4a: {  	_ =	shalt  }
0x4b: {  	_ =	shalt  }
0x4c: {  	_ =	shalt  }
0x4d: {  	_ =	shalt  }
0x4e: {  	_ =	shalt  }
0x4f: {  	_ =	shalt  }
0x50: {  	_ =	shalt  }
0x51: {  	_ =	shalt  }
0x52: {  	_ =	shalt  }
0x53: {  	_ =	shalt  }
0x54: {  	_ =	shalt  }
0x55: {  	_ =	shalt  }
0x56: {  	_ =	shalt  }
0x57: {  	_ =	shalt  }
0x58: {  	_ =	shalt  }
0x59: {  	_ =	shalt  }
0x5a: {  	_ =	shalt  }
0x5b: {  	_ =	shalt  }
0x5c: {  	_ =	shalt  }
0x5d: {  	_ =	shalt  }
0x5e: {  	_ =	shalt  }
0x5f: {  	_ =	shalt  }
0x60: {  	_ =	shalt  }
0x61: {  	_ =	shalt  }
0x62: {  	_ =	shalt  }
0x63: {  	_ =	shalt  }
0x64: {  	_ =	shalt  }
0x65: {  	_ =	shalt  }
0x66: {  	_ =	shalt  }
0x67: {  	_ =	shalt  }
0x68: {  	_ =	shalt  }
0x69: {  	_ =	shalt  }
0x6a: {  	_ =	shalt  }
0x6b: {  	_ =	shalt  }
0x6c: {  	_ =	shalt  }
0x6d: {  	_ =	shalt  }
0x6e: {  	_ =	shalt  }
0x6f: {  	_ =	shalt  }
0x70: {  	_ =	shalt  }
0x71: {  	_ =	shalt  }
0x72: {  	_ =	shalt  }
0x73: {  	_ =	shalt  }
0x74: {  	_ =	shalt  }
0x75: {  	_ =	shalt  }
0x76: {  	_ =	shalt  }
0x77: {  	_ =	shalt  }
0x78: {  	_ =	shalt  }
0x79: {  	_ =	shalt  }
0x7a: {  	_ =	shalt  }
0x7b: {  	_ =	shalt  }
0x7c: {  	_ =	shalt  }
0x7d: {  	_ =	shalt  }
0x7e: {  	_ =	shalt  }
0x7f: {  	_ =	shalt  }
0x80: {  	_ =	shalt  }
0x81: {  	_ =	shalt  }
0x82: {  	_ =	shalt  }
0x83: {  	_ =	shalt  }
0x84: {  	_ =	shalt  }
0x85: {  	_ =	shalt  }
0x86: {  	_ =	shalt  }
0x87: {  	_ =	shalt  }
.Lfunc_end0:
.L_simem_size_0:
called_computation_lowered:
.L_overlay_start_0:
0x88: {  	s2 =	sld [smem:$0x3FD9]  }
0x89: {  	s3 =	sld [smem:$0x3FFE];
	_ =	sdelay $0x1  }
0x8a: {  	s1 =	srdreg.scid  }
0x8b: {  	s0 =	sand.u32 $0x1, s1  }
0x8c: {  	s16 =	sshll.u32 s0, $0xA;
	s2 =	sadd.s32 s3, s2  }
0x8d: {  	s2 =	sadd.s32 s2, s16  }
0x8e: {  	[smem:$0x3FBD] =	sst s2  }
0x8f: {  	_ = 	snop  }
0x90: {  	(tm) =	ssettm $0x1  }
0x91: {  	s17 =	sld [smem:$0x3FFB];
	_ =	sdelay $0x3  }
0x92: {  	_ =	strace s17  }
0x93: {  	s2 =	sld [smem:$0x3FFC];
	_ =	sdelay $0x3  }
0x94: {  	_ =	strace s2  }
0x95: {  	s2 =	sld [smem:$0x3FFD];
	_ =	sdelay $0x3  }
0x96: {  	_ =	strace s2  }
0x97: {  	_ =	strace $0x8FFFFFFF  }
0x98: {  	s18 =	sld [smem:$0x3FDB];
	_ =	sdelay $0x1  }
0x99: {  	s19 =	simm.s32 $_scs_section_size  }
0x9a: {  	s4 =	simm.s32 $_size__tile_overlayer_lowered;
	s5 =	simm.s32 $_tile_overlayer_lowered  }
0x9b: {  	s22 =	simm.s32 $0x1BFF;
	s21 =	sshll.u32 s5, $0x1;
	s2 =	sadd.s32 s19, s18  }
0x9c: {  	s6 =	simm.s32 $0x0;
	s20 =	sshll.u32 s4, $0x1;
	s4 =	sadd.s32 s21, s2  }
0x9d: {  	[timem:s6], [sflag:s22] =	dma.local [hbm:s4], s20  }
0x9e: {  	_ =	swait.ge [sflag:s22], s20  }
0x9f: {  	s3 =	ssub.s32 $0x0, s20;
	[sflag:s22] =	ssyncset.done $0x0  }
0xa0: {  	[sflag:s22] =	ssyncadd.s32 s3;
	_ =	sdelay $0x1  }
0xa1: {  	s23 =	simm.s32 $0x1B8B  }
0xa2: {  	_ =	swait.ge [sflag:s23], $0x1  }
0xa3: {  	[sflag:s23] =	ssyncset.done $0x0  }
0xa4: {  	s25 =	simm.s32 $0x1B8E;
	s24 =	sld [smem:$0x3FFE];
	[sflag:s23] =	ssyncadd.s32 $0xFFFFFFFF  }
0xa5: {  	s26 =	simm.s32 $execute0_lowered;
	[smem:$0x3FD2] =	sst s25  }
0xa6: {  	s4 =	sshll.u32 s26, $0x1;
	_ =	strace $0x80000046;
	[dreg:$0x1] =	wrdreg $0xFFFFFFFF  }
0xa7: {  	s28 =	simm.s32 $_size_execute0_lowered;
	s2 =	sadd.s32 s2, s4;
	[dreg:$0x0] =	wrdreg $0x0  }
0xa8: {  	s4 =	sshll.u32 s28, $0x1;
	[dreg:$0x2] =	wrdreg s2  }
0xa9: {  	[dreg:$0x3] =	wrdreg s4  }
0xaa: {  	[dreg:$0x4] =	wrdreg $0xC0  }
0xab: {  	_ =	task [dreg:s6], $0x5FFFF  }
0xac: {  	[dreg:$0x1] =	wrdreg $0xFFFFFFFF  }
0xad: {  	[dreg:$0x0] =	wrdreg $0x60  }
0xae: {  	[dreg:$0x2] =	wrdreg s24  }
0xaf: {  	[dreg:$0x3] =	wrdreg $0x9  }
0xb0: {  	_ =	task.clear_ibuf [dreg:s6], $0x4FFFF;
	_ =	strace $0x90000046  }
0xb1: {  	s29 =	simm.s32 $0x9;
	_ =	strace $0x80000048  }
0xb2: {  	_ =	swait.ge [sflag:s29], $0x1  }
0xb3: {  	[sflag:s29] =	ssyncadd.s32 $0xFFFFFFFF  }
0xb4: {  	_ =	strace $0x90000048  }
0xb5: {  	_ =	sfence  }
0xb6: {  	s30 =	sld [smem:$0x0];
	_ =	sdelay $0x2  }
0xb7: {  	s31 =	sshll.u32 s1, $0xD;
	s1 =	sshrl.u32 s1, $0x2  }
0xb8: {  	s3 =	sand.u32 $0x4000, s31;
	s1 =	sadd.s32 s1, s30  }
0xb9: {  	s0 =	sor.u32 s3, s0;
	s1 =	sshll.u32 s1, $0x11  }
0xba: {  	s0 =	sor.u32 s1, s0  }
0xbb: {  	s0 =	sadd.s32 $0x8F2B, s0  }
0xbc: {  	[sflag:s0] =	ssyncadd.remote.s32 $0x1  }
0xbd: {  	_ =	sfence.sel $0xFFFF  }
0xbe: {  	[dreg:$0x0] =	wrdreg $0xFFFFFFFF;
	(pc) =	sbr.abs _section_cstart, $3  }
0xbf: {  	[dreg:$0x1] =	wrdreg $0xFFFFFFFF  }
0xc0: {  	_ =	task.clear_ibuf [dreg:s6], $0x2FFFF;
	_ =	strace $0x9FFFFFFF  }
0xc1: {  	(tm) =	ssettm $0x7FFFFFFF  }
tec
execute0_lowered:
.L_overlay_start_1:
0x0: {  	(tag) =	ssettag $0x1  }
0x1: {  	s0 =	srdreg.scid;
	s2 =	stileid.u32  }
0x2: {  	s0 =	sand.u32 $0x1, s0;
	s3 =	sshll.u32 s2, $0x1  }
0x3: {  	s3 =	sor.u32 s0, s3  }
0x4: {  	s1 =	rddreg [dreg:$0x0];
	s4 =	smul.u32 $0x680, s3  }
0x5: {  	s29 =	simm.s32 $0x7400;
	s2 =	simm.s32 $0x0;
	s5 =	smul.u32 $0x68000, s3  }
0x6: {  	s31 =	simm.s32 $0x8400;
	[smem:$0x7FF] =	sst s2;
	s8 =	smul.u32 $0xD000, s3  }
0x7: {  	s28 =	simm.s32 $0x1;
	s6 =	sadd.s32 $0xE200, s1;
	_ =	strace $0x80000047  }
0x8: {  	s4 =	sadd.s32 s4, s1;
	s5 =	sshrl.u32 s5, $0x3;
	s15 =	sadd.s32 s6, s8  }
0x9: {  	s14 =	sadd.s32 s6, s5;
	s4 =	sadd.s32 $0x1200, s4;
	[dreg:$0x3] =	wrdreg s15  }
0xa: {  	s30 =	simm.s32 $0xC400;
	[dreg:$0x2] =	wrdreg s4;
	s16 =	sadd.s32 $0x1000, s14  }
0xb: {  	s9 =	simm.s32 $0x2;
	s17 =	sadd.s32 $0x2000, s14;
	[dreg:$0x4] =	wrdreg s16  }
0xc: {  	s10 =	simm.s32 $0x0;
	s18 =	sadd.s32 $0x3000, s14;
	[dreg:$0x5] =	wrdreg s17  }
0xd: {  	s0 =	ssub.s32 $0x2, s0;
	s19 =	sadd.s32 $0x4000, s14;
	[dreg:$0x6] =	wrdreg s18  }
0xe: {  	s7 =	sshrl.u32 s0, $0x1;
	s20 =	sadd.s32 $0x5000, s14;
	[dreg:$0x7] =	wrdreg s19  }
0xf: {  	s3 =	sadd.s32 $0x27AD600, s1;
	s21 =	sadd.s32 $0x6000, s14;
	[dreg:$0x8] =	wrdreg s20  }
0x10: {  	s0 =	ssub.s32 s0, s7;
	s22 =	sadd.s32 $0x7000, s14;
	[dreg:$0x9] =	wrdreg s21  }
0x11: {  	s7 =	simm.s32 $0x11400;
	s23 =	sadd.s32 $0x8000, s14;
	[dreg:$0xa] =	wrdreg s22  }
0x12: {  	s8 =	simm.s32 $0x12400;
	s24 =	sadd.s32 $0x9000, s14;
	[dreg:$0xb] =	wrdreg s23  }
0x13: {  	s5 =	simm.s32 $0xF400;
	s25 =	sadd.s32 $0xA000, s14;
	[dreg:$0xc] =	wrdreg s24  }
0x14: {  	s6 =	simm.s32 $0x10400;
	s26 =	sadd.s32 $0xB000, s14;
	[dreg:$0xd] =	wrdreg s25  }
0x15: {  	s1 =	sadd.s32 $0xC000, s14;
	s4 =	simm.s32 $0xE400;
	[dreg:$0xe] =	wrdreg s26  }
0x16: {  	[dreg:$0xf] =	wrdreg s1;
	s18 =	smax.u32 s0, $0x1;
	s19 =	simm.s32 $0x3  }
0x17: {  	s20 =	simm.s32 $0x80;
	s21 =	simm.s32 $0x3400;
	s22 =	simm.s32 $0x4400  }
0x18: {  	s24 =	simm.s32 $0x5400;
	s26 =	simm.s32 $0x6400;
	s0 =	simm.s32 $0x9400  }
0x19: {  	v0 =	vlaneseq.u32;
	s25 =	simm.s32 $0xA400;
	s1 =	simm.s32 $0xB400;
	s23 =	simm.s32 $0xD400  }
.LBB2_1:
0x1a: {  	s17 =	simm.s32 $0x40  }
0x1b: {  	s12 =	simm.s32 $0x20;
	v3 =	vor.u32 s17, v0  }
0x1c: {  	s13 =	simm.s32 $0x50;
	v5 =	vor.u32 s12, v0;
	v6 =	vmulhi.u32 $0x4EC4EC4F, v3  }
0x1d: {  	s15 =	simm.s32 $0x60;
	v7 =	vor.u32 s13, v0;
	v2 =	vmulhi.u32 $0x4EC4EC4F, v5  }
0x1e: {  	s14 =	simm.s32 $0x0;
	v4 =	vor.u32 s15, v0;
	v11 =	vmulhi.u32 $0x4EC4EC4F, v7  }
0x1f: {  	s12 =	simm.s32 $0x30;
	v8 =	vor.u32 s14, v0;
	v12 =	vmulhi.u32 $0x4EC4EC4F, v4  }
0x20: {  	s11 =	rddreg [dreg:$0x2];
	s17 =	simm.s32 $0x70;
	v1 =	vor.u32 s12, v0;
	v13 =	vmulhi.u32 $0x4EC4EC4F, v8  }
0x21: {  	[tilespmem:s2], [sflag:$0x3] =	stream.linear.gather [hbm4b:s11+s2], $0x3400, $0x38;
	v14 =	vor.u32 s17, v0;
	v9 =	vmulhi.u32 $0x4EC4EC4F, v1;
	[tilespmem:$0x13400] =	vst v63  }
0x22: {  	s16 =	simm.s32 $0x10;
	_ =	swait.ge [sflag:s19], $0x3400;
	v15 =	vmulhi.u32 $0x4EC4EC4F, v14  }
0x23: {  	[sflag:s19] =	ssyncset.done $0x0;
	v10 =	vshrl.u32 v2, $0x3;
	v2 =	vor.u32 s16, v0;
	v6 =	vshrl.u32 v6, $0x3  }
0x24: {  	s11 =	simm.s32 $0x40;
	[sflag:s19] =	ssyncadd.s32 $0xFFFFCC00;
	v11 =	vshrl.u32 v11, $0x3;
	v12 =	vshrl.u32 v12, $0x3;
	v13 =	vshrl.u32 v13, $0x3  }
0x25: {  	v10 =	vmul.u32 $0x1A, v10;
	v6 =	vmul.u32 $0x1A, v6;
	v16 =	vmulhi.u32 $0x4EC4EC4F, v2;
	v17 =	vld [tilespmem:s11+$0x30]  }
0x26: {  	v9 =	vshrl.u32 v9, $0x3;
	v11 =	vmul.u32 $0x1A, v11;
	v18 =	vld [tilespmem:s11+$0xFFFFFFC0];
	v15 =	vshrl.u32 v15, $0x3  }
0x27: {  	v19 =	vld [tilespmem:s11+$0x10];
	v5 =	vsub.s32 v5, v10;
	v10 =	vmul.u32 $0x1A, v13;
	v13 =	vmul.u32 $0x1A, v15  }
0x28: {  	v11 =	vsub.s32 v7, v11;
	v15 =	vshrl.u32 v16, $0x3;
	v6 =	vsub.s32 v3, v6  }
0x29: {  	v7 =	vmul.u32 $0x186A0, v5;
	v5 =	vsub.s32 v8, v10;
	v8 =	vsub.s32 v14, v13  }
0x2a: {  	v3 =	vld [tilespmem:s11+$0xFFFFFFF0];
	v10 =	vmul.u32 $0x186A0, v11;
	v13 =	vmul.u32 $0x186A0, v5;
	v14 =	vmul.u32 $0x186A0, v8  }
0x2b: {  	v12 =	vmul.u32 $0x1A, v12;
	v11 =	vmul.u32 $0x1A, v15;
	v5 =	vld [tilespmem:s11+$0xFFFFFFE0];
	v8 =	vmul.u32 $0x186A0, v6  }
0x2c: {  	s13 =	simm.s32 $0xC0;
	s12 =	simm.s32 $0xF0;
	v6 =	vld [tilespmem:s11+$0x20];
	v10 =	vadd.s32 v10, v19;
	v13 =	vadd.s32 v13, v18;
	v14 =	vadd.s32 v14, v17  }
.LBB2_2:
0x2d: {  	s14 =	sadd.s32 $0xFFFFFF90, s12  }
0x2e: {  	s15 =	sadd.s32 $0xFFFFFFA0, s12;
	s16 =	sadd.s32 $0xFFFFFFB0, s12;
	v15 =	vld [tilespmem:s13+$0xFFFFFFF0];
	v11 =	vsub.s32 v2, v11;
	v9 =	vmul.u32 $0x1A, v9;
	v4 =	vsub.s32 v4, v12;
	[tilespmem:s11+$0x30] =	vst v14;
	s17 =	smov.u32 s12  }
0x2f: {  	v12 =	vor.u32 s14, v0;
	v2 =	vor.u32 s15, v0;
	v14 =	vor.u32 s16, v0;
	s14 =	sadd.s32 $0xFFFFFFC0, s12;
	s15 =	sadd.s32 $0xFFFFFFD0, s12;
	s16 =	sadd.s32 $0xFFFFFFE0, s12;
	[tilespmem:s11+$0xFFFFFFC0] =	vst v13;
	v13 =	vld [tilespmem:s11+$0xFFFFFFD0]  }
0x30: {  	p0 =	sne.s32 s12, $0x33F0;
	s12 =	sadd.s32 $0x80, s12;
	v19 =	vmul.u32 $0x186A0, v4;
	v16 =	vor.u32 s14, v0;
	v17 =	vor.u32 s15, v0;
	s14 =	sadd.s32 $0xFFFFFFF0, s17;
	v18 =	vld [tilespmem:s11+$0x0]  }
0x31: {  	v20 =	vor.u32 s16, v0;
	v9 =	vsub.s32 v1, v9;
	v4 =	vor.u32 s14, v0;
	v1 =	vmovc v16  }
0x32: {  	v11 =	vmul.u32 $0x186A0, v11;
	v16 =	vmulhi.u32 $0x4EC4EC4F, v17;
	v9 =	vmul.u32 $0x186A0, v9  }
0x33: {  	v5 =	vadd.s32 v7, v5;
	v21 =	vmulhi.u32 $0x4EC4EC4F, v14;
	v6 =	vadd.s32 v19, v6;
	[tilespmem:s11+$0x10] =	vst v10  }
0x34: {  	v7 =	vmulhi.u32 $0x4EC4EC4F, v1;
	v9 =	vadd.s32 v9, v3;
	v3 =	vmovc v15;
	v10 =	vadd.s32 v11, v13;
	[tilespmem:s11+$0xFFFFFFE0] =	vst v5  }
0x35: {  	v11 =	vshrl.u32 v21, $0x3;
	v13 =	vmulhi.u32 $0x4EC4EC4F, v20;
	v5 =	vld [tilespmem:s13+$0xFFFFFFE0];
	v8 =	vadd.s32 v8, v18;
	[tilespmem:s11+$0x20] =	vst v6  }
0x36: {  	v15 =	vshrl.u32 v16, $0x3;
	v16 =	vmulhi.u32 $0x4EC4EC4F, v4;
	v11 =	vmul.u32 $0x1A, v11;
	v6 =	vld [tilespmem:s13+$0x20];
	[tilespmem:s11+$0x0] =	vst v8  }
0x37: {  	v18 =	vor.u32 s17, v0;
	v8 =	vmulhi.u32 $0x4EC4EC4F, v12;
	v13 =	vshrl.u32 v13, $0x3;
	[tilespmem:s11+$0xFFFFFFF0] =	vst v9  }
0x38: {  	v15 =	vmul.u32 $0x1A, v15;
	v16 =	vshrl.u32 v16, $0x3;
	v19 =	vmulhi.u32 $0x4EC4EC4F, v18;
	[tilespmem:s11+$0xFFFFFFD0] =	vst v10;
	s11 =	smov.u32 s13  }
0x39: {  	v9 =	vshrl.u32 v7, $0x3;
	v7 =	vmul.u32 $0x1A, v13;
	v10 =	vmulhi.u32 $0x4EC4EC4F, v2;
	v21 =	vld [tilespmem:s13+$0x30]  }
0x3a: {  	v11 =	vsub.s32 v14, v11;
	v8 =	vshrl.u32 v8, $0x3;
	v14 =	vshrl.u32 v19, $0x3;
	v13 =	vld [tilespmem:s13+$0xFFFFFFC0]  }
0x3b: {  	v8 =	vmul.u32 $0x1A, v8;
	v19 =	vsub.s32 v20, v7;
	v14 =	vmul.u32 $0x1A, v14;
	v20 =	vld [tilespmem:s13+$0x10]  }
.Ltmp0:
0x3c: {  	v15 =	vsub.s32 v17, v15;
	v7 =	vmul.u32 $0x186A0, v11;
	v10 =	vshrl.u32 v10, $0x3;
	(pc) =	sbr.rel @p0 .LBB2_2-.Ltmp0, $4  }
0x3d: {  	v17 =	vmul.u32 $0x186A0, v19;
	v8 =	vsub.s32 v12, v8;
	v11 =	vsub.s32 v18, v14  }
0x3e: {  	v12 =	vmul.u32 $0x1A, v16;
	v14 =	vmul.u32 $0x186A0, v8;
	v16 =	vmul.u32 $0x186A0, v11  }
0x3f: {  	v11 =	vmul.u32 $0x1A, v10;
	v8 =	vmul.u32 $0x186A0, v15  }
0x40: {  	s13 =	sadd.s32 $0x80, s13;
	v13 =	vadd.s32 v14, v13;
	v14 =	vadd.s32 v16, v21;
	v10 =	vadd.s32 v17, v20  }
0x41: {  	v61 =	vld [tilespmem:s11+$0x0]  }
0x42: {  	[tilespmem:s11+$0x30] =	vst v14;
	v9 =	vmul.u32 $0x1A, v9;
	v4 =	vsub.s32 v4, v12  }
0x43: {  	[tilespmem:s11+$0xFFFFFFC0] =	vst v13;
	v62 =	vld [tilespmem:s11+$0xFFFFFFD0];
	v4 =	vmul.u32 $0x186A0, v4  }
0x44: {  	v5 =	vadd.s32 v7, v5;
	[tilespmem:s11+$0x10] =	vst v10;
	v1 =	vsub.s32 v1, v9  }
0x45: {  	v2 =	vsub.s32 v2, v11;
	[tilespmem:s11+$0xFFFFFFE0] =	vst v5;
	v1 =	vmul.u32 $0x186A0, v1;
	v4 =	vadd.s32 v4, v6  }
0x46: {  	v2 =	vmul.u32 $0x186A0, v2;
	[tilespmem:s11+$0x20] =	vst v4;
	v63 =	vadd.s32 v8, v61  }
0x47: {  	v1 =	vadd.s32 v1, v3;
	[tilespmem:s11+$0x0] =	vst v63  }
0x48: {  	v2 =	vadd.s32 v2, v62;
	[tilespmem:s11+$0xFFFFFFF0] =	vst v1  }
0x49: {  	[tilespmem:s11+$0xFFFFFFD0] =	vst v2  }
0x4a: {  	[tilespmem:s21], [sflag:$0x1] =	stream.indirect.gather [hbm4b:s3+s20], $0x20, s2, s20, $0xb8;
	[tilespmem:$0x13400] =	vst v63  }
0x4b: {  	_ = 	snop  }
0x4c: {  	[tilespmem:s22], [sflag:$0x1] =	stream.indirect.gather [hbm4b:s3+s20], $0x20, s20, s20, $0xb8;
	[tilespmem:$0x13400] =	vst v63  }
0x4d: {  	s17 =	simm.s32 $0x100  }
0x4e: {  	[tilespmem:s24], [sflag:$0x1] =	stream.indirect.gather [hbm4b:s3+s20], $0x20, s17, s20, $0xb8;
	[tilespmem:$0x13400] =	vst v63  }
0x4f: {  	s12 =	simm.s32 $0x180  }
0x50: {  	[tilespmem:s26], [sflag:$0x1] =	stream.indirect.gather [hbm4b:s3+s20], $0x20, s12, s20, $0xb8;
	[tilespmem:$0x13400] =	vst v63  }
0x51: {  	s13 =	simm.s32 $0x200  }
0x52: {  	[tilespmem:s29], [sflag:$0x1] =	stream.indirect.gather [hbm4b:s3+s20], $0x20, s13, s20, $0xb8;
	[tilespmem:$0x13400] =	vst v63  }
0x53: {  	s14 =	simm.s32 $0x280  }
0x54: {  	[tilespmem:s31], [sflag:$0x1] =	stream.indirect.gather [hbm4b:s3+s20], $0x20, s14, s20, $0xb8;
	[tilespmem:$0x13400] =	vst v63  }
0x55: {  	s15 =	simm.s32 $0x300  }
0x56: {  	[tilespmem:s0], [sflag:$0x1] =	stream.indirect.gather [hbm4b:s3+s20], $0x20, s15, s20, $0xb8;
	[tilespmem:$0x13400] =	vst v63  }
0x57: {  	s16 =	simm.s32 $0x380  }
0x58: {  	[tilespmem:s25], [sflag:$0x1] =	stream.indirect.gather [hbm4b:s3+s20], $0x20, s16, s20, $0xb8;
	[tilespmem:$0x13400] =	vst v63  }
0x59: {  	_ =	swait.ge [sflag:s28], $0x1000  }
0x5a: {  	[sflag:s28] =	ssyncset.done $0x0  }
0x5b: {  	[sflag:s28] =	ssyncadd.s32 $0xFFFFF000  }
0x5c: {  	_ =	swait.ge [sflag:s28], $0x1000  }
0x5d: {  	[sflag:s28] =	ssyncset.done $0x0  }
0x5e: {  	[sflag:s28] =	ssyncadd.s32 $0xFFFFF000  }
0x5f: {  	_ =	swait.ge [sflag:s28], $0x1000  }
0x60: {  	[sflag:s28] =	ssyncset.done $0x0  }
0x61: {  	[sflag:s28] =	ssyncadd.s32 $0xFFFFF000  }
0x62: {  	_ =	swait.ge [sflag:s28], $0x1000  }
0x63: {  	[sflag:s28] =	ssyncset.done $0x0  }
0x64: {  	[sflag:s28] =	ssyncadd.s32 $0xFFFFF000  }
0x65: {  	_ =	swait.ge [sflag:s28], $0x1000  }
0x66: {  	[sflag:s28] =	ssyncset.done $0x0  }
0x67: {  	[sflag:s28] =	ssyncadd.s32 $0xFFFFF000  }
0x68: {  	_ =	swait.ge [sflag:s28], $0x1000  }
0x69: {  	[sflag:s28] =	ssyncset.done $0x0  }
0x6a: {  	[sflag:s28] =	ssyncadd.s32 $0xFFFFF000  }
0x6b: {  	_ =	swait.ge [sflag:s28], $0x1000  }
0x6c: {  	[sflag:s28] =	ssyncset.done $0x0  }
0x6d: {  	[sflag:s28] =	ssyncadd.s32 $0xFFFFF000  }
0x6e: {  	_ =	swait.ge [sflag:s28], $0x1000  }
0x6f: {  	[sflag:s28] =	ssyncset.done $0x0  }
0x70: {  	s17 =	rddreg [dreg:$0x3];
	[sflag:s28] =	ssyncadd.s32 $0xFFFFF000  }
0x71: {  	[hbm4b:s17+s2] =	stream.linear.scatter [tilespmem:s21], [sflag:$0x2], $0x8000, $0x38;
	[tilespmem:$0x13400] =	vst v63  }
0x72: {  	s12 =	simm.s32 $0x400  }
0x73: {  	[tilespmem:s1], [sflag:$0x1] =	stream.indirect.gather [hbm4b:s3+s20], $0x20, s12, s20, $0xb8;
	[tilespmem:$0x13400] =	vst v63  }
0x74: {  	s13 =	simm.s32 $0x480  }
0x75: {  	[tilespmem:s30], [sflag:$0x1] =	stream.indirect.gather [hbm4b:s3+s20], $0x20, s13, s20, $0xb8;
	[tilespmem:$0x13400] =	vst v63  }
0x76: {  	s14 =	simm.s32 $0x500  }
0x77: {  	[tilespmem:s23], [sflag:$0x1] =	stream.indirect.gather [hbm4b:s3+s20], $0x20, s14, s20, $0xb8;
	[tilespmem:$0x13400] =	vst v63  }
0x78: {  	s15 =	simm.s32 $0x580  }
0x79: {  	[tilespmem:s4], [sflag:$0x1] =	stream.indirect.gather [hbm4b:s3+s20], $0x20, s15, s20, $0xb8;
	[tilespmem:$0x13400] =	vst v63  }
0x7a: {  	s16 =	simm.s32 $0x600  }
0x7b: {  	[tilespmem:s5], [sflag:$0x1] =	stream.indirect.gather [hbm4b:s3+s20], $0x20, s16, s20, $0xb8;
	[tilespmem:$0x13400] =	vst v63  }
0x7c: {  	s17 =	simm.s32 $0x680  }
0x7d: {  	[tilespmem:s6], [sflag:$0x1] =	stream.indirect.gather [hbm4b:s3+s20], $0x20, s17, s20, $0xb8;
	[tilespmem:$0x13400] =	vst v63  }
0x7e: {  	s12 =	simm.s32 $0x700  }
0x7f: {  	[tilespmem:s7], [sflag:$0x1] =	stream.indirect.gather [hbm4b:s3+s20], $0x20, s12, s20, $0xb8;
	[tilespmem:$0x13400] =	vst v63  }
0x80: {  	s13 =	simm.s32 $0x780  }
0x81: {  	[tilespmem:s8], [sflag:$0x1] =	stream.indirect.gather [hbm4b:s3+s20], $0x20, s13, s20, $0xb8;
	[tilespmem:$0x13400] =	vst v63  }
0x82: {  	_ =	swait.ge [sflag:s28], $0x1000  }
0x83: {  	[sflag:s28] =	ssyncset.done $0x0  }
0x84: {  	[sflag:s28] =	ssyncadd.s32 $0xFFFFF000  }
0x85: {  	_ =	swait.ge [sflag:s28], $0x1000  }
0x86: {  	[sflag:s28] =	ssyncset.done $0x0  }
0x87: {  	[sflag:s28] =	ssyncadd.s32 $0xFFFFF000  }
0x88: {  	_ =	swait.ge [sflag:s28], $0x1000  }
0x89: {  	[sflag:s28] =	ssyncset.done $0x0  }
0x8a: {  	[sflag:s28] =	ssyncadd.s32 $0xFFFFF000  }
0x8b: {  	_ =	swait.ge [sflag:s28], $0x1000  }
0x8c: {  	[sflag:s28] =	ssyncset.done $0x0  }
0x8d: {  	[sflag:s28] =	ssyncadd.s32 $0xFFFFF000  }
0x8e: {  	_ =	swait.ge [sflag:s28], $0x1000  }
0x8f: {  	[sflag:s28] =	ssyncset.done $0x0  }
0x90: {  	[sflag:s28] =	ssyncadd.s32 $0xFFFFF000  }
0x91: {  	_ =	swait.ge [sflag:s28], $0x1000  }
0x92: {  	[sflag:s28] =	ssyncset.done $0x0  }
0x93: {  	[sflag:s28] =	ssyncadd.s32 $0xFFFFF000  }
0x94: {  	_ =	swait.ge [sflag:s28], $0x1000  }
0x95: {  	[sflag:s28] =	ssyncset.done $0x0  }
0x96: {  	[sflag:s28] =	ssyncadd.s32 $0xFFFFF000  }
0x97: {  	_ =	swait.ge [sflag:s28], $0x1000  }
0x98: {  	[sflag:s28] =	ssyncset.done $0x0  }
0x99: {  	s14 =	rddreg [dreg:$0x4];
	[sflag:s28] =	ssyncadd.s32 $0xFFFFF000  }
0x9a: {  	[hbm4b:s14+s2] =	stream.linear.scatter [tilespmem:s1], [sflag:$0x2], $0x8000, $0x38;
	[tilespmem:$0x13400] =	vst v63  }
0x9b: {  	_ =	swait.ge [sflag:s9], $0x8000  }
0x9c: {  	[sflag:s9] =	ssyncset.done $0x0  }
0x9d: {  	s15 =	simm.s32 $0x800;
	[sflag:s9] =	ssyncadd.s32 $0xFFFF8000  }
0x9e: {  	[tilespmem:s21], [sflag:$0x1] =	stream.indirect.gather [hbm4b:s3+s20], $0x20, s15, s20, $0xb8;
	[tilespmem:$0x13400] =	vst v63  }
0x9f: {  	s16 =	simm.s32 $0x880  }
0xa0: {  	[tilespmem:s22], [sflag:$0x1] =	stream.indirect.gather [hbm4b:s3+s20], $0x20, s16, s20, $0xb8;
	[tilespmem:$0x13400] =	vst v63  }
0xa1: {  	s17 =	simm.s32 $0x900  }
0xa2: {  	[tilespmem:s24], [sflag:$0x1] =	stream.indirect.gather [hbm4b:s3+s20], $0x20, s17, s20, $0xb8;
	[tilespmem:$0x13400] =	vst v63  }
0xa3: {  	s12 =	simm.s32 $0x980  }
0xa4: {  	[tilespmem:s26], [sflag:$0x1] =	stream.indirect.gather [hbm4b:s3+s20], $0x20, s12, s20, $0xb8;
	[tilespmem:$0x13400] =	vst v63  }
0xa5: {  	s13 =	simm.s32 $0xA00  }
0xa6: {  	[tilespmem:s29], [sflag:$0x1] =	stream.indirect.gather [hbm4b:s3+s20], $0x20, s13, s20, $0xb8;
	[tilespmem:$0x13400] =	vst v63  }
0xa7: {  	s14 =	simm.s32 $0xA80  }
0xa8: {  	[tilespmem:s31], [sflag:$0x1] =	stream.indirect.gather [hbm4b:s3+s20], $0x20, s14, s20, $0xb8;
	[tilespmem:$0x13400] =	vst v63  }
0xa9: {  	s15 =	simm.s32 $0xB00  }
0xaa: {  	[tilespmem:s0], [sflag:$0x1] =	stream.indirect.gather [hbm4b:s3+s20], $0x20, s15, s20, $0xb8;
	[tilespmem:$0x13400] =	vst v63  }
0xab: {  	s16 =	simm.s32 $0xB80  }
0xac: {  	[tilespmem:s25], [sflag:$0x1] =	stream.indirect.gather [hbm4b:s3+s20], $0x20, s16, s20, $0xb8;
	[tilespmem:$0x13400] =	vst v63  }
0xad: {  	_ =	swait.ge [sflag:s28], $0x1000  }
0xae: {  	[sflag:s28] =	ssyncset.done $0x0  }
0xaf: {  	[sflag:s28] =	ssyncadd.s32 $0xFFFFF000  }
0xb0: {  	_ =	swait.ge [sflag:s28], $0x1000  }
0xb1: {  	[sflag:s28] =	ssyncset.done $0x0  }
0xb2: {  	[sflag:s28] =	ssyncadd.s32 $0xFFFFF000  }
0xb3: {  	_ =	swait.ge [sflag:s28], $0x1000  }
0xb4: {  	[sflag:s28] =	ssyncset.done $0x0  }
0xb5: {  	[sflag:s28] =	ssyncadd.s32 $0xFFFFF000  }
0xb6: {  	_ =	swait.ge [sflag:s28], $0x1000  }
0xb7: {  	[sflag:s28] =	ssyncset.done $0x0  }
0xb8: {  	[sflag:s28] =	ssyncadd.s32 $0xFFFFF000  }
0xb9: {  	_ =	swait.ge [sflag:s28], $0x1000  }
0xba: {  	[sflag:s28] =	ssyncset.done $0x0  }
0xbb: {  	[sflag:s28] =	ssyncadd.s32 $0xFFFFF000  }
0xbc: {  	_ =	swait.ge [sflag:s28], $0x1000  }
0xbd: {  	[sflag:s28] =	ssyncset.done $0x0  }
0xbe: {  	[sflag:s28] =	ssyncadd.s32 $0xFFFFF000  }
0xbf: {  	_ =	swait.ge [sflag:s28], $0x1000  }
0xc0: {  	[sflag:s28] =	ssyncset.done $0x0  }
0xc1: {  	[sflag:s28] =	ssyncadd.s32 $0xFFFFF000  }
0xc2: {  	_ =	swait.ge [sflag:s28], $0x1000  }
0xc3: {  	[sflag:s28] =	ssyncset.done $0x0  }
0xc4: {  	s17 =	rddreg [dreg:$0x5];
	[sflag:s28] =	ssyncadd.s32 $0xFFFFF000  }
0xc5: {  	[hbm4b:s17+s2] =	stream.linear.scatter [tilespmem:s21], [sflag:$0x2], $0x8000, $0x38;
	[tilespmem:$0x13400] =	vst v63  }
0xc6: {  	_ =	swait.ge [sflag:s9], $0x8000  }
0xc7: {  	[sflag:s9] =	ssyncset.done $0x0  }
0xc8: {  	s12 =	simm.s32 $0xC00;
	[sflag:s9] =	ssyncadd.s32 $0xFFFF8000  }
0xc9: {  	[tilespmem:s1], [sflag:$0x1] =	stream.indirect.gather [hbm4b:s3+s20], $0x20, s12, s20, $0xb8;
	[tilespmem:$0x13400] =	vst v63  }
0xca: {  	s13 =	simm.s32 $0xC80  }
0xcb: {  	[tilespmem:s30], [sflag:$0x1] =	stream.indirect.gather [hbm4b:s3+s20], $0x20, s13, s20, $0xb8;
	[tilespmem:$0x13400] =	vst v63  }
0xcc: {  	s14 =	simm.s32 $0xD00  }
0xcd: {  	[tilespmem:s23], [sflag:$0x1] =	stream.indirect.gather [hbm4b:s3+s20], $0x20, s14, s20, $0xb8;
	[tilespmem:$0x13400] =	vst v63  }
0xce: {  	s15 =	simm.s32 $0xD80  }
0xcf: {  	[tilespmem:s4], [sflag:$0x1] =	stream.indirect.gather [hbm4b:s3+s20], $0x20, s15, s20, $0xb8;
	[tilespmem:$0x13400] =	vst v63  }
0xd0: {  	s16 =	simm.s32 $0xE00  }
0xd1: {  	[tilespmem:s5], [sflag:$0x1] =	stream.indirect.gather [hbm4b:s3+s20], $0x20, s16, s20, $0xb8;
	[tilespmem:$0x13400] =	vst v63  }
0xd2: {  	s17 =	simm.s32 $0xE80  }
0xd3: {  	[tilespmem:s6], [sflag:$0x1] =	stream.indirect.gather [hbm4b:s3+s20], $0x20, s17, s20, $0xb8;
	[tilespmem:$0x13400] =	vst v63  }
0xd4: {  	s12 =	simm.s32 $0xF00  }
0xd5: {  	[tilespmem:s7], [sflag:$0x1] =	stream.indirect.gather [hbm4b:s3+s20], $0x20, s12, s20, $0xb8;
	[tilespmem:$0x13400] =	vst v63  }
0xd6: {  	s13 =	simm.s32 $0xF80  }
0xd7: {  	[tilespmem:s8], [sflag:$0x1] =	stream.indirect.gather [hbm4b:s3+s20], $0x20, s13, s20, $0xb8;
	[tilespmem:$0x13400] =	vst v63  }
0xd8: {  	_ =	swait.ge [sflag:s28], $0x1000  }
0xd9: {  	[sflag:s28] =	ssyncset.done $0x0  }
0xda: {  	[sflag:s28] =	ssyncadd.s32 $0xFFFFF000  }
0xdb: {  	_ =	swait.ge [sflag:s28], $0x1000  }
0xdc: {  	[sflag:s28] =	ssyncset.done $0x0  }
0xdd: {  	[sflag:s28] =	ssyncadd.s32 $0xFFFFF000  }
0xde: {  	_ =	swait.ge [sflag:s28], $0x1000  }
0xdf: {  	[sflag:s28] =	ssyncset.done $0x0  }
0xe0: {  	[sflag:s28] =	ssyncadd.s32 $0xFFFFF000  }
0xe1: {  	_ =	swait.ge [sflag:s28], $0x1000  }
0xe2: {  	[sflag:s28] =	ssyncset.done $0x0  }
0xe3: {  	[sflag:s28] =	ssyncadd.s32 $0xFFFFF000  }
0xe4: {  	_ =	swait.ge [sflag:s28], $0x1000  }
0xe5: {  	[sflag:s28] =	ssyncset.done $0x0  }
0xe6: {  	[sflag:s28] =	ssyncadd.s32 $0xFFFFF000  }
0xe7: {  	_ =	swait.ge [sflag:s28], $0x1000  }
0xe8: {  	[sflag:s28] =	ssyncset.done $0x0  }
0xe9: {  	[sflag:s28] =	ssyncadd.s32 $0xFFFFF000  }
0xea: {  	_ =	swait.ge [sflag:s28], $0x1000  }
0xeb: {  	[sflag:s28] =	ssyncset.done $0x0  }
0xec: {  	[sflag:s28] =	ssyncadd.s32 $0xFFFFF000  }
0xed: {  	_ =	swait.ge [sflag:s28], $0x1000  }
0xee: {  	[sflag:s28] =	ssyncset.done $0x0  }
0xef: {  	s14 =	rddreg [dreg:$0x6];
	[sflag:s28] =	ssyncadd.s32 $0xFFFFF000  }
0xf0: {  	[hbm4b:s14+s2] =	stream.linear.scatter [tilespmem:s1], [sflag:$0x2], $0x8000, $0x38;
	[tilespmem:$0x13400] =	vst v63  }
0xf1: {  	_ =	swait.ge [sflag:s9], $0x8000  }
0xf2: {  	[sflag:s9] =	ssyncset.done $0x0  }
0xf3: {  	s15 =	simm.s32 $0x1000;
	[sflag:s9] =	ssyncadd.s32 $0xFFFF8000  }
0xf4: {  	[tilespmem:s21], [sflag:$0x1] =	stream.indirect.gather [hbm4b:s3+s20], $0x20, s15, s20, $0xb8;
	[tilespmem:$0x13400] =	vst v63  }
0xf5: {  	s16 =	simm.s32 $0x1080  }
0xf6: {  	[tilespmem:s22], [sflag:$0x1] =	stream.indirect.gather [hbm4b:s3+s20], $0x20, s16, s20, $0xb8;
	[tilespmem:$0x13400] =	vst v63  }
0xf7: {  	s17 =	simm.s32 $0x1100  }
0xf8: {  	[tilespmem:s24], [sflag:$0x1] =	stream.indirect.gather [hbm4b:s3+s20], $0x20, s17, s20, $0xb8;
	[tilespmem:$0x13400] =	vst v63  }
0xf9: {  	s12 =	simm.s32 $0x1180  }
0xfa: {  	[tilespmem:s26], [sflag:$0x1] =	stream.indirect.gather [hbm4b:s3+s20], $0x20, s12, s20, $0xb8;
	[tilespmem:$0x13400] =	vst v63  }
0xfb: {  	s13 =	simm.s32 $0x1200  }
0xfc: {  	[tilespmem:s29], [sflag:$0x1] =	stream.indirect.gather [hbm4b:s3+s20], $0x20, s13, s20, $0xb8;
	[tilespmem:$0x13400] =	vst v63  }
0xfd: {  	s14 =	simm.s32 $0x1280  }
0xfe: {  	[tilespmem:s31], [sflag:$0x1] =	stream.indirect.gather [hbm4b:s3+s20], $0x20, s14, s20, $0xb8;
	[tilespmem:$0x13400] =	vst v63  }
0xff: {  	s15 =	simm.s32 $0x1300  }
0x100: {  	[tilespmem:s0], [sflag:$0x1] =	stream.indirect.gather [hbm4b:s3+s20], $0x20, s15, s20, $0xb8;
	[tilespmem:$0x13400] =	vst v63  }
0x101: {  	s16 =	simm.s32 $0x1380  }
0x102: {  	[tilespmem:s25], [sflag:$0x1] =	stream.indirect.gather [hbm4b:s3+s20], $0x20, s16, s20, $0xb8;
	[tilespmem:$0x13400] =	vst v63  }
0x103: {  	_ =	swait.ge [sflag:s28], $0x1000  }
0x104: {  	[sflag:s28] =	ssyncset.done $0x0  }
0x105: {  	[sflag:s28] =	ssyncadd.s32 $0xFFFFF000  }
0x106: {  	_ =	swait.ge [sflag:s28], $0x1000  }
0x107: {  	[sflag:s28] =	ssyncset.done $0x0  }
0x108: {  	[sflag:s28] =	ssyncadd.s32 $0xFFFFF000  }
0x109: {  	_ =	swait.ge [sflag:s28], $0x1000  }
0x10a: {  	[sflag:s28] =	ssyncset.done $0x0  }
0x10b: {  	[sflag:s28] =	ssyncadd.s32 $0xFFFFF000  }
0x10c: {  	_ =	swait.ge [sflag:s28], $0x1000  }
0x10d: {  	[sflag:s28] =	ssyncset.done $0x0  }
0x10e: {  	[sflag:s28] =	ssyncadd.s32 $0xFFFFF000  }
0x10f: {  	_ =	swait.ge [sflag:s28], $0x1000  }
0x110: {  	[sflag:s28] =	ssyncset.done $0x0  }
0x111: {  	[sflag:s28] =	ssyncadd.s32 $0xFFFFF000  }
0x112: {  	_ =	swait.ge [sflag:s28], $0x1000  }
0x113: {  	[sflag:s28] =	ssyncset.done $0x0  }
0x114: {  	[sflag:s28] =	ssyncadd.s32 $0xFFFFF000  }
0x115: {  	_ =	swait.ge [sflag:s28], $0x1000  }
0x116: {  	[sflag:s28] =	ssyncset.done $0x0  }
0x117: {  	[sflag:s28] =	ssyncadd.s32 $0xFFFFF000  }
0x118: {  	_ =	swait.ge [sflag:s28], $0x1000  }
0x119: {  	[sflag:s28] =	ssyncset.done $0x0  }
0x11a: {  	s17 =	rddreg [dreg:$0x7];
	[sflag:s28] =	ssyncadd.s32 $0xFFFFF000  }
0x11b: {  	[hbm4b:s17+s2] =	stream.linear.scatter [tilespmem:s21], [sflag:$0x2], $0x8000, $0x38;
	[tilespmem:$0x13400] =	vst v63  }
0x11c: {  	_ =	swait.ge [sflag:s9], $0x8000  }
0x11d: {  	[sflag:s9] =	ssyncset.done $0x0  }
0x11e: {  	s12 =	simm.s32 $0x1400;
	[sflag:s9] =	ssyncadd.s32 $0xFFFF8000  }
0x11f: {  	[tilespmem:s1], [sflag:$0x1] =	stream.indirect.gather [hbm4b:s3+s20], $0x20, s12, s20, $0xb8;
	[tilespmem:$0x13400] =	vst v63  }
0x120: {  	s13 =	simm.s32 $0x1480  }
0x121: {  	[tilespmem:s30], [sflag:$0x1] =	stream.indirect.gather [hbm4b:s3+s20], $0x20, s13, s20, $0xb8;
	[tilespmem:$0x13400] =	vst v63  }
0x122: {  	s14 =	simm.s32 $0x1500  }
0x123: {  	[tilespmem:s23], [sflag:$0x1] =	stream.indirect.gather [hbm4b:s3+s20], $0x20, s14, s20, $0xb8;
	[tilespmem:$0x13400] =	vst v63  }
0x124: {  	s15 =	simm.s32 $0x1580  }
0x125: {  	[tilespmem:s4], [sflag:$0x1] =	stream.indirect.gather [hbm4b:s3+s20], $0x20, s15, s20, $0xb8;
	[tilespmem:$0x13400] =	vst v63  }
0x126: {  	s16 =	simm.s32 $0x1600  }
0x127: {  	[tilespmem:s5], [sflag:$0x1] =	stream.indirect.gather [hbm4b:s3+s20], $0x20, s16, s20, $0xb8;
	[tilespmem:$0x13400] =	vst v63  }
0x128: {  	s17 =	simm.s32 $0x1680  }
0x129: {  	[tilespmem:s6], [sflag:$0x1] =	stream.indirect.gather [hbm4b:s3+s20], $0x20, s17, s20, $0xb8;
	[tilespmem:$0x13400] =	vst v63  }
0x12a: {  	s12 =	simm.s32 $0x1700  }
0x12b: {  	[tilespmem:s7], [sflag:$0x1] =	stream.indirect.gather [hbm4b:s3+s20], $0x20, s12, s20, $0xb8;
	[tilespmem:$0x13400] =	vst v63  }
0x12c: {  	s13 =	simm.s32 $0x1780  }
0x12d: {  	[tilespmem:s8], [sflag:$0x1] =	stream.indirect.gather [hbm4b:s3+s20], $0x20, s13, s20, $0xb8;
	[tilespmem:$0x13400] =	vst v63  }
0x12e: {  	_ =	swait.ge [sflag:s28], $0x1000  }
0x12f: {  	[sflag:s28] =	ssyncset.done $0x0  }
0x130: {  	[sflag:s28] =	ssyncadd.s32 $0xFFFFF000  }
0x131: {  	_ =	swait.ge [sflag:s28], $0x1000  }
0x132: {  	[sflag:s28] =	ssyncset.done $0x0  }
0x133: {  	[sflag:s28] =	ssyncadd.s32 $0xFFFFF000  }
0x134: {  	_ =	swait.ge [sflag:s28], $0x1000  }
0x135: {  	[sflag:s28] =	ssyncset.done $0x0  }
0x136: {  	[sflag:s28] =	ssyncadd.s32 $0xFFFFF000  }
0x137: {  	_ =	swait.ge [sflag:s28], $0x1000  }
0x138: {  	[sflag:s28] =	ssyncset.done $0x0  }
0x139: {  	[sflag:s28] =	ssyncadd.s32 $0xFFFFF000  }
0x13a: {  	_ =	swait.ge [sflag:s28], $0x1000  }
0x13b: {  	[sflag:s28] =	ssyncset.done $0x0  }
0x13c: {  	[sflag:s28] =	ssyncadd.s32 $0xFFFFF000  }
0x13d: {  	_ =	swait.ge [sflag:s28], $0x1000  }
0x13e: {  	[sflag:s28] =	ssyncset.done $0x0  }
0x13f: {  	[sflag:s28] =	ssyncadd.s32 $0xFFFFF000  }
0x140: {  	_ =	swait.ge [sflag:s28], $0x1000  }
0x141: {  	[sflag:s28] =	ssyncset.done $0x0  }
0x142: {  	[sflag:s28] =	ssyncadd.s32 $0xFFFFF000  }
0x143: {  	_ =	swait.ge [sflag:s28], $0x1000  }
0x144: {  	[sflag:s28] =	ssyncset.done $0x0  }
0x145: {  	s14 =	rddreg [dreg:$0x8];
	[sflag:s28] =	ssyncadd.s32 $0xFFFFF000  }
0x146: {  	[hbm4b:s14+s2] =	stream.linear.scatter [tilespmem:s1], [sflag:$0x2], $0x8000, $0x38;
	[tilespmem:$0x13400] =	vst v63  }
0x147: {  	_ =	swait.ge [sflag:s9], $0x8000  }
0x148: {  	[sflag:s9] =	ssyncset.done $0x0  }
0x149: {  	s15 =	simm.s32 $0x1800;
	[sflag:s9] =	ssyncadd.s32 $0xFFFF8000  }
0x14a: {  	[tilespmem:s21], [sflag:$0x1] =	stream.indirect.gather [hbm4b:s3+s20], $0x20, s15, s20, $0xb8;
	[tilespmem:$0x13400] =	vst v63  }
0x14b: {  	s16 =	simm.s32 $0x1880  }
0x14c: {  	[tilespmem:s22], [sflag:$0x1] =	stream.indirect.gather [hbm4b:s3+s20], $0x20, s16, s20, $0xb8;
	[tilespmem:$0x13400] =	vst v63  }
0x14d: {  	s17 =	simm.s32 $0x1900  }
0x14e: {  	[tilespmem:s24], [sflag:$0x1] =	stream.indirect.gather [hbm4b:s3+s20], $0x20, s17, s20, $0xb8;
	[tilespmem:$0x13400] =	vst v63  }
0x14f: {  	s12 =	simm.s32 $0x1980  }
0x150: {  	[tilespmem:s26], [sflag:$0x1] =	stream.indirect.gather [hbm4b:s3+s20], $0x20, s12, s20, $0xb8;
	[tilespmem:$0x13400] =	vst v63  }
0x151: {  	s13 =	simm.s32 $0x1A00  }
0x152: {  	[tilespmem:s29], [sflag:$0x1] =	stream.indirect.gather [hbm4b:s3+s20], $0x20, s13, s20, $0xb8;
	[tilespmem:$0x13400] =	vst v63  }
0x153: {  	s14 =	simm.s32 $0x1A80  }
0x154: {  	[tilespmem:s31], [sflag:$0x1] =	stream.indirect.gather [hbm4b:s3+s20], $0x20, s14, s20, $0xb8;
	[tilespmem:$0x13400] =	vst v63  }
0x155: {  	s15 =	simm.s32 $0x1B00  }
0x156: {  	[tilespmem:s0], [sflag:$0x1] =	stream.indirect.gather [hbm4b:s3+s20], $0x20, s15, s20, $0xb8;
	[tilespmem:$0x13400] =	vst v63  }
0x157: {  	s16 =	simm.s32 $0x1B80  }
0x158: {  	[tilespmem:s25], [sflag:$0x1] =	stream.indirect.gather [hbm4b:s3+s20], $0x20, s16, s20, $0xb8;
	[tilespmem:$0x13400] =	vst v63  }
0x159: {  	_ =	swait.ge [sflag:s28], $0x1000  }
0x15a: {  	[sflag:s28] =	ssyncset.done $0x0  }
0x15b: {  	[sflag:s28] =	ssyncadd.s32 $0xFFFFF000  }
0x15c: {  	_ =	swait.ge [sflag:s28], $0x1000  }
0x15d: {  	[sflag:s28] =	ssyncset.done $0x0  }
0x15e: {  	[sflag:s28] =	ssyncadd.s32 $0xFFFFF000  }
0x15f: {  	_ =	swait.ge [sflag:s28], $0x1000  }
0x160: {  	[sflag:s28] =	ssyncset.done $0x0  }
0x161: {  	[sflag:s28] =	ssyncadd.s32 $0xFFFFF000  }
0x162: {  	_ =	swait.ge [sflag:s28], $0x1000  }
0x163: {  	[sflag:s28] =	ssyncset.done $0x0  }
0x164: {  	[sflag:s28] =	ssyncadd.s32 $0xFFFFF000  }
0x165: {  	_ =	swait.ge [sflag:s28], $0x1000  }
0x166: {  	[sflag:s28] =	ssyncset.done $0x0  }
0x167: {  	[sflag:s28] =	ssyncadd.s32 $0xFFFFF000  }
0x168: {  	_ =	swait.ge [sflag:s28], $0x1000  }
0x169: {  	[sflag:s28] =	ssyncset.done $0x0  }
0x16a: {  	[sflag:s28] =	ssyncadd.s32 $0xFFFFF000  }
0x16b: {  	_ =	swait.ge [sflag:s28], $0x1000  }
0x16c: {  	[sflag:s28] =	ssyncset.done $0x0  }
0x16d: {  	[sflag:s28] =	ssyncadd.s32 $0xFFFFF000  }
0x16e: {  	_ =	swait.ge [sflag:s28], $0x1000  }
0x16f: {  	[sflag:s28] =	ssyncset.done $0x0  }
0x170: {  	s17 =	rddreg [dreg:$0x9];
	[sflag:s28] =	ssyncadd.s32 $0xFFFFF000  }
0x171: {  	[hbm4b:s17+s2] =	stream.linear.scatter [tilespmem:s21], [sflag:$0x2], $0x8000, $0x38;
	[tilespmem:$0x13400] =	vst v63  }
0x172: {  	_ =	swait.ge [sflag:s9], $0x8000  }
0x173: {  	[sflag:s9] =	ssyncset.done $0x0  }
0x174: {  	s12 =	simm.s32 $0x1C00;
	[sflag:s9] =	ssyncadd.s32 $0xFFFF8000  }
0x175: {  	[tilespmem:s1], [sflag:$0x1] =	stream.indirect.gather [hbm4b:s3+s20], $0x20, s12, s20, $0xb8;
	[tilespmem:$0x13400] =	vst v63  }
0x176: {  	s13 =	simm.s32 $0x1C80  }
0x177: {  	[tilespmem:s30], [sflag:$0x1] =	stream.indirect.gather [hbm4b:s3+s20], $0x20, s13, s20, $0xb8;
	[tilespmem:$0x13400] =	vst v63  }
0x178: {  	s14 =	simm.s32 $0x1D00  }
0x179: {  	[tilespmem:s23], [sflag:$0x1] =	stream.indirect.gather [hbm4b:s3+s20], $0x20, s14, s20, $0xb8;
	[tilespmem:$0x13400] =	vst v63  }
0x17a: {  	s15 =	simm.s32 $0x1D80  }
0x17b: {  	[tilespmem:s4], [sflag:$0x1] =	stream.indirect.gather [hbm4b:s3+s20], $0x20, s15, s20, $0xb8;
	[tilespmem:$0x13400] =	vst v63  }
0x17c: {  	s16 =	simm.s32 $0x1E00  }
0x17d: {  	[tilespmem:s5], [sflag:$0x1] =	stream.indirect.gather [hbm4b:s3+s20], $0x20, s16, s20, $0xb8;
	[tilespmem:$0x13400] =	vst v63  }
0x17e: {  	s17 =	simm.s32 $0x1E80  }
0x17f: {  	[tilespmem:s6], [sflag:$0x1] =	stream.indirect.gather [hbm4b:s3+s20], $0x20, s17, s20, $0xb8;
	[tilespmem:$0x13400] =	vst v63  }
0x180: {  	s12 =	simm.s32 $0x1F00  }
0x181: {  	[tilespmem:s7], [sflag:$0x1] =	stream.indirect.gather [hbm4b:s3+s20], $0x20, s12, s20, $0xb8;
	[tilespmem:$0x13400] =	vst v63  }
0x182: {  	s13 =	simm.s32 $0x1F80  }
0x183: {  	[tilespmem:s8], [sflag:$0x1] =	stream.indirect.gather [hbm4b:s3+s20], $0x20, s13, s20, $0xb8;
	[tilespmem:$0x13400] =	vst v63  }
0x184: {  	_ =	swait.ge [sflag:s28], $0x1000  }
0x185: {  	[sflag:s28] =	ssyncset.done $0x0  }
0x186: {  	[sflag:s28] =	ssyncadd.s32 $0xFFFFF000  }
0x187: {  	_ =	swait.ge [sflag:s28], $0x1000  }
0x188: {  	[sflag:s28] =	ssyncset.done $0x0  }
0x189: {  	[sflag:s28] =	ssyncadd.s32 $0xFFFFF000  }
0x18a: {  	_ =	swait.ge [sflag:s28], $0x1000  }
0x18b: {  	[sflag:s28] =	ssyncset.done $0x0  }
0x18c: {  	[sflag:s28] =	ssyncadd.s32 $0xFFFFF000  }
0x18d: {  	_ =	swait.ge [sflag:s28], $0x1000  }
0x18e: {  	[sflag:s28] =	ssyncset.done $0x0  }
0x18f: {  	[sflag:s28] =	ssyncadd.s32 $0xFFFFF000  }
0x190: {  	_ =	swait.ge [sflag:s28], $0x1000  }
0x191: {  	[sflag:s28] =	ssyncset.done $0x0  }
0x192: {  	[sflag:s28] =	ssyncadd.s32 $0xFFFFF000  }
0x193: {  	_ =	swait.ge [sflag:s28], $0x1000  }
0x194: {  	[sflag:s28] =	ssyncset.done $0x0  }
0x195: {  	[sflag:s28] =	ssyncadd.s32 $0xFFFFF000  }
0x196: {  	_ =	swait.ge [sflag:s28], $0x1000  }
0x197: {  	[sflag:s28] =	ssyncset.done $0x0  }
0x198: {  	[sflag:s28] =	ssyncadd.s32 $0xFFFFF000  }
0x199: {  	_ =	swait.ge [sflag:s28], $0x1000  }
0x19a: {  	[sflag:s28] =	ssyncset.done $0x0  }
0x19b: {  	s14 =	rddreg [dreg:$0xa];
	[sflag:s28] =	ssyncadd.s32 $0xFFFFF000  }
0x19c: {  	[hbm4b:s14+s2] =	stream.linear.scatter [tilespmem:s1], [sflag:$0x2], $0x8000, $0x38;
	[tilespmem:$0x13400] =	vst v63  }
0x19d: {  	_ =	swait.ge [sflag:s9], $0x8000  }
0x19e: {  	[sflag:s9] =	ssyncset.done $0x0  }
0x19f: {  	s15 =	simm.s32 $0x2000;
	[sflag:s9] =	ssyncadd.s32 $0xFFFF8000  }
0x1a0: {  	[tilespmem:s21], [sflag:$0x1] =	stream.indirect.gather [hbm4b:s3+s20], $0x20, s15, s20, $0xb8;
	[tilespmem:$0x13400] =	vst v63  }
0x1a1: {  	s16 =	simm.s32 $0x2080  }
0x1a2: {  	[tilespmem:s22], [sflag:$0x1] =	stream.indirect.gather [hbm4b:s3+s20], $0x20, s16, s20, $0xb8;
	[tilespmem:$0x13400] =	vst v63  }
0x1a3: {  	s17 =	simm.s32 $0x2100  }
0x1a4: {  	[tilespmem:s24], [sflag:$0x1] =	stream.indirect.gather [hbm4b:s3+s20], $0x20, s17, s20, $0xb8;
	[tilespmem:$0x13400] =	vst v63  }
0x1a5: {  	s12 =	simm.s32 $0x2180  }
0x1a6: {  	[tilespmem:s26], [sflag:$0x1] =	stream.indirect.gather [hbm4b:s3+s20], $0x20, s12, s20, $0xb8;
	[tilespmem:$0x13400] =	vst v63  }
0x1a7: {  	s13 =	simm.s32 $0x2200  }
0x1a8: {  	[tilespmem:s29], [sflag:$0x1] =	stream.indirect.gather [hbm4b:s3+s20], $0x20, s13, s20, $0xb8;
	[tilespmem:$0x13400] =	vst v63  }
0x1a9: {  	s14 =	simm.s32 $0x2280  }
0x1aa: {  	[tilespmem:s31], [sflag:$0x1] =	stream.indirect.gather [hbm4b:s3+s20], $0x20, s14, s20, $0xb8;
	[tilespmem:$0x13400] =	vst v63  }
0x1ab: {  	s15 =	simm.s32 $0x2300  }
0x1ac: {  	[tilespmem:s0], [sflag:$0x1] =	stream.indirect.gather [hbm4b:s3+s20], $0x20, s15, s20, $0xb8;
	[tilespmem:$0x13400] =	vst v63  }
0x1ad: {  	s16 =	simm.s32 $0x2380  }
0x1ae: {  	[tilespmem:s25], [sflag:$0x1] =	stream.indirect.gather [hbm4b:s3+s20], $0x20, s16, s20, $0xb8;
	[tilespmem:$0x13400] =	vst v63  }
0x1af: {  	_ =	swait.ge [sflag:s28], $0x1000  }
0x1b0: {  	[sflag:s28] =	ssyncset.done $0x0  }
0x1b1: {  	[sflag:s28] =	ssyncadd.s32 $0xFFFFF000  }
0x1b2: {  	_ =	swait.ge [sflag:s28], $0x1000  }
0x1b3: {  	[sflag:s28] =	ssyncset.done $0x0  }
0x1b4: {  	[sflag:s28] =	ssyncadd.s32 $0xFFFFF000  }
0x1b5: {  	_ =	swait.ge [sflag:s28], $0x1000  }
0x1b6: {  	[sflag:s28] =	ssyncset.done $0x0  }
0x1b7: {  	[sflag:s28] =	ssyncadd.s32 $0xFFFFF000  }
0x1b8: {  	_ =	swait.ge [sflag:s28], $0x1000  }
0x1b9: {  	[sflag:s28] =	ssyncset.done $0x0  }
0x1ba: {  	[sflag:s28] =	ssyncadd.s32 $0xFFFFF000  }
0x1bb: {  	_ =	swait.ge [sflag:s28], $0x1000  }
0x1bc: {  	[sflag:s28] =	ssyncset.done $0x0  }
0x1bd: {  	[sflag:s28] =	ssyncadd.s32 $0xFFFFF000  }
0x1be: {  	_ =	swait.ge [sflag:s28], $0x1000  }
0x1bf: {  	[sflag:s28] =	ssyncset.done $0x0  }
0x1c0: {  	[sflag:s28] =	ssyncadd.s32 $0xFFFFF000  }
0x1c1: {  	_ =	swait.ge [sflag:s28], $0x1000  }
0x1c2: {  	[sflag:s28] =	ssyncset.done $0x0  }
0x1c3: {  	[sflag:s28] =	ssyncadd.s32 $0xFFFFF000  }
0x1c4: {  	_ =	swait.ge [sflag:s28], $0x1000  }
0x1c5: {  	[sflag:s28] =	ssyncset.done $0x0  }
0x1c6: {  	s17 =	rddreg [dreg:$0xb];
	[sflag:s28] =	ssyncadd.s32 $0xFFFFF000  }
0x1c7: {  	[hbm4b:s17+s2] =	stream.linear.scatter [tilespmem:s21], [sflag:$0x2], $0x8000, $0x38;
	[tilespmem:$0x13400] =	vst v63  }
0x1c8: {  	_ =	swait.ge [sflag:s9], $0x8000  }
0x1c9: {  	[sflag:s9] =	ssyncset.done $0x0  }
0x1ca: {  	s12 =	simm.s32 $0x2400;
	[sflag:s9] =	ssyncadd.s32 $0xFFFF8000  }
0x1cb: {  	[tilespmem:s1], [sflag:$0x1] =	stream.indirect.gather [hbm4b:s3+s20], $0x20, s12, s20, $0xb8;
	[tilespmem:$0x13400] =	vst v63  }
0x1cc: {  	s13 =	simm.s32 $0x2480  }
0x1cd: {  	[tilespmem:s30], [sflag:$0x1] =	stream.indirect.gather [hbm4b:s3+s20], $0x20, s13, s20, $0xb8;
	[tilespmem:$0x13400] =	vst v63  }
0x1ce: {  	s14 =	simm.s32 $0x2500  }
0x1cf: {  	[tilespmem:s23], [sflag:$0x1] =	stream.indirect.gather [hbm4b:s3+s20], $0x20, s14, s20, $0xb8;
	[tilespmem:$0x13400] =	vst v63  }
0x1d0: {  	s15 =	simm.s32 $0x2580  }
0x1d1: {  	[tilespmem:s4], [sflag:$0x1] =	stream.indirect.gather [hbm4b:s3+s20], $0x20, s15, s20, $0xb8;
	[tilespmem:$0x13400] =	vst v63  }
0x1d2: {  	s16 =	simm.s32 $0x2600  }
0x1d3: {  	[tilespmem:s5], [sflag:$0x1] =	stream.indirect.gather [hbm4b:s3+s20], $0x20, s16, s20, $0xb8;
	[tilespmem:$0x13400] =	vst v63  }
0x1d4: {  	s17 =	simm.s32 $0x2680  }
0x1d5: {  	[tilespmem:s6], [sflag:$0x1] =	stream.indirect.gather [hbm4b:s3+s20], $0x20, s17, s20, $0xb8;
	[tilespmem:$0x13400] =	vst v63  }
0x1d6: {  	s12 =	simm.s32 $0x2700  }
0x1d7: {  	[tilespmem:s7], [sflag:$0x1] =	stream.indirect.gather [hbm4b:s3+s20], $0x20, s12, s20, $0xb8;
	[tilespmem:$0x13400] =	vst v63  }
0x1d8: {  	s13 =	simm.s32 $0x2780  }
0x1d9: {  	[tilespmem:s8], [sflag:$0x1] =	stream.indirect.gather [hbm4b:s3+s20], $0x20, s13, s20, $0xb8;
	[tilespmem:$0x13400] =	vst v63  }
0x1da: {  	_ =	swait.ge [sflag:s28], $0x1000  }
0x1db: {  	[sflag:s28] =	ssyncset.done $0x0  }
0x1dc: {  	[sflag:s28] =	ssyncadd.s32 $0xFFFFF000  }
0x1dd: {  	_ =	swait.ge [sflag:s28], $0x1000  }
0x1de: {  	[sflag:s28] =	ssyncset.done $0x0  }
0x1df: {  	[sflag:s28] =	ssyncadd.s32 $0xFFFFF000  }
0x1e0: {  	_ =	swait.ge [sflag:s28], $0x1000  }
0x1e1: {  	[sflag:s28] =	ssyncset.done $0x0  }
0x1e2: {  	[sflag:s28] =	ssyncadd.s32 $0xFFFFF000  }
0x1e3: {  	_ =	swait.ge [sflag:s28], $0x1000  }
0x1e4: {  	[sflag:s28] =	ssyncset.done $0x0  }
0x1e5: {  	[sflag:s28] =	ssyncadd.s32 $0xFFFFF000  }
0x1e6: {  	_ =	swait.ge [sflag:s28], $0x1000  }
0x1e7: {  	[sflag:s28] =	ssyncset.done $0x0  }
0x1e8: {  	[sflag:s28] =	ssyncadd.s32 $0xFFFFF000  }
0x1e9: {  	_ =	swait.ge [sflag:s28], $0x1000  }
0x1ea: {  	[sflag:s28] =	ssyncset.done $0x0  }
0x1eb: {  	[sflag:s28] =	ssyncadd.s32 $0xFFFFF000  }
0x1ec: {  	_ =	swait.ge [sflag:s28], $0x1000  }
0x1ed: {  	[sflag:s28] =	ssyncset.done $0x0  }
0x1ee: {  	[sflag:s28] =	ssyncadd.s32 $0xFFFFF000  }
0x1ef: {  	_ =	swait.ge [sflag:s28], $0x1000  }
0x1f0: {  	[sflag:s28] =	ssyncset.done $0x0  }
0x1f1: {  	s14 =	rddreg [dreg:$0xc];
	[sflag:s28] =	ssyncadd.s32 $0xFFFFF000  }
0x1f2: {  	[hbm4b:s14+s2] =	stream.linear.scatter [tilespmem:s1], [sflag:$0x2], $0x8000, $0x38;
	[tilespmem:$0x13400] =	vst v63  }
0x1f3: {  	_ =	swait.ge [sflag:s9], $0x8000  }
0x1f4: {  	[sflag:s9] =	ssyncset.done $0x0  }
0x1f5: {  	s15 =	simm.s32 $0x2800;
	[sflag:s9] =	ssyncadd.s32 $0xFFFF8000  }
0x1f6: {  	[tilespmem:s21], [sflag:$0x1] =	stream.indirect.gather [hbm4b:s3+s20], $0x20, s15, s20, $0xb8;
	[tilespmem:$0x13400] =	vst v63  }
0x1f7: {  	s16 =	simm.s32 $0x2880  }
0x1f8: {  	[tilespmem:s22], [sflag:$0x1] =	stream.indirect.gather [hbm4b:s3+s20], $0x20, s16, s20, $0xb8;
	[tilespmem:$0x13400] =	vst v63  }
0x1f9: {  	s17 =	simm.s32 $0x2900  }
0x1fa: {  	[tilespmem:s24], [sflag:$0x1] =	stream.indirect.gather [hbm4b:s3+s20], $0x20, s17, s20, $0xb8;
	[tilespmem:$0x13400] =	vst v63  }
0x1fb: {  	s12 =	simm.s32 $0x2980  }
0x1fc: {  	[tilespmem:s26], [sflag:$0x1] =	stream.indirect.gather [hbm4b:s3+s20], $0x20, s12, s20, $0xb8;
	[tilespmem:$0x13400] =	vst v63  }
0x1fd: {  	s13 =	simm.s32 $0x2A00  }
0x1fe: {  	[tilespmem:s29], [sflag:$0x1] =	stream.indirect.gather [hbm4b:s3+s20], $0x20, s13, s20, $0xb8;
	[tilespmem:$0x13400] =	vst v63  }
0x1ff: {  	s14 =	simm.s32 $0x2A80  }
0x200: {  	[tilespmem:s31], [sflag:$0x1] =	stream.indirect.gather [hbm4b:s3+s20], $0x20, s14, s20, $0xb8;
	[tilespmem:$0x13400] =	vst v63  }
0x201: {  	s15 =	simm.s32 $0x2B00  }
0x202: {  	[tilespmem:s0], [sflag:$0x1] =	stream.indirect.gather [hbm4b:s3+s20], $0x20, s15, s20, $0xb8;
	[tilespmem:$0x13400] =	vst v63  }
0x203: {  	s16 =	simm.s32 $0x2B80  }
0x204: {  	[tilespmem:s25], [sflag:$0x1] =	stream.indirect.gather [hbm4b:s3+s20], $0x20, s16, s20, $0xb8;
	[tilespmem:$0x13400] =	vst v63  }
0x205: {  	_ =	swait.ge [sflag:s28], $0x1000  }
0x206: {  	[sflag:s28] =	ssyncset.done $0x0  }
0x207: {  	[sflag:s28] =	ssyncadd.s32 $0xFFFFF000  }
0x208: {  	_ =	swait.ge [sflag:s28], $0x1000  }
0x209: {  	[sflag:s28] =	ssyncset.done $0x0  }
0x20a: {  	[sflag:s28] =	ssyncadd.s32 $0xFFFFF000  }
0x20b: {  	_ =	swait.ge [sflag:s28], $0x1000  }
0x20c: {  	[sflag:s28] =	ssyncset.done $0x0  }
0x20d: {  	[sflag:s28] =	ssyncadd.s32 $0xFFFFF000  }
0x20e: {  	_ =	swait.ge [sflag:s28], $0x1000  }
0x20f: {  	[sflag:s28] =	ssyncset.done $0x0  }
0x210: {  	[sflag:s28] =	ssyncadd.s32 $0xFFFFF000  }
0x211: {  	_ =	swait.ge [sflag:s28], $0x1000  }
0x212: {  	[sflag:s28] =	ssyncset.done $0x0  }
0x213: {  	[sflag:s28] =	ssyncadd.s32 $0xFFFFF000  }
0x214: {  	_ =	swait.ge [sflag:s28], $0x1000  }
0x215: {  	[sflag:s28] =	ssyncset.done $0x0  }
0x216: {  	[sflag:s28] =	ssyncadd.s32 $0xFFFFF000  }
0x217: {  	_ =	swait.ge [sflag:s28], $0x1000  }
0x218: {  	[sflag:s28] =	ssyncset.done $0x0  }
0x219: {  	[sflag:s28] =	ssyncadd.s32 $0xFFFFF000  }
0x21a: {  	_ =	swait.ge [sflag:s28], $0x1000  }
0x21b: {  	[sflag:s28] =	ssyncset.done $0x0  }
0x21c: {  	s17 =	rddreg [dreg:$0xd];
	[sflag:s28] =	ssyncadd.s32 $0xFFFFF000  }
0x21d: {  	[hbm4b:s17+s2] =	stream.linear.scatter [tilespmem:s21], [sflag:$0x2], $0x8000, $0x38;
	[tilespmem:$0x13400] =	vst v63  }
0x21e: {  	_ =	swait.ge [sflag:s9], $0x8000  }
0x21f: {  	[sflag:s9] =	ssyncset.done $0x0  }
0x220: {  	s12 =	simm.s32 $0x2C00;
	[sflag:s9] =	ssyncadd.s32 $0xFFFF8000  }
0x221: {  	[tilespmem:s1], [sflag:$0x1] =	stream.indirect.gather [hbm4b:s3+s20], $0x20, s12, s20, $0xb8;
	[tilespmem:$0x13400] =	vst v63  }
0x222: {  	s13 =	simm.s32 $0x2C80  }
0x223: {  	[tilespmem:s30], [sflag:$0x1] =	stream.indirect.gather [hbm4b:s3+s20], $0x20, s13, s20, $0xb8;
	[tilespmem:$0x13400] =	vst v63  }
0x224: {  	s14 =	simm.s32 $0x2D00  }
0x225: {  	[tilespmem:s23], [sflag:$0x1] =	stream.indirect.gather [hbm4b:s3+s20], $0x20, s14, s20, $0xb8;
	[tilespmem:$0x13400] =	vst v63  }
0x226: {  	s15 =	simm.s32 $0x2D80  }
0x227: {  	[tilespmem:s4], [sflag:$0x1] =	stream.indirect.gather [hbm4b:s3+s20], $0x20, s15, s20, $0xb8;
	[tilespmem:$0x13400] =	vst v63  }
0x228: {  	s16 =	simm.s32 $0x2E00  }
0x229: {  	[tilespmem:s5], [sflag:$0x1] =	stream.indirect.gather [hbm4b:s3+s20], $0x20, s16, s20, $0xb8;
	[tilespmem:$0x13400] =	vst v63  }
0x22a: {  	s17 =	simm.s32 $0x2E80  }
0x22b: {  	[tilespmem:s6], [sflag:$0x1] =	stream.indirect.gather [hbm4b:s3+s20], $0x20, s17, s20, $0xb8;
	[tilespmem:$0x13400] =	vst v63  }
0x22c: {  	s12 =	simm.s32 $0x2F00  }
0x22d: {  	[tilespmem:s7], [sflag:$0x1] =	stream.indirect.gather [hbm4b:s3+s20], $0x20, s12, s20, $0xb8;
	[tilespmem:$0x13400] =	vst v63  }
0x22e: {  	s13 =	simm.s32 $0x2F80  }
0x22f: {  	[tilespmem:s8], [sflag:$0x1] =	stream.indirect.gather [hbm4b:s3+s20], $0x20, s13, s20, $0xb8;
	[tilespmem:$0x13400] =	vst v63  }
0x230: {  	_ =	swait.ge [sflag:s28], $0x1000  }
0x231: {  	[sflag:s28] =	ssyncset.done $0x0  }
0x232: {  	[sflag:s28] =	ssyncadd.s32 $0xFFFFF000  }
0x233: {  	_ =	swait.ge [sflag:s28], $0x1000  }
0x234: {  	[sflag:s28] =	ssyncset.done $0x0  }
0x235: {  	[sflag:s28] =	ssyncadd.s32 $0xFFFFF000  }
0x236: {  	_ =	swait.ge [sflag:s28], $0x1000  }
0x237: {  	[sflag:s28] =	ssyncset.done $0x0  }
0x238: {  	[sflag:s28] =	ssyncadd.s32 $0xFFFFF000  }
0x239: {  	_ =	swait.ge [sflag:s28], $0x1000  }
0x23a: {  	[sflag:s28] =	ssyncset.done $0x0  }
0x23b: {  	[sflag:s28] =	ssyncadd.s32 $0xFFFFF000  }
0x23c: {  	_ =	swait.ge [sflag:s28], $0x1000  }
0x23d: {  	[sflag:s28] =	ssyncset.done $0x0  }
0x23e: {  	[sflag:s28] =	ssyncadd.s32 $0xFFFFF000  }
0x23f: {  	_ =	swait.ge [sflag:s28], $0x1000  }
0x240: {  	[sflag:s28] =	ssyncset.done $0x0  }
0x241: {  	[sflag:s28] =	ssyncadd.s32 $0xFFFFF000  }
0x242: {  	_ =	swait.ge [sflag:s28], $0x1000  }
0x243: {  	[sflag:s28] =	ssyncset.done $0x0  }
0x244: {  	[sflag:s28] =	ssyncadd.s32 $0xFFFFF000  }
0x245: {  	_ =	swait.ge [sflag:s28], $0x1000  }
0x246: {  	[sflag:s28] =	ssyncset.done $0x0  }
0x247: {  	s14 =	rddreg [dreg:$0xe];
	[sflag:s28] =	ssyncadd.s32 $0xFFFFF000  }
0x248: {  	[hbm4b:s14+s2] =	stream.linear.scatter [tilespmem:s1], [sflag:$0x2], $0x8000, $0x38;
	[tilespmem:$0x13400] =	vst v63  }
0x249: {  	_ =	swait.ge [sflag:s9], $0x8000  }
0x24a: {  	[sflag:s9] =	ssyncset.done $0x0  }
0x24b: {  	s15 =	simm.s32 $0x3000;
	[sflag:s9] =	ssyncadd.s32 $0xFFFF8000  }
0x24c: {  	[tilespmem:s21], [sflag:$0x1] =	stream.indirect.gather [hbm4b:s3+s20], $0x20, s15, s20, $0xb8;
	[tilespmem:$0x13400] =	vst v63  }
0x24d: {  	s16 =	simm.s32 $0x3080  }
0x24e: {  	[tilespmem:s22], [sflag:$0x1] =	stream.indirect.gather [hbm4b:s3+s20], $0x20, s16, s20, $0xb8;
	[tilespmem:$0x13400] =	vst v63  }
0x24f: {  	s17 =	simm.s32 $0x3100  }
0x250: {  	[tilespmem:s24], [sflag:$0x1] =	stream.indirect.gather [hbm4b:s3+s20], $0x20, s17, s20, $0xb8;
	[tilespmem:$0x13400] =	vst v63  }
0x251: {  	s12 =	simm.s32 $0x3180  }
0x252: {  	[tilespmem:s26], [sflag:$0x1] =	stream.indirect.gather [hbm4b:s3+s20], $0x20, s12, s20, $0xb8;
	[tilespmem:$0x13400] =	vst v63  }
0x253: {  	s13 =	simm.s32 $0x3200  }
0x254: {  	[tilespmem:s29], [sflag:$0x1] =	stream.indirect.gather [hbm4b:s3+s20], $0x20, s13, s20, $0xb8;
	[tilespmem:$0x13400] =	vst v63  }
0x255: {  	s14 =	simm.s32 $0x3280  }
0x256: {  	[tilespmem:s31], [sflag:$0x1] =	stream.indirect.gather [hbm4b:s3+s20], $0x20, s14, s20, $0xb8;
	[tilespmem:$0x13400] =	vst v63  }
0x257: {  	s15 =	simm.s32 $0x3300  }
0x258: {  	[tilespmem:s0], [sflag:$0x1] =	stream.indirect.gather [hbm4b:s3+s20], $0x20, s15, s20, $0xb8;
	[tilespmem:$0x13400] =	vst v63  }
0x259: {  	s16 =	simm.s32 $0x3380  }
0x25a: {  	[tilespmem:s25], [sflag:$0x1] =	stream.indirect.gather [hbm4b:s3+s20], $0x20, s16, s20, $0xb8;
	[tilespmem:$0x13400] =	vst v63  }
0x25b: {  	_ =	swait.ge [sflag:s28], $0x1000  }
0x25c: {  	[sflag:s28] =	ssyncset.done $0x0  }
0x25d: {  	[sflag:s28] =	ssyncadd.s32 $0xFFFFF000  }
0x25e: {  	_ =	swait.ge [sflag:s28], $0x1000  }
0x25f: {  	[sflag:s28] =	ssyncset.done $0x0  }
0x260: {  	[sflag:s28] =	ssyncadd.s32 $0xFFFFF000  }
0x261: {  	_ =	swait.ge [sflag:s28], $0x1000  }
0x262: {  	[sflag:s28] =	ssyncset.done $0x0  }
0x263: {  	[sflag:s28] =	ssyncadd.s32 $0xFFFFF000  }
0x264: {  	_ =	swait.ge [sflag:s28], $0x1000  }
0x265: {  	[sflag:s28] =	ssyncset.done $0x0  }
0x266: {  	[sflag:s28] =	ssyncadd.s32 $0xFFFFF000  }
0x267: {  	_ =	swait.ge [sflag:s28], $0x1000  }
0x268: {  	[sflag:s28] =	ssyncset.done $0x0  }
0x269: {  	[sflag:s28] =	ssyncadd.s32 $0xFFFFF000  }
0x26a: {  	_ =	swait.ge [sflag:s28], $0x1000  }
0x26b: {  	[sflag:s28] =	ssyncset.done $0x0  }
0x26c: {  	[sflag:s28] =	ssyncadd.s32 $0xFFFFF000  }
0x26d: {  	_ =	swait.ge [sflag:s28], $0x1000  }
0x26e: {  	[sflag:s28] =	ssyncset.done $0x0  }
0x26f: {  	[sflag:s28] =	ssyncadd.s32 $0xFFFFF000  }
0x270: {  	_ =	swait.ge [sflag:s28], $0x1000  }
0x271: {  	[sflag:s28] =	ssyncset.done $0x0  }
0x272: {  	s10 =	sadd.s32 $0x1, s10;
	s17 =	rddreg [dreg:$0xf];
	[sflag:s28] =	ssyncadd.s32 $0xFFFFF000  }
0x273: {  	[hbm4b:s17+s2] =	stream.linear.scatter [tilespmem:s21], [sflag:$0x2], $0x8000, $0x38;
	[tilespmem:$0x13400] =	vst v63  }
0x274: {  	p0 =	sne.s32 s10, s18;
	_ =	swait.ge [sflag:s9], $0x8000  }
.Ltmp1:
0x275: {  	[sflag:s9] =	ssyncset.done $0x0;
	(pc) =	sbr.rel @p0 .LBB2_1-.Ltmp1, $4  }
0x276: {  	[sflag:s9] =	ssyncadd.s32 $0xFFFF8000  }
0x277: {  	_ =	swait.ge [sflag:s9], $0x8000  }
0x278: {  	[sflag:s9] =	ssyncset.done $0x0  }
0x279: {  	[sflag:s9] =	ssyncadd.s32 $0xFFFF8000  }
0x27a: {  	_ =	sfence.sel $0x180000  }
0x27b: {  	[bflag:$0x0] =	sbarrier.arrive $0xFFFF  }
0x27c: {  	_ =	strace $0x90000047  }
0x27d: {  	s0 =	stileid.u32;
	[bflag:$0x2] =	sbarrier.arrive $0xFFFF  }
0x27e: {  	p0 =	sne.s32 s0, $0x0;
	s0 =	rddreg [dreg:$0x1]  }
0x27f: {  	s0 =	sadd.s32 @!p0 $0x100000, s0  }
0x280: {  	[sflag:s0] =	ssyncadd.tile.s32 @!p0 $0x1;
	_ =	shalt  }
.Lfunc_end2:
_tile_overlayer_lowered:
.L_overlay_start_2:
0x281: {  	(tag) =	ssettag $0x2  }
0x282: {  	s0 =	rddreg [dreg:$0x0];
	s2 =	stileid.u32  }
0x283: {  	s1 =	rddreg [dreg:$0x1];
	p0 =	sne.s32 s2, $0x0  }
0x284: {  	s3 =	rddreg [dreg:$0x2];
	[bflag:$0x3] =	sbarrier.arrive $0xFFFF;
	s2 =	simm.s32 @!p0 $0x1C03  }
0x285: {  	[timem:s3], [sflag:s2] =	dma.local @!p0 [hbm:s0], s1  }
0x286: {  	s0 =	simm.s32 @!p0 $0x3  }
0x287: {  	_ =	swait.ge @!p0 [sflag:s0], s1  }
0x288: {  	s1 =	ssub.s32 @!p0 $0x0, s1;
	[sflag:s0] =	ssyncset.done @!p0 $0x0  }
0x289: {  	[sflag:s0] =	ssyncadd.s32 @!p0 s1  }
0x28a: {  	[bflag:$0x3] =	sbarrier.arrive $0xFFFF  }
0x28b: {  	_ =	shalt  }

</sc_bundles>
